<compile_context>
chip_gen: v7x
topology: tpu7x:2x2x1
jax: 0.10.2.dev20260603
libtpu: 0.0.44.dev20260713+nightly
codegen_flags: <defaults>
</compile_context>

<pallas_src>
import functools

import jax
import jax.numpy as jnp
from jax import lax
from jax.experimental import pallas as pl
from jax.experimental.pallas import tpu as pltpu
from jax.experimental.pallas import tpu_sc as plsc

_SCALE = 2048 ** -0.5

_S = 8192
_D = 2048
_NC = 2
_NS = 16
_NW = _NC * _NS
_ROWS_W = _S // _NW
_CH = 8
_NCH = _ROWS_W // _CH
_NBUF = 6
_AHEAD = _NBUF - 2
_UNROLL = 8


def _sc_scale_body(emb_hbm, out_hbm, *rest):
    bufs = rest[:_NBUF]
    gsems = rest[_NBUF:2 * _NBUF]
    ssems = rest[2 * _NBUF:3 * _NBUF]
    wid = lax.axis_index("s") * _NC + lax.axis_index("c")
    row0 = wid * _ROWS_W

    def src(g):
        return emb_hbm.at[pl.ds(row0 + g * _CH, _CH), :]

    def dst(g):
        return out_hbm.at[pl.ds(row0 + g * _CH, _CH), :]

    gathers = {}
    scatters = {}
    waited = set()
    for g in range(min(_AHEAD, _NCH)):
        gathers[g] = pltpu.async_copy(src(g), bufs[g % _NBUF], gsems[g % _NBUF])
    for g in range(_NCH):
        b = g % _NBUF
        gathers[g].wait()
        buf = bufs[b]

        @plsc.parallel_loop(0, _CH * _D, step=16, unroll=_UNROLL)
        def _mul_body(i, buf=buf):
            r = lax.shift_right_logical(i, 11)
            c = lax.bitwise_and(i, _D - 1)
            sl = pl.ds(pl.multiple_of(c, 16), 16)
            buf[r, sl] = buf[r, sl] * _SCALE

        scatters[g] = pltpu.async_copy(buf, dst(g), ssems[b])
        nxt = g + _AHEAD
        if nxt < _NCH:
            prev = nxt - _NBUF
            if prev >= 0:
                scatters[prev].wait()
                waited.add(prev)
            gathers[nxt] = pltpu.async_copy(
                src(nxt), bufs[nxt % _NBUF], gsems[nxt % _NBUF]
            )
    for g in range(_NCH):
        if g not in waited:
            scatters[g].wait()


@functools.lru_cache(maxsize=None)
def _sc_scale_kernel():
    return pl.kernel(
        _sc_scale_body,
        mesh=plsc.VectorSubcoreMesh(
            core_axis_name="c", subcore_axis_name="s"
        ),
        out_type=jax.ShapeDtypeStruct((_S, _D), jnp.float32),
        scratch_types=(
            [pltpu.VMEM((_CH, _D), jnp.float32)] * _NBUF
            + [pltpu.SemaphoreType.DMA] * (2 * _NBUF)
        ),
    )


def kernel(x, emb):
    out = _sc_scale_kernel()(emb)
    return out[None]

# --- scband reference (transcript-rebuilt; emitter-appended) ---
"""Pipeline reference for scband-absolute-positional-embedding-30923764531927 (READ-ONLY COPY).

The authoritative reference and input builder live on the scoring server;
editing this copy changes nothing except your own understanding.
"""

import jax, jax.numpy as jnp
import numpy as np

DIM = 2048
MAX_SEQ_LEN = 8192
SCALE = DIM ** (-0.5)


def setup_inputs(seed: int = 0) -> dict:
    key = jax.random.key(seed)
    k1, k2 = jax.random.split(key)
    x = jax.random.randint(k1, (4, 8192), 0, 8192, dtype=jnp.int64 if jax.config.jax_enable_x64 else jnp.int32)
    emb = jax.random.normal(k2, (MAX_SEQ_LEN, DIM), dtype=jnp.float32)
    return {"x": x, "emb": emb}


def reference(x, emb):
    # n = torch.arange(x.shape[1])
    n = jnp.arange(x.shape[1])
    # pos_emb = self.emb(n)  -> embedding gather
    pos_emb = jnp.take(emb, n, axis=0)
    # rearrange 'n d -> () n d'
    pos_emb = pos_emb[None, :, :]
    return pos_emb * SCALE

if __name__ == "__main__":
    import jax
    _d = setup_inputs()
    print(jax.jit(kernel)(*tuple(_d.values())))

</pallas_src>

<mosaic_0001>
#map = affine_map<(d0, d1) -> (0, 0)>
module attributes {stable_mosaic.version = 14 : i64} {
  func.func @_sc_scale_body(%arg0: i32, %arg1: i32, %arg2: memref<8192x2048xf32, #tpu.memory_space<hbm>>, %arg3: memref<8192x2048xf32, #tpu.memory_space<hbm>>, %arg4: memref<8x2048xf32, #tpu.memory_space<vmem>>, %arg5: memref<8x2048xf32, #tpu.memory_space<vmem>>, %arg6: memref<8x2048xf32, #tpu.memory_space<vmem>>, %arg7: memref<8x2048xf32, #tpu.memory_space<vmem>>, %arg8: memref<8x2048xf32, #tpu.memory_space<vmem>>, %arg9: memref<8x2048xf32, #tpu.memory_space<vmem>>, %arg10: memref<!tpu.dma_semaphore, #tpu.memory_space<semaphore_mem>>, %arg11: memref<!tpu.dma_semaphore, #tpu.memory_space<semaphore_mem>>, %arg12: memref<!tpu.dma_semaphore, #tpu.memory_space<semaphore_mem>>, %arg13: memref<!tpu.dma_semaphore, #tpu.memory_space<semaphore_mem>>, %arg14: memref<!tpu.dma_semaphore, #tpu.memory_space<semaphore_mem>>, %arg15: memref<!tpu.dma_semaphore, #tpu.memory_space<semaphore_mem>>, %arg16: memref<!tpu.dma_semaphore, #tpu.memory_space<semaphore_mem>>, %arg17: memref<!tpu.dma_semaphore, #tpu.memory_space<semaphore_mem>>, %arg18: memref<!tpu.dma_semaphore, #tpu.memory_space<semaphore_mem>>, %arg19: memref<!tpu.dma_semaphore, #tpu.memory_space<semaphore_mem>>, %arg20: memref<!tpu.dma_semaphore, #tpu.memory_space<semaphore_mem>>, %arg21: memref<!tpu.dma_semaphore, #tpu.memory_space<semaphore_mem>>) attributes {dimension_semantics = [#tpu.dimension_semantics<core_parallel>, #tpu.dimension_semantics<subcore_parallel>], iteration_bounds = array<i64: 2, 16>, scalar_prefetch = 0 : i64, scratch_operands = 18 : i64, tpu.core_type = #tpu.core_type<sc_vector_subcore>, window_params = [{transform_indices = #map}, {transform_indices = #map}]} {
    %mul3A = arith.constant 2 : i32
    %mul3A_0 = arith.muli %arg1, %mul3A : i32
    %add3A = arith.addi %mul3A_0, %arg0 : i32
    %mul3A_1 = arith.constant 256 : i32
    %mul3A_2 = arith.muli %add3A, %mul3A_1 : i32
    %add3A_3 = arith.constant 0 : i32
    %add3A_4 = arith.addi %mul3A_2, %add3A_3 : i32
    %dma_start3A = arith.constant 0 : i32
    %dma_start3A_5 = tpu.memref_slice %arg2[%add3A_4, %dma_start3A] : memref<8192x2048xf32, #tpu.memory_space<hbm>> -> memref<8x2048xf32, #tpu.memory_space<hbm>>
    %dma_start3A_6 = arith.constant 0 : i32
    %dma_start3A_7 = tpu.memref_slice %arg2[%add3A_4, %dma_start3A_6] : memref<8192x2048xf32, #tpu.memory_space<hbm>> -> memref<8x2048xf32, #tpu.memory_space<hbm>>
    tpu.enqueue_dma source(%dma_start3A_7 : memref<8x2048xf32, #tpu.memory_space<hbm>>) target(%arg4 : memref<8x2048xf32, #tpu.memory_space<vmem>>) target_semaphore(%arg10 : memref<!tpu.dma_semaphore, #tpu.memory_space<semaphore_mem>>)
    %add3A_8 = arith.constant 8 : i32
    %add3A_9 = arith.addi %mul3A_2, %add3A_8 : i32
    %dma_start3A_10 = arith.constant 0 : i32
    %dma_start3A_11 = tpu.memref_slice %arg2[%add3A_9, %dma_start3A_10] : memref<8192x2048xf32, #tpu.memory_space<hbm>> -> memref<8x2048xf32, #tpu.memory_space<hbm>>
    %dma_start3A_12 = arith.constant 0 : i32
    %dma_start3A_13 = tpu.memref_slice %arg2[%add3A_9, %dma_start3A_12] : memref<8192x2048xf32, #tpu.memory_space<hbm>> -> memref<8x2048xf32, #tpu.memory_space<hbm>>
    tpu.enqueue_dma source(%dma_start3A_13 : memref<8x2048xf32, #tpu.memory_space<hbm>>) target(%arg5 : memref<8x2048xf32, #tpu.memory_space<vmem>>) target_semaphore(%arg11 : memref<!tpu.dma_semaphore, #tpu.memory_space<semaphore_mem>>)
    %add3A_14 = arith.constant 16 : i32
    %add3A_15 = arith.addi %mul3A_2, %add3A_14 : i32
    %dma_start3A_16 = arith.constant 0 : i32
    %dma_start3A_17 = tpu.memref_slice %arg2[%add3A_15, %dma_start3A_16] : memref<8192x2048xf32, #tpu.memory_space<hbm>> -> memref<8x2048xf32, #tpu.memory_space<hbm>>
    %dma_start3A_18 = arith.constant 0 : i32
    %dma_start3A_19 = tpu.memref_slice %arg2[%add3A_15, %dma_start3A_18] : memref<8192x2048xf32, #tpu.memory_space<hbm>> -> memref<8x2048xf32, #tpu.memory_space<hbm>>
    tpu.enqueue_dma source(%dma_start3A_19 : memref<8x2048xf32, #tpu.memory_space<hbm>>) target(%arg6 : memref<8x2048xf32, #tpu.memory_space<vmem>>) target_semaphore(%arg12 : memref<!tpu.dma_semaphore, #tpu.memory_space<semaphore_mem>>)
    %add3A_20 = arith.constant 24 : i32
    %add3A_21 = arith.addi %mul3A_2, %add3A_20 : i32
    %dma_start3A_22 = arith.constant 0 : i32
    %dma_start3A_23 = tpu.memref_slice %arg2[%add3A_21, %dma_start3A_22] : memref<8192x2048xf32, #tpu.memory_space<hbm>> -> memref<8x2048xf32, #tpu.memory_space<hbm>>
    %dma_start3A_24 = arith.constant 0 : i32
    %dma_start3A_25 = tpu.memref_slice %arg2[%add3A_21, %dma_start3A_24] : memref<8192x2048xf32, #tpu.memory_space<hbm>> -> memref<8x2048xf32, #tpu.memory_space<hbm>>
    tpu.enqueue_dma source(%dma_start3A_25 : memref<8x2048xf32, #tpu.memory_space<hbm>>) target(%arg7 : memref<8x2048xf32, #tpu.memory_space<vmem>>) target_semaphore(%arg13 : memref<!tpu.dma_semaphore, #tpu.memory_space<semaphore_mem>>)
    %dma_wait3A = arith.constant 0 : i32
    %dma_wait3A_26 = tpu.memref_slice %arg2[%add3A_4, %dma_wait3A] : memref<8192x2048xf32, #tpu.memory_space<hbm>> -> memref<8x2048xf32, #tpu.memory_space<hbm>>
    %dma_wait3A_27 = arith.constant 0 : i32
    %dma_wait3A_28 = tpu.memref_slice %arg2[%add3A_4, %dma_wait3A_27] : memref<8192x2048xf32, #tpu.memory_space<hbm>> -> memref<8x2048xf32, #tpu.memory_space<hbm>>
    tpu.wait_dma2 semaphore(%arg10 : memref<!tpu.dma_semaphore, #tpu.memory_space<semaphore_mem>>) src(%dma_wait3A_28 : memref<8x2048xf32, #tpu.memory_space<hbm>>) dst(%arg4 : memref<8x2048xf32, #tpu.memory_space<vmem>>)
    %parallel_loop3A = arith.constant 0 : i32
    %parallel_loop3A_29 = arith.constant 16384 : i32
    %parallel_loop3A_30 = arith.constant 16 : i32
    scf.for %parallel_loop3A_736 = %parallel_loop3A to %parallel_loop3A_29 step %parallel_loop3A_30  : i32 {
      %parallel_loop3A_737 = arith.constant 11 : i32
      %parallel_loop3A_738 = arith.shrui %parallel_loop3A_736, %parallel_loop3A_737 : i32
      %parallel_loop3A_739 = arith.constant 2047 : i32
      %parallel_loop3A_740 = arith.andi %parallel_loop3A_736, %parallel_loop3A_739 : i32
      %parallel_loop3A_741 = tpu.assume_multiple %parallel_loop3A_740, 16 : i32
      %parallel_loop3A_742 = arith.index_cast %parallel_loop3A_738 : i32 to index
      %parallel_loop3A_743 = arith.index_cast %parallel_loop3A_741 : i32 to index
      %parallel_loop3A_744 = tpu.vector_load %arg4[%parallel_loop3A_742, %parallel_loop3A_743] {strides = array<i32>} : memref<8x2048xf32, #tpu.memory_space<vmem>>, vector<1x16xf32>,
      %parallel_loop3A_745 = vector.shape_cast %parallel_loop3A_744 : vector<1x16xf32> to vector<16xf32>
      %parallel_loop3A_746 = arith.constant 0.0220970865 : f32
      %parallel_loop3A_747 = vector.broadcast %parallel_loop3A_746 : f32 to vector<16xf32>
      %parallel_loop3A_748 = arith.mulf %parallel_loop3A_745, %parallel_loop3A_747 : vector<16xf32>
      %parallel_loop3A_749 = arith.index_cast %parallel_loop3A_738 : i32 to index
      %parallel_loop3A_750 = arith.index_cast %parallel_loop3A_741 : i32 to index
      %parallel_loop3A_751 = tpu.vector_load %arg4[%parallel_loop3A_749, %parallel_loop3A_750] {strides = array<i32>} : memref<8x2048xf32, #tpu.memory_space<vmem>>, vector<1x16xf32>,
      %parallel_loop3A_752 = vector.shape_cast %parallel_loop3A_751 : vector<1x16xf32> to vector<16xf32>
      %parallel_loop3A_753 = vector.shape_cast %parallel_loop3A_748 : vector<16xf32> to vector<1x16xf32>
      tpu.vector_store %arg4[%parallel_loop3A_749, %parallel_loop3A_750], %parallel_loop3A_753 {strides = array<i32>} : memref<8x2048xf32, #tpu.memory_space<vmem>>, vector<1x16xf32>,
    } {sc.loop_unroll_factor = 8 : i64, sc.parallel_access}
    %add3A_31 = arith.constant 0 : i32
    %add3A_32 = arith.addi %mul3A_2, %add3A_31 : i32
    %dma_start3A_33 = arith.constant 0 : i32
    %dma_start3A_34 = tpu.memref_slice %arg3[%add3A_32, %dma_start3A_33] : memref<8192x2048xf32, #tpu.memory_space<hbm>> -> memref<8x2048xf32, #tpu.memory_space<hbm>>
    %dma_start3A_35 = arith.constant 0 : i32
    %dma_start3A_36 = tpu.memref_slice %arg3[%add3A_32, %dma_start3A_35] : memref<8192x2048xf32, #tpu.memory_space<hbm>> -> memref<8x2048xf32, #tpu.memory_space<hbm>>
    tpu.enqueue_dma source(%arg4 : memref<8x2048xf32, #tpu.memory_space<vmem>>) target(%dma_start3A_36 : memref<8x2048xf32, #tpu.memory_space<hbm>>) target_semaphore(%arg16 : memref<!tpu.dma_semaphore, #tpu.memory_space<semaphore_mem>>)
    %add3A_37 = arith.constant 32 : i32
    %add3A_38 = arith.addi %mul3A_2, %add3A_37 : i32
    %dma_start3A_39 = arith.constant 0 : i32
    %dma_start3A_40 = tpu.memref_slice %arg2[%add3A_38, %dma_start3A_39] : memref<8192x2048xf32, #tpu.memory_space<hbm>> -> memref<8x2048xf32, #tpu.memory_space<hbm>>
    %dma_start3A_41 = arith.constant 0 : i32
    %dma_start3A_42 = tpu.memref_slice %arg2[%add3A_38, %dma_start3A_41] : memref<8192x2048xf32, #tpu.memory_space<hbm>> -> memref<8x2048xf32, #tpu.memory_space<hbm>>
    tpu.enqueue_dma source(%dma_start3A_42 : memref<8x2048xf32, #tpu.memory_space<hbm>>) target(%arg8 : memref<8x2048xf32, #tpu.memory_space<vmem>>) target_semaphore(%arg14 : memref<!tpu.dma_semaphore, #tpu.memory_space<semaphore_mem>>)
    %dma_wait3A_43 = arith.constant 0 : i32
    %dma_wait3A_44 = tpu.memref_slice %arg2[%add3A_9, %dma_wait3A_43] : memref<8192x2048xf32, #tpu.memory_space<hbm>> -> memref<8x2048xf32, #tpu.memory_space<hbm>>
    %dma_wait3A_45 = arith.constant 0 : i32
    %dma_wait3A_46 = tpu.memref_slice %arg2[%add3A_9, %dma_wait3A_45] : memref<8192x2048xf32, #tpu.memory_space<hbm>> -> memref<8x2048xf32, #tpu.memory_space<hbm>>
    tpu.wait_dma2 semaphore(%arg11 : memref<!tpu.dma_semaphore, #tpu.memory_space<semaphore_mem>>) src(%dma_wait3A_46 : memref<8x2048xf32, #tpu.memory_space<hbm>>) dst(%arg5 : memref<8x2048xf32, #tpu.memory_space<vmem>>)
    %parallel_loop3A_47 = arith.constant 0 : i32
    %parallel_loop3A_48 = arith.constant 16384 : i32
    %parallel_loop3A_49 = arith.constant 16 : i32
    scf.for %parallel_loop3A_736 = %parallel_loop3A_47 to %parallel_loop3A_48 step %parallel_loop3A_49  : i32 {
      %parallel_loop3A_737 = arith.constant 11 : i32
      %parallel_loop3A_738 = arith.shrui %parallel_loop3A_736, %parallel_loop3A_737 : i32
      %parallel_loop3A_739 = arith.constant 2047 : i32
      %parallel_loop3A_740 = arith.andi %parallel_loop3A_736, %parallel_loop3A_739 : i32
      %parallel_loop3A_741 = tpu.assume_multiple %parallel_loop3A_740, 16 : i32
      %parallel_loop3A_742 = arith.index_cast %parallel_loop3A_738 : i32 to index
      %parallel_loop3A_743 = arith.index_cast %parallel_loop3A_741 : i32 to index
      %parallel_loop3A_744 = tpu.vector_load %arg5[%parallel_loop3A_742, %parallel_loop3A_743] {strides = array<i32>} : memref<8x2048xf32, #tpu.memory_space<vmem>>, vector<1x16xf32>,
      %parallel_loop3A_745 = vector.shape_cast %parallel_loop3A_744 : vector<1x16xf32> to vector<16xf32>
      %parallel_loop3A_746 = arith.constant 0.0220970865 : f32
      %parallel_loop3A_747 = vector.broadcast %parallel_loop3A_746 : f32 to vector<16xf32>
      %parallel_loop3A_748 = arith.mulf %parallel_loop3A_745, %parallel_loop3A_747 : vector<16xf32>
      %parallel_loop3A_749 = arith.index_cast %parallel_loop3A_738 : i32 to index
      %parallel_loop3A_750 = arith.index_cast %parallel_loop3A_741 : i32 to index
      %parallel_loop3A_751 = tpu.vector_load %arg5[%parallel_loop3A_749, %parallel_loop3A_750] {strides = array<i32>} : memref<8x2048xf32, #tpu.memory_space<vmem>>, vector<1x16xf32>,
      %parallel_loop3A_752 = vector.shape_cast %parallel_loop3A_751 : vector<1x16xf32> to vector<16xf32>
      %parallel_loop3A_753 = vector.shape_cast %parallel_loop3A_748 : vector<16xf32> to vector<1x16xf32>
      tpu.vector_store %arg5[%parallel_loop3A_749, %parallel_loop3A_750], %parallel_loop3A_753 {strides = array<i32>} : memref<8x2048xf32, #tpu.memory_space<vmem>>, vector<1x16xf32>,
    } {sc.loop_unroll_factor = 8 : i64, sc.parallel_access}
    %add3A_50 = arith.constant 8 : i32
    %add3A_51 = arith.addi %mul3A_2, %add3A_50 : i32
    %dma_start3A_52 = arith.constant 0 : i32
    %dma_start3A_53 = tpu.memref_slice %arg3[%add3A_51, %dma_start3A_52] : memref<8192x2048xf32, #tpu.memory_space<hbm>> -> memref<8x2048xf32, #tpu.memory_space<hbm>>
    %dma_start3A_54 = arith.constant 0 : i32
    %dma_start3A_55 = tpu.memref_slice %arg3[%add3A_51, %dma_start3A_54] : memref<8192x2048xf32, #tpu.memory_space<hbm>> -> memref<8x2048xf32, #tpu.memory_space<hbm>>
    tpu.enqueue_dma source(%arg5 : memref<8x2048xf32, #tpu.memory_space<vmem>>) target(%dma_start3A_55 : memref<8x2048xf32, #tpu.memory_space<hbm>>) target_semaphore(%arg17 : memref<!tpu.dma_semaphore, #tpu.memory_space<semaphore_mem>>)
    %add3A_56 = arith.constant 40 : i32
    %add3A_57 = arith.addi %mul3A_2, %add3A_56 : i32
    %dma_start3A_58 = arith.constant 0 : i32
    %dma_start3A_59 = tpu.memref_slice %arg2[%add3A_57, %dma_start3A_58] : memref<8192x2048xf32, #tpu.memory_space<hbm>> -> memref<8x2048xf32, #tpu.memory_space<hbm>>
    %dma_start3A_60 = arith.constant 0 : i32
    %dma_start3A_61 = tpu.memref_slice %arg2[%add3A_57, %dma_start3A_60] : memref<8192x2048xf32, #tpu.memory_space<hbm>> -> memref<8x2048xf32, #tpu.memory_space<hbm>>
    tpu.enqueue_dma source(%dma_start3A_61 : memref<8x2048xf32, #tpu.memory_space<hbm>>) target(%arg9 : memref<8x2048xf32, #tpu.memory_space<vmem>>) target_semaphore(%arg15 : memref<!tpu.dma_semaphore, #tpu.memory_space<semaphore_mem>>)
    %dma_wait3A_62 = arith.constant 0 : i32
    %dma_wait3A_63 = tpu.memref_slice %arg2[%add3A_15, %dma_wait3A_62] : memref<8192x2048xf32, #tpu.memory_space<hbm>> -> memref<8x2048xf32, #tpu.memory_space<hbm>>
    %dma_wait3A_64 = arith.constant 0 : i32
    %dma_wait3A_65 = tpu.memref_slice %arg2[%add3A_15, %dma_wait3A_64] : memref<8192x2048xf32, #tpu.memory_space<hbm>> -> memref<8x2048xf32, #tpu.memory_space<hbm>>
    tpu.wait_dma2 semaphore(%arg12 : memref<!tpu.dma_semaphore, #tpu.memory_space<semaphore_mem>>) src(%dma_wait3A_65 : memref<8x2048xf32, #tpu.memory_space<hbm>>) dst(%arg6 : memref<8x2048xf32, #tpu.memory_space<vmem>>)
    %parallel_loop3A_66 = arith.constant 0 : i32
    %parallel_loop3A_67 = arith.constant 16384 : i32
    %parallel_loop3A_68 = arith.constant 16 : i32
    scf.for %parallel_loop3A_736 = %parallel_loop3A_66 to %parallel_loop3A_67 step %parallel_loop3A_68  : i32 {
      %parallel_loop3A_737 = arith.constant 11 : i32
      %parallel_loop3A_738 = arith.shrui %parallel_loop3A_736, %parallel_loop3A_737 : i32
      %parallel_loop3A_739 = arith.constant 2047 : i32
      %parallel_loop3A_740 = arith.andi %parallel_loop3A_736, %parallel_loop3A_739 : i32
      %parallel_loop3A_741 = tpu.assume_multiple %parallel_loop3A_740, 16 : i32
      %parallel_loop3A_742 = arith.index_cast %parallel_loop3A_738 : i32 to index
      %parallel_loop3A_743 = arith.index_cast %parallel_loop3A_741 : i32 to index
      %parallel_loop3A_744 = tpu.vector_load %arg6[%parallel_loop3A_742, %parallel_loop3A_743] {strides = array<i32>} : memref<8x2048xf32, #tpu.memory_space<vmem>>, vector<1x16xf32>,
      %parallel_loop3A_745 = vector.shape_cast %parallel_loop3A_744 : vector<1x16xf32> to vector<16xf32>
      %parallel_loop3A_746 = arith.constant 0.0220970865 : f32
      %parallel_loop3A_747 = vector.broadcast %parallel_loop3A_746 : f32 to vector<16xf32>
      %parallel_loop3A_748 = arith.mulf %parallel_loop3A_745, %parallel_loop3A_747 : vector<16xf32>
      %parallel_loop3A_749 = arith.index_cast %parallel_loop3A_738 : i32 to index
      %parallel_loop3A_750 = arith.index_cast %parallel_loop3A_741 : i32 to index
      %parallel_loop3A_751 = tpu.vector_load %arg6[%parallel_loop3A_749, %parallel_loop3A_750] {strides = array<i32>} : memref<8x2048xf32, #tpu.memory_space<vmem>>, vector<1x16xf32>,
      %parallel_loop3A_752 = vector.shape_cast %parallel_loop3A_751 : vector<1x16xf32> to vector<16xf32>
      %parallel_loop3A_753 = vector.shape_cast %parallel_loop3A_748 : vector<16xf32> to vector<1x16xf32>
      tpu.vector_store %arg6[%parallel_loop3A_749, %parallel_loop3A_750], %parallel_loop3A_753 {strides = array<i32>} : memref<8x2048xf32, #tpu.memory_space<vmem>>, vector<1x16xf32>,
    } {sc.loop_unroll_factor = 8 : i64, sc.parallel_access}
    %add3A_69 = arith.constant 16 : i32
    %add3A_70 = arith.addi %mul3A_2, %add3A_69 : i32
    %dma_start3A_71 = arith.constant 0 : i32
    %dma_start3A_72 = tpu.memref_slice %arg3[%add3A_70, %dma_start3A_71] : memref<8192x2048xf32, #tpu.memory_space<hbm>> -> memref<8x2048xf32, #tpu.memory_space<hbm>>
    %dma_start3A_73 = arith.constant 0 : i32
    %dma_start3A_74 = tpu.memref_slice %arg3[%add3A_70, %dma_start3A_73] : memref<8192x2048xf32, #tpu.memory_space<hbm>> -> memref<8x2048xf32, #tpu.memory_space<hbm>>
    tpu.enqueue_dma source(%arg6 : memref<8x2048xf32, #tpu.memory_space<vmem>>) target(%dma_start3A_74 : memref<8x2048xf32, #tpu.memory_space<hbm>>) target_semaphore(%arg18 : memref<!tpu.dma_semaphore, #tpu.memory_space<semaphore_mem>>)
    %dma_wait3A_75 = arith.constant 0 : i32
    %dma_wait3A_76 = tpu.memref_slice %arg3[%add3A_32, %dma_wait3A_75] : memref<8192x2048xf32, #tpu.memory_space<hbm>> -> memref<8x2048xf32, #tpu.memory_space<hbm>>
    %dma_wait3A_77 = arith.constant 0 : i32
    %dma_wait3A_78 = tpu.memref_slice %arg3[%add3A_32, %dma_wait3A_77] : memref<8192x2048xf32, #tpu.memory_space<hbm>> -> memref<8x2048xf32, #tpu.memory_space<hbm>>
    tpu.wait_dma2 semaphore(%arg16 : memref<!tpu.dma_semaphore, #tpu.memory_space<semaphore_mem>>) src(%arg4 : memref<8x2048xf32, #tpu.memory_space<vmem>>) dst(%dma_wait3A_78 : memref<8x2048xf32, #tpu.memory_space<hbm>>)
    %add3A_79 = arith.constant 48 : i32
    %add3A_80 = arith.addi %mul3A_2, %add3A_79 : i32
    %dma_start3A_81 = arith.constant 0 : i32
    %dma_start3A_82 = tpu.memref_slice %arg2[%add3A_80, %dma_start3A_81] : memref<8192x2048xf32, #tpu.memory_space<hbm>> -> memref<8x2048xf32, #tpu.memory_space<hbm>>
    %dma_start3A_83 = arith.constant 0 : i32
    %dma_start3A_84 = tpu.memref_slice %arg2[%add3A_80, %dma_start3A_83] : memref<8192x2048xf32, #tpu.memory_space<hbm>> -> memref<8x2048xf32, #tpu.memory_space<hbm>>
    tpu.enqueue_dma source(%dma_start3A_84 : memref<8x2048xf32, #tpu.memory_space<hbm>>) target(%arg4 : memref<8x2048xf32, #tpu.memory_space<vmem>>) target_semaphore(%arg10 : memref<!tpu.dma_semaphore, #tpu.memory_space<semaphore_mem>>)
    %dma_wait3A_85 = arith.constant 0 : i32
    %dma_wait3A_86 = tpu.memref_slice %arg2[%add3A_21, %dma_wait3A_85] : memref<8192x2048xf32, #tpu.memory_space<hbm>> -> memref<8x2048xf32, #tpu.memory_space<hbm>>
    %dma_wait3A_87 = arith.constant 0 : i32
    %dma_wait3A_88 = tpu.memref_slice %arg2[%add3A_21, %dma_wait3A_87] : memref<8192x2048xf32, #tpu.memory_space<hbm>> -> memref<8x2048xf32, #tpu.memory_space<hbm>>
    tpu.wait_dma2 semaphore(%arg13 : memref<!tpu.dma_semaphore, #tpu.memory_space<semaphore_mem>>) src(%dma_wait3A_88 : memref<8x2048xf32, #tpu.memory_space<hbm>>) dst(%arg7 : memref<8x2048xf32, #tpu.memory_space<vmem>>)
    %parallel_loop3A_89 = arith.constant 0 : i32
    %parallel_loop3A_90 = arith.constant 16384 : i32
    %parallel_loop3A_91 = arith.constant 16 : i32
    scf.for %parallel_loop3A_736 = %parallel_loop3A_89 to %parallel_loop3A_90 step %parallel_loop3A_91  : i32 {
      %parallel_loop3A_737 = arith.constant 11 : i32
      %parallel_loop3A_738 = arith.shrui %parallel_loop3A_736, %parallel_loop3A_737 : i32
      %parallel_loop3A_739 = arith.constant 2047 : i32
      %parallel_loop3A_740 = arith.andi %parallel_loop3A_736, %parallel_loop3A_739 : i32
      %parallel_loop3A_741 = tpu.assume_multiple %parallel_loop3A_740, 16 : i32
      %parallel_loop3A_742 = arith.index_cast %parallel_loop3A_738 : i32 to index
      %parallel_loop3A_743 = arith.index_cast %parallel_loop3A_741 : i32 to index
      %parallel_loop3A_744 = tpu.vector_load %arg7[%parallel_loop3A_742, %parallel_loop3A_743] {strides = array<i32>} : memref<8x2048xf32, #tpu.memory_space<vmem>>, vector<1x16xf32>,
      %parallel_loop3A_745 = vector.shape_cast %parallel_loop3A_744 : vector<1x16xf32> to vector<16xf32>
      %parallel_loop3A_746 = arith.constant 0.0220970865 : f32
      %parallel_loop3A_747 = vector.broadcast %parallel_loop3A_746 : f32 to vector<16xf32>
      %parallel_loop3A_748 = arith.mulf %parallel_loop3A_745, %parallel_loop3A_747 : vector<16xf32>
      %parallel_loop3A_749 = arith.index_cast %parallel_loop3A_738 : i32 to index
      %parallel_loop3A_750 = arith.index_cast %parallel_loop3A_741 : i32 to index
      %parallel_loop3A_751 = tpu.vector_load %arg7[%parallel_loop3A_749, %parallel_loop3A_750] {strides = array<i32>} : memref<8x2048xf32, #tpu.memory_space<vmem>>, vector<1x16xf32>,
      %parallel_loop3A_752 = vector.shape_cast %parallel_loop3A_751 : vector<1x16xf32> to vector<16xf32>
      %parallel_loop3A_753 = vector.shape_cast %parallel_loop3A_748 : vector<16xf32> to vector<1x16xf32>
      tpu.vector_store %arg7[%parallel_loop3A_749, %parallel_loop3A_750], %parallel_loop3A_753 {strides = array<i32>} : memref<8x2048xf32, #tpu.memory_space<vmem>>, vector<1x16xf32>,
    } {sc.loop_unroll_factor = 8 : i64, sc.parallel_access}
    %add3A_92 = arith.constant 24 : i32
    %add3A_93 = arith.addi %mul3A_2, %add3A_92 : i32
    %dma_start3A_94 = arith.constant 0 : i32
    %dma_start3A_95 = tpu.memref_slice %arg3[%add3A_93, %dma_start3A_94] : memref<8192x2048xf32, #tpu.memory_space<hbm>> -> memref<8x2048xf32, #tpu.memory_space<hbm>>
    %dma_start3A_96 = arith.constant 0 : i32
    %dma_start3A_97 = tpu.memref_slice %arg3[%add3A_93, %dma_start3A_96] : memref<8192x2048xf32, #tpu.memory_space<hbm>> -> memref<8x2048xf32, #tpu.memory_space<hbm>>
    tpu.enqueue_dma source(%arg7 : memref<8x2048xf32, #tpu.memory_space<vmem>>) target(%dma_start3A_97 : memref<8x2048xf32, #tpu.memory_space<hbm>>) target_semaphore(%arg19 : memref<!tpu.dma_semaphore, #tpu.memory_space<semaphore_mem>>)
    %dma_wait3A_98 = arith.constant 0 : i32
    %dma_wait3A_99 = tpu.memref_slice %arg3[%add3A_51, %dma_wait3A_98] : memref<8192x2048xf32, #tpu.memory_space<hbm>> -> memref<8x2048xf32, #tpu.memory_space<hbm>>
    %dma_wait3A_100 = arith.constant 0 : i32
    %dma_wait3A_101 = tpu.memref_slice %arg3[%add3A_51, %dma_wait3A_100] : memref<8192x2048xf32, #tpu.memory_space<hbm>> -> memref<8x2048xf32, #tpu.memory_space<hbm>>
    tpu.wait_dma2 semaphore(%arg17 : memref<!tpu.dma_semaphore, #tpu.memory_space<semaphore_mem>>) src(%arg5 : memref<8x2048xf32, #tpu.memory_space<vmem>>) dst(%dma_wait3A_101 : memref<8x2048xf32, #tpu.memory_space<hbm>>)
    %add3A_102 = arith.constant 56 : i32
    %add3A_103 = arith.addi %mul3A_2, %add3A_102 : i32
    %dma_start3A_104 = arith.constant 0 : i32
    %dma_start3A_105 = tpu.memref_slice %arg2[%add3A_103, %dma_start3A_104] : memref<8192x2048xf32, #tpu.memory_space<hbm>> -> memref<8x2048xf32, #tpu.memory_space<hbm>>
    %dma_start3A_106 = arith.constant 0 : i32
    %dma_start3A_107 = tpu.memref_slice %arg2[%add3A_103, %dma_start3A_106] : memref<8192x2048xf32, #tpu.memory_space<hbm>> -> memref<8x2048xf32, #tpu.memory_space<hbm>>
    tpu.enqueue_dma source(%dma_start3A_107 : memref<8x2048xf32, #tpu.memory_space<hbm>>) target(%arg5 : memref<8x2048xf32, #tpu.memory_space<vmem>>) target_semaphore(%arg11 : memref<!tpu.dma_semaphore, #tpu.memory_space<semaphore_mem>>)
    %dma_wait3A_108 = arith.constant 0 : i32
    %dma_wait3A_109 = tpu.memref_slice %arg2[%add3A_38, %dma_wait3A_108] : memref<8192x2048xf32, #tpu.memory_space<hbm>> -> memref<8x2048xf32, #tpu.memory_space<hbm>>
    %dma_wait3A_110 = arith.constant 0 : i32
    %dma_wait3A_111 = tpu.memref_slice %arg2[%add3A_38, %dma_wait3A_110] : memref<8192x2048xf32, #tpu.memory_space<hbm>> -> memref<8x2048xf32, #tpu.memory_space<hbm>>
    tpu.wait_dma2 semaphore(%arg14 : memref<!tpu.dma_semaphore, #tpu.memory_space<semaphore_mem>>) src(%dma_wait3A_111 : memref<8x2048xf32, #tpu.memory_space<hbm>>) dst(%arg8 : memref<8x2048xf32, #tpu.memory_space<vmem>>)
    %parallel_loop3A_112 = arith.constant 0 : i32
    %parallel_loop3A_113 = arith.constant 16384 : i32
    %parallel_loop3A_114 = arith.constant 16 : i32
    scf.for %parallel_loop3A_736 = %parallel_loop3A_112 to %parallel_loop3A_113 step %parallel_loop3A_114  : i32 {
      %parallel_loop3A_737 = arith.constant 11 : i32
      %parallel_loop3A_738 = arith.shrui %parallel_loop3A_736, %parallel_loop3A_737 : i32
      %parallel_loop3A_739 = arith.constant 2047 : i32
      %parallel_loop3A_740 = arith.andi %parallel_loop3A_736, %parallel_loop3A_739 : i32
      %parallel_loop3A_741 = tpu.assume_multiple %parallel_loop3A_740, 16 : i32
      %parallel_loop3A_742 = arith.index_cast %parallel_loop3A_738 : i32 to index
      %parallel_loop3A_743 = arith.index_cast %parallel_loop3A_741 : i32 to index
      %parallel_loop3A_744 = tpu.vector_load %arg8[%parallel_loop3A_742, %parallel_loop3A_743] {strides = array<i32>} : memref<8x2048xf32, #tpu.memory_space<vmem>>, vector<1x16xf32>,
      %parallel_loop3A_745 = vector.shape_cast %parallel_loop3A_744 : vector<1x16xf32> to vector<16xf32>
      %parallel_loop3A_746 = arith.constant 0.0220970865 : f32
      %parallel_loop3A_747 = vector.broadcast %parallel_loop3A_746 : f32 to vector<16xf32>
      %parallel_loop3A_748 = arith.mulf %parallel_loop3A_745, %parallel_loop3A_747 : vector<16xf32>
      %parallel_loop3A_749 = arith.index_cast %parallel_loop3A_738 : i32 to index
      %parallel_loop3A_750 = arith.index_cast %parallel_loop3A_741 : i32 to index
      %parallel_loop3A_751 = tpu.vector_load %arg8[%parallel_loop3A_749, %parallel_loop3A_750] {strides = array<i32>} : memref<8x2048xf32, #tpu.memory_space<vmem>>, vector<1x16xf32>,
      %parallel_loop3A_752 = vector.shape_cast %parallel_loop3A_751 : vector<1x16xf32> to vector<16xf32>
      %parallel_loop3A_753 = vector.shape_cast %parallel_loop3A_748 : vector<16xf32> to vector<1x16xf32>
      tpu.vector_store %arg8[%parallel_loop3A_749, %parallel_loop3A_750], %parallel_loop3A_753 {strides = array<i32>} : memref<8x2048xf32, #tpu.memory_space<vmem>>, vector<1x16xf32>,
    } {sc.loop_unroll_factor = 8 : i64, sc.parallel_access}
    %add3A_115 = arith.constant 32 : i32
    %add3A_116 = arith.addi %mul3A_2, %add3A_115 : i32
    %dma_start3A_117 = arith.constant 0 : i32
    %dma_start3A_118 = tpu.memref_slice %arg3[%add3A_116, %dma_start3A_117] : memref<8192x2048xf32, #tpu.memory_space<hbm>> -> memref<8x2048xf32, #tpu.memory_space<hbm>>
    %dma_start3A_119 = arith.constant 0 : i32
    %dma_start3A_120 = tpu.memref_slice %arg3[%add3A_116, %dma_start3A_119] : memref<8192x2048xf32, #tpu.memory_space<hbm>> -> memref<8x2048xf32, #tpu.memory_space<hbm>>
    tpu.enqueue_dma source(%arg8 : memref<8x2048xf32, #tpu.memory_space<vmem>>) target(%dma_start3A_120 : memref<8x2048xf32, #tpu.memory_space<hbm>>) target_semaphore(%arg20 : memref<!tpu.dma_semaphore, #tpu.memory_space<semaphore_mem>>)
    %dma_wait3A_121 = arith.constant 0 : i32
    %dma_wait3A_122 = tpu.memref_slice %arg3[%add3A_70, %dma_wait3A_121] : memref<8192x2048xf32, #tpu.memory_space<hbm>> -> memref<8x2048xf32, #tpu.memory_space<hbm>>
    %dma_wait3A_123 = arith.constant 0 : i32
    %dma_wait3A_124 = tpu.memref_slice %arg3[%add3A_70, %dma_wait3A_123] : memref<8192x2048xf32, #tpu.memory_space<hbm>> -> memref<8x2048xf32, #tpu.memory_space<hbm>>
    tpu.wait_dma2 semaphore(%arg18 : memref<!tpu.dma_semaphore, #tpu.memory_space<semaphore_mem>>) src(%arg6 : memref<8x2048xf32, #tpu.memory_space<vmem>>) dst(%dma_wait3A_124 : memref<8x2048xf32, #tpu.memory_space<hbm>>)
    %add3A_125 = arith.constant 64 : i32
    %add3A_126 = arith.addi %mul3A_2, %add3A_125 : i32
    %dma_start3A_127 = arith.constant 0 : i32
    %dma_start3A_128 = tpu.memref_slice %arg2[%add3A_126, %dma_start3A_127] : memref<8192x2048xf32, #tpu.memory_space<hbm>> -> memref<8x2048xf32, #tpu.memory_space<hbm>>
    %dma_start3A_129 = arith.constant 0 : i32
    %dma_start3A_130 = tpu.memref_slice %arg2[%add3A_126, %dma_start3A_129] : memref<8192x2048xf32, #tpu.memory_space<hbm>> -> memref<8x2048xf32, #tpu.memory_space<hbm>>
    tpu.enqueue_dma source(%dma_start3A_130 : memref<8x2048xf32, #tpu.memory_space<hbm>>) target(%arg6 : memref<8x2048xf32, #tpu.memory_space<vmem>>) target_semaphore(%arg12 : memref<!tpu.dma_semaphore, #tpu.memory_space<semaphore_mem>>)
    %dma_wait3A_131 = arith.constant 0 : i32
    %dma_wait3A_132 = tpu.memref_slice %arg2[%add3A_57, %dma_wait3A_131] : memref<8192x2048xf32, #tpu.memory_space<hbm>> -> memref<8x2048xf32, #tpu.memory_space<hbm>>
    %dma_wait3A_133 = arith.constant 0 : i32
    %dma_wait3A_134 = tpu.memref_slice %arg2[%add3A_57, %dma_wait3A_133] : memref<8192x2048xf32, #tpu.memory_space<hbm>> -> memref<8x2048xf32, #tpu.memory_space<hbm>>
    tpu.wait_dma2 semaphore(%arg15 : memref<!tpu.dma_semaphore, #tpu.memory_space<semaphore_mem>>) src(%dma_wait3A_134 : memref<8x2048xf32, #tpu.memory_space<hbm>>) dst(%arg9 : memref<8x2048xf32, #tpu.memory_space<vmem>>)
    %parallel_loop3A_135 = arith.constant 0 : i32
    %parallel_loop3A_136 = arith.constant 16384 : i32
    %parallel_loop3A_137 = arith.constant 16 : i32
    scf.for %parallel_loop3A_736 = %parallel_loop3A_135 to %parallel_loop3A_136 step %parallel_loop3A_137  : i32 {
      %parallel_loop3A_737 = arith.constant 11 : i32
      %parallel_loop3A_738 = arith.shrui %parallel_loop3A_736, %parallel_loop3A_737 : i32
      %parallel_loop3A_739 = arith.constant 2047 : i32
      %parallel_loop3A_740 = arith.andi %parallel_loop3A_736, %parallel_loop3A_739 : i32
      %parallel_loop3A_741 = tpu.assume_multiple %parallel_loop3A_740, 16 : i32
      %parallel_loop3A_742 = arith.index_cast %parallel_loop3A_738 : i32 to index
      %parallel_loop3A_743 = arith.index_cast %parallel_loop3A_741 : i32 to index
      %parallel_loop3A_744 = tpu.vector_load %arg9[%parallel_loop3A_742, %parallel_loop3A_743] {strides = array<i32>} : memref<8x2048xf32, #tpu.memory_space<vmem>>, vector<1x16xf32>,
      %parallel_loop3A_745 = vector.shape_cast %parallel_loop3A_744 : vector<1x16xf32> to vector<16xf32>
      %parallel_loop3A_746 = arith.constant 0.0220970865 : f32
      %parallel_loop3A_747 = vector.broadcast %parallel_loop3A_746 : f32 to vector<16xf32>
      %parallel_loop3A_748 = arith.mulf %parallel_loop3A_745, %parallel_loop3A_747 : vector<16xf32>
      %parallel_loop3A_749 = arith.index_cast %parallel_loop3A_738 : i32 to index
      %parallel_loop3A_750 = arith.index_cast %parallel_loop3A_741 : i32 to index
      %parallel_loop3A_751 = tpu.vector_load %arg9[%parallel_loop3A_749, %parallel_loop3A_750] {strides = array<i32>} : memref<8x2048xf32, #tpu.memory_space<vmem>>, vector<1x16xf32>,
      %parallel_loop3A_752 = vector.shape_cast %parallel_loop3A_751 : vector<1x16xf32> to vector<16xf32>
      %parallel_loop3A_753 = vector.shape_cast %parallel_loop3A_748 : vector<16xf32> to vector<1x16xf32>
      tpu.vector_store %arg9[%parallel_loop3A_749, %parallel_loop3A_750], %parallel_loop3A_753 {strides = array<i32>} : memref<8x2048xf32, #tpu.memory_space<vmem>>, vector<1x16xf32>,
    } {sc.loop_unroll_factor = 8 : i64, sc.parallel_access}
    %add3A_138 = arith.constant 40 : i32
    %add3A_139 = arith.addi %mul3A_2, %add3A_138 : i32
    %dma_start3A_140 = arith.constant 0 : i32
    %dma_start3A_141 = tpu.memref_slice %arg3[%add3A_139, %dma_start3A_140] : memref<8192x2048xf32, #tpu.memory_space<hbm>> -> memref<8x2048xf32, #tpu.memory_space<hbm>>
    %dma_start3A_142 = arith.constant 0 : i32
    %dma_start3A_143 = tpu.memref_slice %arg3[%add3A_139, %dma_start3A_142] : memref<8192x2048xf32, #tpu.memory_space<hbm>> -> memref<8x2048xf32, #tpu.memory_space<hbm>>
    tpu.enqueue_dma source(%arg9 : memref<8x2048xf32, #tpu.memory_space<vmem>>) target(%dma_start3A_143 : memref<8x2048xf32, #tpu.memory_space<hbm>>) target_semaphore(%arg21 : memref<!tpu.dma_semaphore, #tpu.memory_space<semaphore_mem>>)
    %dma_wait3A_144 = arith.constant 0 : i32
    %dma_wait3A_145 = tpu.memref_slice %arg3[%add3A_93, %dma_wait3A_144] : memref<8192x2048xf32, #tpu.memory_space<hbm>> -> memref<8x2048xf32, #tpu.memory_space<hbm>>
    %dma_wait3A_146 = arith.constant 0 : i32
    %dma_wait3A_147 = tpu.memref_slice %arg3[%add3A_93, %dma_wait3A_146] : memref<8192x2048xf32, #tpu.memory_space<hbm>> -> memref<8x2048xf32, #tpu.memory_space<hbm>>
    tpu.wait_dma2 semaphore(%arg19 : memref<!tpu.dma_semaphore, #tpu.memory_space<semaphore_mem>>) src(%arg7 : memref<8x2048xf32, #tpu.memory_space<vmem>>) dst(%dma_wait3A_147 : memref<8x2048xf32, #tpu.memory_space<hbm>>)
    %add3A_148 = arith.constant 72 : i32
    %add3A_149 = arith.addi %mul3A_2, %add3A_148 : i32
    %dma_start3A_150 = arith.constant 0 : i32
    %dma_start3A_151 = tpu.memref_slice %arg2[%add3A_149, %dma_start3A_150] : memref<8192x2048xf32, #tpu.memory_space<hbm>> -> memref<8x2048xf32, #tpu.memory_space<hbm>>
    %dma_start3A_152 = arith.constant 0 : i32
    %dma_start3A_153 = tpu.memref_slice %arg2[%add3A_149, %dma_start3A_152] : memref<8192x2048xf32, #tpu.memory_space<hbm>> -> memref<8x2048xf32, #tpu.memory_space<hbm>>
    tpu.enqueue_dma source(%dma_start3A_153 : memref<8x2048xf32, #tpu.memory_space<hbm>>) target(%arg7 : memref<8x2048xf32, #tpu.memory_space<vmem>>) target_semaphore(%arg13 : memref<!tpu.dma_semaphore, #tpu.memory_space<semaphore_mem>>)
    %dma_wait3A_154 = arith.constant 0 : i32
    %dma_wait3A_155 = tpu.memref_slice %arg2[%add3A_80, %dma_wait3A_154] : memref<8192x2048xf32, #tpu.memory_space<hbm>> -> memref<8x2048xf32, #tpu.memory_space<hbm>>
    %dma_wait3A_156 = arith.constant 0 : i32
    %dma_wait3A_157 = tpu.memref_slice %arg2[%add3A_80, %dma_wait3A_156] : memref<8192x2048xf32, #tpu.memory_space<hbm>> -> memref<8x2048xf32, #tpu.memory_space<hbm>>
    tpu.wait_dma2 semaphore(%arg10 : memref<!tpu.dma_semaphore, #tpu.memory_space<semaphore_mem>>) src(%dma_wait3A_157 : memref<8x2048xf32, #tpu.memory_space<hbm>>) dst(%arg4 : memref<8x2048xf32, #tpu.memory_space<vmem>>)
    %parallel_loop3A_158 = arith.constant 0 : i32
    %parallel_loop3A_159 = arith.constant 16384 : i32
    %parallel_loop3A_160 = arith.constant 16 : i32
    scf.for %parallel_loop3A_736 = %parallel_loop3A_158 to %parallel_loop3A_159 step %parallel_loop3A_160  : i32 {
      %parallel_loop3A_737 = arith.constant 11 : i32
      %parallel_loop3A_738 = arith.shrui %parallel_loop3A_736, %parallel_loop3A_737 : i32
      %parallel_loop3A_739 = arith.constant 2047 : i32
      %parallel_loop3A_740 = arith.andi %parallel_loop3A_736, %parallel_loop3A_739 : i32
      %parallel_loop3A_741 = tpu.assume_multiple %parallel_loop3A_740, 16 : i32
      %parallel_loop3A_742 = arith.index_cast %parallel_loop3A_738 : i32 to index
      %parallel_loop3A_743 = arith.index_cast %parallel_loop3A_741 : i32 to index
      %parallel_loop3A_744 = tpu.vector_load %arg4[%parallel_loop3A_742, %parallel_loop3A_743] {strides = array<i32>} : memref<8x2048xf32, #tpu.memory_space<vmem>>, vector<1x16xf32>,
      %parallel_loop3A_745 = vector.shape_cast %parallel_loop3A_744 : vector<1x16xf32> to vector<16xf32>
      %parallel_loop3A_746 = arith.constant 0.0220970865 : f32
      %parallel_loop3A_747 = vector.broadcast %parallel_loop3A_746 : f32 to vector<16xf32>
      %parallel_loop3A_748 = arith.mulf %parallel_loop3A_745, %parallel_loop3A_747 : vector<16xf32>
      %parallel_loop3A_749 = arith.index_cast %parallel_loop3A_738 : i32 to index
      %parallel_loop3A_750 = arith.index_cast %parallel_loop3A_741 : i32 to index
      %parallel_loop3A_751 = tpu.vector_load %arg4[%parallel_loop3A_749, %parallel_loop3A_750] {strides = array<i32>} : memref<8x2048xf32, #tpu.memory_space<vmem>>, vector<1x16xf32>,
      %parallel_loop3A_752 = vector.shape_cast %parallel_loop3A_751 : vector<1x16xf32> to vector<16xf32>
      %parallel_loop3A_753 = vector.shape_cast %parallel_loop3A_748 : vector<16xf32> to vector<1x16xf32>
      tpu.vector_store %arg4[%parallel_loop3A_749, %parallel_loop3A_750], %parallel_loop3A_753 {strides = array<i32>} : memref<8x2048xf32, #tpu.memory_space<vmem>>, vector<1x16xf32>,
    } {sc.loop_unroll_factor = 8 : i64, sc.parallel_access}
    %add3A_161 = arith.constant 48 : i32
    %add3A_162 = arith.addi %mul3A_2, %add3A_161 : i32
    %dma_start3A_163 = arith.constant 0 : i32
    %dma_start3A_164 = tpu.memref_slice %arg3[%add3A_162, %dma_start3A_163] : memref<8192x2048xf32, #tpu.memory_space<hbm>> -> memref<8x2048xf32, #tpu.memory_space<hbm>>
    %dma_start3A_165 = arith.constant 0 : i32
    %dma_start3A_166 = tpu.memref_slice %arg3[%add3A_162, %dma_start3A_165] : memref<8192x2048xf32, #tpu.memory_space<hbm>> -> memref<8x2048xf32, #tpu.memory_space<hbm>>
    tpu.enqueue_dma source(%arg4 : memref<8x2048xf32, #tpu.memory_space<vmem>>) target(%dma_start3A_166 : memref<8x2048xf32, #tpu.memory_space<hbm>>) target_semaphore(%arg16 : memref<!tpu.dma_semaphore, #tpu.memory_space<semaphore_mem>>)
    %dma_wait3A_167 = arith.constant 0 : i32
    %dma_wait3A_168 = tpu.memref_slice %arg3[%add3A_116, %dma_wait3A_167] : memref<8192x2048xf32, #tpu.memory_space<hbm>> -> memref<8x2048xf32, #tpu.memory_space<hbm>>
    %dma_wait3A_169 = arith.constant 0 : i32
    %dma_wait3A_170 = tpu.memref_slice %arg3[%add3A_116, %dma_wait3A_169] : memref<8192x2048xf32, #tpu.memory_space<hbm>> -> memref<8x2048xf32, #tpu.memory_space<hbm>>
    tpu.wait_dma2 semaphore(%arg20 : memref<!tpu.dma_semaphore, #tpu.memory_space<semaphore_mem>>) src(%arg8 : memref<8x2048xf32, #tpu.memory_space<vmem>>) dst(%dma_wait3A_170 : memref<8x2048xf32, #tpu.memory_space<hbm>>)
    %add3A_171 = arith.constant 80 : i32
    %add3A_172 = arith.addi %mul3A_2, %add3A_171 : i32
    %dma_start3A_173 = arith.constant 0 : i32
    %dma_start3A_174 = tpu.memref_slice %arg2[%add3A_172, %dma_start3A_173] : memref<8192x2048xf32, #tpu.memory_space<hbm>> -> memref<8x2048xf32, #tpu.memory_space<hbm>>
    %dma_start3A_175 = arith.constant 0 : i32
    %dma_start3A_176 = tpu.memref_slice %arg2[%add3A_172, %dma_start3A_175] : memref<8192x2048xf32, #tpu.memory_space<hbm>> -> memref<8x2048xf32, #tpu.memory_space<hbm>>
    tpu.enqueue_dma source(%dma_start3A_176 : memref<8x2048xf32, #tpu.memory_space<hbm>>) target(%arg8 : memref<8x2048xf32, #tpu.memory_space<vmem>>) target_semaphore(%arg14 : memref<!tpu.dma_semaphore, #tpu.memory_space<semaphore_mem>>)
    %dma_wait3A_177 = arith.constant 0 : i32
    %dma_wait3A_178 = tpu.memref_slice %arg2[%add3A_103, %dma_wait3A_177] : memref<8192x2048xf32, #tpu.memory_space<hbm>> -> memref<8x2048xf32, #tpu.memory_space<hbm>>
    %dma_wait3A_179 = arith.constant 0 : i32
    %dma_wait3A_180 = tpu.memref_slice %arg2[%add3A_103, %dma_wait3A_179] : memref<8192x2048xf32, #tpu.memory_space<hbm>> -> memref<8x2048xf32, #tpu.memory_space<hbm>>
    tpu.wait_dma2 semaphore(%arg11 : memref<!tpu.dma_semaphore, #tpu.memory_space<semaphore_mem>>) src(%dma_wait3A_180 : memref<8x2048xf32, #tpu.memory_space<hbm>>) dst(%arg5 : memref<8x2048xf32, #tpu.memory_space<vmem>>)
    %parallel_loop3A_181 = arith.constant 0 : i32
    %parallel_loop3A_182 = arith.constant 16384 : i32
    %parallel_loop3A_183 = arith.constant 16 : i32
    scf.for %parallel_loop3A_736 = %parallel_loop3A_181 to %parallel_loop3A_182 step %parallel_loop3A_183  : i32 {
      %parallel_loop3A_737 = arith.constant 11 : i32
      %parallel_loop3A_738 = arith.shrui %parallel_loop3A_736, %parallel_loop3A_737 : i32
      %parallel_loop3A_739 = arith.constant 2047 : i32
      %parallel_loop3A_740 = arith.andi %parallel_loop3A_736, %parallel_loop3A_739 : i32
      %parallel_loop3A_741 = tpu.assume_multiple %parallel_loop3A_740, 16 : i32
      %parallel_loop3A_742 = arith.index_cast %parallel_loop3A_738 : i32 to index
      %parallel_loop3A_743 = arith.index_cast %parallel_loop3A_741 : i32 to index
      %parallel_loop3A_744 = tpu.vector_load %arg5[%parallel_loop3A_742, %parallel_loop3A_743] {strides = array<i32>} : memref<8x2048xf32, #tpu.memory_space<vmem>>, vector<1x16xf32>,
      %parallel_loop3A_745 = vector.shape_cast %parallel_loop3A_744 : vector<1x16xf32> to vector<16xf32>
      %parallel_loop3A_746 = arith.constant 0.0220970865 : f32
      %parallel_loop3A_747 = vector.broadcast %parallel_loop3A_746 : f32 to vector<16xf32>
      %parallel_loop3A_748 = arith.mulf %parallel_loop3A_745, %parallel_loop3A_747 : vector<16xf32>
      %parallel_loop3A_749 = arith.index_cast %parallel_loop3A_738 : i32 to index
      %parallel_loop3A_750 = arith.index_cast %parallel_loop3A_741 : i32 to index
      %parallel_loop3A_751 = tpu.vector_load %arg5[%parallel_loop3A_749, %parallel_loop3A_750] {strides = array<i32>} : memref<8x2048xf32, #tpu.memory_space<vmem>>, vector<1x16xf32>,
      %parallel_loop3A_752 = vector.shape_cast %parallel_loop3A_751 : vector<1x16xf32> to vector<16xf32>
      %parallel_loop3A_753 = vector.shape_cast %parallel_loop3A_748 : vector<16xf32> to vector<1x16xf32>
      tpu.vector_store %arg5[%parallel_loop3A_749, %parallel_loop3A_750], %parallel_loop3A_753 {strides = array<i32>} : memref<8x2048xf32, #tpu.memory_space<vmem>>, vector<1x16xf32>,
    } {sc.loop_unroll_factor = 8 : i64, sc.parallel_access}
    %add3A_184 = arith.constant 56 : i32
    %add3A_185 = arith.addi %mul3A_2, %add3A_184 : i32
    %dma_start3A_186 = arith.constant 0 : i32
    %dma_start3A_187 = tpu.memref_slice %arg3[%add3A_185, %dma_start3A_186] : memref<8192x2048xf32, #tpu.memory_space<hbm>> -> memref<8x2048xf32, #tpu.memory_space<hbm>>
    %dma_start3A_188 = arith.constant 0 : i32
    %dma_start3A_189 = tpu.memref_slice %arg3[%add3A_185, %dma_start3A_188] : memref<8192x2048xf32, #tpu.memory_space<hbm>> -> memref<8x2048xf32, #tpu.memory_space<hbm>>
    tpu.enqueue_dma source(%arg5 : memref<8x2048xf32, #tpu.memory_space<vmem>>) target(%dma_start3A_189 : memref<8x2048xf32, #tpu.memory_space<hbm>>) target_semaphore(%arg17 : memref<!tpu.dma_semaphore, #tpu.memory_space<semaphore_mem>>)
    %dma_wait3A_190 = arith.constant 0 : i32
    %dma_wait3A_191 = tpu.memref_slice %arg3[%add3A_139, %dma_wait3A_190] : memref<8192x2048xf32, #tpu.memory_space<hbm>> -> memref<8x2048xf32, #tpu.memory_space<hbm>>
    %dma_wait3A_192 = arith.constant 0 : i32
    %dma_wait3A_193 = tpu.memref_slice %arg3[%add3A_139, %dma_wait3A_192] : memref<8192x2048xf32, #tpu.memory_space<hbm>> -> memref<8x2048xf32, #tpu.memory_space<hbm>>
    tpu.wait_dma2 semaphore(%arg21 : memref<!tpu.dma_semaphore, #tpu.memory_space<semaphore_mem>>) src(%arg9 : memref<8x2048xf32, #tpu.memory_space<vmem>>) dst(%dma_wait3A_193 : memref<8x2048xf32, #tpu.memory_space<hbm>>)
    %add3A_194 = arith.constant 88 : i32
    %add3A_195 = arith.addi %mul3A_2, %add3A_194 : i32
    %dma_start3A_196 = arith.constant 0 : i32
    %dma_start3A_197 = tpu.memref_slice %arg2[%add3A_195, %dma_start3A_196] : memref<8192x2048xf32, #tpu.memory_space<hbm>> -> memref<8x2048xf32, #tpu.memory_space<hbm>>
    %dma_start3A_198 = arith.constant 0 : i32
    %dma_start3A_199 = tpu.memref_slice %arg2[%add3A_195, %dma_start3A_198] : memref<8192x2048xf32, #tpu.memory_space<hbm>> -> memref<8x2048xf32, #tpu.memory_space<hbm>>
    tpu.enqueue_dma source(%dma_start3A_199 : memref<8x2048xf32, #tpu.memory_space<hbm>>) target(%arg9 : memref<8x2048xf32, #tpu.memory_space<vmem>>) target_semaphore(%arg15 : memref<!tpu.dma_semaphore, #tpu.memory_space<semaphore_mem>>)
    %dma_wait3A_200 = arith.constant 0 : i32
    %dma_wait3A_201 = tpu.memref_slice %arg2[%add3A_126, %dma_wait3A_200] : memref<8192x2048xf32, #tpu.memory_space<hbm>> -> memref<8x2048xf32, #tpu.memory_space<hbm>>
    %dma_wait3A_202 = arith.constant 0 : i32
    %dma_wait3A_203 = tpu.memref_slice %arg2[%add3A_126, %dma_wait3A_202] : memref<8192x2048xf32, #tpu.memory_space<hbm>> -> memref<8x2048xf32, #tpu.memory_space<hbm>>
    tpu.wait_dma2 semaphore(%arg12 : memref<!tpu.dma_semaphore, #tpu.memory_space<semaphore_mem>>) src(%dma_wait3A_203 : memref<8x2048xf32, #tpu.memory_space<hbm>>) dst(%arg6 : memref<8x2048xf32, #tpu.memory_space<vmem>>)
    %parallel_loop3A_204 = arith.constant 0 : i32
    %parallel_loop3A_205 = arith.constant 16384 : i32
    %parallel_loop3A_206 = arith.constant 16 : i32
    scf.for %parallel_loop3A_736 = %parallel_loop3A_204 to %parallel_loop3A_205 step %parallel_loop3A_206  : i32 {
      %parallel_loop3A_737 = arith.constant 11 : i32
      %parallel_loop3A_738 = arith.shrui %parallel_loop3A_736, %parallel_loop3A_737 : i32
      %parallel_loop3A_739 = arith.constant 2047 : i32
      %parallel_loop3A_740 = arith.andi %parallel_loop3A_736, %parallel_loop3A_739 : i32
      %parallel_loop3A_741 = tpu.assume_multiple %parallel_loop3A_740, 16 : i32
      %parallel_loop3A_742 = arith.index_cast %parallel_loop3A_738 : i32 to index
      %parallel_loop3A_743 = arith.index_cast %parallel_loop3A_741 : i32 to index
      %parallel_loop3A_744 = tpu.vector_load %arg6[%parallel_loop3A_742, %parallel_loop3A_743] {strides = array<i32>} : memref<8x2048xf32, #tpu.memory_space<vmem>>, vector<1x16xf32>,
      %parallel_loop3A_745 = vector.shape_cast %parallel_loop3A_744 : vector<1x16xf32> to vector<16xf32>
      %parallel_loop3A_746 = arith.constant 0.0220970865 : f32
      %parallel_loop3A_747 = vector.broadcast %parallel_loop3A_746 : f32 to vector<16xf32>
      %parallel_loop3A_748 = arith.mulf %parallel_loop3A_745, %parallel_loop3A_747 : vector<16xf32>
      %parallel_loop3A_749 = arith.index_cast %parallel_loop3A_738 : i32 to index
      %parallel_loop3A_750 = arith.index_cast %parallel_loop3A_741 : i32 to index
      %parallel_loop3A_751 = tpu.vector_load %arg6[%parallel_loop3A_749, %parallel_loop3A_750] {strides = array<i32>} : memref<8x2048xf32, #tpu.memory_space<vmem>>, vector<1x16xf32>,
      %parallel_loop3A_752 = vector.shape_cast %parallel_loop3A_751 : vector<1x16xf32> to vector<16xf32>
      %parallel_loop3A_753 = vector.shape_cast %parallel_loop3A_748 : vector<16xf32> to vector<1x16xf32>
      tpu.vector_store %arg6[%parallel_loop3A_749, %parallel_loop3A_750], %parallel_loop3A_753 {strides = array<i32>} : memref<8x2048xf32, #tpu.memory_space<vmem>>, vector<1x16xf32>,
    } {sc.loop_unroll_factor = 8 : i64, sc.parallel_access}
    %add3A_207 = arith.constant 64 : i32
    %add3A_208 = arith.addi %mul3A_2, %add3A_207 : i32
    %dma_start3A_209 = arith.constant 0 : i32
    %dma_start3A_210 = tpu.memref_slice %arg3[%add3A_208, %dma_start3A_209] : memref<8192x2048xf32, #tpu.memory_space<hbm>> -> memref<8x2048xf32, #tpu.memory_space<hbm>>
    %dma_start3A_211 = arith.constant 0 : i32
    %dma_start3A_212 = tpu.memref_slice %arg3[%add3A_208, %dma_start3A_211] : memref<8192x2048xf32, #tpu.memory_space<hbm>> -> memref<8x2048xf32, #tpu.memory_space<hbm>>
    tpu.enqueue_dma source(%arg6 : memref<8x2048xf32, #tpu.memory_space<vmem>>) target(%dma_start3A_212 : memref<8x2048xf32, #tpu.memory_space<hbm>>) target_semaphore(%arg18 : memref<!tpu.dma_semaphore, #tpu.memory_space<semaphore_mem>>)
    %dma_wait3A_213 = arith.constant 0 : i32
    %dma_wait3A_214 = tpu.memref_slice %arg3[%add3A_162, %dma_wait3A_213] : memref<8192x2048xf32, #tpu.memory_space<hbm>> -> memref<8x2048xf32, #tpu.memory_space<hbm>>
    %dma_wait3A_215 = arith.constant 0 : i32
    %dma_wait3A_216 = tpu.memref_slice %arg3[%add3A_162, %dma_wait3A_215] : memref<8192x2048xf32, #tpu.memory_space<hbm>> -> memref<8x2048xf32, #tpu.memory_space<hbm>>
    tpu.wait_dma2 semaphore(%arg16 : memref<!tpu.dma_semaphore, #tpu.memory_space<semaphore_mem>>) src(%arg4 : memref<8x2048xf32, #tpu.memory_space<vmem>>) dst(%dma_wait3A_216 : memref<8x2048xf32, #tpu.memory_space<hbm>>)
    %add3A_217 = arith.constant 96 : i32
    %add3A_218 = arith.addi %mul3A_2, %add3A_217 : i32
    %dma_start3A_219 = arith.constant 0 : i32
    %dma_start3A_220 = tpu.memref_slice %arg2[%add3A_218, %dma_start3A_219] : memref<8192x2048xf32, #tpu.memory_space<hbm>> -> memref<8x2048xf32, #tpu.memory_space<hbm>>
    %dma_start3A_221 = arith.constant 0 : i32
    %dma_start3A_222 = tpu.memref_slice %arg2[%add3A_218, %dma_start3A_221] : memref<8192x2048xf32, #tpu.memory_space<hbm>> -> memref<8x2048xf32, #tpu.memory_space<hbm>>
    tpu.enqueue_dma source(%dma_start3A_222 : memref<8x2048xf32, #tpu.memory_space<hbm>>) target(%arg4 : memref<8x2048xf32, #tpu.memory_space<vmem>>) target_semaphore(%arg10 : memref<!tpu.dma_semaphore, #tpu.memory_space<semaphore_mem>>)
    %dma_wait3A_223 = arith.constant 0 : i32
    %dma_wait3A_224 = tpu.memref_slice %arg2[%add3A_149, %dma_wait3A_223] : memref<8192x2048xf32, #tpu.memory_space<hbm>> -> memref<8x2048xf32, #tpu.memory_space<hbm>>
    %dma_wait3A_225 = arith.constant 0 : i32
    %dma_wait3A_226 = tpu.memref_slice %arg2[%add3A_149, %dma_wait3A_225] : memref<8192x2048xf32, #tpu.memory_space<hbm>> -> memref<8x2048xf32, #tpu.memory_space<hbm>>
    tpu.wait_dma2 semaphore(%arg13 : memref<!tpu.dma_semaphore, #tpu.memory_space<semaphore_mem>>) src(%dma_wait3A_226 : memref<8x2048xf32, #tpu.memory_space<hbm>>) dst(%arg7 : memref<8x2048xf32, #tpu.memory_space<vmem>>)
    %parallel_loop3A_227 = arith.constant 0 : i32
    %parallel_loop3A_228 = arith.constant 16384 : i32
    %parallel_loop3A_229 = arith.constant 16 : i32
    scf.for %parallel_loop3A_736 = %parallel_loop3A_227 to %parallel_loop3A_228 step %parallel_loop3A_229  : i32 {
      %parallel_loop3A_737 = arith.constant 11 : i32
      %parallel_loop3A_738 = arith.shrui %parallel_loop3A_736, %parallel_loop3A_737 : i32
      %parallel_loop3A_739 = arith.constant 2047 : i32
      %parallel_loop3A_740 = arith.andi %parallel_loop3A_736, %parallel_loop3A_739 : i32
      %parallel_loop3A_741 = tpu.assume_multiple %parallel_loop3A_740, 16 : i32
      %parallel_loop3A_742 = arith.index_cast %parallel_loop3A_738 : i32 to index
      %parallel_loop3A_743 = arith.index_cast %parallel_loop3A_741 : i32 to index
      %parallel_loop3A_744 = tpu.vector_load %arg7[%parallel_loop3A_742, %parallel_loop3A_743] {strides = array<i32>} : memref<8x2048xf32, #tpu.memory_space<vmem>>, vector<1x16xf32>,
      %parallel_loop3A_745 = vector.shape_cast %parallel_loop3A_744 : vector<1x16xf32> to vector<16xf32>
      %parallel_loop3A_746 = arith.constant 0.0220970865 : f32
      %parallel_loop3A_747 = vector.broadcast %parallel_loop3A_746 : f32 to vector<16xf32>
      %parallel_loop3A_748 = arith.mulf %parallel_loop3A_745, %parallel_loop3A_747 : vector<16xf32>
      %parallel_loop3A_749 = arith.index_cast %parallel_loop3A_738 : i32 to index
      %parallel_loop3A_750 = arith.index_cast %parallel_loop3A_741 : i32 to index
      %parallel_loop3A_751 = tpu.vector_load %arg7[%parallel_loop3A_749, %parallel_loop3A_750] {strides = array<i32>} : memref<8x2048xf32, #tpu.memory_space<vmem>>, vector<1x16xf32>,
      %parallel_loop3A_752 = vector.shape_cast %parallel_loop3A_751 : vector<1x16xf32> to vector<16xf32>
      %parallel_loop3A_753 = vector.shape_cast %parallel_loop3A_748 : vector<16xf32> to vector<1x16xf32>
      tpu.vector_store %arg7[%parallel_loop3A_749, %parallel_loop3A_750], %parallel_loop3A_753 {strides = array<i32>} : memref<8x2048xf32, #tpu.memory_space<vmem>>, vector<1x16xf32>,
    } {sc.loop_unroll_factor = 8 : i64, sc.parallel_access}
    %add3A_230 = arith.constant 72 : i32
    %add3A_231 = arith.addi %mul3A_2, %add3A_230 : i32
    %dma_start3A_232 = arith.constant 0 : i32
    %dma_start3A_233 = tpu.memref_slice %arg3[%add3A_231, %dma_start3A_232] : memref<8192x2048xf32, #tpu.memory_space<hbm>> -> memref<8x2048xf32, #tpu.memory_space<hbm>>
    %dma_start3A_234 = arith.constant 0 : i32
    %dma_start3A_235 = tpu.memref_slice %arg3[%add3A_231, %dma_start3A_234] : memref<8192x2048xf32, #tpu.memory_space<hbm>> -> memref<8x2048xf32, #tpu.memory_space<hbm>>
    tpu.enqueue_dma source(%arg7 : memref<8x2048xf32, #tpu.memory_space<vmem>>) target(%dma_start3A_235 : memref<8x2048xf32, #tpu.memory_space<hbm>>) target_semaphore(%arg19 : memref<!tpu.dma_semaphore, #tpu.memory_space<semaphore_mem>>)
    %dma_wait3A_236 = arith.constant 0 : i32
    %dma_wait3A_237 = tpu.memref_slice %arg3[%add3A_185, %dma_wait3A_236] : memref<8192x2048xf32, #tpu.memory_space<hbm>> -> memref<8x2048xf32, #tpu.memory_space<hbm>>
    %dma_wait3A_238 = arith.constant 0 : i32
    %dma_wait3A_239 = tpu.memref_slice %arg3[%add3A_185, %dma_wait3A_238] : memref<8192x2048xf32, #tpu.memory_space<hbm>> -> memref<8x2048xf32, #tpu.memory_space<hbm>>
    tpu.wait_dma2 semaphore(%arg17 : memref<!tpu.dma_semaphore, #tpu.memory_space<semaphore_mem>>) src(%arg5 : memref<8x2048xf32, #tpu.memory_space<vmem>>) dst(%dma_wait3A_239 : memref<8x2048xf32, #tpu.memory_space<hbm>>)
    %add3A_240 = arith.constant 104 : i32
    %add3A_241 = arith.addi %mul3A_2, %add3A_240 : i32
    %dma_start3A_242 = arith.constant 0 : i32
    %dma_start3A_243 = tpu.memref_slice %arg2[%add3A_241, %dma_start3A_242] : memref<8192x2048xf32, #tpu.memory_space<hbm>> -> memref<8x2048xf32, #tpu.memory_space<hbm>>
    %dma_start3A_244 = arith.constant 0 : i32
    %dma_start3A_245 = tpu.memref_slice %arg2[%add3A_241, %dma_start3A_244] : memref<8192x2048xf32, #tpu.memory_space<hbm>> -> memref<8x2048xf32, #tpu.memory_space<hbm>>
    tpu.enqueue_dma source(%dma_start3A_245 : memref<8x2048xf32, #tpu.memory_space<hbm>>) target(%arg5 : memref<8x2048xf32, #tpu.memory_space<vmem>>) target_semaphore(%arg11 : memref<!tpu.dma_semaphore, #tpu.memory_space<semaphore_mem>>)
    %dma_wait3A_246 = arith.constant 0 : i32
    %dma_wait3A_247 = tpu.memref_slice %arg2[%add3A_172, %dma_wait3A_246] : memref<8192x2048xf32, #tpu.memory_space<hbm>> -> memref<8x2048xf32, #tpu.memory_space<hbm>>
    %dma_wait3A_248 = arith.constant 0 : i32
    %dma_wait3A_249 = tpu.memref_slice %arg2[%add3A_172, %dma_wait3A_248] : memref<8192x2048xf32, #tpu.memory_space<hbm>> -> memref<8x2048xf32, #tpu.memory_space<hbm>>
    tpu.wait_dma2 semaphore(%arg14 : memref<!tpu.dma_semaphore, #tpu.memory_space<semaphore_mem>>) src(%dma_wait3A_249 : memref<8x2048xf32, #tpu.memory_space<hbm>>) dst(%arg8 : memref<8x2048xf32, #tpu.memory_space<vmem>>)
    %parallel_loop3A_250 = arith.constant 0 : i32
    %parallel_loop3A_251 = arith.constant 16384 : i32
    %parallel_loop3A_252 = arith.constant 16 : i32
    scf.for %parallel_loop3A_736 = %parallel_loop3A_250 to %parallel_loop3A_251 step %parallel_loop3A_252  : i32 {
      %parallel_loop3A_737 = arith.constant 11 : i32
      %parallel_loop3A_738 = arith.shrui %parallel_loop3A_736, %parallel_loop3A_737 : i32
      %parallel_loop3A_739 = arith.constant 2047 : i32
      %parallel_loop3A_740 = arith.andi %parallel_loop3A_736, %parallel_loop3A_739 : i32
      %parallel_loop3A_741 = tpu.assume_multiple %parallel_loop3A_740, 16 : i32
      %parallel_loop3A_742 = arith.index_cast %parallel_loop3A_738 : i32 to index
      %parallel_loop3A_743 = arith.index_cast %parallel_loop3A_741 : i32 to index
      %parallel_loop3A_744 = tpu.vector_load %arg8[%parallel_loop3A_742, %parallel_loop3A_743] {strides = array<i32>} : memref<8x2048xf32, #tpu.memory_space<vmem>>, vector<1x16xf32>,
      %parallel_loop3A_745 = vector.shape_cast %parallel_loop3A_744 : vector<1x16xf32> to vector<16xf32>
      %parallel_loop3A_746 = arith.constant 0.0220970865 : f32
      %parallel_loop3A_747 = vector.broadcast %parallel_loop3A_746 : f32 to vector<16xf32>
      %parallel_loop3A_748 = arith.mulf %parallel_loop3A_745, %parallel_loop3A_747 : vector<16xf32>
      %parallel_loop3A_749 = arith.index_cast %parallel_loop3A_738 : i32 to index
      %parallel_loop3A_750 = arith.index_cast %parallel_loop3A_741 : i32 to index
      %parallel_loop3A_751 = tpu.vector_load %arg8[%parallel_loop3A_749, %parallel_loop3A_750] {strides = array<i32>} : memref<8x2048xf32, #tpu.memory_space<vmem>>, vector<1x16xf32>,
      %parallel_loop3A_752 = vector.shape_cast %parallel_loop3A_751 : vector<1x16xf32> to vector<16xf32>
      %parallel_loop3A_753 = vector.shape_cast %parallel_loop3A_748 : vector<16xf32> to vector<1x16xf32>
      tpu.vector_store %arg8[%parallel_loop3A_749, %parallel_loop3A_750], %parallel_loop3A_753 {strides = array<i32>} : memref<8x2048xf32, #tpu.memory_space<vmem>>, vector<1x16xf32>,
    } {sc.loop_unroll_factor = 8 : i64, sc.parallel_access}
    %add3A_253 = arith.constant 80 : i32
    %add3A_254 = arith.addi %mul3A_2, %add3A_253 : i32
    %dma_start3A_255 = arith.constant 0 : i32
    %dma_start3A_256 = tpu.memref_slice %arg3[%add3A_254, %dma_start3A_255] : memref<8192x2048xf32, #tpu.memory_space<hbm>> -> memref<8x2048xf32, #tpu.memory_space<hbm>>
    %dma_start3A_257 = arith.constant 0 : i32
    %dma_start3A_258 = tpu.memref_slice %arg3[%add3A_254, %dma_start3A_257] : memref<8192x2048xf32, #tpu.memory_space<hbm>> -> memref<8x2048xf32, #tpu.memory_space<hbm>>
    tpu.enqueue_dma source(%arg8 : memref<8x2048xf32, #tpu.memory_space<vmem>>) target(%dma_start3A_258 : memref<8x2048xf32, #tpu.memory_space<hbm>>) target_semaphore(%arg20 : memref<!tpu.dma_semaphore, #tpu.memory_space<semaphore_mem>>)
    %dma_wait3A_259 = arith.constant 0 : i32
    %dma_wait3A_260 = tpu.memref_slice %arg3[%add3A_208, %dma_wait3A_259] : memref<8192x2048xf32, #tpu.memory_space<hbm>> -> memref<8x2048xf32, #tpu.memory_space<hbm>>
    %dma_wait3A_261 = arith.constant 0 : i32
    %dma_wait3A_262 = tpu.memref_slice %arg3[%add3A_208, %dma_wait3A_261] : memref<8192x2048xf32, #tpu.memory_space<hbm>> -> memref<8x2048xf32, #tpu.memory_space<hbm>>
    tpu.wait_dma2 semaphore(%arg18 : memref<!tpu.dma_semaphore, #tpu.memory_space<semaphore_mem>>) src(%arg6 : memref<8x2048xf32, #tpu.memory_space<vmem>>) dst(%dma_wait3A_262 : memref<8x2048xf32, #tpu.memory_space<hbm>>)
    %add3A_263 = arith.constant 112 : i32
    %add3A_264 = arith.addi %mul3A_2, %add3A_263 : i32
    %dma_start3A_265 = arith.constant 0 : i32
    %dma_start3A_266 = tpu.memref_slice %arg2[%add3A_264, %dma_start3A_265] : memref<8192x2048xf32, #tpu.memory_space<hbm>> -> memref<8x2048xf32, #tpu.memory_space<hbm>>
    %dma_start3A_267 = arith.constant 0 : i32
    %dma_start3A_268 = tpu.memref_slice %arg2[%add3A_264, %dma_start3A_267] : memref<8192x2048xf32, #tpu.memory_space<hbm>> -> memref<8x2048xf32, #tpu.memory_space<hbm>>
    tpu.enqueue_dma source(%dma_start3A_268 : memref<8x2048xf32, #tpu.memory_space<hbm>>) target(%arg6 : memref<8x2048xf32, #tpu.memory_space<vmem>>) target_semaphore(%arg12 : memref<!tpu.dma_semaphore, #tpu.memory_space<semaphore_mem>>)
    %dma_wait3A_269 = arith.constant 0 : i32
    %dma_wait3A_270 = tpu.memref_slice %arg2[%add3A_195, %dma_wait3A_269] : memref<8192x2048xf32, #tpu.memory_space<hbm>> -> memref<8x2048xf32, #tpu.memory_space<hbm>>
    %dma_wait3A_271 = arith.constant 0 : i32
    %dma_wait3A_272 = tpu.memref_slice %arg2[%add3A_195, %dma_wait3A_271] : memref<8192x2048xf32, #tpu.memory_space<hbm>> -> memref<8x2048xf32, #tpu.memory_space<hbm>>
    tpu.wait_dma2 semaphore(%arg15 : memref<!tpu.dma_semaphore, #tpu.memory_space<semaphore_mem>>) src(%dma_wait3A_272 : memref<8x2048xf32, #tpu.memory_space<hbm>>) dst(%arg9 : memref<8x2048xf32, #tpu.memory_space<vmem>>)
    %parallel_loop3A_273 = arith.constant 0 : i32
    %parallel_loop3A_274 = arith.constant 16384 : i32
    %parallel_loop3A_275 = arith.constant 16 : i32
    scf.for %parallel_loop3A_736 = %parallel_loop3A_273 to %parallel_loop3A_274 step %parallel_loop3A_275  : i32 {
      %parallel_loop3A_737 = arith.constant 11 : i32
      %parallel_loop3A_738 = arith.shrui %parallel_loop3A_736, %parallel_loop3A_737 : i32
      %parallel_loop3A_739 = arith.constant 2047 : i32
      %parallel_loop3A_740 = arith.andi %parallel_loop3A_736, %parallel_loop3A_739 : i32
      %parallel_loop3A_741 = tpu.assume_multiple %parallel_loop3A_740, 16 : i32
      %parallel_loop3A_742 = arith.index_cast %parallel_loop3A_738 : i32 to index
      %parallel_loop3A_743 = arith.index_cast %parallel_loop3A_741 : i32 to index
      %parallel_loop3A_744 = tpu.vector_load %arg9[%parallel_loop3A_742, %parallel_loop3A_743] {strides = array<i32>} : memref<8x2048xf32, #tpu.memory_space<vmem>>, vector<1x16xf32>,
      %parallel_loop3A_745 = vector.shape_cast %parallel_loop3A_744 : vector<1x16xf32> to vector<16xf32>
      %parallel_loop3A_746 = arith.constant 0.0220970865 : f32
      %parallel_loop3A_747 = vector.broadcast %parallel_loop3A_746 : f32 to vector<16xf32>
      %parallel_loop3A_748 = arith.mulf %parallel_loop3A_745, %parallel_loop3A_747 : vector<16xf32>
      %parallel_loop3A_749 = arith.index_cast %parallel_loop3A_738 : i32 to index
      %parallel_loop3A_750 = arith.index_cast %parallel_loop3A_741 : i32 to index
      %parallel_loop3A_751 = tpu.vector_load %arg9[%parallel_loop3A_749, %parallel_loop3A_750] {strides = array<i32>} : memref<8x2048xf32, #tpu.memory_space<vmem>>, vector<1x16xf32>,
      %parallel_loop3A_752 = vector.shape_cast %parallel_loop3A_751 : vector<1x16xf32> to vector<16xf32>
      %parallel_loop3A_753 = vector.shape_cast %parallel_loop3A_748 : vector<16xf32> to vector<1x16xf32>
      tpu.vector_store %arg9[%parallel_loop3A_749, %parallel_loop3A_750], %parallel_loop3A_753 {strides = array<i32>} : memref<8x2048xf32, #tpu.memory_space<vmem>>, vector<1x16xf32>,
    } {sc.loop_unroll_factor = 8 : i64, sc.parallel_access}
    %add3A_276 = arith.constant 88 : i32
    %add3A_277 = arith.addi %mul3A_2, %add3A_276 : i32
    %dma_start3A_278 = arith.constant 0 : i32
    %dma_start3A_279 = tpu.memref_slice %arg3[%add3A_277, %dma_start3A_278] : memref<8192x2048xf32, #tpu.memory_space<hbm>> -> memref<8x2048xf32, #tpu.memory_space<hbm>>
    %dma_start3A_280 = arith.constant 0 : i32
    %dma_start3A_281 = tpu.memref_slice %arg3[%add3A_277, %dma_start3A_280] : memref<8192x2048xf32, #tpu.memory_space<hbm>> -> memref<8x2048xf32, #tpu.memory_space<hbm>>
    tpu.enqueue_dma source(%arg9 : memref<8x2048xf32, #tpu.memory_space<vmem>>) target(%dma_start3A_281 : memref<8x2048xf32, #tpu.memory_space<hbm>>) target_semaphore(%arg21 : memref<!tpu.dma_semaphore, #tpu.memory_space<semaphore_mem>>)
    %dma_wait3A_282 = arith.constant 0 : i32
    %dma_wait3A_283 = tpu.memref_slice %arg3[%add3A_231, %dma_wait3A_282] : memref<8192x2048xf32, #tpu.memory_space<hbm>> -> memref<8x2048xf32, #tpu.memory_space<hbm>>
    %dma_wait3A_284 = arith.constant 0 : i32
    %dma_wait3A_285 = tpu.memref_slice %arg3[%add3A_231, %dma_wait3A_284] : memref<8192x2048xf32, #tpu.memory_space<hbm>> -> memref<8x2048xf32, #tpu.memory_space<hbm>>
    tpu.wait_dma2 semaphore(%arg19 : memref<!tpu.dma_semaphore, #tpu.memory_space<semaphore_mem>>) src(%arg7 : memref<8x2048xf32, #tpu.memory_space<vmem>>) dst(%dma_wait3A_285 : memref<8x2048xf32, #tpu.memory_space<hbm>>)
    %add3A_286 = arith.constant 120 : i32
    %add3A_287 = arith.addi %mul3A_2, %add3A_286 : i32
    %dma_start3A_288 = arith.constant 0 : i32
    %dma_start3A_289 = tpu.memref_slice %arg2[%add3A_287, %dma_start3A_288] : memref<8192x2048xf32, #tpu.memory_space<hbm>> -> memref<8x2048xf32, #tpu.memory_space<hbm>>
    %dma_start3A_290 = arith.constant 0 : i32
    %dma_start3A_291 = tpu.memref_slice %arg2[%add3A_287, %dma_start3A_290] : memref<8192x2048xf32, #tpu.memory_space<hbm>> -> memref<8x2048xf32, #tpu.memory_space<hbm>>
    tpu.enqueue_dma source(%dma_start3A_291 : memref<8x2048xf32, #tpu.memory_space<hbm>>) target(%arg7 : memref<8x2048xf32, #tpu.memory_space<vmem>>) target_semaphore(%arg13 : memref<!tpu.dma_semaphore, #tpu.memory_space<semaphore_mem>>)
    %dma_wait3A_292 = arith.constant 0 : i32
    %dma_wait3A_293 = tpu.memref_slice %arg2[%add3A_218, %dma_wait3A_292] : memref<8192x2048xf32, #tpu.memory_space<hbm>> -> memref<8x2048xf32, #tpu.memory_space<hbm>>
    %dma_wait3A_294 = arith.constant 0 : i32
    %dma_wait3A_295 = tpu.memref_slice %arg2[%add3A_218, %dma_wait3A_294] : memref<8192x2048xf32, #tpu.memory_space<hbm>> -> memref<8x2048xf32, #tpu.memory_space<hbm>>
    tpu.wait_dma2 semaphore(%arg10 : memref<!tpu.dma_semaphore, #tpu.memory_space<semaphore_mem>>) src(%dma_wait3A_295 : memref<8x2048xf32, #tpu.memory_space<hbm>>) dst(%arg4 : memref<8x2048xf32, #tpu.memory_space<vmem>>)
    %parallel_loop3A_296 = arith.constant 0 : i32
    %parallel_loop3A_297 = arith.constant 16384 : i32
    %parallel_loop3A_298 = arith.constant 16 : i32
    scf.for %parallel_loop3A_736 = %parallel_loop3A_296 to %parallel_loop3A_297 step %parallel_loop3A_298  : i32 {
      %parallel_loop3A_737 = arith.constant 11 : i32
      %parallel_loop3A_738 = arith.shrui %parallel_loop3A_736, %parallel_loop3A_737 : i32
      %parallel_loop3A_739 = arith.constant 2047 : i32
      %parallel_loop3A_740 = arith.andi %parallel_loop3A_736, %parallel_loop3A_739 : i32
      %parallel_loop3A_741 = tpu.assume_multiple %parallel_loop3A_740, 16 : i32
      %parallel_loop3A_742 = arith.index_cast %parallel_loop3A_738 : i32 to index
      %parallel_loop3A_743 = arith.index_cast %parallel_loop3A_741 : i32 to index
      %parallel_loop3A_744 = tpu.vector_load %arg4[%parallel_loop3A_742, %parallel_loop3A_743] {strides = array<i32>} : memref<8x2048xf32, #tpu.memory_space<vmem>>, vector<1x16xf32>,
      %parallel_loop3A_745 = vector.shape_cast %parallel_loop3A_744 : vector<1x16xf32> to vector<16xf32>
      %parallel_loop3A_746 = arith.constant 0.0220970865 : f32
      %parallel_loop3A_747 = vector.broadcast %parallel_loop3A_746 : f32 to vector<16xf32>
      %parallel_loop3A_748 = arith.mulf %parallel_loop3A_745, %parallel_loop3A_747 : vector<16xf32>
      %parallel_loop3A_749 = arith.index_cast %parallel_loop3A_738 : i32 to index
      %parallel_loop3A_750 = arith.index_cast %parallel_loop3A_741 : i32 to index
      %parallel_loop3A_751 = tpu.vector_load %arg4[%parallel_loop3A_749, %parallel_loop3A_750] {strides = array<i32>} : memref<8x2048xf32, #tpu.memory_space<vmem>>, vector<1x16xf32>,
      %parallel_loop3A_752 = vector.shape_cast %parallel_loop3A_751 : vector<1x16xf32> to vector<16xf32>
      %parallel_loop3A_753 = vector.shape_cast %parallel_loop3A_748 : vector<16xf32> to vector<1x16xf32>
      tpu.vector_store %arg4[%parallel_loop3A_749, %parallel_loop3A_750], %parallel_loop3A_753 {strides = array<i32>} : memref<8x2048xf32, #tpu.memory_space<vmem>>, vector<1x16xf32>,
    } {sc.loop_unroll_factor = 8 : i64, sc.parallel_access}
    %add3A_299 = arith.constant 96 : i32
    %add3A_300 = arith.addi %mul3A_2, %add3A_299 : i32
    %dma_start3A_301 = arith.constant 0 : i32
    %dma_start3A_302 = tpu.memref_slice %arg3[%add3A_300, %dma_start3A_301] : memref<8192x2048xf32, #tpu.memory_space<hbm>> -> memref<8x2048xf32, #tpu.memory_space<hbm>>
    %dma_start3A_303 = arith.constant 0 : i32
    %dma_start3A_304 = tpu.memref_slice %arg3[%add3A_300, %dma_start3A_303] : memref<8192x2048xf32, #tpu.memory_space<hbm>> -> memref<8x2048xf32, #tpu.memory_space<hbm>>
    tpu.enqueue_dma source(%arg4 : memref<8x2048xf32, #tpu.memory_space<vmem>>) target(%dma_start3A_304 : memref<8x2048xf32, #tpu.memory_space<hbm>>) target_semaphore(%arg16 : memref<!tpu.dma_semaphore, #tpu.memory_space<semaphore_mem>>)
    %dma_wait3A_305 = arith.constant 0 : i32
    %dma_wait3A_306 = tpu.memref_slice %arg3[%add3A_254, %dma_wait3A_305] : memref<8192x2048xf32, #tpu.memory_space<hbm>> -> memref<8x2048xf32, #tpu.memory_space<hbm>>
    %dma_wait3A_307 = arith.constant 0 : i32
    %dma_wait3A_308 = tpu.memref_slice %arg3[%add3A_254, %dma_wait3A_307] : memref<8192x2048xf32, #tpu.memory_space<hbm>> -> memref<8x2048xf32, #tpu.memory_space<hbm>>
    tpu.wait_dma2 semaphore(%arg20 : memref<!tpu.dma_semaphore, #tpu.memory_space<semaphore_mem>>) src(%arg8 : memref<8x2048xf32, #tpu.memory_space<vmem>>) dst(%dma_wait3A_308 : memref<8x2048xf32, #tpu.memory_space<hbm>>)
    %add3A_309 = arith.constant 128 : i32
    %add3A_310 = arith.addi %mul3A_2, %add3A_309 : i32
    %dma_start3A_311 = arith.constant 0 : i32
    %dma_start3A_312 = tpu.memref_slice %arg2[%add3A_310, %dma_start3A_311] : memref<8192x2048xf32, #tpu.memory_space<hbm>> -> memref<8x2048xf32, #tpu.memory_space<hbm>>
    %dma_start3A_313 = arith.constant 0 : i32
    %dma_start3A_314 = tpu.memref_slice %arg2[%add3A_310, %dma_start3A_313] : memref<8192x2048xf32, #tpu.memory_space<hbm>> -> memref<8x2048xf32, #tpu.memory_space<hbm>>
    tpu.enqueue_dma source(%dma_start3A_314 : memref<8x2048xf32, #tpu.memory_space<hbm>>) target(%arg8 : memref<8x2048xf32, #tpu.memory_space<vmem>>) target_semaphore(%arg14 : memref<!tpu.dma_semaphore, #tpu.memory_space<semaphore_mem>>)
    %dma_wait3A_315 = arith.constant 0 : i32
    %dma_wait3A_316 = tpu.memref_slice %arg2[%add3A_241, %dma_wait3A_315] : memref<8192x2048xf32, #tpu.memory_space<hbm>> -> memref<8x2048xf32, #tpu.memory_space<hbm>>
    %dma_wait3A_317 = arith.constant 0 : i32
    %dma_wait3A_318 = tpu.memref_slice %arg2[%add3A_241, %dma_wait3A_317] : memref<8192x2048xf32, #tpu.memory_space<hbm>> -> memref<8x2048xf32, #tpu.memory_space<hbm>>
    tpu.wait_dma2 semaphore(%arg11 : memref<!tpu.dma_semaphore, #tpu.memory_space<semaphore_mem>>) src(%dma_wait3A_318 : memref<8x2048xf32, #tpu.memory_space<hbm>>) dst(%arg5 : memref<8x2048xf32, #tpu.memory_space<vmem>>)
    %parallel_loop3A_319 = arith.constant 0 : i32
    %parallel_loop3A_320 = arith.constant 16384 : i32
    %parallel_loop3A_321 = arith.constant 16 : i32
    scf.for %parallel_loop3A_736 = %parallel_loop3A_319 to %parallel_loop3A_320 step %parallel_loop3A_321  : i32 {
      %parallel_loop3A_737 = arith.constant 11 : i32
      %parallel_loop3A_738 = arith.shrui %parallel_loop3A_736, %parallel_loop3A_737 : i32
      %parallel_loop3A_739 = arith.constant 2047 : i32
      %parallel_loop3A_740 = arith.andi %parallel_loop3A_736, %parallel_loop3A_739 : i32
      %parallel_loop3A_741 = tpu.assume_multiple %parallel_loop3A_740, 16 : i32
      %parallel_loop3A_742 = arith.index_cast %parallel_loop3A_738 : i32 to index
      %parallel_loop3A_743 = arith.index_cast %parallel_loop3A_741 : i32 to index
      %parallel_loop3A_744 = tpu.vector_load %arg5[%parallel_loop3A_742, %parallel_loop3A_743] {strides = array<i32>} : memref<8x2048xf32, #tpu.memory_space<vmem>>, vector<1x16xf32>,
      %parallel_loop3A_745 = vector.shape_cast %parallel_loop3A_744 : vector<1x16xf32> to vector<16xf32>
      %parallel_loop3A_746 = arith.constant 0.0220970865 : f32
      %parallel_loop3A_747 = vector.broadcast %parallel_loop3A_746 : f32 to vector<16xf32>
      %parallel_loop3A_748 = arith.mulf %parallel_loop3A_745, %parallel_loop3A_747 : vector<16xf32>
      %parallel_loop3A_749 = arith.index_cast %parallel_loop3A_738 : i32 to index
      %parallel_loop3A_750 = arith.index_cast %parallel_loop3A_741 : i32 to index
      %parallel_loop3A_751 = tpu.vector_load %arg5[%parallel_loop3A_749, %parallel_loop3A_750] {strides = array<i32>} : memref<8x2048xf32, #tpu.memory_space<vmem>>, vector<1x16xf32>,
      %parallel_loop3A_752 = vector.shape_cast %parallel_loop3A_751 : vector<1x16xf32> to vector<16xf32>
      %parallel_loop3A_753 = vector.shape_cast %parallel_loop3A_748 : vector<16xf32> to vector<1x16xf32>
      tpu.vector_store %arg5[%parallel_loop3A_749, %parallel_loop3A_750], %parallel_loop3A_753 {strides = array<i32>} : memref<8x2048xf32, #tpu.memory_space<vmem>>, vector<1x16xf32>,
    } {sc.loop_unroll_factor = 8 : i64, sc.parallel_access}
    %add3A_322 = arith.constant 104 : i32
    %add3A_323 = arith.addi %mul3A_2, %add3A_322 : i32
    %dma_start3A_324 = arith.constant 0 : i32
    %dma_start3A_325 = tpu.memref_slice %arg3[%add3A_323, %dma_start3A_324] : memref<8192x2048xf32, #tpu.memory_space<hbm>> -> memref<8x2048xf32, #tpu.memory_space<hbm>>
    %dma_start3A_326 = arith.constant 0 : i32
    %dma_start3A_327 = tpu.memref_slice %arg3[%add3A_323, %dma_start3A_326] : memref<8192x2048xf32, #tpu.memory_space<hbm>> -> memref<8x2048xf32, #tpu.memory_space<hbm>>
    tpu.enqueue_dma source(%arg5 : memref<8x2048xf32, #tpu.memory_space<vmem>>) target(%dma_start3A_327 : memref<8x2048xf32, #tpu.memory_space<hbm>>) target_semaphore(%arg17 : memref<!tpu.dma_semaphore, #tpu.memory_space<semaphore_mem>>)
    %dma_wait3A_328 = arith.constant 0 : i32
    %dma_wait3A_329 = tpu.memref_slice %arg3[%add3A_277, %dma_wait3A_328] : memref<8192x2048xf32, #tpu.memory_space<hbm>> -> memref<8x2048xf32, #tpu.memory_space<hbm>>
    %dma_wait3A_330 = arith.constant 0 : i32
    %dma_wait3A_331 = tpu.memref_slice %arg3[%add3A_277, %dma_wait3A_330] : memref<8192x2048xf32, #tpu.memory_space<hbm>> -> memref<8x2048xf32, #tpu.memory_space<hbm>>
    tpu.wait_dma2 semaphore(%arg21 : memref<!tpu.dma_semaphore, #tpu.memory_space<semaphore_mem>>) src(%arg9 : memref<8x2048xf32, #tpu.memory_space<vmem>>) dst(%dma_wait3A_331 : memref<8x2048xf32, #tpu.memory_space<hbm>>)
    %add3A_332 = arith.constant 136 : i32
    %add3A_333 = arith.addi %mul3A_2, %add3A_332 : i32
    %dma_start3A_334 = arith.constant 0 : i32
    %dma_start3A_335 = tpu.memref_slice %arg2[%add3A_333, %dma_start3A_334] : memref<8192x2048xf32, #tpu.memory_space<hbm>> -> memref<8x2048xf32, #tpu.memory_space<hbm>>
    %dma_start3A_336 = arith.constant 0 : i32
    %dma_start3A_337 = tpu.memref_slice %arg2[%add3A_333, %dma_start3A_336] : memref<8192x2048xf32, #tpu.memory_space<hbm>> -> memref<8x2048xf32, #tpu.memory_space<hbm>>
    tpu.enqueue_dma source(%dma_start3A_337 : memref<8x2048xf32, #tpu.memory_space<hbm>>) target(%arg9 : memref<8x2048xf32, #tpu.memory_space<vmem>>) target_semaphore(%arg15 : memref<!tpu.dma_semaphore, #tpu.memory_space<semaphore_mem>>)
    %dma_wait3A_338 = arith.constant 0 : i32
    %dma_wait3A_339 = tpu.memref_slice %arg2[%add3A_264, %dma_wait3A_338] : memref<8192x2048xf32, #tpu.memory_space<hbm>> -> memref<8x2048xf32, #tpu.memory_space<hbm>>
    %dma_wait3A_340 = arith.constant 0 : i32
    %dma_wait3A_341 = tpu.memref_slice %arg2[%add3A_264, %dma_wait3A_340] : memref<8192x2048xf32, #tpu.memory_space<hbm>> -> memref<8x2048xf32, #tpu.memory_space<hbm>>
    tpu.wait_dma2 semaphore(%arg12 : memref<!tpu.dma_semaphore, #tpu.memory_space<semaphore_mem>>) src(%dma_wait3A_341 : memref<8x2048xf32, #tpu.memory_space<hbm>>) dst(%arg6 : memref<8x2048xf32, #tpu.memory_space<vmem>>)
    %parallel_loop3A_342 = arith.constant 0 : i32
    %parallel_loop3A_343 = arith.constant 16384 : i32
    %parallel_loop3A_344 = arith.constant 16 : i32
    scf.for %parallel_loop3A_736 = %parallel_loop3A_342 to %parallel_loop3A_343 step %parallel_loop3A_344  : i32 {
      %parallel_loop3A_737 = arith.constant 11 : i32
      %parallel_loop3A_738 = arith.shrui %parallel_loop3A_736, %parallel_loop3A_737 : i32
      %parallel_loop3A_739 = arith.constant 2047 : i32
      %parallel_loop3A_740 = arith.andi %parallel_loop3A_736, %parallel_loop3A_739 : i32
      %parallel_loop3A_741 = tpu.assume_multiple %parallel_loop3A_740, 16 : i32
      %parallel_loop3A_742 = arith.index_cast %parallel_loop3A_738 : i32 to index
      %parallel_loop3A_743 = arith.index_cast %parallel_loop3A_741 : i32 to index
      %parallel_loop3A_744 = tpu.vector_load %arg6[%parallel_loop3A_742, %parallel_loop3A_743] {strides = array<i32>} : memref<8x2048xf32, #tpu.memory_space<vmem>>, vector<1x16xf32>,
      %parallel_loop3A_745 = vector.shape_cast %parallel_loop3A_744 : vector<1x16xf32> to vector<16xf32>
      %parallel_loop3A_746 = arith.constant 0.0220970865 : f32
      %parallel_loop3A_747 = vector.broadcast %parallel_loop3A_746 : f32 to vector<16xf32>
      %parallel_loop3A_748 = arith.mulf %parallel_loop3A_745, %parallel_loop3A_747 : vector<16xf32>
      %parallel_loop3A_749 = arith.index_cast %parallel_loop3A_738 : i32 to index
      %parallel_loop3A_750 = arith.index_cast %parallel_loop3A_741 : i32 to index
      %parallel_loop3A_751 = tpu.vector_load %arg6[%parallel_loop3A_749, %parallel_loop3A_750] {strides = array<i32>} : memref<8x2048xf32, #tpu.memory_space<vmem>>, vector<1x16xf32>,
      %parallel_loop3A_752 = vector.shape_cast %parallel_loop3A_751 : vector<1x16xf32> to vector<16xf32>
      %parallel_loop3A_753 = vector.shape_cast %parallel_loop3A_748 : vector<16xf32> to vector<1x16xf32>
      tpu.vector_store %arg6[%parallel_loop3A_749, %parallel_loop3A_750], %parallel_loop3A_753 {strides = array<i32>} : memref<8x2048xf32, #tpu.memory_space<vmem>>, vector<1x16xf32>,
    } {sc.loop_unroll_factor = 8 : i64, sc.parallel_access}
    %add3A_345 = arith.constant 112 : i32
    %add3A_346 = arith.addi %mul3A_2, %add3A_345 : i32
    %dma_start3A_347 = arith.constant 0 : i32
    %dma_start3A_348 = tpu.memref_slice %arg3[%add3A_346, %dma_start3A_347] : memref<8192x2048xf32, #tpu.memory_space<hbm>> -> memref<8x2048xf32, #tpu.memory_space<hbm>>
    %dma_start3A_349 = arith.constant 0 : i32
    %dma_start3A_350 = tpu.memref_slice %arg3[%add3A_346, %dma_start3A_349] : memref<8192x2048xf32, #tpu.memory_space<hbm>> -> memref<8x2048xf32, #tpu.memory_space<hbm>>
    tpu.enqueue_dma source(%arg6 : memref<8x2048xf32, #tpu.memory_space<vmem>>) target(%dma_start3A_350 : memref<8x2048xf32, #tpu.memory_space<hbm>>) target_semaphore(%arg18 : memref<!tpu.dma_semaphore, #tpu.memory_space<semaphore_mem>>)
    %dma_wait3A_351 = arith.constant 0 : i32
    %dma_wait3A_352 = tpu.memref_slice %arg3[%add3A_300, %dma_wait3A_351] : memref<8192x2048xf32, #tpu.memory_space<hbm>> -> memref<8x2048xf32, #tpu.memory_space<hbm>>
    %dma_wait3A_353 = arith.constant 0 : i32
    %dma_wait3A_354 = tpu.memref_slice %arg3[%add3A_300, %dma_wait3A_353] : memref<8192x2048xf32, #tpu.memory_space<hbm>> -> memref<8x2048xf32, #tpu.memory_space<hbm>>
    tpu.wait_dma2 semaphore(%arg16 : memref<!tpu.dma_semaphore, #tpu.memory_space<semaphore_mem>>) src(%arg4 : memref<8x2048xf32, #tpu.memory_space<vmem>>) dst(%dma_wait3A_354 : memref<8x2048xf32, #tpu.memory_space<hbm>>)
    %add3A_355 = arith.constant 144 : i32
    %add3A_356 = arith.addi %mul3A_2, %add3A_355 : i32
    %dma_start3A_357 = arith.constant 0 : i32
    %dma_start3A_358 = tpu.memref_slice %arg2[%add3A_356, %dma_start3A_357] : memref<8192x2048xf32, #tpu.memory_space<hbm>> -> memref<8x2048xf32, #tpu.memory_space<hbm>>
    %dma_start3A_359 = arith.constant 0 : i32
    %dma_start3A_360 = tpu.memref_slice %arg2[%add3A_356, %dma_start3A_359] : memref<8192x2048xf32, #tpu.memory_space<hbm>> -> memref<8x2048xf32, #tpu.memory_space<hbm>>
    tpu.enqueue_dma source(%dma_start3A_360 : memref<8x2048xf32, #tpu.memory_space<hbm>>) target(%arg4 : memref<8x2048xf32, #tpu.memory_space<vmem>>) target_semaphore(%arg10 : memref<!tpu.dma_semaphore, #tpu.memory_space<semaphore_mem>>)
    %dma_wait3A_361 = arith.constant 0 : i32
    %dma_wait3A_362 = tpu.memref_slice %arg2[%add3A_287, %dma_wait3A_361] : memref<8192x2048xf32, #tpu.memory_space<hbm>> -> memref<8x2048xf32, #tpu.memory_space<hbm>>
    %dma_wait3A_363 = arith.constant 0 : i32
    %dma_wait3A_364 = tpu.memref_slice %arg2[%add3A_287, %dma_wait3A_363] : memref<8192x2048xf32, #tpu.memory_space<hbm>> -> memref<8x2048xf32, #tpu.memory_space<hbm>>
    tpu.wait_dma2 semaphore(%arg13 : memref<!tpu.dma_semaphore, #tpu.memory_space<semaphore_mem>>) src(%dma_wait3A_364 : memref<8x2048xf32, #tpu.memory_space<hbm>>) dst(%arg7 : memref<8x2048xf32, #tpu.memory_space<vmem>>)
    %parallel_loop3A_365 = arith.constant 0 : i32
    %parallel_loop3A_366 = arith.constant 16384 : i32
    %parallel_loop3A_367 = arith.constant 16 : i32
    scf.for %parallel_loop3A_736 = %parallel_loop3A_365 to %parallel_loop3A_366 step %parallel_loop3A_367  : i32 {
      %parallel_loop3A_737 = arith.constant 11 : i32
      %parallel_loop3A_738 = arith.shrui %parallel_loop3A_736, %parallel_loop3A_737 : i32
      %parallel_loop3A_739 = arith.constant 2047 : i32
      %parallel_loop3A_740 = arith.andi %parallel_loop3A_736, %parallel_loop3A_739 : i32
      %parallel_loop3A_741 = tpu.assume_multiple %parallel_loop3A_740, 16 : i32
      %parallel_loop3A_742 = arith.index_cast %parallel_loop3A_738 : i32 to index
      %parallel_loop3A_743 = arith.index_cast %parallel_loop3A_741 : i32 to index
      %parallel_loop3A_744 = tpu.vector_load %arg7[%parallel_loop3A_742, %parallel_loop3A_743] {strides = array<i32>} : memref<8x2048xf32, #tpu.memory_space<vmem>>, vector<1x16xf32>,
      %parallel_loop3A_745 = vector.shape_cast %parallel_loop3A_744 : vector<1x16xf32> to vector<16xf32>
      %parallel_loop3A_746 = arith.constant 0.0220970865 : f32
      %parallel_loop3A_747 = vector.broadcast %parallel_loop3A_746 : f32 to vector<16xf32>
      %parallel_loop3A_748 = arith.mulf %parallel_loop3A_745, %parallel_loop3A_747 : vector<16xf32>
      %parallel_loop3A_749 = arith.index_cast %parallel_loop3A_738 : i32 to index
      %parallel_loop3A_750 = arith.index_cast %parallel_loop3A_741 : i32 to index
      %parallel_loop3A_751 = tpu.vector_load %arg7[%parallel_loop3A_749, %parallel_loop3A_750] {strides = array<i32>} : memref<8x2048xf32, #tpu.memory_space<vmem>>, vector<1x16xf32>,
      %parallel_loop3A_752 = vector.shape_cast %parallel_loop3A_751 : vector<1x16xf32> to vector<16xf32>
      %parallel_loop3A_753 = vector.shape_cast %parallel_loop3A_748 : vector<16xf32> to vector<1x16xf32>
      tpu.vector_store %arg7[%parallel_loop3A_749, %parallel_loop3A_750], %parallel_loop3A_753 {strides = array<i32>} : memref<8x2048xf32, #tpu.memory_space<vmem>>, vector<1x16xf32>,
    } {sc.loop_unroll_factor = 8 : i64, sc.parallel_access}
    %add3A_368 = arith.constant 120 : i32
    %add3A_369 = arith.addi %mul3A_2, %add3A_368 : i32
    %dma_start3A_370 = arith.constant 0 : i32
    %dma_start3A_371 = tpu.memref_slice %arg3[%add3A_369, %dma_start3A_370] : memref<8192x2048xf32, #tpu.memory_space<hbm>> -> memref<8x2048xf32, #tpu.memory_space<hbm>>
    %dma_start3A_372 = arith.constant 0 : i32
    %dma_start3A_373 = tpu.memref_slice %arg3[%add3A_369, %dma_start3A_372] : memref<8192x2048xf32, #tpu.memory_space<hbm>> -> memref<8x2048xf32, #tpu.memory_space<hbm>>
    tpu.enqueue_dma source(%arg7 : memref<8x2048xf32, #tpu.memory_space<vmem>>) target(%dma_start3A_373 : memref<8x2048xf32, #tpu.memory_space<hbm>>) target_semaphore(%arg19 : memref<!tpu.dma_semaphore, #tpu.memory_space<semaphore_mem>>)
    %dma_wait3A_374 = arith.constant 0 : i32
    %dma_wait3A_375 = tpu.memref_slice %arg3[%add3A_323, %dma_wait3A_374] : memref<8192x2048xf32, #tpu.memory_space<hbm>> -> memref<8x2048xf32, #tpu.memory_space<hbm>>
    %dma_wait3A_376 = arith.constant 0 : i32
    %dma_wait3A_377 = tpu.memref_slice %arg3[%add3A_323, %dma_wait3A_376] : memref<8192x2048xf32, #tpu.memory_space<hbm>> -> memref<8x2048xf32, #tpu.memory_space<hbm>>
    tpu.wait_dma2 semaphore(%arg17 : memref<!tpu.dma_semaphore, #tpu.memory_space<semaphore_mem>>) src(%arg5 : memref<8x2048xf32, #tpu.memory_space<vmem>>) dst(%dma_wait3A_377 : memref<8x2048xf32, #tpu.memory_space<hbm>>)
    %add3A_378 = arith.constant 152 : i32
    %add3A_379 = arith.addi %mul3A_2, %add3A_378 : i32
    %dma_start3A_380 = arith.constant 0 : i32
    %dma_start3A_381 = tpu.memref_slice %arg2[%add3A_379, %dma_start3A_380] : memref<8192x2048xf32, #tpu.memory_space<hbm>> -> memref<8x2048xf32, #tpu.memory_space<hbm>>
    %dma_start3A_382 = arith.constant 0 : i32
    %dma_start3A_383 = tpu.memref_slice %arg2[%add3A_379, %dma_start3A_382] : memref<8192x2048xf32, #tpu.memory_space<hbm>> -> memref<8x2048xf32, #tpu.memory_space<hbm>>
    tpu.enqueue_dma source(%dma_start3A_383 : memref<8x2048xf32, #tpu.memory_space<hbm>>) target(%arg5 : memref<8x2048xf32, #tpu.memory_space<vmem>>) target_semaphore(%arg11 : memref<!tpu.dma_semaphore, #tpu.memory_space<semaphore_mem>>)
    %dma_wait3A_384 = arith.constant 0 : i32
    %dma_wait3A_385 = tpu.memref_slice %arg2[%add3A_310, %dma_wait3A_384] : memref<8192x2048xf32, #tpu.memory_space<hbm>> -> memref<8x2048xf32, #tpu.memory_space<hbm>>
    %dma_wait3A_386 = arith.constant 0 : i32
    %dma_wait3A_387 = tpu.memref_slice %arg2[%add3A_310, %dma_wait3A_386] : memref<8192x2048xf32, #tpu.memory_space<hbm>> -> memref<8x2048xf32, #tpu.memory_space<hbm>>
    tpu.wait_dma2 semaphore(%arg14 : memref<!tpu.dma_semaphore, #tpu.memory_space<semaphore_mem>>) src(%dma_wait3A_387 : memref<8x2048xf32, #tpu.memory_space<hbm>>) dst(%arg8 : memref<8x2048xf32, #tpu.memory_space<vmem>>)
    %parallel_loop3A_388 = arith.constant 0 : i32
    %parallel_loop3A_389 = arith.constant 16384 : i32
    %parallel_loop3A_390 = arith.constant 16 : i32
    scf.for %parallel_loop3A_736 = %parallel_loop3A_388 to %parallel_loop3A_389 step %parallel_loop3A_390  : i32 {
      %parallel_loop3A_737 = arith.constant 11 : i32
      %parallel_loop3A_738 = arith.shrui %parallel_loop3A_736, %parallel_loop3A_737 : i32
      %parallel_loop3A_739 = arith.constant 2047 : i32
      %parallel_loop3A_740 = arith.andi %parallel_loop3A_736, %parallel_loop3A_739 : i32
      %parallel_loop3A_741 = tpu.assume_multiple %parallel_loop3A_740, 16 : i32
      %parallel_loop3A_742 = arith.index_cast %parallel_loop3A_738 : i32 to index
      %parallel_loop3A_743 = arith.index_cast %parallel_loop3A_741 : i32 to index
      %parallel_loop3A_744 = tpu.vector_load %arg8[%parallel_loop3A_742, %parallel_loop3A_743] {strides = array<i32>} : memref<8x2048xf32, #tpu.memory_space<vmem>>, vector<1x16xf32>,
      %parallel_loop3A_745 = vector.shape_cast %parallel_loop3A_744 : vector<1x16xf32> to vector<16xf32>
      %parallel_loop3A_746 = arith.constant 0.0220970865 : f32
      %parallel_loop3A_747 = vector.broadcast %parallel_loop3A_746 : f32 to vector<16xf32>
      %parallel_loop3A_748 = arith.mulf %parallel_loop3A_745, %parallel_loop3A_747 : vector<16xf32>
      %parallel_loop3A_749 = arith.index_cast %parallel_loop3A_738 : i32 to index
      %parallel_loop3A_750 = arith.index_cast %parallel_loop3A_741 : i32 to index
      %parallel_loop3A_751 = tpu.vector_load %arg8[%parallel_loop3A_749, %parallel_loop3A_750] {strides = array<i32>} : memref<8x2048xf32, #tpu.memory_space<vmem>>, vector<1x16xf32>,
      %parallel_loop3A_752 = vector.shape_cast %parallel_loop3A_751 : vector<1x16xf32> to vector<16xf32>
      %parallel_loop3A_753 = vector.shape_cast %parallel_loop3A_748 : vector<16xf32> to vector<1x16xf32>
      tpu.vector_store %arg8[%parallel_loop3A_749, %parallel_loop3A_750], %parallel_loop3A_753 {strides = array<i32>} : memref<8x2048xf32, #tpu.memory_space<vmem>>, vector<1x16xf32>,
    } {sc.loop_unroll_factor = 8 : i64, sc.parallel_access}
    %add3A_391 = arith.constant 128 : i32
    %add3A_392 = arith.addi %mul3A_2, %add3A_391 : i32
    %dma_start3A_393 = arith.constant 0 : i32
    %dma_start3A_394 = tpu.memref_slice %arg3[%add3A_392, %dma_start3A_393] : memref<8192x2048xf32, #tpu.memory_space<hbm>> -> memref<8x2048xf32, #tpu.memory_space<hbm>>
    %dma_start3A_395 = arith.constant 0 : i32
    %dma_start3A_396 = tpu.memref_slice %arg3[%add3A_392, %dma_start3A_395] : memref<8192x2048xf32, #tpu.memory_space<hbm>> -> memref<8x2048xf32, #tpu.memory_space<hbm>>
    tpu.enqueue_dma source(%arg8 : memref<8x2048xf32, #tpu.memory_space<vmem>>) target(%dma_start3A_396 : memref<8x2048xf32, #tpu.memory_space<hbm>>) target_semaphore(%arg20 : memref<!tpu.dma_semaphore, #tpu.memory_space<semaphore_mem>>)
    %dma_wait3A_397 = arith.constant 0 : i32
    %dma_wait3A_398 = tpu.memref_slice %arg3[%add3A_346, %dma_wait3A_397] : memref<8192x2048xf32, #tpu.memory_space<hbm>> -> memref<8x2048xf32, #tpu.memory_space<hbm>>
    %dma_wait3A_399 = arith.constant 0 : i32
    %dma_wait3A_400 = tpu.memref_slice %arg3[%add3A_346, %dma_wait3A_399] : memref<8192x2048xf32, #tpu.memory_space<hbm>> -> memref<8x2048xf32, #tpu.memory_space<hbm>>
    tpu.wait_dma2 semaphore(%arg18 : memref<!tpu.dma_semaphore, #tpu.memory_space<semaphore_mem>>) src(%arg6 : memref<8x2048xf32, #tpu.memory_space<vmem>>) dst(%dma_wait3A_400 : memref<8x2048xf32, #tpu.memory_space<hbm>>)
    %add3A_401 = arith.constant 160 : i32
    %add3A_402 = arith.addi %mul3A_2, %add3A_401 : i32
    %dma_start3A_403 = arith.constant 0 : i32
    %dma_start3A_404 = tpu.memref_slice %arg2[%add3A_402, %dma_start3A_403] : memref<8192x2048xf32, #tpu.memory_space<hbm>> -> memref<8x2048xf32, #tpu.memory_space<hbm>>
    %dma_start3A_405 = arith.constant 0 : i32
    %dma_start3A_406 = tpu.memref_slice %arg2[%add3A_402, %dma_start3A_405] : memref<8192x2048xf32, #tpu.memory_space<hbm>> -> memref<8x2048xf32, #tpu.memory_space<hbm>>
    tpu.enqueue_dma source(%dma_start3A_406 : memref<8x2048xf32, #tpu.memory_space<hbm>>) target(%arg6 : memref<8x2048xf32, #tpu.memory_space<vmem>>) target_semaphore(%arg12 : memref<!tpu.dma_semaphore, #tpu.memory_space<semaphore_mem>>)
    %dma_wait3A_407 = arith.constant 0 : i32
    %dma_wait3A_408 = tpu.memref_slice %arg2[%add3A_333, %dma_wait3A_407] : memref<8192x2048xf32, #tpu.memory_space<hbm>> -> memref<8x2048xf32, #tpu.memory_space<hbm>>
    %dma_wait3A_409 = arith.constant 0 : i32
    %dma_wait3A_410 = tpu.memref_slice %arg2[%add3A_333, %dma_wait3A_409] : memref<8192x2048xf32, #tpu.memory_space<hbm>> -> memref<8x2048xf32, #tpu.memory_space<hbm>>
    tpu.wait_dma2 semaphore(%arg15 : memref<!tpu.dma_semaphore, #tpu.memory_space<semaphore_mem>>) src(%dma_wait3A_410 : memref<8x2048xf32, #tpu.memory_space<hbm>>) dst(%arg9 : memref<8x2048xf32, #tpu.memory_space<vmem>>)
    %parallel_loop3A_411 = arith.constant 0 : i32
    %parallel_loop3A_412 = arith.constant 16384 : i32
    %parallel_loop3A_413 = arith.constant 16 : i32
    scf.for %parallel_loop3A_736 = %parallel_loop3A_411 to %parallel_loop3A_412 step %parallel_loop3A_413  : i32 {
      %parallel_loop3A_737 = arith.constant 11 : i32
      %parallel_loop3A_738 = arith.shrui %parallel_loop3A_736, %parallel_loop3A_737 : i32
      %parallel_loop3A_739 = arith.constant 2047 : i32
      %parallel_loop3A_740 = arith.andi %parallel_loop3A_736, %parallel_loop3A_739 : i32
      %parallel_loop3A_741 = tpu.assume_multiple %parallel_loop3A_740, 16 : i32
      %parallel_loop3A_742 = arith.index_cast %parallel_loop3A_738 : i32 to index
      %parallel_loop3A_743 = arith.index_cast %parallel_loop3A_741 : i32 to index
      %parallel_loop3A_744 = tpu.vector_load %arg9[%parallel_loop3A_742, %parallel_loop3A_743] {strides = array<i32>} : memref<8x2048xf32, #tpu.memory_space<vmem>>, vector<1x16xf32>,
      %parallel_loop3A_745 = vector.shape_cast %parallel_loop3A_744 : vector<1x16xf32> to vector<16xf32>
      %parallel_loop3A_746 = arith.constant 0.0220970865 : f32
      %parallel_loop3A_747 = vector.broadcast %parallel_loop3A_746 : f32 to vector<16xf32>
      %parallel_loop3A_748 = arith.mulf %parallel_loop3A_745, %parallel_loop3A_747 : vector<16xf32>
      %parallel_loop3A_749 = arith.index_cast %parallel_loop3A_738 : i32 to index
      %parallel_loop3A_750 = arith.index_cast %parallel_loop3A_741 : i32 to index
      %parallel_loop3A_751 = tpu.vector_load %arg9[%parallel_loop3A_749, %parallel_loop3A_750] {strides = array<i32>} : memref<8x2048xf32, #tpu.memory_space<vmem>>, vector<1x16xf32>,
      %parallel_loop3A_752 = vector.shape_cast %parallel_loop3A_751 : vector<1x16xf32> to vector<16xf32>
      %parallel_loop3A_753 = vector.shape_cast %parallel_loop3A_748 : vector<16xf32> to vector<1x16xf32>
      tpu.vector_store %arg9[%parallel_loop3A_749, %parallel_loop3A_750], %parallel_loop3A_753 {strides = array<i32>} : memref<8x2048xf32, #tpu.memory_space<vmem>>, vector<1x16xf32>,
    } {sc.loop_unroll_factor = 8 : i64, sc.parallel_access}
    %add3A_414 = arith.constant 136 : i32
    %add3A_415 = arith.addi %mul3A_2, %add3A_414 : i32
    %dma_start3A_416 = arith.constant 0 : i32
    %dma_start3A_417 = tpu.memref_slice %arg3[%add3A_415, %dma_start3A_416] : memref<8192x2048xf32, #tpu.memory_space<hbm>> -> memref<8x2048xf32, #tpu.memory_space<hbm>>
    %dma_start3A_418 = arith.constant 0 : i32
    %dma_start3A_419 = tpu.memref_slice %arg3[%add3A_415, %dma_start3A_418] : memref<8192x2048xf32, #tpu.memory_space<hbm>> -> memref<8x2048xf32, #tpu.memory_space<hbm>>
    tpu.enqueue_dma source(%arg9 : memref<8x2048xf32, #tpu.memory_space<vmem>>) target(%dma_start3A_419 : memref<8x2048xf32, #tpu.memory_space<hbm>>) target_semaphore(%arg21 : memref<!tpu.dma_semaphore, #tpu.memory_space<semaphore_mem>>)
    %dma_wait3A_420 = arith.constant 0 : i32
    %dma_wait3A_421 = tpu.memref_slice %arg3[%add3A_369, %dma_wait3A_420] : memref<8192x2048xf32, #tpu.memory_space<hbm>> -> memref<8x2048xf32, #tpu.memory_space<hbm>>
    %dma_wait3A_422 = arith.constant 0 : i32
    %dma_wait3A_423 = tpu.memref_slice %arg3[%add3A_369, %dma_wait3A_422] : memref<8192x2048xf32, #tpu.memory_space<hbm>> -> memref<8x2048xf32, #tpu.memory_space<hbm>>
    tpu.wait_dma2 semaphore(%arg19 : memref<!tpu.dma_semaphore, #tpu.memory_space<semaphore_mem>>) src(%arg7 : memref<8x2048xf32, #tpu.memory_space<vmem>>) dst(%dma_wait3A_423 : memref<8x2048xf32, #tpu.memory_space<hbm>>)
    %add3A_424 = arith.constant 168 : i32
    %add3A_425 = arith.addi %mul3A_2, %add3A_424 : i32
    %dma_start3A_426 = arith.constant 0 : i32
    %dma_start3A_427 = tpu.memref_slice %arg2[%add3A_425, %dma_start3A_426] : memref<8192x2048xf32, #tpu.memory_space<hbm>> -> memref<8x2048xf32, #tpu.memory_space<hbm>>
    %dma_start3A_428 = arith.constant 0 : i32
    %dma_start3A_429 = tpu.memref_slice %arg2[%add3A_425, %dma_start3A_428] : memref<8192x2048xf32, #tpu.memory_space<hbm>> -> memref<8x2048xf32, #tpu.memory_space<hbm>>
    tpu.enqueue_dma source(%dma_start3A_429 : memref<8x2048xf32, #tpu.memory_space<hbm>>) target(%arg7 : memref<8x2048xf32, #tpu.memory_space<vmem>>) target_semaphore(%arg13 : memref<!tpu.dma_semaphore, #tpu.memory_space<semaphore_mem>>)
    %dma_wait3A_430 = arith.constant 0 : i32
    %dma_wait3A_431 = tpu.memref_slice %arg2[%add3A_356, %dma_wait3A_430] : memref<8192x2048xf32, #tpu.memory_space<hbm>> -> memref<8x2048xf32, #tpu.memory_space<hbm>>
    %dma_wait3A_432 = arith.constant 0 : i32
    %dma_wait3A_433 = tpu.memref_slice %arg2[%add3A_356, %dma_wait3A_432] : memref<8192x2048xf32, #tpu.memory_space<hbm>> -> memref<8x2048xf32, #tpu.memory_space<hbm>>
    tpu.wait_dma2 semaphore(%arg10 : memref<!tpu.dma_semaphore, #tpu.memory_space<semaphore_mem>>) src(%dma_wait3A_433 : memref<8x2048xf32, #tpu.memory_space<hbm>>) dst(%arg4 : memref<8x2048xf32, #tpu.memory_space<vmem>>)
    %parallel_loop3A_434 = arith.constant 0 : i32
    %parallel_loop3A_435 = arith.constant 16384 : i32
    %parallel_loop3A_436 = arith.constant 16 : i32
    scf.for %parallel_loop3A_736 = %parallel_loop3A_434 to %parallel_loop3A_435 step %parallel_loop3A_436  : i32 {
      %parallel_loop3A_737 = arith.constant 11 : i32
      %parallel_loop3A_738 = arith.shrui %parallel_loop3A_736, %parallel_loop3A_737 : i32
      %parallel_loop3A_739 = arith.constant 2047 : i32
      %parallel_loop3A_740 = arith.andi %parallel_loop3A_736, %parallel_loop3A_739 : i32
      %parallel_loop3A_741 = tpu.assume_multiple %parallel_loop3A_740, 16 : i32
      %parallel_loop3A_742 = arith.index_cast %parallel_loop3A_738 : i32 to index
      %parallel_loop3A_743 = arith.index_cast %parallel_loop3A_741 : i32 to index
      %parallel_loop3A_744 = tpu.vector_load %arg4[%parallel_loop3A_742, %parallel_loop3A_743] {strides = array<i32>} : memref<8x2048xf32, #tpu.memory_space<vmem>>, vector<1x16xf32>,
      %parallel_loop3A_745 = vector.shape_cast %parallel_loop3A_744 : vector<1x16xf32> to vector<16xf32>
      %parallel_loop3A_746 = arith.constant 0.0220970865 : f32
      %parallel_loop3A_747 = vector.broadcast %parallel_loop3A_746 : f32 to vector<16xf32>
      %parallel_loop3A_748 = arith.mulf %parallel_loop3A_745, %parallel_loop3A_747 : vector<16xf32>
      %parallel_loop3A_749 = arith.index_cast %parallel_loop3A_738 : i32 to index
      %parallel_loop3A_750 = arith.index_cast %parallel_loop3A_741 : i32 to index
      %parallel_loop3A_751 = tpu.vector_load %arg4[%parallel_loop3A_749, %parallel_loop3A_750] {strides = array<i32>} : memref<8x2048xf32, #tpu.memory_space<vmem>>, vector<1x16xf32>,
      %parallel_loop3A_752 = vector.shape_cast %parallel_loop3A_751 : vector<1x16xf32> to vector<16xf32>
      %parallel_loop3A_753 = vector.shape_cast %parallel_loop3A_748 : vector<16xf32> to vector<1x16xf32>
      tpu.vector_store %arg4[%parallel_loop3A_749, %parallel_loop3A_750], %parallel_loop3A_753 {strides = array<i32>} : memref<8x2048xf32, #tpu.memory_space<vmem>>, vector<1x16xf32>,
    } {sc.loop_unroll_factor = 8 : i64, sc.parallel_access}
    %add3A_437 = arith.constant 144 : i32
    %add3A_438 = arith.addi %mul3A_2, %add3A_437 : i32
    %dma_start3A_439 = arith.constant 0 : i32
    %dma_start3A_440 = tpu.memref_slice %arg3[%add3A_438, %dma_start3A_439] : memref<8192x2048xf32, #tpu.memory_space<hbm>> -> memref<8x2048xf32, #tpu.memory_space<hbm>>
    %dma_start3A_441 = arith.constant 0 : i32
    %dma_start3A_442 = tpu.memref_slice %arg3[%add3A_438, %dma_start3A_441] : memref<8192x2048xf32, #tpu.memory_space<hbm>> -> memref<8x2048xf32, #tpu.memory_space<hbm>>
    tpu.enqueue_dma source(%arg4 : memref<8x2048xf32, #tpu.memory_space<vmem>>) target(%dma_start3A_442 : memref<8x2048xf32, #tpu.memory_space<hbm>>) target_semaphore(%arg16 : memref<!tpu.dma_semaphore, #tpu.memory_space<semaphore_mem>>)
    %dma_wait3A_443 = arith.constant 0 : i32
    %dma_wait3A_444 = tpu.memref_slice %arg3[%add3A_392, %dma_wait3A_443] : memref<8192x2048xf32, #tpu.memory_space<hbm>> -> memref<8x2048xf32, #tpu.memory_space<hbm>>
    %dma_wait3A_445 = arith.constant 0 : i32
    %dma_wait3A_446 = tpu.memref_slice %arg3[%add3A_392, %dma_wait3A_445] : memref<8192x2048xf32, #tpu.memory_space<hbm>> -> memref<8x2048xf32, #tpu.memory_space<hbm>>
    tpu.wait_dma2 semaphore(%arg20 : memref<!tpu.dma_semaphore, #tpu.memory_space<semaphore_mem>>) src(%arg8 : memref<8x2048xf32, #tpu.memory_space<vmem>>) dst(%dma_wait3A_446 : memref<8x2048xf32, #tpu.memory_space<hbm>>)
    %add3A_447 = arith.constant 176 : i32
    %add3A_448 = arith.addi %mul3A_2, %add3A_447 : i32
    %dma_start3A_449 = arith.constant 0 : i32
    %dma_start3A_450 = tpu.memref_slice %arg2[%add3A_448, %dma_start3A_449] : memref<8192x2048xf32, #tpu.memory_space<hbm>> -> memref<8x2048xf32, #tpu.memory_space<hbm>>
    %dma_start3A_451 = arith.constant 0 : i32
    %dma_start3A_452 = tpu.memref_slice %arg2[%add3A_448, %dma_start3A_451] : memref<8192x2048xf32, #tpu.memory_space<hbm>> -> memref<8x2048xf32, #tpu.memory_space<hbm>>
    tpu.enqueue_dma source(%dma_start3A_452 : memref<8x2048xf32, #tpu.memory_space<hbm>>) target(%arg8 : memref<8x2048xf32, #tpu.memory_space<vmem>>) target_semaphore(%arg14 : memref<!tpu.dma_semaphore, #tpu.memory_space<semaphore_mem>>)
    %dma_wait3A_453 = arith.constant 0 : i32
    %dma_wait3A_454 = tpu.memref_slice %arg2[%add3A_379, %dma_wait3A_453] : memref<8192x2048xf32, #tpu.memory_space<hbm>> -> memref<8x2048xf32, #tpu.memory_space<hbm>>
    %dma_wait3A_455 = arith.constant 0 : i32
    %dma_wait3A_456 = tpu.memref_slice %arg2[%add3A_379, %dma_wait3A_455] : memref<8192x2048xf32, #tpu.memory_space<hbm>> -> memref<8x2048xf32, #tpu.memory_space<hbm>>
    tpu.wait_dma2 semaphore(%arg11 : memref<!tpu.dma_semaphore, #tpu.memory_space<semaphore_mem>>) src(%dma_wait3A_456 : memref<8x2048xf32, #tpu.memory_space<hbm>>) dst(%arg5 : memref<8x2048xf32, #tpu.memory_space<vmem>>)
    %parallel_loop3A_457 = arith.constant 0 : i32
    %parallel_loop3A_458 = arith.constant 16384 : i32
    %parallel_loop3A_459 = arith.constant 16 : i32
    scf.for %parallel_loop3A_736 = %parallel_loop3A_457 to %parallel_loop3A_458 step %parallel_loop3A_459  : i32 {
      %parallel_loop3A_737 = arith.constant 11 : i32
      %parallel_loop3A_738 = arith.shrui %parallel_loop3A_736, %parallel_loop3A_737 : i32
      %parallel_loop3A_739 = arith.constant 2047 : i32
      %parallel_loop3A_740 = arith.andi %parallel_loop3A_736, %parallel_loop3A_739 : i32
      %parallel_loop3A_741 = tpu.assume_multiple %parallel_loop3A_740, 16 : i32
      %parallel_loop3A_742 = arith.index_cast %parallel_loop3A_738 : i32 to index
      %parallel_loop3A_743 = arith.index_cast %parallel_loop3A_741 : i32 to index
      %parallel_loop3A_744 = tpu.vector_load %arg5[%parallel_loop3A_742, %parallel_loop3A_743] {strides = array<i32>} : memref<8x2048xf32, #tpu.memory_space<vmem>>, vector<1x16xf32>,
      %parallel_loop3A_745 = vector.shape_cast %parallel_loop3A_744 : vector<1x16xf32> to vector<16xf32>
      %parallel_loop3A_746 = arith.constant 0.0220970865 : f32
      %parallel_loop3A_747 = vector.broadcast %parallel_loop3A_746 : f32 to vector<16xf32>
      %parallel_loop3A_748 = arith.mulf %parallel_loop3A_745, %parallel_loop3A_747 : vector<16xf32>
      %parallel_loop3A_749 = arith.index_cast %parallel_loop3A_738 : i32 to index
      %parallel_loop3A_750 = arith.index_cast %parallel_loop3A_741 : i32 to index
      %parallel_loop3A_751 = tpu.vector_load %arg5[%parallel_loop3A_749, %parallel_loop3A_750] {strides = array<i32>} : memref<8x2048xf32, #tpu.memory_space<vmem>>, vector<1x16xf32>,
      %parallel_loop3A_752 = vector.shape_cast %parallel_loop3A_751 : vector<1x16xf32> to vector<16xf32>
      %parallel_loop3A_753 = vector.shape_cast %parallel_loop3A_748 : vector<16xf32> to vector<1x16xf32>
      tpu.vector_store %arg5[%parallel_loop3A_749, %parallel_loop3A_750], %parallel_loop3A_753 {strides = array<i32>} : memref<8x2048xf32, #tpu.memory_space<vmem>>, vector<1x16xf32>,
    } {sc.loop_unroll_factor = 8 : i64, sc.parallel_access}
    %add3A_460 = arith.constant 152 : i32
    %add3A_461 = arith.addi %mul3A_2, %add3A_460 : i32
    %dma_start3A_462 = arith.constant 0 : i32
    %dma_start3A_463 = tpu.memref_slice %arg3[%add3A_461, %dma_start3A_462] : memref<8192x2048xf32, #tpu.memory_space<hbm>> -> memref<8x2048xf32, #tpu.memory_space<hbm>>
    %dma_start3A_464 = arith.constant 0 : i32
    %dma_start3A_465 = tpu.memref_slice %arg3[%add3A_461, %dma_start3A_464] : memref<8192x2048xf32, #tpu.memory_space<hbm>> -> memref<8x2048xf32, #tpu.memory_space<hbm>>
    tpu.enqueue_dma source(%arg5 : memref<8x2048xf32, #tpu.memory_space<vmem>>) target(%dma_start3A_465 : memref<8x2048xf32, #tpu.memory_space<hbm>>) target_semaphore(%arg17 : memref<!tpu.dma_semaphore, #tpu.memory_space<semaphore_mem>>)
    %dma_wait3A_466 = arith.constant 0 : i32
    %dma_wait3A_467 = tpu.memref_slice %arg3[%add3A_415, %dma_wait3A_466] : memref<8192x2048xf32, #tpu.memory_space<hbm>> -> memref<8x2048xf32, #tpu.memory_space<hbm>>
    %dma_wait3A_468 = arith.constant 0 : i32
    %dma_wait3A_469 = tpu.memref_slice %arg3[%add3A_415, %dma_wait3A_468] : memref<8192x2048xf32, #tpu.memory_space<hbm>> -> memref<8x2048xf32, #tpu.memory_space<hbm>>
    tpu.wait_dma2 semaphore(%arg21 : memref<!tpu.dma_semaphore, #tpu.memory_space<semaphore_mem>>) src(%arg9 : memref<8x2048xf32, #tpu.memory_space<vmem>>) dst(%dma_wait3A_469 : memref<8x2048xf32, #tpu.memory_space<hbm>>)
    %add3A_470 = arith.constant 184 : i32
    %add3A_471 = arith.addi %mul3A_2, %add3A_470 : i32
    %dma_start3A_472 = arith.constant 0 : i32
    %dma_start3A_473 = tpu.memref_slice %arg2[%add3A_471, %dma_start3A_472] : memref<8192x2048xf32, #tpu.memory_space<hbm>> -> memref<8x2048xf32, #tpu.memory_space<hbm>>
    %dma_start3A_474 = arith.constant 0 : i32
    %dma_start3A_475 = tpu.memref_slice %arg2[%add3A_471, %dma_start3A_474] : memref<8192x2048xf32, #tpu.memory_space<hbm>> -> memref<8x2048xf32, #tpu.memory_space<hbm>>
    tpu.enqueue_dma source(%dma_start3A_475 : memref<8x2048xf32, #tpu.memory_space<hbm>>) target(%arg9 : memref<8x2048xf32, #tpu.memory_space<vmem>>) target_semaphore(%arg15 : memref<!tpu.dma_semaphore, #tpu.memory_space<semaphore_mem>>)
    %dma_wait3A_476 = arith.constant 0 : i32
    %dma_wait3A_477 = tpu.memref_slice %arg2[%add3A_402, %dma_wait3A_476] : memref<8192x2048xf32, #tpu.memory_space<hbm>> -> memref<8x2048xf32, #tpu.memory_space<hbm>>
    %dma_wait3A_478 = arith.constant 0 : i32
    %dma_wait3A_479 = tpu.memref_slice %arg2[%add3A_402, %dma_wait3A_478] : memref<8192x2048xf32, #tpu.memory_space<hbm>> -> memref<8x2048xf32, #tpu.memory_space<hbm>>
    tpu.wait_dma2 semaphore(%arg12 : memref<!tpu.dma_semaphore, #tpu.memory_space<semaphore_mem>>) src(%dma_wait3A_479 : memref<8x2048xf32, #tpu.memory_space<hbm>>) dst(%arg6 : memref<8x2048xf32, #tpu.memory_space<vmem>>)
    %parallel_loop3A_480 = arith.constant 0 : i32
    %parallel_loop3A_481 = arith.constant 16384 : i32
    %parallel_loop3A_482 = arith.constant 16 : i32
    scf.for %parallel_loop3A_736 = %parallel_loop3A_480 to %parallel_loop3A_481 step %parallel_loop3A_482  : i32 {
      %parallel_loop3A_737 = arith.constant 11 : i32
      %parallel_loop3A_738 = arith.shrui %parallel_loop3A_736, %parallel_loop3A_737 : i32
      %parallel_loop3A_739 = arith.constant 2047 : i32
      %parallel_loop3A_740 = arith.andi %parallel_loop3A_736, %parallel_loop3A_739 : i32
      %parallel_loop3A_741 = tpu.assume_multiple %parallel_loop3A_740, 16 : i32
      %parallel_loop3A_742 = arith.index_cast %parallel_loop3A_738 : i32 to index
      %parallel_loop3A_743 = arith.index_cast %parallel_loop3A_741 : i32 to index
      %parallel_loop3A_744 = tpu.vector_load %arg6[%parallel_loop3A_742, %parallel_loop3A_743] {strides = array<i32>} : memref<8x2048xf32, #tpu.memory_space<vmem>>, vector<1x16xf32>,
      %parallel_loop3A_745 = vector.shape_cast %parallel_loop3A_744 : vector<1x16xf32> to vector<16xf32>
      %parallel_loop3A_746 = arith.constant 0.0220970865 : f32
      %parallel_loop3A_747 = vector.broadcast %parallel_loop3A_746 : f32 to vector<16xf32>
      %parallel_loop3A_748 = arith.mulf %parallel_loop3A_745, %parallel_loop3A_747 : vector<16xf32>
      %parallel_loop3A_749 = arith.index_cast %parallel_loop3A_738 : i32 to index
      %parallel_loop3A_750 = arith.index_cast %parallel_loop3A_741 : i32 to index
      %parallel_loop3A_751 = tpu.vector_load %arg6[%parallel_loop3A_749, %parallel_loop3A_750] {strides = array<i32>} : memref<8x2048xf32, #tpu.memory_space<vmem>>, vector<1x16xf32>,
      %parallel_loop3A_752 = vector.shape_cast %parallel_loop3A_751 : vector<1x16xf32> to vector<16xf32>
      %parallel_loop3A_753 = vector.shape_cast %parallel_loop3A_748 : vector<16xf32> to vector<1x16xf32>
      tpu.vector_store %arg6[%parallel_loop3A_749, %parallel_loop3A_750], %parallel_loop3A_753 {strides = array<i32>} : memref<8x2048xf32, #tpu.memory_space<vmem>>, vector<1x16xf32>,
    } {sc.loop_unroll_factor = 8 : i64, sc.parallel_access}
    %add3A_483 = arith.constant 160 : i32
    %add3A_484 = arith.addi %mul3A_2, %add3A_483 : i32
    %dma_start3A_485 = arith.constant 0 : i32
    %dma_start3A_486 = tpu.memref_slice %arg3[%add3A_484, %dma_start3A_485] : memref<8192x2048xf32, #tpu.memory_space<hbm>> -> memref<8x2048xf32, #tpu.memory_space<hbm>>
    %dma_start3A_487 = arith.constant 0 : i32
    %dma_start3A_488 = tpu.memref_slice %arg3[%add3A_484, %dma_start3A_487] : memref<8192x2048xf32, #tpu.memory_space<hbm>> -> memref<8x2048xf32, #tpu.memory_space<hbm>>
    tpu.enqueue_dma source(%arg6 : memref<8x2048xf32, #tpu.memory_space<vmem>>) target(%dma_start3A_488 : memref<8x2048xf32, #tpu.memory_space<hbm>>) target_semaphore(%arg18 : memref<!tpu.dma_semaphore, #tpu.memory_space<semaphore_mem>>)
    %dma_wait3A_489 = arith.constant 0 : i32
    %dma_wait3A_490 = tpu.memref_slice %arg3[%add3A_438, %dma_wait3A_489] : memref<8192x2048xf32, #tpu.memory_space<hbm>> -> memref<8x2048xf32, #tpu.memory_space<hbm>>
    %dma_wait3A_491 = arith.constant 0 : i32
    %dma_wait3A_492 = tpu.memref_slice %arg3[%add3A_438, %dma_wait3A_491] : memref<8192x2048xf32, #tpu.memory_space<hbm>> -> memref<8x2048xf32, #tpu.memory_space<hbm>>
    tpu.wait_dma2 semaphore(%arg16 : memref<!tpu.dma_semaphore, #tpu.memory_space<semaphore_mem>>) src(%arg4 : memref<8x2048xf32, #tpu.memory_space<vmem>>) dst(%dma_wait3A_492 : memref<8x2048xf32, #tpu.memory_space<hbm>>)
    %add3A_493 = arith.constant 192 : i32
    %add3A_494 = arith.addi %mul3A_2, %add3A_493 : i32
    %dma_start3A_495 = arith.constant 0 : i32
    %dma_start3A_496 = tpu.memref_slice %arg2[%add3A_494, %dma_start3A_495] : memref<8192x2048xf32, #tpu.memory_space<hbm>> -> memref<8x2048xf32, #tpu.memory_space<hbm>>
    %dma_start3A_497 = arith.constant 0 : i32
    %dma_start3A_498 = tpu.memref_slice %arg2[%add3A_494, %dma_start3A_497] : memref<8192x2048xf32, #tpu.memory_space<hbm>> -> memref<8x2048xf32, #tpu.memory_space<hbm>>
    tpu.enqueue_dma source(%dma_start3A_498 : memref<8x2048xf32, #tpu.memory_space<hbm>>) target(%arg4 : memref<8x2048xf32, #tpu.memory_space<vmem>>) target_semaphore(%arg10 : memref<!tpu.dma_semaphore, #tpu.memory_space<semaphore_mem>>)
    %dma_wait3A_499 = arith.constant 0 : i32
    %dma_wait3A_500 = tpu.memref_slice %arg2[%add3A_425, %dma_wait3A_499] : memref<8192x2048xf32, #tpu.memory_space<hbm>> -> memref<8x2048xf32, #tpu.memory_space<hbm>>
    %dma_wait3A_501 = arith.constant 0 : i32
    %dma_wait3A_502 = tpu.memref_slice %arg2[%add3A_425, %dma_wait3A_501] : memref<8192x2048xf32, #tpu.memory_space<hbm>> -> memref<8x2048xf32, #tpu.memory_space<hbm>>
    tpu.wait_dma2 semaphore(%arg13 : memref<!tpu.dma_semaphore, #tpu.memory_space<semaphore_mem>>) src(%dma_wait3A_502 : memref<8x2048xf32, #tpu.memory_space<hbm>>) dst(%arg7 : memref<8x2048xf32, #tpu.memory_space<vmem>>)
    %parallel_loop3A_503 = arith.constant 0 : i32
    %parallel_loop3A_504 = arith.constant 16384 : i32
    %parallel_loop3A_505 = arith.constant 16 : i32
    scf.for %parallel_loop3A_736 = %parallel_loop3A_503 to %parallel_loop3A_504 step %parallel_loop3A_505  : i32 {
      %parallel_loop3A_737 = arith.constant 11 : i32
      %parallel_loop3A_738 = arith.shrui %parallel_loop3A_736, %parallel_loop3A_737 : i32
      %parallel_loop3A_739 = arith.constant 2047 : i32
      %parallel_loop3A_740 = arith.andi %parallel_loop3A_736, %parallel_loop3A_739 : i32
      %parallel_loop3A_741 = tpu.assume_multiple %parallel_loop3A_740, 16 : i32
      %parallel_loop3A_742 = arith.index_cast %parallel_loop3A_738 : i32 to index
      %parallel_loop3A_743 = arith.index_cast %parallel_loop3A_741 : i32 to index
      %parallel_loop3A_744 = tpu.vector_load %arg7[%parallel_loop3A_742, %parallel_loop3A_743] {strides = array<i32>} : memref<8x2048xf32, #tpu.memory_space<vmem>>, vector<1x16xf32>,
      %parallel_loop3A_745 = vector.shape_cast %parallel_loop3A_744 : vector<1x16xf32> to vector<16xf32>
      %parallel_loop3A_746 = arith.constant 0.0220970865 : f32
      %parallel_loop3A_747 = vector.broadcast %parallel_loop3A_746 : f32 to vector<16xf32>
      %parallel_loop3A_748 = arith.mulf %parallel_loop3A_745, %parallel_loop3A_747 : vector<16xf32>
      %parallel_loop3A_749 = arith.index_cast %parallel_loop3A_738 : i32 to index
      %parallel_loop3A_750 = arith.index_cast %parallel_loop3A_741 : i32 to index
      %parallel_loop3A_751 = tpu.vector_load %arg7[%parallel_loop3A_749, %parallel_loop3A_750] {strides = array<i32>} : memref<8x2048xf32, #tpu.memory_space<vmem>>, vector<1x16xf32>,
      %parallel_loop3A_752 = vector.shape_cast %parallel_loop3A_751 : vector<1x16xf32> to vector<16xf32>
      %parallel_loop3A_753 = vector.shape_cast %parallel_loop3A_748 : vector<16xf32> to vector<1x16xf32>
      tpu.vector_store %arg7[%parallel_loop3A_749, %parallel_loop3A_750], %parallel_loop3A_753 {strides = array<i32>} : memref<8x2048xf32, #tpu.memory_space<vmem>>, vector<1x16xf32>,
    } {sc.loop_unroll_factor = 8 : i64, sc.parallel_access}
    %add3A_506 = arith.constant 168 : i32
    %add3A_507 = arith.addi %mul3A_2, %add3A_506 : i32
    %dma_start3A_508 = arith.constant 0 : i32
    %dma_start3A_509 = tpu.memref_slice %arg3[%add3A_507, %dma_start3A_508] : memref<8192x2048xf32, #tpu.memory_space<hbm>> -> memref<8x2048xf32, #tpu.memory_space<hbm>>
    %dma_start3A_510 = arith.constant 0 : i32
    %dma_start3A_511 = tpu.memref_slice %arg3[%add3A_507, %dma_start3A_510] : memref<8192x2048xf32, #tpu.memory_space<hbm>> -> memref<8x2048xf32, #tpu.memory_space<hbm>>
    tpu.enqueue_dma source(%arg7 : memref<8x2048xf32, #tpu.memory_space<vmem>>) target(%dma_start3A_511 : memref<8x2048xf32, #tpu.memory_space<hbm>>) target_semaphore(%arg19 : memref<!tpu.dma_semaphore, #tpu.memory_space<semaphore_mem>>)
    %dma_wait3A_512 = arith.constant 0 : i32
    %dma_wait3A_513 = tpu.memref_slice %arg3[%add3A_461, %dma_wait3A_512] : memref<8192x2048xf32, #tpu.memory_space<hbm>> -> memref<8x2048xf32, #tpu.memory_space<hbm>>
    %dma_wait3A_514 = arith.constant 0 : i32
    %dma_wait3A_515 = tpu.memref_slice %arg3[%add3A_461, %dma_wait3A_514] : memref<8192x2048xf32, #tpu.memory_space<hbm>> -> memref<8x2048xf32, #tpu.memory_space<hbm>>
    tpu.wait_dma2 semaphore(%arg17 : memref<!tpu.dma_semaphore, #tpu.memory_space<semaphore_mem>>) src(%arg5 : memref<8x2048xf32, #tpu.memory_space<vmem>>) dst(%dma_wait3A_515 : memref<8x2048xf32, #tpu.memory_space<hbm>>)
    %add3A_516 = arith.constant 200 : i32
    %add3A_517 = arith.addi %mul3A_2, %add3A_516 : i32
    %dma_start3A_518 = arith.constant 0 : i32
    %dma_start3A_519 = tpu.memref_slice %arg2[%add3A_517, %dma_start3A_518] : memref<8192x2048xf32, #tpu.memory_space<hbm>> -> memref<8x2048xf32, #tpu.memory_space<hbm>>
    %dma_start3A_520 = arith.constant 0 : i32
    %dma_start3A_521 = tpu.memref_slice %arg2[%add3A_517, %dma_start3A_520] : memref<8192x2048xf32, #tpu.memory_space<hbm>> -> memref<8x2048xf32, #tpu.memory_space<hbm>>
    tpu.enqueue_dma source(%dma_start3A_521 : memref<8x2048xf32, #tpu.memory_space<hbm>>) target(%arg5 : memref<8x2048xf32, #tpu.memory_space<vmem>>) target_semaphore(%arg11 : memref<!tpu.dma_semaphore, #tpu.memory_space<semaphore_mem>>)
    %dma_wait3A_522 = arith.constant 0 : i32
    %dma_wait3A_523 = tpu.memref_slice %arg2[%add3A_448, %dma_wait3A_522] : memref<8192x2048xf32, #tpu.memory_space<hbm>> -> memref<8x2048xf32, #tpu.memory_space<hbm>>
    %dma_wait3A_524 = arith.constant 0 : i32
    %dma_wait3A_525 = tpu.memref_slice %arg2[%add3A_448, %dma_wait3A_524] : memref<8192x2048xf32, #tpu.memory_space<hbm>> -> memref<8x2048xf32, #tpu.memory_space<hbm>>
    tpu.wait_dma2 semaphore(%arg14 : memref<!tpu.dma_semaphore, #tpu.memory_space<semaphore_mem>>) src(%dma_wait3A_525 : memref<8x2048xf32, #tpu.memory_space<hbm>>) dst(%arg8 : memref<8x2048xf32, #tpu.memory_space<vmem>>)
    %parallel_loop3A_526 = arith.constant 0 : i32
    %parallel_loop3A_527 = arith.constant 16384 : i32
    %parallel_loop3A_528 = arith.constant 16 : i32
    scf.for %parallel_loop3A_736 = %parallel_loop3A_526 to %parallel_loop3A_527 step %parallel_loop3A_528  : i32 {
      %parallel_loop3A_737 = arith.constant 11 : i32
      %parallel_loop3A_738 = arith.shrui %parallel_loop3A_736, %parallel_loop3A_737 : i32
      %parallel_loop3A_739 = arith.constant 2047 : i32
      %parallel_loop3A_740 = arith.andi %parallel_loop3A_736, %parallel_loop3A_739 : i32
      %parallel_loop3A_741 = tpu.assume_multiple %parallel_loop3A_740, 16 : i32
      %parallel_loop3A_742 = arith.index_cast %parallel_loop3A_738 : i32 to index
      %parallel_loop3A_743 = arith.index_cast %parallel_loop3A_741 : i32 to index
      %parallel_loop3A_744 = tpu.vector_load %arg8[%parallel_loop3A_742, %parallel_loop3A_743] {strides = array<i32>} : memref<8x2048xf32, #tpu.memory_space<vmem>>, vector<1x16xf32>,
      %parallel_loop3A_745 = vector.shape_cast %parallel_loop3A_744 : vector<1x16xf32> to vector<16xf32>
      %parallel_loop3A_746 = arith.constant 0.0220970865 : f32
      %parallel_loop3A_747 = vector.broadcast %parallel_loop3A_746 : f32 to vector<16xf32>
      %parallel_loop3A_748 = arith.mulf %parallel_loop3A_745, %parallel_loop3A_747 : vector<16xf32>
      %parallel_loop3A_749 = arith.index_cast %parallel_loop3A_738 : i32 to index
      %parallel_loop3A_750 = arith.index_cast %parallel_loop3A_741 : i32 to index
      %parallel_loop3A_751 = tpu.vector_load %arg8[%parallel_loop3A_749, %parallel_loop3A_750] {strides = array<i32>} : memref<8x2048xf32, #tpu.memory_space<vmem>>, vector<1x16xf32>,
      %parallel_loop3A_752 = vector.shape_cast %parallel_loop3A_751 : vector<1x16xf32> to vector<16xf32>
      %parallel_loop3A_753 = vector.shape_cast %parallel_loop3A_748 : vector<16xf32> to vector<1x16xf32>
      tpu.vector_store %arg8[%parallel_loop3A_749, %parallel_loop3A_750], %parallel_loop3A_753 {strides = array<i32>} : memref<8x2048xf32, #tpu.memory_space<vmem>>, vector<1x16xf32>,
    } {sc.loop_unroll_factor = 8 : i64, sc.parallel_access}
    %add3A_529 = arith.constant 176 : i32
    %add3A_530 = arith.addi %mul3A_2, %add3A_529 : i32
    %dma_start3A_531 = arith.constant 0 : i32
    %dma_start3A_532 = tpu.memref_slice %arg3[%add3A_530, %dma_start3A_531] : memref<8192x2048xf32, #tpu.memory_space<hbm>> -> memref<8x2048xf32, #tpu.memory_space<hbm>>
    %dma_start3A_533 = arith.constant 0 : i32
    %dma_start3A_534 = tpu.memref_slice %arg3[%add3A_530, %dma_start3A_533] : memref<8192x2048xf32, #tpu.memory_space<hbm>> -> memref<8x2048xf32, #tpu.memory_space<hbm>>
    tpu.enqueue_dma source(%arg8 : memref<8x2048xf32, #tpu.memory_space<vmem>>) target(%dma_start3A_534 : memref<8x2048xf32, #tpu.memory_space<hbm>>) target_semaphore(%arg20 : memref<!tpu.dma_semaphore, #tpu.memory_space<semaphore_mem>>)
    %dma_wait3A_535 = arith.constant 0 : i32
    %dma_wait3A_536 = tpu.memref_slice %arg3[%add3A_484, %dma_wait3A_535] : memref<8192x2048xf32, #tpu.memory_space<hbm>> -> memref<8x2048xf32, #tpu.memory_space<hbm>>
    %dma_wait3A_537 = arith.constant 0 : i32
    %dma_wait3A_538 = tpu.memref_slice %arg3[%add3A_484, %dma_wait3A_537] : memref<8192x2048xf32, #tpu.memory_space<hbm>> -> memref<8x2048xf32, #tpu.memory_space<hbm>>
    tpu.wait_dma2 semaphore(%arg18 : memref<!tpu.dma_semaphore, #tpu.memory_space<semaphore_mem>>) src(%arg6 : memref<8x2048xf32, #tpu.memory_space<vmem>>) dst(%dma_wait3A_538 : memref<8x2048xf32, #tpu.memory_space<hbm>>)
    %add3A_539 = arith.constant 208 : i32
    %add3A_540 = arith.addi %mul3A_2, %add3A_539 : i32
    %dma_start3A_541 = arith.constant 0 : i32
    %dma_start3A_542 = tpu.memref_slice %arg2[%add3A_540, %dma_start3A_541] : memref<8192x2048xf32, #tpu.memory_space<hbm>> -> memref<8x2048xf32, #tpu.memory_space<hbm>>
    %dma_start3A_543 = arith.constant 0 : i32
    %dma_start3A_544 = tpu.memref_slice %arg2[%add3A_540, %dma_start3A_543] : memref<8192x2048xf32, #tpu.memory_space<hbm>> -> memref<8x2048xf32, #tpu.memory_space<hbm>>
    tpu.enqueue_dma source(%dma_start3A_544 : memref<8x2048xf32, #tpu.memory_space<hbm>>) target(%arg6 : memref<8x2048xf32, #tpu.memory_space<vmem>>) target_semaphore(%arg12 : memref<!tpu.dma_semaphore, #tpu.memory_space<semaphore_mem>>)
    %dma_wait3A_545 = arith.constant 0 : i32
    %dma_wait3A_546 = tpu.memref_slice %arg2[%add3A_471, %dma_wait3A_545] : memref<8192x2048xf32, #tpu.memory_space<hbm>> -> memref<8x2048xf32, #tpu.memory_space<hbm>>
    %dma_wait3A_547 = arith.constant 0 : i32
    %dma_wait3A_548 = tpu.memref_slice %arg2[%add3A_471, %dma_wait3A_547] : memref<8192x2048xf32, #tpu.memory_space<hbm>> -> memref<8x2048xf32, #tpu.memory_space<hbm>>
    tpu.wait_dma2 semaphore(%arg15 : memref<!tpu.dma_semaphore, #tpu.memory_space<semaphore_mem>>) src(%dma_wait3A_548 : memref<8x2048xf32, #tpu.memory_space<hbm>>) dst(%arg9 : memref<8x2048xf32, #tpu.memory_space<vmem>>)
    %parallel_loop3A_549 = arith.constant 0 : i32
    %parallel_loop3A_550 = arith.constant 16384 : i32
    %parallel_loop3A_551 = arith.constant 16 : i32
    scf.for %parallel_loop3A_736 = %parallel_loop3A_549 to %parallel_loop3A_550 step %parallel_loop3A_551  : i32 {
      %parallel_loop3A_737 = arith.constant 11 : i32
      %parallel_loop3A_738 = arith.shrui %parallel_loop3A_736, %parallel_loop3A_737 : i32
      %parallel_loop3A_739 = arith.constant 2047 : i32
      %parallel_loop3A_740 = arith.andi %parallel_loop3A_736, %parallel_loop3A_739 : i32
      %parallel_loop3A_741 = tpu.assume_multiple %parallel_loop3A_740, 16 : i32
      %parallel_loop3A_742 = arith.index_cast %parallel_loop3A_738 : i32 to index
      %parallel_loop3A_743 = arith.index_cast %parallel_loop3A_741 : i32 to index
      %parallel_loop3A_744 = tpu.vector_load %arg9[%parallel_loop3A_742, %parallel_loop3A_743] {strides = array<i32>} : memref<8x2048xf32, #tpu.memory_space<vmem>>, vector<1x16xf32>,
      %parallel_loop3A_745 = vector.shape_cast %parallel_loop3A_744 : vector<1x16xf32> to vector<16xf32>
      %parallel_loop3A_746 = arith.constant 0.0220970865 : f32
      %parallel_loop3A_747 = vector.broadcast %parallel_loop3A_746 : f32 to vector<16xf32>
      %parallel_loop3A_748 = arith.mulf %parallel_loop3A_745, %parallel_loop3A_747 : vector<16xf32>
      %parallel_loop3A_749 = arith.index_cast %parallel_loop3A_738 : i32 to index
      %parallel_loop3A_750 = arith.index_cast %parallel_loop3A_741 : i32 to index
      %parallel_loop3A_751 = tpu.vector_load %arg9[%parallel_loop3A_749, %parallel_loop3A_750] {strides = array<i32>} : memref<8x2048xf32, #tpu.memory_space<vmem>>, vector<1x16xf32>,
      %parallel_loop3A_752 = vector.shape_cast %parallel_loop3A_751 : vector<1x16xf32> to vector<16xf32>
      %parallel_loop3A_753 = vector.shape_cast %parallel_loop3A_748 : vector<16xf32> to vector<1x16xf32>
      tpu.vector_store %arg9[%parallel_loop3A_749, %parallel_loop3A_750], %parallel_loop3A_753 {strides = array<i32>} : memref<8x2048xf32, #tpu.memory_space<vmem>>, vector<1x16xf32>,
    } {sc.loop_unroll_factor = 8 : i64, sc.parallel_access}
    %add3A_552 = arith.constant 184 : i32
    %add3A_553 = arith.addi %mul3A_2, %add3A_552 : i32
    %dma_start3A_554 = arith.constant 0 : i32
    %dma_start3A_555 = tpu.memref_slice %arg3[%add3A_553, %dma_start3A_554] : memref<8192x2048xf32, #tpu.memory_space<hbm>> -> memref<8x2048xf32, #tpu.memory_space<hbm>>
    %dma_start3A_556 = arith.constant 0 : i32
    %dma_start3A_557 = tpu.memref_slice %arg3[%add3A_553, %dma_start3A_556] : memref<8192x2048xf32, #tpu.memory_space<hbm>> -> memref<8x2048xf32, #tpu.memory_space<hbm>>
    tpu.enqueue_dma source(%arg9 : memref<8x2048xf32, #tpu.memory_space<vmem>>) target(%dma_start3A_557 : memref<8x2048xf32, #tpu.memory_space<hbm>>) target_semaphore(%arg21 : memref<!tpu.dma_semaphore, #tpu.memory_space<semaphore_mem>>)
    %dma_wait3A_558 = arith.constant 0 : i32
    %dma_wait3A_559 = tpu.memref_slice %arg3[%add3A_507, %dma_wait3A_558] : memref<8192x2048xf32, #tpu.memory_space<hbm>> -> memref<8x2048xf32, #tpu.memory_space<hbm>>
    %dma_wait3A_560 = arith.constant 0 : i32
    %dma_wait3A_561 = tpu.memref_slice %arg3[%add3A_507, %dma_wait3A_560] : memref<8192x2048xf32, #tpu.memory_space<hbm>> -> memref<8x2048xf32, #tpu.memory_space<hbm>>
    tpu.wait_dma2 semaphore(%arg19 : memref<!tpu.dma_semaphore, #tpu.memory_space<semaphore_mem>>) src(%arg7 : memref<8x2048xf32, #tpu.memory_space<vmem>>) dst(%dma_wait3A_561 : memref<8x2048xf32, #tpu.memory_space<hbm>>)
    %add3A_562 = arith.constant 216 : i32
    %add3A_563 = arith.addi %mul3A_2, %add3A_562 : i32
    %dma_start3A_564 = arith.constant 0 : i32
    %dma_start3A_565 = tpu.memref_slice %arg2[%add3A_563, %dma_start3A_564] : memref<8192x2048xf32, #tpu.memory_space<hbm>> -> memref<8x2048xf32, #tpu.memory_space<hbm>>
    %dma_start3A_566 = arith.constant 0 : i32
    %dma_start3A_567 = tpu.memref_slice %arg2[%add3A_563, %dma_start3A_566] : memref<8192x2048xf32, #tpu.memory_space<hbm>> -> memref<8x2048xf32, #tpu.memory_space<hbm>>
    tpu.enqueue_dma source(%dma_start3A_567 : memref<8x2048xf32, #tpu.memory_space<hbm>>) target(%arg7 : memref<8x2048xf32, #tpu.memory_space<vmem>>) target_semaphore(%arg13 : memref<!tpu.dma_semaphore, #tpu.memory_space<semaphore_mem>>)
    %dma_wait3A_568 = arith.constant 0 : i32
    %dma_wait3A_569 = tpu.memref_slice %arg2[%add3A_494, %dma_wait3A_568] : memref<8192x2048xf32, #tpu.memory_space<hbm>> -> memref<8x2048xf32, #tpu.memory_space<hbm>>
    %dma_wait3A_570 = arith.constant 0 : i32
    %dma_wait3A_571 = tpu.memref_slice %arg2[%add3A_494, %dma_wait3A_570] : memref<8192x2048xf32, #tpu.memory_space<hbm>> -> memref<8x2048xf32, #tpu.memory_space<hbm>>
    tpu.wait_dma2 semaphore(%arg10 : memref<!tpu.dma_semaphore, #tpu.memory_space<semaphore_mem>>) src(%dma_wait3A_571 : memref<8x2048xf32, #tpu.memory_space<hbm>>) dst(%arg4 : memref<8x2048xf32, #tpu.memory_space<vmem>>)
    %parallel_loop3A_572 = arith.constant 0 : i32
    %parallel_loop3A_573 = arith.constant 16384 : i32
    %parallel_loop3A_574 = arith.constant 16 : i32
    scf.for %parallel_loop3A_736 = %parallel_loop3A_572 to %parallel_loop3A_573 step %parallel_loop3A_574  : i32 {
      %parallel_loop3A_737 = arith.constant 11 : i32
      %parallel_loop3A_738 = arith.shrui %parallel_loop3A_736, %parallel_loop3A_737 : i32
      %parallel_loop3A_739 = arith.constant 2047 : i32
      %parallel_loop3A_740 = arith.andi %parallel_loop3A_736, %parallel_loop3A_739 : i32
      %parallel_loop3A_741 = tpu.assume_multiple %parallel_loop3A_740, 16 : i32
      %parallel_loop3A_742 = arith.index_cast %parallel_loop3A_738 : i32 to index
      %parallel_loop3A_743 = arith.index_cast %parallel_loop3A_741 : i32 to index
      %parallel_loop3A_744 = tpu.vector_load %arg4[%parallel_loop3A_742, %parallel_loop3A_743] {strides = array<i32>} : memref<8x2048xf32, #tpu.memory_space<vmem>>, vector<1x16xf32>,
      %parallel_loop3A_745 = vector.shape_cast %parallel_loop3A_744 : vector<1x16xf32> to vector<16xf32>
      %parallel_loop3A_746 = arith.constant 0.0220970865 : f32
      %parallel_loop3A_747 = vector.broadcast %parallel_loop3A_746 : f32 to vector<16xf32>
      %parallel_loop3A_748 = arith.mulf %parallel_loop3A_745, %parallel_loop3A_747 : vector<16xf32>
      %parallel_loop3A_749 = arith.index_cast %parallel_loop3A_738 : i32 to index
      %parallel_loop3A_750 = arith.index_cast %parallel_loop3A_741 : i32 to index
      %parallel_loop3A_751 = tpu.vector_load %arg4[%parallel_loop3A_749, %parallel_loop3A_750] {strides = array<i32>} : memref<8x2048xf32, #tpu.memory_space<vmem>>, vector<1x16xf32>,
      %parallel_loop3A_752 = vector.shape_cast %parallel_loop3A_751 : vector<1x16xf32> to vector<16xf32>
      %parallel_loop3A_753 = vector.shape_cast %parallel_loop3A_748 : vector<16xf32> to vector<1x16xf32>
      tpu.vector_store %arg4[%parallel_loop3A_749, %parallel_loop3A_750], %parallel_loop3A_753 {strides = array<i32>} : memref<8x2048xf32, #tpu.memory_space<vmem>>, vector<1x16xf32>,
    } {sc.loop_unroll_factor = 8 : i64, sc.parallel_access}
    %add3A_575 = arith.constant 192 : i32
    %add3A_576 = arith.addi %mul3A_2, %add3A_575 : i32
    %dma_start3A_577 = arith.constant 0 : i32
    %dma_start3A_578 = tpu.memref_slice %arg3[%add3A_576, %dma_start3A_577] : memref<8192x2048xf32, #tpu.memory_space<hbm>> -> memref<8x2048xf32, #tpu.memory_space<hbm>>
    %dma_start3A_579 = arith.constant 0 : i32
    %dma_start3A_580 = tpu.memref_slice %arg3[%add3A_576, %dma_start3A_579] : memref<8192x2048xf32, #tpu.memory_space<hbm>> -> memref<8x2048xf32, #tpu.memory_space<hbm>>
    tpu.enqueue_dma source(%arg4 : memref<8x2048xf32, #tpu.memory_space<vmem>>) target(%dma_start3A_580 : memref<8x2048xf32, #tpu.memory_space<hbm>>) target_semaphore(%arg16 : memref<!tpu.dma_semaphore, #tpu.memory_space<semaphore_mem>>)
    %dma_wait3A_581 = arith.constant 0 : i32
    %dma_wait3A_582 = tpu.memref_slice %arg3[%add3A_530, %dma_wait3A_581] : memref<8192x2048xf32, #tpu.memory_space<hbm>> -> memref<8x2048xf32, #tpu.memory_space<hbm>>
    %dma_wait3A_583 = arith.constant 0 : i32
    %dma_wait3A_584 = tpu.memref_slice %arg3[%add3A_530, %dma_wait3A_583] : memref<8192x2048xf32, #tpu.memory_space<hbm>> -> memref<8x2048xf32, #tpu.memory_space<hbm>>
    tpu.wait_dma2 semaphore(%arg20 : memref<!tpu.dma_semaphore, #tpu.memory_space<semaphore_mem>>) src(%arg8 : memref<8x2048xf32, #tpu.memory_space<vmem>>) dst(%dma_wait3A_584 : memref<8x2048xf32, #tpu.memory_space<hbm>>)
    %add3A_585 = arith.constant 224 : i32
    %add3A_586 = arith.addi %mul3A_2, %add3A_585 : i32
    %dma_start3A_587 = arith.constant 0 : i32
    %dma_start3A_588 = tpu.memref_slice %arg2[%add3A_586, %dma_start3A_587] : memref<8192x2048xf32, #tpu.memory_space<hbm>> -> memref<8x2048xf32, #tpu.memory_space<hbm>>
    %dma_start3A_589 = arith.constant 0 : i32
    %dma_start3A_590 = tpu.memref_slice %arg2[%add3A_586, %dma_start3A_589] : memref<8192x2048xf32, #tpu.memory_space<hbm>> -> memref<8x2048xf32, #tpu.memory_space<hbm>>
    tpu.enqueue_dma source(%dma_start3A_590 : memref<8x2048xf32, #tpu.memory_space<hbm>>) target(%arg8 : memref<8x2048xf32, #tpu.memory_space<vmem>>) target_semaphore(%arg14 : memref<!tpu.dma_semaphore, #tpu.memory_space<semaphore_mem>>)
    %dma_wait3A_591 = arith.constant 0 : i32
    %dma_wait3A_592 = tpu.memref_slice %arg2[%add3A_517, %dma_wait3A_591] : memref<8192x2048xf32, #tpu.memory_space<hbm>> -> memref<8x2048xf32, #tpu.memory_space<hbm>>
    %dma_wait3A_593 = arith.constant 0 : i32
    %dma_wait3A_594 = tpu.memref_slice %arg2[%add3A_517, %dma_wait3A_593] : memref<8192x2048xf32, #tpu.memory_space<hbm>> -> memref<8x2048xf32, #tpu.memory_space<hbm>>
    tpu.wait_dma2 semaphore(%arg11 : memref<!tpu.dma_semaphore, #tpu.memory_space<semaphore_mem>>) src(%dma_wait3A_594 : memref<8x2048xf32, #tpu.memory_space<hbm>>) dst(%arg5 : memref<8x2048xf32, #tpu.memory_space<vmem>>)
    %parallel_loop3A_595 = arith.constant 0 : i32
    %parallel_loop3A_596 = arith.constant 16384 : i32
    %parallel_loop3A_597 = arith.constant 16 : i32
    scf.for %parallel_loop3A_736 = %parallel_loop3A_595 to %parallel_loop3A_596 step %parallel_loop3A_597  : i32 {
      %parallel_loop3A_737 = arith.constant 11 : i32
      %parallel_loop3A_738 = arith.shrui %parallel_loop3A_736, %parallel_loop3A_737 : i32
      %parallel_loop3A_739 = arith.constant 2047 : i32
      %parallel_loop3A_740 = arith.andi %parallel_loop3A_736, %parallel_loop3A_739 : i32
      %parallel_loop3A_741 = tpu.assume_multiple %parallel_loop3A_740, 16 : i32
      %parallel_loop3A_742 = arith.index_cast %parallel_loop3A_738 : i32 to index
      %parallel_loop3A_743 = arith.index_cast %parallel_loop3A_741 : i32 to index
      %parallel_loop3A_744 = tpu.vector_load %arg5[%parallel_loop3A_742, %parallel_loop3A_743] {strides = array<i32>} : memref<8x2048xf32, #tpu.memory_space<vmem>>, vector<1x16xf32>,
      %parallel_loop3A_745 = vector.shape_cast %parallel_loop3A_744 : vector<1x16xf32> to vector<16xf32>
      %parallel_loop3A_746 = arith.constant 0.0220970865 : f32
      %parallel_loop3A_747 = vector.broadcast %parallel_loop3A_746 : f32 to vector<16xf32>
      %parallel_loop3A_748 = arith.mulf %parallel_loop3A_745, %parallel_loop3A_747 : vector<16xf32>
      %parallel_loop3A_749 = arith.index_cast %parallel_loop3A_738 : i32 to index
      %parallel_loop3A_750 = arith.index_cast %parallel_loop3A_741 : i32 to index
      %parallel_loop3A_751 = tpu.vector_load %arg5[%parallel_loop3A_749, %parallel_loop3A_750] {strides = array<i32>} : memref<8x2048xf32, #tpu.memory_space<vmem>>, vector<1x16xf32>,
      %parallel_loop3A_752 = vector.shape_cast %parallel_loop3A_751 : vector<1x16xf32> to vector<16xf32>
      %parallel_loop3A_753 = vector.shape_cast %parallel_loop3A_748 : vector<16xf32> to vector<1x16xf32>
      tpu.vector_store %arg5[%parallel_loop3A_749, %parallel_loop3A_750], %parallel_loop3A_753 {strides = array<i32>} : memref<8x2048xf32, #tpu.memory_space<vmem>>, vector<1x16xf32>,
    } {sc.loop_unroll_factor = 8 : i64, sc.parallel_access}
    %add3A_598 = arith.constant 200 : i32
    %add3A_599 = arith.addi %mul3A_2, %add3A_598 : i32
    %dma_start3A_600 = arith.constant 0 : i32
    %dma_start3A_601 = tpu.memref_slice %arg3[%add3A_599, %dma_start3A_600] : memref<8192x2048xf32, #tpu.memory_space<hbm>> -> memref<8x2048xf32, #tpu.memory_space<hbm>>
    %dma_start3A_602 = arith.constant 0 : i32
    %dma_start3A_603 = tpu.memref_slice %arg3[%add3A_599, %dma_start3A_602] : memref<8192x2048xf32, #tpu.memory_space<hbm>> -> memref<8x2048xf32, #tpu.memory_space<hbm>>
    tpu.enqueue_dma source(%arg5 : memref<8x2048xf32, #tpu.memory_space<vmem>>) target(%dma_start3A_603 : memref<8x2048xf32, #tpu.memory_space<hbm>>) target_semaphore(%arg17 : memref<!tpu.dma_semaphore, #tpu.memory_space<semaphore_mem>>)
    %dma_wait3A_604 = arith.constant 0 : i32
    %dma_wait3A_605 = tpu.memref_slice %arg3[%add3A_553, %dma_wait3A_604] : memref<8192x2048xf32, #tpu.memory_space<hbm>> -> memref<8x2048xf32, #tpu.memory_space<hbm>>
    %dma_wait3A_606 = arith.constant 0 : i32
    %dma_wait3A_607 = tpu.memref_slice %arg3[%add3A_553, %dma_wait3A_606] : memref<8192x2048xf32, #tpu.memory_space<hbm>> -> memref<8x2048xf32, #tpu.memory_space<hbm>>
    tpu.wait_dma2 semaphore(%arg21 : memref<!tpu.dma_semaphore, #tpu.memory_space<semaphore_mem>>) src(%arg9 : memref<8x2048xf32, #tpu.memory_space<vmem>>) dst(%dma_wait3A_607 : memref<8x2048xf32, #tpu.memory_space<hbm>>)
    %add3A_608 = arith.constant 232 : i32
    %add3A_609 = arith.addi %mul3A_2, %add3A_608 : i32
    %dma_start3A_610 = arith.constant 0 : i32
    %dma_start3A_611 = tpu.memref_slice %arg2[%add3A_609, %dma_start3A_610] : memref<8192x2048xf32, #tpu.memory_space<hbm>> -> memref<8x2048xf32, #tpu.memory_space<hbm>>
    %dma_start3A_612 = arith.constant 0 : i32
    %dma_start3A_613 = tpu.memref_slice %arg2[%add3A_609, %dma_start3A_612] : memref<8192x2048xf32, #tpu.memory_space<hbm>> -> memref<8x2048xf32, #tpu.memory_space<hbm>>
    tpu.enqueue_dma source(%dma_start3A_613 : memref<8x2048xf32, #tpu.memory_space<hbm>>) target(%arg9 : memref<8x2048xf32, #tpu.memory_space<vmem>>) target_semaphore(%arg15 : memref<!tpu.dma_semaphore, #tpu.memory_space<semaphore_mem>>)
    %dma_wait3A_614 = arith.constant 0 : i32
    %dma_wait3A_615 = tpu.memref_slice %arg2[%add3A_540, %dma_wait3A_614] : memref<8192x2048xf32, #tpu.memory_space<hbm>> -> memref<8x2048xf32, #tpu.memory_space<hbm>>
    %dma_wait3A_616 = arith.constant 0 : i32
    %dma_wait3A_617 = tpu.memref_slice %arg2[%add3A_540, %dma_wait3A_616] : memref<8192x2048xf32, #tpu.memory_space<hbm>> -> memref<8x2048xf32, #tpu.memory_space<hbm>>
    tpu.wait_dma2 semaphore(%arg12 : memref<!tpu.dma_semaphore, #tpu.memory_space<semaphore_mem>>) src(%dma_wait3A_617 : memref<8x2048xf32, #tpu.memory_space<hbm>>) dst(%arg6 : memref<8x2048xf32, #tpu.memory_space<vmem>>)
    %parallel_loop3A_618 = arith.constant 0 : i32
    %parallel_loop3A_619 = arith.constant 16384 : i32
    %parallel_loop3A_620 = arith.constant 16 : i32
    scf.for %parallel_loop3A_736 = %parallel_loop3A_618 to %parallel_loop3A_619 step %parallel_loop3A_620  : i32 {
      %parallel_loop3A_737 = arith.constant 11 : i32
      %parallel_loop3A_738 = arith.shrui %parallel_loop3A_736, %parallel_loop3A_737 : i32
      %parallel_loop3A_739 = arith.constant 2047 : i32
      %parallel_loop3A_740 = arith.andi %parallel_loop3A_736, %parallel_loop3A_739 : i32
      %parallel_loop3A_741 = tpu.assume_multiple %parallel_loop3A_740, 16 : i32
      %parallel_loop3A_742 = arith.index_cast %parallel_loop3A_738 : i32 to index
      %parallel_loop3A_743 = arith.index_cast %parallel_loop3A_741 : i32 to index
      %parallel_loop3A_744 = tpu.vector_load %arg6[%parallel_loop3A_742, %parallel_loop3A_743] {strides = array<i32>} : memref<8x2048xf32, #tpu.memory_space<vmem>>, vector<1x16xf32>,
      %parallel_loop3A_745 = vector.shape_cast %parallel_loop3A_744 : vector<1x16xf32> to vector<16xf32>
      %parallel_loop3A_746 = arith.constant 0.0220970865 : f32
      %parallel_loop3A_747 = vector.broadcast %parallel_loop3A_746 : f32 to vector<16xf32>
      %parallel_loop3A_748 = arith.mulf %parallel_loop3A_745, %parallel_loop3A_747 : vector<16xf32>
      %parallel_loop3A_749 = arith.index_cast %parallel_loop3A_738 : i32 to index
      %parallel_loop3A_750 = arith.index_cast %parallel_loop3A_741 : i32 to index
      %parallel_loop3A_751 = tpu.vector_load %arg6[%parallel_loop3A_749, %parallel_loop3A_750] {strides = array<i32>} : memref<8x2048xf32, #tpu.memory_space<vmem>>, vector<1x16xf32>,
      %parallel_loop3A_752 = vector.shape_cast %parallel_loop3A_751 : vector<1x16xf32> to vector<16xf32>
      %parallel_loop3A_753 = vector.shape_cast %parallel_loop3A_748 : vector<16xf32> to vector<1x16xf32>
      tpu.vector_store %arg6[%parallel_loop3A_749, %parallel_loop3A_750], %parallel_loop3A_753 {strides = array<i32>} : memref<8x2048xf32, #tpu.memory_space<vmem>>, vector<1x16xf32>,
    } {sc.loop_unroll_factor = 8 : i64, sc.parallel_access}
    %add3A_621 = arith.constant 208 : i32
    %add3A_622 = arith.addi %mul3A_2, %add3A_621 : i32
    %dma_start3A_623 = arith.constant 0 : i32
    %dma_start3A_624 = tpu.memref_slice %arg3[%add3A_622, %dma_start3A_623] : memref<8192x2048xf32, #tpu.memory_space<hbm>> -> memref<8x2048xf32, #tpu.memory_space<hbm>>
    %dma_start3A_625 = arith.constant 0 : i32
    %dma_start3A_626 = tpu.memref_slice %arg3[%add3A_622, %dma_start3A_625] : memref<8192x2048xf32, #tpu.memory_space<hbm>> -> memref<8x2048xf32, #tpu.memory_space<hbm>>
    tpu.enqueue_dma source(%arg6 : memref<8x2048xf32, #tpu.memory_space<vmem>>) target(%dma_start3A_626 : memref<8x2048xf32, #tpu.memory_space<hbm>>) target_semaphore(%arg18 : memref<!tpu.dma_semaphore, #tpu.memory_space<semaphore_mem>>)
    %dma_wait3A_627 = arith.constant 0 : i32
    %dma_wait3A_628 = tpu.memref_slice %arg3[%add3A_576, %dma_wait3A_627] : memref<8192x2048xf32, #tpu.memory_space<hbm>> -> memref<8x2048xf32, #tpu.memory_space<hbm>>
    %dma_wait3A_629 = arith.constant 0 : i32
    %dma_wait3A_630 = tpu.memref_slice %arg3[%add3A_576, %dma_wait3A_629] : memref<8192x2048xf32, #tpu.memory_space<hbm>> -> memref<8x2048xf32, #tpu.memory_space<hbm>>
    tpu.wait_dma2 semaphore(%arg16 : memref<!tpu.dma_semaphore, #tpu.memory_space<semaphore_mem>>) src(%arg4 : memref<8x2048xf32, #tpu.memory_space<vmem>>) dst(%dma_wait3A_630 : memref<8x2048xf32, #tpu.memory_space<hbm>>)
    %add3A_631 = arith.constant 240 : i32
    %add3A_632 = arith.addi %mul3A_2, %add3A_631 : i32
    %dma_start3A_633 = arith.constant 0 : i32
    %dma_start3A_634 = tpu.memref_slice %arg2[%add3A_632, %dma_start3A_633] : memref<8192x2048xf32, #tpu.memory_space<hbm>> -> memref<8x2048xf32, #tpu.memory_space<hbm>>
    %dma_start3A_635 = arith.constant 0 : i32
    %dma_start3A_636 = tpu.memref_slice %arg2[%add3A_632, %dma_start3A_635] : memref<8192x2048xf32, #tpu.memory_space<hbm>> -> memref<8x2048xf32, #tpu.memory_space<hbm>>
    tpu.enqueue_dma source(%dma_start3A_636 : memref<8x2048xf32, #tpu.memory_space<hbm>>) target(%arg4 : memref<8x2048xf32, #tpu.memory_space<vmem>>) target_semaphore(%arg10 : memref<!tpu.dma_semaphore, #tpu.memory_space<semaphore_mem>>)
    %dma_wait3A_637 = arith.constant 0 : i32
    %dma_wait3A_638 = tpu.memref_slice %arg2[%add3A_563, %dma_wait3A_637] : memref<8192x2048xf32, #tpu.memory_space<hbm>> -> memref<8x2048xf32, #tpu.memory_space<hbm>>
    %dma_wait3A_639 = arith.constant 0 : i32
    %dma_wait3A_640 = tpu.memref_slice %arg2[%add3A_563, %dma_wait3A_639] : memref<8192x2048xf32, #tpu.memory_space<hbm>> -> memref<8x2048xf32, #tpu.memory_space<hbm>>
    tpu.wait_dma2 semaphore(%arg13 : memref<!tpu.dma_semaphore, #tpu.memory_space<semaphore_mem>>) src(%dma_wait3A_640 : memref<8x2048xf32, #tpu.memory_space<hbm>>) dst(%arg7 : memref<8x2048xf32, #tpu.memory_space<vmem>>)
    %parallel_loop3A_641 = arith.constant 0 : i32
    %parallel_loop3A_642 = arith.constant 16384 : i32
    %parallel_loop3A_643 = arith.constant 16 : i32
    scf.for %parallel_loop3A_736 = %parallel_loop3A_641 to %parallel_loop3A_642 step %parallel_loop3A_643  : i32 {
      %parallel_loop3A_737 = arith.constant 11 : i32
      %parallel_loop3A_738 = arith.shrui %parallel_loop3A_736, %parallel_loop3A_737 : i32
      %parallel_loop3A_739 = arith.constant 2047 : i32
      %parallel_loop3A_740 = arith.andi %parallel_loop3A_736, %parallel_loop3A_739 : i32
      %parallel_loop3A_741 = tpu.assume_multiple %parallel_loop3A_740, 16 : i32
      %parallel_loop3A_742 = arith.index_cast %parallel_loop3A_738 : i32 to index
      %parallel_loop3A_743 = arith.index_cast %parallel_loop3A_741 : i32 to index
      %parallel_loop3A_744 = tpu.vector_load %arg7[%parallel_loop3A_742, %parallel_loop3A_743] {strides = array<i32>} : memref<8x2048xf32, #tpu.memory_space<vmem>>, vector<1x16xf32>,
      %parallel_loop3A_745 = vector.shape_cast %parallel_loop3A_744 : vector<1x16xf32> to vector<16xf32>
      %parallel_loop3A_746 = arith.constant 0.0220970865 : f32
      %parallel_loop3A_747 = vector.broadcast %parallel_loop3A_746 : f32 to vector<16xf32>
      %parallel_loop3A_748 = arith.mulf %parallel_loop3A_745, %parallel_loop3A_747 : vector<16xf32>
      %parallel_loop3A_749 = arith.index_cast %parallel_loop3A_738 : i32 to index
      %parallel_loop3A_750 = arith.index_cast %parallel_loop3A_741 : i32 to index
      %parallel_loop3A_751 = tpu.vector_load %arg7[%parallel_loop3A_749, %parallel_loop3A_750] {strides = array<i32>} : memref<8x2048xf32, #tpu.memory_space<vmem>>, vector<1x16xf32>,
      %parallel_loop3A_752 = vector.shape_cast %parallel_loop3A_751 : vector<1x16xf32> to vector<16xf32>
      %parallel_loop3A_753 = vector.shape_cast %parallel_loop3A_748 : vector<16xf32> to vector<1x16xf32>
      tpu.vector_store %arg7[%parallel_loop3A_749, %parallel_loop3A_750], %parallel_loop3A_753 {strides = array<i32>} : memref<8x2048xf32, #tpu.memory_space<vmem>>, vector<1x16xf32>,
    } {sc.loop_unroll_factor = 8 : i64, sc.parallel_access}
    %add3A_644 = arith.constant 216 : i32
    %add3A_645 = arith.addi %mul3A_2, %add3A_644 : i32
    %dma_start3A_646 = arith.constant 0 : i32
    %dma_start3A_647 = tpu.memref_slice %arg3[%add3A_645, %dma_start3A_646] : memref<8192x2048xf32, #tpu.memory_space<hbm>> -> memref<8x2048xf32, #tpu.memory_space<hbm>>
    %dma_start3A_648 = arith.constant 0 : i32
    %dma_start3A_649 = tpu.memref_slice %arg3[%add3A_645, %dma_start3A_648] : memref<8192x2048xf32, #tpu.memory_space<hbm>> -> memref<8x2048xf32, #tpu.memory_space<hbm>>
    tpu.enqueue_dma source(%arg7 : memref<8x2048xf32, #tpu.memory_space<vmem>>) target(%dma_start3A_649 : memref<8x2048xf32, #tpu.memory_space<hbm>>) target_semaphore(%arg19 : memref<!tpu.dma_semaphore, #tpu.memory_space<semaphore_mem>>)
    %dma_wait3A_650 = arith.constant 0 : i32
    %dma_wait3A_651 = tpu.memref_slice %arg3[%add3A_599, %dma_wait3A_650] : memref<8192x2048xf32, #tpu.memory_space<hbm>> -> memref<8x2048xf32, #tpu.memory_space<hbm>>
    %dma_wait3A_652 = arith.constant 0 : i32
    %dma_wait3A_653 = tpu.memref_slice %arg3[%add3A_599, %dma_wait3A_652] : memref<8192x2048xf32, #tpu.memory_space<hbm>> -> memref<8x2048xf32, #tpu.memory_space<hbm>>
    tpu.wait_dma2 semaphore(%arg17 : memref<!tpu.dma_semaphore, #tpu.memory_space<semaphore_mem>>) src(%arg5 : memref<8x2048xf32, #tpu.memory_space<vmem>>) dst(%dma_wait3A_653 : memref<8x2048xf32, #tpu.memory_space<hbm>>)
    %add3A_654 = arith.constant 248 : i32
    %add3A_655 = arith.addi %mul3A_2, %add3A_654 : i32
    %dma_start3A_656 = arith.constant 0 : i32
    %dma_start3A_657 = tpu.memref_slice %arg2[%add3A_655, %dma_start3A_656] : memref<8192x2048xf32, #tpu.memory_space<hbm>> -> memref<8x2048xf32, #tpu.memory_space<hbm>>
    %dma_start3A_658 = arith.constant 0 : i32
    %dma_start3A_659 = tpu.memref_slice %arg2[%add3A_655, %dma_start3A_658] : memref<8192x2048xf32, #tpu.memory_space<hbm>> -> memref<8x2048xf32, #tpu.memory_space<hbm>>
    tpu.enqueue_dma source(%dma_start3A_659 : memref<8x2048xf32, #tpu.memory_space<hbm>>) target(%arg5 : memref<8x2048xf32, #tpu.memory_space<vmem>>) target_semaphore(%arg11 : memref<!tpu.dma_semaphore, #tpu.memory_space<semaphore_mem>>)
    %dma_wait3A_660 = arith.constant 0 : i32
    %dma_wait3A_661 = tpu.memref_slice %arg2[%add3A_586, %dma_wait3A_660] : memref<8192x2048xf32, #tpu.memory_space<hbm>> -> memref<8x2048xf32, #tpu.memory_space<hbm>>
    %dma_wait3A_662 = arith.constant 0 : i32
    %dma_wait3A_663 = tpu.memref_slice %arg2[%add3A_586, %dma_wait3A_662] : memref<8192x2048xf32, #tpu.memory_space<hbm>> -> memref<8x2048xf32, #tpu.memory_space<hbm>>
    tpu.wait_dma2 semaphore(%arg14 : memref<!tpu.dma_semaphore, #tpu.memory_space<semaphore_mem>>) src(%dma_wait3A_663 : memref<8x2048xf32, #tpu.memory_space<hbm>>) dst(%arg8 : memref<8x2048xf32, #tpu.memory_space<vmem>>)
    %parallel_loop3A_664 = arith.constant 0 : i32
    %parallel_loop3A_665 = arith.constant 16384 : i32
    %parallel_loop3A_666 = arith.constant 16 : i32
    scf.for %parallel_loop3A_736 = %parallel_loop3A_664 to %parallel_loop3A_665 step %parallel_loop3A_666  : i32 {
      %parallel_loop3A_737 = arith.constant 11 : i32
      %parallel_loop3A_738 = arith.shrui %parallel_loop3A_736, %parallel_loop3A_737 : i32
      %parallel_loop3A_739 = arith.constant 2047 : i32
      %parallel_loop3A_740 = arith.andi %parallel_loop3A_736, %parallel_loop3A_739 : i32
      %parallel_loop3A_741 = tpu.assume_multiple %parallel_loop3A_740, 16 : i32
      %parallel_loop3A_742 = arith.index_cast %parallel_loop3A_738 : i32 to index
      %parallel_loop3A_743 = arith.index_cast %parallel_loop3A_741 : i32 to index
      %parallel_loop3A_744 = tpu.vector_load %arg8[%parallel_loop3A_742, %parallel_loop3A_743] {strides = array<i32>} : memref<8x2048xf32, #tpu.memory_space<vmem>>, vector<1x16xf32>,
      %parallel_loop3A_745 = vector.shape_cast %parallel_loop3A_744 : vector<1x16xf32> to vector<16xf32>
      %parallel_loop3A_746 = arith.constant 0.0220970865 : f32
      %parallel_loop3A_747 = vector.broadcast %parallel_loop3A_746 : f32 to vector<16xf32>
      %parallel_loop3A_748 = arith.mulf %parallel_loop3A_745, %parallel_loop3A_747 : vector<16xf32>
      %parallel_loop3A_749 = arith.index_cast %parallel_loop3A_738 : i32 to index
      %parallel_loop3A_750 = arith.index_cast %parallel_loop3A_741 : i32 to index
      %parallel_loop3A_751 = tpu.vector_load %arg8[%parallel_loop3A_749, %parallel_loop3A_750] {strides = array<i32>} : memref<8x2048xf32, #tpu.memory_space<vmem>>, vector<1x16xf32>,
      %parallel_loop3A_752 = vector.shape_cast %parallel_loop3A_751 : vector<1x16xf32> to vector<16xf32>
      %parallel_loop3A_753 = vector.shape_cast %parallel_loop3A_748 : vector<16xf32> to vector<1x16xf32>
      tpu.vector_store %arg8[%parallel_loop3A_749, %parallel_loop3A_750], %parallel_loop3A_753 {strides = array<i32>} : memref<8x2048xf32, #tpu.memory_space<vmem>>, vector<1x16xf32>,
    } {sc.loop_unroll_factor = 8 : i64, sc.parallel_access}
    %add3A_667 = arith.constant 224 : i32
    %add3A_668 = arith.addi %mul3A_2, %add3A_667 : i32
    %dma_start3A_669 = arith.constant 0 : i32
    %dma_start3A_670 = tpu.memref_slice %arg3[%add3A_668, %dma_start3A_669] : memref<8192x2048xf32, #tpu.memory_space<hbm>> -> memref<8x2048xf32, #tpu.memory_space<hbm>>
    %dma_start3A_671 = arith.constant 0 : i32
    %dma_start3A_672 = tpu.memref_slice %arg3[%add3A_668, %dma_start3A_671] : memref<8192x2048xf32, #tpu.memory_space<hbm>> -> memref<8x2048xf32, #tpu.memory_space<hbm>>
    tpu.enqueue_dma source(%arg8 : memref<8x2048xf32, #tpu.memory_space<vmem>>) target(%dma_start3A_672 : memref<8x2048xf32, #tpu.memory_space<hbm>>) target_semaphore(%arg20 : memref<!tpu.dma_semaphore, #tpu.memory_space<semaphore_mem>>)
    %dma_wait3A_673 = arith.constant 0 : i32
    %dma_wait3A_674 = tpu.memref_slice %arg2[%add3A_609, %dma_wait3A_673] : memref<8192x2048xf32, #tpu.memory_space<hbm>> -> memref<8x2048xf32, #tpu.memory_space<hbm>>
    %dma_wait3A_675 = arith.constant 0 : i32
    %dma_wait3A_676 = tpu.memref_slice %arg2[%add3A_609, %dma_wait3A_675] : memref<8192x2048xf32, #tpu.memory_space<hbm>> -> memref<8x2048xf32, #tpu.memory_space<hbm>>
    tpu.wait_dma2 semaphore(%arg15 : memref<!tpu.dma_semaphore, #tpu.memory_space<semaphore_mem>>) src(%dma_wait3A_676 : memref<8x2048xf32, #tpu.memory_space<hbm>>) dst(%arg9 : memref<8x2048xf32, #tpu.memory_space<vmem>>)
    %parallel_loop3A_677 = arith.constant 0 : i32
    %parallel_loop3A_678 = arith.constant 16384 : i32
    %parallel_loop3A_679 = arith.constant 16 : i32
    scf.for %parallel_loop3A_736 = %parallel_loop3A_677 to %parallel_loop3A_678 step %parallel_loop3A_679  : i32 {
      %parallel_loop3A_737 = arith.constant 11 : i32
      %parallel_loop3A_738 = arith.shrui %parallel_loop3A_736, %parallel_loop3A_737 : i32
      %parallel_loop3A_739 = arith.constant 2047 : i32
      %parallel_loop3A_740 = arith.andi %parallel_loop3A_736, %parallel_loop3A_739 : i32
      %parallel_loop3A_741 = tpu.assume_multiple %parallel_loop3A_740, 16 : i32
      %parallel_loop3A_742 = arith.index_cast %parallel_loop3A_738 : i32 to index
      %parallel_loop3A_743 = arith.index_cast %parallel_loop3A_741 : i32 to index
      %parallel_loop3A_744 = tpu.vector_load %arg9[%parallel_loop3A_742, %parallel_loop3A_743] {strides = array<i32>} : memref<8x2048xf32, #tpu.memory_space<vmem>>, vector<1x16xf32>,
      %parallel_loop3A_745 = vector.shape_cast %parallel_loop3A_744 : vector<1x16xf32> to vector<16xf32>
      %parallel_loop3A_746 = arith.constant 0.0220970865 : f32
      %parallel_loop3A_747 = vector.broadcast %parallel_loop3A_746 : f32 to vector<16xf32>
      %parallel_loop3A_748 = arith.mulf %parallel_loop3A_745, %parallel_loop3A_747 : vector<16xf32>
      %parallel_loop3A_749 = arith.index_cast %parallel_loop3A_738 : i32 to index
      %parallel_loop3A_750 = arith.index_cast %parallel_loop3A_741 : i32 to index
      %parallel_loop3A_751 = tpu.vector_load %arg9[%parallel_loop3A_749, %parallel_loop3A_750] {strides = array<i32>} : memref<8x2048xf32, #tpu.memory_space<vmem>>, vector<1x16xf32>,
      %parallel_loop3A_752 = vector.shape_cast %parallel_loop3A_751 : vector<1x16xf32> to vector<16xf32>
      %parallel_loop3A_753 = vector.shape_cast %parallel_loop3A_748 : vector<16xf32> to vector<1x16xf32>
      tpu.vector_store %arg9[%parallel_loop3A_749, %parallel_loop3A_750], %parallel_loop3A_753 {strides = array<i32>} : memref<8x2048xf32, #tpu.memory_space<vmem>>, vector<1x16xf32>,
    } {sc.loop_unroll_factor = 8 : i64, sc.parallel_access}
    %add3A_680 = arith.constant 232 : i32
    %add3A_681 = arith.addi %mul3A_2, %add3A_680 : i32
    %dma_start3A_682 = arith.constant 0 : i32
    %dma_start3A_683 = tpu.memref_slice %arg3[%add3A_681, %dma_start3A_682] : memref<8192x2048xf32, #tpu.memory_space<hbm>> -> memref<8x2048xf32, #tpu.memory_space<hbm>>
    %dma_start3A_684 = arith.constant 0 : i32
    %dma_start3A_685 = tpu.memref_slice %arg3[%add3A_681, %dma_start3A_684] : memref<8192x2048xf32, #tpu.memory_space<hbm>> -> memref<8x2048xf32, #tpu.memory_space<hbm>>
    tpu.enqueue_dma source(%arg9 : memref<8x2048xf32, #tpu.memory_space<vmem>>) target(%dma_start3A_685 : memref<8x2048xf32, #tpu.memory_space<hbm>>) target_semaphore(%arg21 : memref<!tpu.dma_semaphore, #tpu.memory_space<semaphore_mem>>)
    %dma_wait3A_686 = arith.constant 0 : i32
    %dma_wait3A_687 = tpu.memref_slice %arg2[%add3A_632, %dma_wait3A_686] : memref<8192x2048xf32, #tpu.memory_space<hbm>> -> memref<8x2048xf32, #tpu.memory_space<hbm>>
    %dma_wait3A_688 = arith.constant 0 : i32
    %dma_wait3A_689 = tpu.memref_slice %arg2[%add3A_632, %dma_wait3A_688] : memref<8192x2048xf32, #tpu.memory_space<hbm>> -> memref<8x2048xf32, #tpu.memory_space<hbm>>
    tpu.wait_dma2 semaphore(%arg10 : memref<!tpu.dma_semaphore, #tpu.memory_space<semaphore_mem>>) src(%dma_wait3A_689 : memref<8x2048xf32, #tpu.memory_space<hbm>>) dst(%arg4 : memref<8x2048xf32, #tpu.memory_space<vmem>>)
    %parallel_loop3A_690 = arith.constant 0 : i32
    %parallel_loop3A_691 = arith.constant 16384 : i32
    %parallel_loop3A_692 = arith.constant 16 : i32
    scf.for %parallel_loop3A_736 = %parallel_loop3A_690 to %parallel_loop3A_691 step %parallel_loop3A_692  : i32 {
      %parallel_loop3A_737 = arith.constant 11 : i32
      %parallel_loop3A_738 = arith.shrui %parallel_loop3A_736, %parallel_loop3A_737 : i32
      %parallel_loop3A_739 = arith.constant 2047 : i32
      %parallel_loop3A_740 = arith.andi %parallel_loop3A_736, %parallel_loop3A_739 : i32
      %parallel_loop3A_741 = tpu.assume_multiple %parallel_loop3A_740, 16 : i32
      %parallel_loop3A_742 = arith.index_cast %parallel_loop3A_738 : i32 to index
      %parallel_loop3A_743 = arith.index_cast %parallel_loop3A_741 : i32 to index
      %parallel_loop3A_744 = tpu.vector_load %arg4[%parallel_loop3A_742, %parallel_loop3A_743] {strides = array<i32>} : memref<8x2048xf32, #tpu.memory_space<vmem>>, vector<1x16xf32>,
      %parallel_loop3A_745 = vector.shape_cast %parallel_loop3A_744 : vector<1x16xf32> to vector<16xf32>
      %parallel_loop3A_746 = arith.constant 0.0220970865 : f32
      %parallel_loop3A_747 = vector.broadcast %parallel_loop3A_746 : f32 to vector<16xf32>
      %parallel_loop3A_748 = arith.mulf %parallel_loop3A_745, %parallel_loop3A_747 : vector<16xf32>
      %parallel_loop3A_749 = arith.index_cast %parallel_loop3A_738 : i32 to index
      %parallel_loop3A_750 = arith.index_cast %parallel_loop3A_741 : i32 to index
      %parallel_loop3A_751 = tpu.vector_load %arg4[%parallel_loop3A_749, %parallel_loop3A_750] {strides = array<i32>} : memref<8x2048xf32, #tpu.memory_space<vmem>>, vector<1x16xf32>,
      %parallel_loop3A_752 = vector.shape_cast %parallel_loop3A_751 : vector<1x16xf32> to vector<16xf32>
      %parallel_loop3A_753 = vector.shape_cast %parallel_loop3A_748 : vector<16xf32> to vector<1x16xf32>
      tpu.vector_store %arg4[%parallel_loop3A_749, %parallel_loop3A_750], %parallel_loop3A_753 {strides = array<i32>} : memref<8x2048xf32, #tpu.memory_space<vmem>>, vector<1x16xf32>,
    } {sc.loop_unroll_factor = 8 : i64, sc.parallel_access}
    %add3A_693 = arith.constant 240 : i32
    %add3A_694 = arith.addi %mul3A_2, %add3A_693 : i32
    %dma_start3A_695 = arith.constant 0 : i32
    %dma_start3A_696 = tpu.memref_slice %arg3[%add3A_694, %dma_start3A_695] : memref<8192x2048xf32, #tpu.memory_space<hbm>> -> memref<8x2048xf32, #tpu.memory_space<hbm>>
    %dma_start3A_697 = arith.constant 0 : i32
    %dma_start3A_698 = tpu.memref_slice %arg3[%add3A_694, %dma_start3A_697] : memref<8192x2048xf32, #tpu.memory_space<hbm>> -> memref<8x2048xf32, #tpu.memory_space<hbm>>
    tpu.enqueue_dma source(%arg4 : memref<8x2048xf32, #tpu.memory_space<vmem>>) target(%dma_start3A_698 : memref<8x2048xf32, #tpu.memory_space<hbm>>) target_semaphore(%arg16 : memref<!tpu.dma_semaphore, #tpu.memory_space<semaphore_mem>>)
    %dma_wait3A_699 = arith.constant 0 : i32
    %dma_wait3A_700 = tpu.memref_slice %arg2[%add3A_655, %dma_wait3A_699] : memref<8192x2048xf32, #tpu.memory_space<hbm>> -> memref<8x2048xf32, #tpu.memory_space<hbm>>
    %dma_wait3A_701 = arith.constant 0 : i32
    %dma_wait3A_702 = tpu.memref_slice %arg2[%add3A_655, %dma_wait3A_701] : memref<8192x2048xf32, #tpu.memory_space<hbm>> -> memref<8x2048xf32, #tpu.memory_space<hbm>>
    tpu.wait_dma2 semaphore(%arg11 : memref<!tpu.dma_semaphore, #tpu.memory_space<semaphore_mem>>) src(%dma_wait3A_702 : memref<8x2048xf32, #tpu.memory_space<hbm>>) dst(%arg5 : memref<8x2048xf32, #tpu.memory_space<vmem>>)
    %parallel_loop3A_703 = arith.constant 0 : i32
    %parallel_loop3A_704 = arith.constant 16384 : i32
    %parallel_loop3A_705 = arith.constant 16 : i32
    scf.for %parallel_loop3A_736 = %parallel_loop3A_703 to %parallel_loop3A_704 step %parallel_loop3A_705  : i32 {
      %parallel_loop3A_737 = arith.constant 11 : i32
      %parallel_loop3A_738 = arith.shrui %parallel_loop3A_736, %parallel_loop3A_737 : i32
      %parallel_loop3A_739 = arith.constant 2047 : i32
      %parallel_loop3A_740 = arith.andi %parallel_loop3A_736, %parallel_loop3A_739 : i32
      %parallel_loop3A_741 = tpu.assume_multiple %parallel_loop3A_740, 16 : i32
      %parallel_loop3A_742 = arith.index_cast %parallel_loop3A_738 : i32 to index
      %parallel_loop3A_743 = arith.index_cast %parallel_loop3A_741 : i32 to index
      %parallel_loop3A_744 = tpu.vector_load %arg5[%parallel_loop3A_742, %parallel_loop3A_743] {strides = array<i32>} : memref<8x2048xf32, #tpu.memory_space<vmem>>, vector<1x16xf32>,
      %parallel_loop3A_745 = vector.shape_cast %parallel_loop3A_744 : vector<1x16xf32> to vector<16xf32>
      %parallel_loop3A_746 = arith.constant 0.0220970865 : f32
      %parallel_loop3A_747 = vector.broadcast %parallel_loop3A_746 : f32 to vector<16xf32>
      %parallel_loop3A_748 = arith.mulf %parallel_loop3A_745, %parallel_loop3A_747 : vector<16xf32>
      %parallel_loop3A_749 = arith.index_cast %parallel_loop3A_738 : i32 to index
      %parallel_loop3A_750 = arith.index_cast %parallel_loop3A_741 : i32 to index
      %parallel_loop3A_751 = tpu.vector_load %arg5[%parallel_loop3A_749, %parallel_loop3A_750] {strides = array<i32>} : memref<8x2048xf32, #tpu.memory_space<vmem>>, vector<1x16xf32>,
      %parallel_loop3A_752 = vector.shape_cast %parallel_loop3A_751 : vector<1x16xf32> to vector<16xf32>
      %parallel_loop3A_753 = vector.shape_cast %parallel_loop3A_748 : vector<16xf32> to vector<1x16xf32>
      tpu.vector_store %arg5[%parallel_loop3A_749, %parallel_loop3A_750], %parallel_loop3A_753 {strides = array<i32>} : memref<8x2048xf32, #tpu.memory_space<vmem>>, vector<1x16xf32>,
    } {sc.loop_unroll_factor = 8 : i64, sc.parallel_access}
    %add3A_706 = arith.constant 248 : i32
    %add3A_707 = arith.addi %mul3A_2, %add3A_706 : i32
    %dma_start3A_708 = arith.constant 0 : i32
    %dma_start3A_709 = tpu.memref_slice %arg3[%add3A_707, %dma_start3A_708] : memref<8192x2048xf32, #tpu.memory_space<hbm>> -> memref<8x2048xf32, #tpu.memory_space<hbm>>
    %dma_start3A_710 = arith.constant 0 : i32
    %dma_start3A_711 = tpu.memref_slice %arg3[%add3A_707, %dma_start3A_710] : memref<8192x2048xf32, #tpu.memory_space<hbm>> -> memref<8x2048xf32, #tpu.memory_space<hbm>>
    tpu.enqueue_dma source(%arg5 : memref<8x2048xf32, #tpu.memory_space<vmem>>) target(%dma_start3A_711 : memref<8x2048xf32, #tpu.memory_space<hbm>>) target_semaphore(%arg17 : memref<!tpu.dma_semaphore, #tpu.memory_space<semaphore_mem>>)
    %dma_wait3A_712 = arith.constant 0 : i32
    %dma_wait3A_713 = tpu.memref_slice %arg3[%add3A_622, %dma_wait3A_712] : memref<8192x2048xf32, #tpu.memory_space<hbm>> -> memref<8x2048xf32, #tpu.memory_space<hbm>>
    %dma_wait3A_714 = arith.constant 0 : i32
    %dma_wait3A_715 = tpu.memref_slice %arg3[%add3A_622, %dma_wait3A_714] : memref<8192x2048xf32, #tpu.memory_space<hbm>> -> memref<8x2048xf32, #tpu.memory_space<hbm>>
    tpu.wait_dma2 semaphore(%arg18 : memref<!tpu.dma_semaphore, #tpu.memory_space<semaphore_mem>>) src(%arg6 : memref<8x2048xf32, #tpu.memory_space<vmem>>) dst(%dma_wait3A_715 : memref<8x2048xf32, #tpu.memory_space<hbm>>)
    %dma_wait3A_716 = arith.constant 0 : i32
    %dma_wait3A_717 = tpu.memref_slice %arg3[%add3A_645, %dma_wait3A_716] : memref<8192x2048xf32, #tpu.memory_space<hbm>> -> memref<8x2048xf32, #tpu.memory_space<hbm>>
    %dma_wait3A_718 = arith.constant 0 : i32
    %dma_wait3A_719 = tpu.memref_slice %arg3[%add3A_645, %dma_wait3A_718] : memref<8192x2048xf32, #tpu.memory_space<hbm>> -> memref<8x2048xf32, #tpu.memory_space<hbm>>
    tpu.wait_dma2 semaphore(%arg19 : memref<!tpu.dma_semaphore, #tpu.memory_space<semaphore_mem>>) src(%arg7 : memref<8x2048xf32, #tpu.memory_space<vmem>>) dst(%dma_wait3A_719 : memref<8x2048xf32, #tpu.memory_space<hbm>>)
    %dma_wait3A_720 = arith.constant 0 : i32
    %dma_wait3A_721 = tpu.memref_slice %arg3[%add3A_668, %dma_wait3A_720] : memref<8192x2048xf32, #tpu.memory_space<hbm>> -> memref<8x2048xf32, #tpu.memory_space<hbm>>
    %dma_wait3A_722 = arith.constant 0 : i32
    %dma_wait3A_723 = tpu.memref_slice %arg3[%add3A_668, %dma_wait3A_722] : memref<8192x2048xf32, #tpu.memory_space<hbm>> -> memref<8x2048xf32, #tpu.memory_space<hbm>>
    tpu.wait_dma2 semaphore(%arg20 : memref<!tpu.dma_semaphore, #tpu.memory_space<semaphore_mem>>) src(%arg8 : memref<8x2048xf32, #tpu.memory_space<vmem>>) dst(%dma_wait3A_723 : memref<8x2048xf32, #tpu.memory_space<hbm>>)
    %dma_wait3A_724 = arith.constant 0 : i32
    %dma_wait3A_725 = tpu.memref_slice %arg3[%add3A_681, %dma_wait3A_724] : memref<8192x2048xf32, #tpu.memory_space<hbm>> -> memref<8x2048xf32, #tpu.memory_space<hbm>>
    %dma_wait3A_726 = arith.constant 0 : i32
    %dma_wait3A_727 = tpu.memref_slice %arg3[%add3A_681, %dma_wait3A_726] : memref<8192x2048xf32, #tpu.memory_space<hbm>> -> memref<8x2048xf32, #tpu.memory_space<hbm>>
    tpu.wait_dma2 semaphore(%arg21 : memref<!tpu.dma_semaphore, #tpu.memory_space<semaphore_mem>>) src(%arg9 : memref<8x2048xf32, #tpu.memory_space<vmem>>) dst(%dma_wait3A_727 : memref<8x2048xf32, #tpu.memory_space<hbm>>)
    %dma_wait3A_728 = arith.constant 0 : i32
    %dma_wait3A_729 = tpu.memref_slice %arg3[%add3A_694, %dma_wait3A_728] : memref<8192x2048xf32, #tpu.memory_space<hbm>> -> memref<8x2048xf32, #tpu.memory_space<hbm>>
    %dma_wait3A_730 = arith.constant 0 : i32
    %dma_wait3A_731 = tpu.memref_slice %arg3[%add3A_694, %dma_wait3A_730] : memref<8192x2048xf32, #tpu.memory_space<hbm>> -> memref<8x2048xf32, #tpu.memory_space<hbm>>
    tpu.wait_dma2 semaphore(%arg16 : memref<!tpu.dma_semaphore, #tpu.memory_space<semaphore_mem>>) src(%arg4 : memref<8x2048xf32, #tpu.memory_space<vmem>>) dst(%dma_wait3A_731 : memref<8x2048xf32, #tpu.memory_space<hbm>>)
    %dma_wait3A_732 = arith.constant 0 : i32
    %dma_wait3A_733 = tpu.memref_slice %arg3[%add3A_707, %dma_wait3A_732] : memref<8192x2048xf32, #tpu.memory_space<hbm>> -> memref<8x2048xf32, #tpu.memory_space<hbm>>
    %dma_wait3A_734 = arith.constant 0 : i32
    %dma_wait3A_735 = tpu.memref_slice %arg3[%add3A_707, %dma_wait3A_734] : memref<8192x2048xf32, #tpu.memory_space<hbm>> -> memref<8x2048xf32, #tpu.memory_space<hbm>>
    tpu.wait_dma2 semaphore(%arg17 : memref<!tpu.dma_semaphore, #tpu.memory_space<semaphore_mem>>) src(%arg5 : memref<8x2048xf32, #tpu.memory_space<vmem>>) dst(%dma_wait3A_735 : memref<8x2048xf32, #tpu.memory_space<hbm>>)
    return
  }
}

</mosaic_0001>

<sc_bundles>
// kernel: kernel.3.cloned.1.call-start
scs
__scs_entry_jumppad:
0x0: {  	(pc) =	sbr.rel $0x88, $3  }
0x1: {  	(tag) =	ssettag $0x0;
	lr =	simm.s32 $0x1  }
0x2: {  	[smem:$0x3FA0] =	sst lr;
	_ =	strace $0xD0000000  }
0x3: {  	_ = 	snop  }
0x4: {  	_ = 	snop  }
0x5: {  	_ = 	snop  }
0x6: {  	_ = 	snop  }
0x7: {  	_ = 	snop  }
__scs_overlays_trampoline_lowered:
0x8: {  	[smem:$0x3FAF] =	sst s0  }
0x9: {  	[smem:$0x3FB0] =	sst s1  }
0xa: {  	[smem:$0x3FB1] =	sst s2  }
0xb: {  	[smem:$0x3FB2] =	sst s3  }
0xc: {  	[smem:$0x3FB3] =	sst s4  }
0xd: {  	[smem:$0x3FB4] =	sst s5  }
0xe: {  	[smem:$0x3FB5] =	sst s6  }
0xf: {  	[smem:$0x3FB6] =	sst s7  }
0x10: {  	[smem:$0x3FB7] =	sst s8  }
0x11: {  	[smem:$0x3FB8] =	sst s9;
	s0 =	simm.s32 @!p0 $0x0  }
0x12: {  	s1 =	sld [smem:$0x3F9E];
	s0 =	simm.s32 @p0 $0x1  }
0x13: {  	[smem:$0x3FB9] =	sst s0;
	s0 =	simm.s32 @!p1 $0x0  }
0x14: {  	s2 =	sld [smem:$0x3F9D];
	s0 =	simm.s32 @p1 $0x1  }
0x15: {  	[smem:$0x3FBA] =	sst s0;
	s0 =	simm.s32 @!p2 $0x0  }
0x16: {  	s3 =	sld [smem:$0x3FDB];
	s0 =	simm.s32 @p2 $0x1  }
0x17: {  	s4 =	simm.s32 $0x1BF5;
	[smem:$0x3FBC] =	sst s0  }
0x18: {  	s0 =	sld [smem:$0x3F9F];
	_ =	swait.ge [sflag:s4], $0x0  }
0x19: {  	s7 =	sld [smem:$0x3FA0]  }
0x1a: {  	s8 =	sadd.s32 $0xFFFFE003, lr  }
0x1b: {  	s9 =	sadd.s32 $0xFFFFFEF7, lr;
	s5 =	simm.s32 $0xFFFFFFFF;
	p2 =	slt.u32 s8, $0xFFFFF086  }
0x1c: {  	p1 =	slt.u32 s9, $0xF7A;
	s5 =	simm.s32 @!p2 $0x0  }
0x1d: {  	s5 =	simm.s32 @p1 $0x1;
	p0 =	seq.s32 s7, s2  }
0x1e: {  	s7 =	smul.u32 @!p0 $0xF7A, s2;
	p2 =	seq.s32 @!p0 s5, $0x0  }
0x1f: {  	s9 =	smul.u32 $0xF7A, s1;
	s8 =	simm.s32 @!p0 $0x1BF5;
	p2 =	por !p2, p0  }
0x20: {  	[sflag:s8] =	ssyncset.s32 @!p0 $0xFFFFF086;
	s6 =	sadd.s32 @!p0 s3, s7;
	s7 =	simm.s32 @!p0 $0x108  }
0x21: {  	s3 =	sadd.s32 s3, s9;
	s6 =	sadd.s32 @!p0 $0x88, s6;
	s7 =	simm.s32 @p2 $0x1082  }
0x22: {  	[simem:s7], [sflag:s8] =	dma.local @!p0 [hbm:s6], $0xF7A  }
0x23: {  	s9 =	sor.u32 $0xD0000000, s2;
	s6 =	simm.s32 $0x108;
	_ =	swait.ge @!p0 [sflag:s8], $0x0  }
0x24: {  	s3 =	sadd.s32 $0x88, s3;
	s6 =	simm.s32 @!p1 $0x1082;
	[sflag:s4] =	ssyncset.s32 $0xFFFFF086  }
0x25: {  	[simem:s6], [sflag:s4] =	dma.local [hbm:s3], $0xF7A  }
0x26: {  	[smem:$0x3FA0] =	sst s1;
	(tag) =	ssettag s2;
	_ =	strace s9  }
0x27: {  	s1 =	sld [smem:$0x3FB0]  }
0x28: {  	s2 =	sld [smem:$0x3FB1]  }
0x29: {  	s4 =	sld [smem:$0x3FB3]  }
0x2a: {  	p0 =	seq.s32 s5, $0x0;
	s5 =	sld [smem:$0x3FB4]  }
0x2b: {  	s6 =	sld [smem:$0x3FB5]  }
0x2c: {  	s7 =	sld [smem:$0x3FB6]  }
0x2d: {  	s3 =	simm.s32 $0x108;
	s8 =	sld [smem:$0x3FB7]  }
0x2e: {  	s3 =	simm.s32 @!p0 $0x1082;
	s9 =	sld [smem:$0x3FB8]  }
0x2f: {  	lr =	sadd.s32 s0, s3;
	s0 =	sld [smem:$0x3FAF]  }
0x30: {  	s3 =	sld [smem:$0x3FB2]  }
0x31: {  	[smem:$0x3FBB] =	sst s10  }
0x32: {  	s10 =	sld [smem:$0x3FB9];
	_ =	sdelay $0x3  }
0x33: {  	p0 =	seq.s32 s10, $0x1;
	s10 =	sld [smem:$0x3FBB];
	_ =	sdelay $0x3  }
0x34: {  	[smem:$0x3FBB] =	sst s10  }
0x35: {  	s10 =	sld [smem:$0x3FBA];
	_ =	sdelay $0x3  }
0x36: {  	p1 =	seq.s32 s10, $0x1;
	s10 =	sld [smem:$0x3FBB];
	_ =	sdelay $0x3  }
0x37: {  	[smem:$0x3FBB] =	sst s10  }
0x38: {  	s10 =	sld [smem:$0x3FBC]  }
0x39: {  	_ = 	snop;
	(pc) =	sbr.ind lr, $3  }
0x3a: {  	_ = 	snop  }
0x3b: {  	_ = 	snop  }
0x3c: {  	p2 =	seq.s32 s10, $0x1;
	s10 =	sld [smem:$0x3FBB]  }
0x3d: {  	_ =	shalt  }
0x3e: {  	_ =	shalt  }
0x3f: {  	_ =	shalt  }
0x40: {  	_ =	shalt  }
0x41: {  	_ =	shalt  }
0x42: {  	_ =	shalt  }
0x43: {  	_ =	shalt  }
0x44: {  	_ =	shalt  }
0x45: {  	_ =	shalt  }
0x46: {  	_ =	shalt  }
0x47: {  	_ =	shalt  }
0x48: {  	_ =	shalt  }
0x49: {  	_ =	shalt  }
0x4a: {  	_ =	shalt  }
0x4b: {  	_ =	shalt  }
0x4c: {  	_ =	shalt  }
0x4d: {  	_ =	shalt  }
0x4e: {  	_ =	shalt  }
0x4f: {  	_ =	shalt  }
0x50: {  	_ =	shalt  }
0x51: {  	_ =	shalt  }
0x52: {  	_ =	shalt  }
0x53: {  	_ =	shalt  }
0x54: {  	_ =	shalt  }
0x55: {  	_ =	shalt  }
0x56: {  	_ =	shalt  }
0x57: {  	_ =	shalt  }
0x58: {  	_ =	shalt  }
0x59: {  	_ =	shalt  }
0x5a: {  	_ =	shalt  }
0x5b: {  	_ =	shalt  }
0x5c: {  	_ =	shalt  }
0x5d: {  	_ =	shalt  }
0x5e: {  	_ =	shalt  }
0x5f: {  	_ =	shalt  }
0x60: {  	_ =	shalt  }
0x61: {  	_ =	shalt  }
0x62: {  	_ =	shalt  }
0x63: {  	_ =	shalt  }
0x64: {  	_ =	shalt  }
0x65: {  	_ =	shalt  }
0x66: {  	_ =	shalt  }
0x67: {  	_ =	shalt  }
0x68: {  	_ =	shalt  }
0x69: {  	_ =	shalt  }
0x6a: {  	_ =	shalt  }
0x6b: {  	_ =	shalt  }
0x6c: {  	_ =	shalt  }
0x6d: {  	_ =	shalt  }
0x6e: {  	_ =	shalt  }
0x6f: {  	_ =	shalt  }
0x70: {  	_ =	shalt  }
0x71: {  	_ =	shalt  }
0x72: {  	_ =	shalt  }
0x73: {  	_ =	shalt  }
0x74: {  	_ =	shalt  }
0x75: {  	_ =	shalt  }
0x76: {  	_ =	shalt  }
0x77: {  	_ =	shalt  }
0x78: {  	_ =	shalt  }
0x79: {  	_ =	shalt  }
0x7a: {  	_ =	shalt  }
0x7b: {  	_ =	shalt  }
0x7c: {  	_ =	shalt  }
0x7d: {  	_ =	shalt  }
0x7e: {  	_ =	shalt  }
0x7f: {  	_ =	shalt  }
0x80: {  	_ =	shalt  }
0x81: {  	_ =	shalt  }
0x82: {  	_ =	shalt  }
0x83: {  	_ =	shalt  }
0x84: {  	_ =	shalt  }
0x85: {  	_ =	shalt  }
0x86: {  	_ =	shalt  }
0x87: {  	_ =	shalt  }
.Lfunc_end0:
.L_simem_size_0:
called_computation_lowered:
.L_overlay_start_0:
0x88: {  	s2 =	sld [smem:$0x3FD9]  }
0x89: {  	s3 =	sld [smem:$0x3FFE];
	_ =	sdelay $0x1  }
0x8a: {  	s1 =	srdreg.scid  }
0x8b: {  	s0 =	sand.u32 $0x1, s1  }
0x8c: {  	s18 =	sshll.u32 s0, $0xA;
	s2 =	sadd.s32 s3, s2  }
0x8d: {  	s2 =	sadd.s32 s2, s18  }
0x8e: {  	[smem:$0x3FC7] =	sst s2  }
0x8f: {  	_ = 	snop  }
0x90: {  	s2 =	sld [smem:$0x3FC9]  }
0x91: {  	s19 =	sld [smem:$0x3FD0];
	(tm) =	ssettm $0x1  }
0x92: {  	s4 =	sld [smem:$0x3FFB];
	_ =	sdelay $0x3  }
0x93: {  	_ =	strace s4  }
0x94: {  	s4 =	sld [smem:$0x3FFC];
	_ =	sdelay $0x3  }
0x95: {  	_ =	strace s4  }
0x96: {  	s4 =	sld [smem:$0x3FFD];
	_ =	sdelay $0x3  }
0x97: {  	_ =	strace s4  }
0x98: {  	_ =	strace $0x8FFFFFFF  }
0x99: {  	s20 =	sld [smem:$0x3FDB];
	_ =	sdelay $0x1  }
0x9a: {  	s5 =	simm.s32 $_scs_section_size  }
0x9b: {  	s6 =	simm.s32 $_size__tile_overlayer_lowered;
	s7 =	simm.s32 $_tile_overlayer_lowered  }
0x9c: {  	s23 =	simm.s32 $0x1BFF;
	s22 =	sshll.u32 s7, $0x1;
	s4 =	sadd.s32 s5, s20  }
0x9d: {  	s8 =	simm.s32 $0x0;
	s21 =	sshll.u32 s6, $0x1;
	s6 =	sadd.s32 s22, s4  }
0x9e: {  	[timem:s8], [sflag:s23] =	dma.local [hbm:s6], s21  }
0x9f: {  	_ =	swait.ge [sflag:s23], s21  }
0xa0: {  	s5 =	ssub.s32 $0x0, s21;
	[sflag:s23] =	ssyncset.done $0x0  }
0xa1: {  	[sflag:s23] =	ssyncadd.s32 s5;
	_ =	sdelay $0x1  }
0xa2: {  	s24 =	simm.s32 $0x1B8B  }
0xa3: {  	_ =	swait.ge [sflag:s24], $0x1  }
0xa4: {  	[sflag:s24] =	ssyncset.done $0x0  }
0xa5: {  	s25 =	simm.s32 $0x1B8E;
	[sflag:s24] =	ssyncadd.s32 $0xFFFFFFFF  }
0xa6: {  	s26 =	simm.s32 $execute0_lowered;
	[smem:$0x3FD2] =	sst s25  }
0xa7: {  	s5 =	sshll.u32 s26, $0x1;
	_ =	strace $0x80000046;
	[dreg:$0x1] =	wrdreg $0xFFFFFFFF  }
0xa8: {  	s28 =	simm.s32 $_size_execute0_lowered;
	s4 =	sadd.s32 s4, s5;
	[dreg:$0x0] =	wrdreg $0x0  }
0xa9: {  	s5 =	sshll.u32 s28, $0x1;
	[dreg:$0x2] =	wrdreg s4  }
0xaa: {  	[dreg:$0x3] =	wrdreg s5  }
0xab: {  	[dreg:$0x4] =	wrdreg $0xC0  }
0xac: {  	_ =	task [dreg:s8], $0x5FFFF  }
0xad: {  	[dreg:$0x1] =	wrdreg $0xFFFFFFFF  }
0xae: {  	[dreg:$0x0] =	wrdreg $0x60  }
0xaf: {  	[dreg:$0x2] =	wrdreg s2  }
0xb0: {  	[dreg:$0x3] =	wrdreg s19  }
0xb1: {  	[dreg:$0x4] =	wrdreg $0x9  }
0xb2: {  	_ =	task.clear_ibuf [dreg:s8], $0x5FFFF;
	_ =	strace $0x90000046  }
0xb3: {  	s29 =	simm.s32 $0x9;
	_ =	strace $0x80000048  }
0xb4: {  	_ =	swait.ge [sflag:s29], $0x1  }
0xb5: {  	[sflag:s29] =	ssyncadd.s32 $0xFFFFFFFF  }
0xb6: {  	_ =	strace $0x90000048  }
0xb7: {  	_ =	sfence  }
0xb8: {  	s30 =	sld [smem:$0x0];
	_ =	sdelay $0x2  }
0xb9: {  	s31 =	sshll.u32 s1, $0xD;
	s1 =	sshrl.u32 s1, $0x2  }
0xba: {  	s3 =	sand.u32 $0x4000, s31;
	s1 =	sadd.s32 s1, s30  }
0xbb: {  	s0 =	sor.u32 s3, s0;
	s1 =	sshll.u32 s1, $0x11  }
0xbc: {  	s0 =	sor.u32 s1, s0  }
0xbd: {  	s0 =	sadd.s32 $0x8F2B, s0  }
0xbe: {  	[sflag:s0] =	ssyncadd.remote.s32 $0x1  }
0xbf: {  	_ =	sfence.sel $0xFFFF  }
0xc0: {  	[dreg:$0x0] =	wrdreg $0xFFFFFFFF;
	(pc) =	sbr.abs _section_cstart, $3  }
0xc1: {  	[dreg:$0x1] =	wrdreg $0xFFFFFFFF  }
0xc2: {  	_ =	task.clear_ibuf [dreg:s8], $0x2FFFF;
	_ =	strace $0x9FFFFFFF  }
0xc3: {  	(tm) =	ssettm $0x7FFFFFFF  }
tec
execute0_lowered:
.L_overlay_start_1:
0x0: {  	(tag) =	ssettag $0x1  }
0x1: {  	s2 =	srdreg.scid  }
0x2: {  	s0 =	rddreg [dreg:$0x0];
	s4 =	stileid.u32;
	s2 =	sand.u32 $0x1, s2  }
0x3: {  	s4 =	sshll.u32 s4, $0x11;
	s3 =	ssub.s32 $0x2, s2;
	s2 =	sshll.u32 s2, $0x10  }
0x4: {  	s5 =	rddreg [dreg:$0x1];
	s1 =	simm.s32 $0x0;
	s2 =	sor.u32 s2, s4  }
0x5: {  	[smem:$0x7FF] =	sst s1;
	s29 =	sor.u32 $0x800, s2  }
0x6: {  	s6 =	sshrl.u32 s3, $0x1;
	s4 =	sor.u32 $0x1000, s2;
	s7 =	sadd.s32 s0, s29  }
0x7: {  	s31 =	sor.u32 $0x1800, s2;
	s30 =	sadd.s32 s0, s4;
	[dreg:$0x3] =	wrdreg s7  }
0x8: {  	s11 =	sor.u32 $0x2000, s2;
	s8 =	sadd.s32 s0, s31;
	[dreg:$0x4] =	wrdreg s30  }
0x9: {  	s6 =	ssub.s32 s3, s6;
	s10 =	sadd.s32 s0, s11;
	[dreg:$0x5] =	wrdreg s8  }
0xa: {  	s9 =	sor.u32 $0x2800, s2;
	s3 =	sadd.s32 s5, s29;
	[dreg:$0x6] =	wrdreg s10  }
0xb: {  	s12 =	sadd.s32 s0, s9;
	[dreg:$0x7] =	wrdreg s3  }
0xc: {  	s14 =	sor.u32 $0x3000, s2;
	s13 =	sadd.s32 s5, s4;
	[dreg:$0x8] =	wrdreg s12  }
0xd: {  	s15 =	sor.u32 $0x3800, s2;
	s16 =	sadd.s32 s0, s14;
	[dreg:$0x9] =	wrdreg s13  }
0xe: {  	s17 =	sadd.s32 s0, s15;
	[dreg:$0xa] =	wrdreg s16  }
0xf: {  	s19 =	sor.u32 $0x4000, s2;
	s18 =	sadd.s32 s5, s11;
	[dreg:$0xc] =	wrdreg s17  }
0x10: {  	s21 =	sadd.s32 s0, s19;
	[dreg:$0xd] =	wrdreg s18  }
0x11: {  	s20 =	sor.u32 $0x4800, s2;
	s9 =	sadd.s32 s5, s9;
	[dreg:$0xe] =	wrdreg s21  }
0x12: {  	s22 =	sadd.s32 s0, s20;
	[dreg:$0xf] =	wrdreg s9  }
0x13: {  	s4 =	sadd.s32 s5, s15;
	[dreg:$0x10] =	wrdreg s22  }
0x14: {  	s23 =	sor.u32 $0x5000, s2;
	s25 =	sadd.s32 s5, s20;
	[dreg:$0x12] =	wrdreg s4  }
0x15: {  	s24 =	sor.u32 $0x5800, s2;
	s26 =	sadd.s32 s0, s23;
	[dreg:$0x14] =	wrdreg s25  }
0x16: {  	s28 =	sadd.s32 s0, s24;
	[dreg:$0x15] =	wrdreg s26  }
0x17: {  	s29 =	sadd.s32 s5, s24;
	[dreg:$0x17] =	wrdreg s28  }
0x18: {  	s7 =	sadd.s32 s5, s31;
	[dreg:$0x18] =	wrdreg s29  }
0x19: {  	s11 =	sor.u32 $0x7000, s2;
	s3 =	sadd.s32 s5, s14;
	[dreg:$0xb] =	wrdreg s7  }
0x1a: {  	s13 =	sadd.s32 s0, s11;
	[dreg:$0x11] =	wrdreg s3  }
0x1b: {  	s7 =	sadd.s32 s5, s19;
	[dreg:$0x1d] =	wrdreg s13  }
0x1c: {  	s30 =	sor.u32 $0x6000, s2;
	s3 =	sadd.s32 s5, s23;
	[dreg:$0x13] =	wrdreg s7  }
0x1d: {  	s31 =	sor.u32 $0x6800, s2;
	s8 =	sadd.s32 s0, s30;
	[dreg:$0x16] =	wrdreg s3  }
0x1e: {  	s6 =	smax.u32 s6, $0x1;
	s9 =	sadd.s32 s0, s31;
	[dreg:$0x19] =	wrdreg s8  }
0x1f: {  	s12 =	sor.u32 $0x7800, s2;
	s10 =	sadd.s32 s5, s31;
	[dreg:$0x1b] =	wrdreg s9  }
0x20: {  	s16 =	sor.u32 $0x8000, s2;
	s14 =	sadd.s32 s0, s12;
	[dreg:$0x1c] =	wrdreg s10  }
0x21: {  	s17 =	sor.u32 $0x8800, s2;
	s15 =	sadd.s32 s5, s12;
	[dreg:$0x1f] =	wrdreg s14  }
0x22: {  	s21 =	sor.u32 $0x9000, s2;
	s18 =	sadd.s32 s0, s16;
	[smem:$0x7DF] =	sst s15  }
0x23: {  	s22 =	sor.u32 $0x9800, s2;
	s19 =	sadd.s32 s0, s17;
	[smem:$0x7E0] =	sst s18  }
0x24: {  	s26 =	sor.u32 $0xA000, s2;
	s20 =	sadd.s32 s5, s17;
	[smem:$0x7E2] =	sst s19  }
0x25: {  	s28 =	sor.u32 $0xA800, s2;
	s23 =	sadd.s32 s0, s21;
	[smem:$0x7E3] =	sst s20  }
0x26: {  	s4 =	sor.u32 $0xB000, s2;
	s24 =	sadd.s32 s0, s22;
	[smem:$0x7E4] =	sst s23  }
0x27: {  	s25 =	sadd.s32 s5, s22;
	s29 =	sadd.s32 s0, s26;
	[smem:$0x7E6] =	sst s24  }
0x28: {  	s31 =	sadd.s32 s5, s28;
	s12 =	sor.u32 $0xC000, s2;
	[smem:$0x7E7] =	sst s25  }
0x29: {  	s13 =	sor.u32 $0xC800, s2;
	s17 =	sor.u32 $0xD000, s2;
	[smem:$0x7E8] =	sst s29  }
0x2a: {  	s22 =	sadd.s32 s0, s2;
	s3 =	sadd.s32 s5, s30;
	[smem:$0x7EB] =	sst s31  }
0x2b: {  	s30 =	sadd.s32 s0, s28;
	s8 =	sor.u32 $0xB800, s2;
	[smem:$0x7F8] =	sst s22  }
0x2c: {  	s9 =	sadd.s32 s0, s4;
	s14 =	sadd.s32 s0, s12;
	[dreg:$0x1a] =	wrdreg s3  }
0x2d: {  	s15 =	sadd.s32 s0, s13;
	s18 =	sor.u32 $0xD800, s2;
	[smem:$0x7EA] =	sst s30  }
0x2e: {  	s19 =	sadd.s32 s0, s17;
	s23 =	sadd.s32 s5, s2;
	[smem:$0x7EC] =	sst s9  }
0x2f: {  	s24 =	sor.u32 $0xE000, s2;
	s25 =	sor.u32 $0xE800, s2;
	[smem:$0x7F0] =	sst s14  }
0x30: {  	s28 =	sor.u32 $0xF800, s2;
	s7 =	simm.s32 $0x4000;
	[smem:$0x7F2] =	sst s15  }
0x31: {  	s22 =	simm.s32 $0xB;
	s3 =	sadd.s32 s5, s11;
	[smem:$0x7F4] =	sst s19  }
0x32: {  	s10 =	sadd.s32 s0, s8;
	s11 =	sadd.s32 s5, s8;
	[smem:$0x7F9] =	sst s23  }
0x33: {  	s20 =	sadd.s32 s0, s18;
	s29 =	sadd.s32 s0, s24;
	[dreg:$0x1e] =	wrdreg s3  }
0x34: {  	s30 =	sadd.s32 s0, s25;
	s8 =	simm.s32 $0x8000;
	[smem:$0x7EE] =	sst s10  }
0x35: {  	s9 =	simm.s32 $0xC000;
	s14 =	simm.s32 $0x3;
	[smem:$0x7EF] =	sst s11  }
0x36: {  	s15 =	simm.s32 $0x7;
	s19 =	simm.s32 $0x9;
	[smem:$0x7F6] =	sst s20  }
0x37: {  	s23 =	simm.s32 $0xC;
	s3 =	sadd.s32 s5, s16;
	[smem:$0x7FA] =	sst s29  }
0x38: {  	s16 =	sadd.s32 s5, s13;
	[smem:$0x7FB] =	sst s30;
	s10 =	simm.s32 $0x1  }
0x39: {  	s11 =	simm.s32 $0x10000;
	s13 =	simm.s32 $0x14000;
	[smem:$0x7E1] =	sst s3  }
0x3a: {  	s20 =	simm.s32 $0x6;
	s3 =	sadd.s32 s5, s21;
	[smem:$0x7F3] =	sst s16  }
0x3b: {  	s21 =	sadd.s32 s5, s18;
	s16 =	simm.s32 $0x4;
	[smem:$0x7E5] =	sst s3  }
0x3c: {  	s18 =	simm.s32 $0x5;
	s3 =	sadd.s32 s5, s26;
	[smem:$0x7F7] =	sst s21  }
0x3d: {  	s26 =	sor.u32 $0xF000, s2;
	[smem:$0x7E9] =	sst s3;
	s3 =	sadd.s32 s5, s4  }
0x3e: {  	s2 =	sadd.s32 s5, s24;
	s31 =	sadd.s32 s0, s26;
	[smem:$0x7ED] =	sst s3  }
0x3f: {  	s21 =	simm.s32 $0xA;
	s0 =	sadd.s32 s0, s28;
	[smem:$0x7FC] =	sst s31  }
0x40: {  	s24 =	simm.s32 $0x0;
	s3 =	sadd.s32 s5, s12;
	[smem:$0x7FD] =	sst s0  }
0x41: {  	s4 =	sadd.s32 s5, s26;
	[smem:$0x7F1] =	sst s3;
	s3 =	sadd.s32 s5, s17  }
0x42: {  	s12 =	simm.s32 $0x2;
	s17 =	simm.s32 $0x8;
	[smem:$0x7F5] =	sst s3  }
0x43: {  	s3 =	sadd.s32 s5, s25;
	s5 =	sadd.s32 s5, s28;
	_ =	strace $0x80000047  }
.LBB2_1:
0x44: {  	s0 =	sld [smem:$0x7F8];
	_ =	sdelay $0x2  }
0x45: {  	[tilespmem:s1], [sflag:$0x1] =	stream.linear.gather [hbm4b:s0+s1], $0x4000, $0x38;
	[tilespmem:$0x18000] =	vst v63  }
0x46: {  	s31 =	rddreg [dreg:$0x3]  }
0x47: {  	[tilespmem:s7], [sflag:$0x2] =	stream.linear.gather [hbm4b:s31+s1], $0x4000, $0x38;
	[tilespmem:$0x18000] =	vst v63  }
0x48: {  	s25 =	rddreg [dreg:$0x4]  }
0x49: {  	[tilespmem:s8], [sflag:$0x3] =	stream.linear.gather [hbm4b:s25+s1], $0x4000, $0x38;
	[tilespmem:$0x18000] =	vst v63  }
0x4a: {  	s26 =	rddreg [dreg:$0x5]  }
0x4b: {  	[tilespmem:s9], [sflag:$0x4] =	stream.linear.gather [hbm4b:s26+s1], $0x4000, $0x38;
	[tilespmem:$0x18000] =	vst v63  }
0x4c: {  	_ =	swait.ge [sflag:s10], $0x4000  }
0x4d: {  	s25 =	sand.u32 $0x3C00, s1;
	s26 =	sand.u32 $0x380, s1;
	[sflag:s10] =	ssyncset.done $0x0  }
0x4e: {  	s26 =	sor.u32 s26, s25;
	[sflag:s10] =	ssyncadd.s32 $0xFFFFC000  }
0x4f: {  	v0 =	vld [tilespmem:s26+$0x70]  }
0x50: {  	v1 =	vld [tilespmem:s26+$0x0]  }
0x51: {  	v2 =	vld [tilespmem:s26+$0x10]  }
0x52: {  	v7 =	vld [tilespmem:s26+$0x50]  }
0x53: {  	v3 =	vld [tilespmem:s26+$0x20]  }
0x54: {  	s28 =	simm.s32 $0x400;
	s31 =	simm.s32 $0x8;
	v5 =	vld [tilespmem:s26+$0x30];
	v0 =	vmul.f32 $2.209708650e-02, v0  }
0x55: {  	s28 =	sand.u32 $0x3C00, s28;
	s25 =	sand.u32 $0x380, s31;
	v6 =	vld [tilespmem:s26+$0x40];
	v1 =	vmul.f32 $2.209708650e-02, v1  }
0x56: {  	s25 =	sor.u32 s25, s28;
	v8 =	vld [tilespmem:s26+$0x60];
	v2 =	vmul.f32 $2.209708650e-02, v2;
	[tilespmem:s26+$0x70] =	vst v0  }
0x57: {  	v9 =	vld [tilespmem:s25+$0x70];
	v7 =	vmul.f32 $2.209708650e-02, v7;
	[tilespmem:s26+$0x0] =	vst v1  }
0x58: {  	v4 =	vld [tilespmem:s25+$0x0];
	v0 =	vmul.f32 $2.209708650e-02, v3;
	[tilespmem:s26+$0x10] =	vst v2  }
0x59: {  	v1 =	vmul.f32 $2.209708650e-02, v5;
	v3 =	vld [tilespmem:s25+$0x10];
	[tilespmem:s26+$0x50] =	vst v7  }
0x5a: {  	v2 =	vmul.f32 $2.209708650e-02, v6;
	[tilespmem:s26+$0x20] =	vst v0;
	v0 =	vld [tilespmem:s25+$0x20]  }
0x5b: {  	v6 =	vmul.f32 $2.209708650e-02, v8;
	[tilespmem:s26+$0x30] =	vst v1;
	v1 =	vld [tilespmem:s25+$0x30]  }
0x5c: {  	s29 =	simm.s32 $0x10;
	s30 =	simm.s32 $0x800;
	s28 =	simm.s32 $0x80;
	v5 =	vmul.f32 $2.209708650e-02, v9;
	[tilespmem:s26+$0x40] =	vst v2;
	v2 =	vld [tilespmem:s25+$0x40]  }
.LBB2_2:
0x5d: {  	s31 =	sand.u32 $0x3C00, s30;
	s0 =	sand.u32 $0x380, s29;
	s28 =	sadd.s32 $0x80, s28;
	v4 =	vmul.f32 $2.209708650e-02, v4;
	v7 =	vld [tilespmem:s25+$0x50];
	[tilespmem:s26+$0x60] =	vst v6  }
0x5e: {  	s26 =	smov.u32 s25;
	p0 =	slt.u32 s28, $0x3F80;
	v3 =	vmul.f32 $2.209708650e-02, v3;
	v6 =	vld [tilespmem:s25+$0x60];
	[tilespmem:s25+$0x70] =	vst v5;
	s25 =	sor.u32 s0, s31  }
0x5f: {  	v5 =	vld [tilespmem:s25+$0x70];
	[tilespmem:s26+$0x0] =	vst v4;
	v0 =	vmul.f32 $2.209708650e-02, v0  }
.Ltmp0:
0x60: {  	v4 =	vld [tilespmem:s25+$0x0];
	[tilespmem:s26+$0x10] =	vst v3;
	v1 =	vmul.f32 $2.209708650e-02, v1;
	(pc) =	sbr.rel @p0 .LBB2_2-.Ltmp0, $4  }
0x61: {  	v3 =	vld [tilespmem:s25+$0x10];
	[tilespmem:s26+$0x20] =	vst v0;
	v2 =	vmul.f32 $2.209708650e-02, v2  }
0x62: {  	v0 =	vld [tilespmem:s25+$0x20];
	[tilespmem:s26+$0x30] =	vst v1;
	v7 =	vmul.f32 $2.209708650e-02, v7  }
0x63: {  	v1 =	vld [tilespmem:s25+$0x30];
	[tilespmem:s26+$0x40] =	vst v2;
	v6 =	vmul.f32 $2.209708650e-02, v6  }
0x64: {  	s29 =	sadd.s32 $0x8, s29;
	s30 =	sadd.s32 $0x400, s30;
	v2 =	vld [tilespmem:s25+$0x40];
	v5 =	vmul.f32 $2.209708650e-02, v5;
	[tilespmem:s26+$0x50] =	vst v7  }
0x65: {  	v4 =	vmul.f32 $2.209708650e-02, v4;
	v7 =	vld [tilespmem:s25+$0x50];
	[tilespmem:s26+$0x60] =	vst v6  }
0x66: {  	v6 =	vld [tilespmem:s25+$0x60];
	v3 =	vmul.f32 $2.209708650e-02, v3;
	[tilespmem:s25+$0x70] =	vst v5  }
0x67: {  	[tilespmem:s25+$0x0] =	vst v4;
	v0 =	vmul.f32 $2.209708650e-02, v0  }
0x68: {  	[tilespmem:s25+$0x10] =	vst v3;
	v1 =	vmul.f32 $2.209708650e-02, v1  }
0x69: {  	[tilespmem:s25+$0x20] =	vst v0;
	v0 =	vmul.f32 $2.209708650e-02, v2  }
0x6a: {  	[tilespmem:s25+$0x30] =	vst v1;
	v1 =	vmul.f32 $2.209708650e-02, v7  }
0x6b: {  	[tilespmem:s25+$0x40] =	vst v0;
	v0 =	vmul.f32 $2.209708650e-02, v6  }
0x6c: {  	[tilespmem:s25+$0x50] =	vst v1  }
0x6d: {  	[tilespmem:s25+$0x60] =	vst v0  }
0x6e: {  	s25 =	sld [smem:$0x7F9];
	_ =	sdelay $0x1  }
0x6f: {  	s0 =	simm.s32 $0x0  }
0x70: {  	[hbm4b:s25+s0] =	stream.linear.scatter [tilespmem:s0], [sflag:$0x7], $0x4000, $0x38;
	[tilespmem:$0x18000] =	vst v63  }
0x71: {  	s31 =	rddreg [dreg:$0x6]  }
0x72: {  	[tilespmem:s11], [sflag:$0x5] =	stream.linear.gather [hbm4b:s31+s0], $0x4000, $0x38;
	[tilespmem:$0x18000] =	vst v63  }
0x73: {  	_ =	swait.ge [sflag:s12], $0x4000  }
0x74: {  	s26 =	sand.u32 $0x3C00, s0;
	s0 =	sand.u32 $0x380, s0;
	[sflag:s12] =	ssyncset.done $0x0  }
0x75: {  	s26 =	sor.u32 s0, s26;
	[sflag:s12] =	ssyncadd.s32 $0xFFFFC000  }
0x76: {  	v0 =	vld [tilespmem:s26+$0x4070]  }
0x77: {  	v1 =	vld [tilespmem:s26+$0x4000]  }
0x78: {  	v2 =	vld [tilespmem:s26+$0x4010]  }
0x79: {  	v7 =	vld [tilespmem:s26+$0x4050]  }
0x7a: {  	v3 =	vld [tilespmem:s26+$0x4020]  }
0x7b: {  	s31 =	simm.s32 $0x400;
	s0 =	simm.s32 $0x8;
	v5 =	vld [tilespmem:s26+$0x4030];
	v0 =	vmul.f32 $2.209708650e-02, v0  }
0x7c: {  	s25 =	sand.u32 $0x3C00, s31;
	s0 =	sand.u32 $0x380, s0;
	v6 =	vld [tilespmem:s26+$0x4040];
	v1 =	vmul.f32 $2.209708650e-02, v1  }
0x7d: {  	s25 =	sor.u32 s0, s25;
	v8 =	vld [tilespmem:s26+$0x4060];
	v2 =	vmul.f32 $2.209708650e-02, v2;
	[tilespmem:s26+$0x4070] =	vst v0  }
0x7e: {  	v9 =	vld [tilespmem:s25+$0x4070];
	v7 =	vmul.f32 $2.209708650e-02, v7;
	[tilespmem:s26+$0x4000] =	vst v1  }
0x7f: {  	v4 =	vld [tilespmem:s25+$0x4000];
	v0 =	vmul.f32 $2.209708650e-02, v3;
	[tilespmem:s26+$0x4010] =	vst v2  }
0x80: {  	v1 =	vmul.f32 $2.209708650e-02, v5;
	v3 =	vld [tilespmem:s25+$0x4010];
	[tilespmem:s26+$0x4050] =	vst v7  }
0x81: {  	v2 =	vmul.f32 $2.209708650e-02, v6;
	[tilespmem:s26+$0x4020] =	vst v0;
	v0 =	vld [tilespmem:s25+$0x4020]  }
0x82: {  	v6 =	vmul.f32 $2.209708650e-02, v8;
	[tilespmem:s26+$0x4030] =	vst v1;
	v1 =	vld [tilespmem:s25+$0x4030]  }
0x83: {  	s28 =	simm.s32 $0x80;
	s29 =	simm.s32 $0x10;
	s30 =	simm.s32 $0x800;
	v5 =	vmul.f32 $2.209708650e-02, v9;
	[tilespmem:s26+$0x4040] =	vst v2;
	v2 =	vld [tilespmem:s25+$0x4040]  }
.LBB2_4:
0x84: {  	s0 =	sand.u32 $0x3C00, s30;
	s31 =	sand.u32 $0x380, s29;
	s28 =	sadd.s32 $0x80, s28;
	v4 =	vmul.f32 $2.209708650e-02, v4;
	v7 =	vld [tilespmem:s25+$0x4050];
	[tilespmem:s26+$0x4060] =	vst v6  }
0x85: {  	s26 =	smov.u32 s25;
	p0 =	slt.u32 s28, $0x3F80;
	v3 =	vmul.f32 $2.209708650e-02, v3;
	v6 =	vld [tilespmem:s25+$0x4060];
	[tilespmem:s25+$0x4070] =	vst v5;
	s25 =	sor.u32 s31, s0  }
0x86: {  	v5 =	vld [tilespmem:s25+$0x4070];
	[tilespmem:s26+$0x4000] =	vst v4;
	v0 =	vmul.f32 $2.209708650e-02, v0  }
.Ltmp1:
0x87: {  	v4 =	vld [tilespmem:s25+$0x4000];
	[tilespmem:s26+$0x4010] =	vst v3;
	v1 =	vmul.f32 $2.209708650e-02, v1;
	(pc) =	sbr.rel @p0 .LBB2_4-.Ltmp1, $4  }
0x88: {  	v3 =	vld [tilespmem:s25+$0x4010];
	[tilespmem:s26+$0x4020] =	vst v0;
	v2 =	vmul.f32 $2.209708650e-02, v2  }
0x89: {  	v0 =	vld [tilespmem:s25+$0x4020];
	[tilespmem:s26+$0x4030] =	vst v1;
	v7 =	vmul.f32 $2.209708650e-02, v7  }
0x8a: {  	v1 =	vld [tilespmem:s25+$0x4030];
	[tilespmem:s26+$0x4040] =	vst v2;
	v6 =	vmul.f32 $2.209708650e-02, v6  }
0x8b: {  	s29 =	sadd.s32 $0x8, s29;
	s30 =	sadd.s32 $0x400, s30;
	v2 =	vld [tilespmem:s25+$0x4040];
	v5 =	vmul.f32 $2.209708650e-02, v5;
	[tilespmem:s26+$0x4050] =	vst v7  }
0x8c: {  	v4 =	vmul.f32 $2.209708650e-02, v4;
	v7 =	vld [tilespmem:s25+$0x4050];
	[tilespmem:s26+$0x4060] =	vst v6  }
0x8d: {  	v6 =	vld [tilespmem:s25+$0x4060];
	v3 =	vmul.f32 $2.209708650e-02, v3;
	[tilespmem:s25+$0x4070] =	vst v5  }
0x8e: {  	[tilespmem:s25+$0x4000] =	vst v4;
	v0 =	vmul.f32 $2.209708650e-02, v0  }
0x8f: {  	[tilespmem:s25+$0x4010] =	vst v3;
	v1 =	vmul.f32 $2.209708650e-02, v1  }
0x90: {  	[tilespmem:s25+$0x4020] =	vst v0;
	v0 =	vmul.f32 $2.209708650e-02, v2  }
0x91: {  	[tilespmem:s25+$0x4030] =	vst v1;
	v1 =	vmul.f32 $2.209708650e-02, v7  }
0x92: {  	[tilespmem:s25+$0x4040] =	vst v0;
	v0 =	vmul.f32 $2.209708650e-02, v6  }
0x93: {  	[tilespmem:s25+$0x4050] =	vst v1  }
0x94: {  	[tilespmem:s25+$0x4060] =	vst v0  }
0x95: {  	s0 =	simm.s32 $0x0;
	s25 =	rddreg [dreg:$0x7]  }
0x96: {  	[hbm4b:s25+s0] =	stream.linear.scatter [tilespmem:s7], [sflag:$0x8], $0x4000, $0x38;
	[tilespmem:$0x18000] =	vst v63  }
0x97: {  	s31 =	rddreg [dreg:$0x8]  }
0x98: {  	[tilespmem:s13], [sflag:$0x6] =	stream.linear.gather [hbm4b:s31+s0], $0x4000, $0x38;
	[tilespmem:$0x18000] =	vst v63  }
0x99: {  	_ =	swait.ge [sflag:s14], $0x4000  }
0x9a: {  	s26 =	sand.u32 $0x3C00, s0;
	s0 =	sand.u32 $0x380, s0;
	[sflag:s14] =	ssyncset.done $0x0  }
0x9b: {  	s26 =	sor.u32 s0, s26;
	[sflag:s14] =	ssyncadd.s32 $0xFFFFC000  }
0x9c: {  	v0 =	vld [tilespmem:s26+$0x8070]  }
0x9d: {  	v1 =	vld [tilespmem:s26+$0x8000]  }
0x9e: {  	v2 =	vld [tilespmem:s26+$0x8010]  }
0x9f: {  	v7 =	vld [tilespmem:s26+$0x8050]  }
0xa0: {  	v3 =	vld [tilespmem:s26+$0x8020]  }
0xa1: {  	s31 =	simm.s32 $0x400;
	s0 =	simm.s32 $0x8;
	v5 =	vld [tilespmem:s26+$0x8030];
	v0 =	vmul.f32 $2.209708650e-02, v0  }
0xa2: {  	s25 =	sand.u32 $0x3C00, s31;
	s0 =	sand.u32 $0x380, s0;
	v6 =	vld [tilespmem:s26+$0x8040];
	v1 =	vmul.f32 $2.209708650e-02, v1  }
0xa3: {  	s25 =	sor.u32 s0, s25;
	v8 =	vld [tilespmem:s26+$0x8060];
	v2 =	vmul.f32 $2.209708650e-02, v2;
	[tilespmem:s26+$0x8070] =	vst v0  }
0xa4: {  	v9 =	vld [tilespmem:s25+$0x8070];
	v7 =	vmul.f32 $2.209708650e-02, v7;
	[tilespmem:s26+$0x8000] =	vst v1  }
0xa5: {  	v4 =	vld [tilespmem:s25+$0x8000];
	v0 =	vmul.f32 $2.209708650e-02, v3;
	[tilespmem:s26+$0x8010] =	vst v2  }
0xa6: {  	v1 =	vmul.f32 $2.209708650e-02, v5;
	v3 =	vld [tilespmem:s25+$0x8010];
	[tilespmem:s26+$0x8050] =	vst v7  }
0xa7: {  	v2 =	vmul.f32 $2.209708650e-02, v6;
	[tilespmem:s26+$0x8020] =	vst v0;
	v0 =	vld [tilespmem:s25+$0x8020]  }
0xa8: {  	v6 =	vmul.f32 $2.209708650e-02, v8;
	[tilespmem:s26+$0x8030] =	vst v1;
	v1 =	vld [tilespmem:s25+$0x8030]  }
0xa9: {  	s28 =	simm.s32 $0x80;
	s29 =	simm.s32 $0x10;
	s30 =	simm.s32 $0x800;
	v5 =	vmul.f32 $2.209708650e-02, v9;
	[tilespmem:s26+$0x8040] =	vst v2;
	v2 =	vld [tilespmem:s25+$0x8040]  }
.LBB2_6:
0xaa: {  	s0 =	sand.u32 $0x3C00, s30;
	s31 =	sand.u32 $0x380, s29;
	s28 =	sadd.s32 $0x80, s28;
	v4 =	vmul.f32 $2.209708650e-02, v4;
	v7 =	vld [tilespmem:s25+$0x8050];
	[tilespmem:s26+$0x8060] =	vst v6  }
0xab: {  	s26 =	smov.u32 s25;
	p0 =	slt.u32 s28, $0x3F80;
	v3 =	vmul.f32 $2.209708650e-02, v3;
	v6 =	vld [tilespmem:s25+$0x8060];
	[tilespmem:s25+$0x8070] =	vst v5;
	s25 =	sor.u32 s31, s0  }
0xac: {  	v5 =	vld [tilespmem:s25+$0x8070];
	[tilespmem:s26+$0x8000] =	vst v4;
	v0 =	vmul.f32 $2.209708650e-02, v0  }
.Ltmp2:
0xad: {  	v4 =	vld [tilespmem:s25+$0x8000];
	[tilespmem:s26+$0x8010] =	vst v3;
	v1 =	vmul.f32 $2.209708650e-02, v1;
	(pc) =	sbr.rel @p0 .LBB2_6-.Ltmp2, $4  }
0xae: {  	v3 =	vld [tilespmem:s25+$0x8010];
	[tilespmem:s26+$0x8020] =	vst v0;
	v2 =	vmul.f32 $2.209708650e-02, v2  }
0xaf: {  	v0 =	vld [tilespmem:s25+$0x8020];
	[tilespmem:s26+$0x8030] =	vst v1;
	v7 =	vmul.f32 $2.209708650e-02, v7  }
0xb0: {  	v1 =	vld [tilespmem:s25+$0x8030];
	[tilespmem:s26+$0x8040] =	vst v2;
	v6 =	vmul.f32 $2.209708650e-02, v6  }
0xb1: {  	s29 =	sadd.s32 $0x8, s29;
	s30 =	sadd.s32 $0x400, s30;
	v2 =	vld [tilespmem:s25+$0x8040];
	v5 =	vmul.f32 $2.209708650e-02, v5;
	[tilespmem:s26+$0x8050] =	vst v7  }
0xb2: {  	v4 =	vmul.f32 $2.209708650e-02, v4;
	v7 =	vld [tilespmem:s25+$0x8050];
	[tilespmem:s26+$0x8060] =	vst v6  }
0xb3: {  	v6 =	vld [tilespmem:s25+$0x8060];
	v3 =	vmul.f32 $2.209708650e-02, v3;
	[tilespmem:s25+$0x8070] =	vst v5  }
0xb4: {  	[tilespmem:s25+$0x8000] =	vst v4;
	v0 =	vmul.f32 $2.209708650e-02, v0  }
0xb5: {  	[tilespmem:s25+$0x8010] =	vst v3;
	v1 =	vmul.f32 $2.209708650e-02, v1  }
0xb6: {  	[tilespmem:s25+$0x8020] =	vst v0;
	v0 =	vmul.f32 $2.209708650e-02, v2  }
0xb7: {  	[tilespmem:s25+$0x8030] =	vst v1;
	v1 =	vmul.f32 $2.209708650e-02, v7  }
0xb8: {  	[tilespmem:s25+$0x8040] =	vst v0;
	v0 =	vmul.f32 $2.209708650e-02, v6  }
0xb9: {  	[tilespmem:s25+$0x8050] =	vst v1  }
0xba: {  	[tilespmem:s25+$0x8060] =	vst v0  }
0xbb: {  	s0 =	simm.s32 $0x0;
	s25 =	rddreg [dreg:$0x9]  }
0xbc: {  	[hbm4b:s25+s0] =	stream.linear.scatter [tilespmem:s8], [sflag:$0x9], $0x4000, $0x38;
	[tilespmem:$0x18000] =	vst v63  }
0xbd: {  	_ =	swait.ge [sflag:s15], $0x4000  }
0xbe: {  	[sflag:s15] =	ssyncset.done $0x0  }
0xbf: {  	s31 =	rddreg [dreg:$0xa];
	[sflag:s15] =	ssyncadd.s32 $0xFFFFC000  }
0xc0: {  	[tilespmem:s0], [sflag:$0x1] =	stream.linear.gather [hbm4b:s31+s0], $0x4000, $0x38;
	[tilespmem:$0x18000] =	vst v63  }
0xc1: {  	_ =	swait.ge [sflag:s16], $0x4000  }
0xc2: {  	s26 =	sand.u32 $0x3C00, s0;
	s0 =	sand.u32 $0x380, s0;
	[sflag:s16] =	ssyncset.done $0x0  }
0xc3: {  	s26 =	sor.u32 s0, s26;
	[sflag:s16] =	ssyncadd.s32 $0xFFFFC000  }
0xc4: {  	v0 =	vld [tilespmem:s26+$0xC070]  }
0xc5: {  	v1 =	vld [tilespmem:s26+$0xC000]  }
0xc6: {  	v2 =	vld [tilespmem:s26+$0xC010]  }
0xc7: {  	v7 =	vld [tilespmem:s26+$0xC050]  }
0xc8: {  	v3 =	vld [tilespmem:s26+$0xC020]  }
0xc9: {  	s31 =	simm.s32 $0x400;
	s0 =	simm.s32 $0x8;
	v5 =	vld [tilespmem:s26+$0xC030];
	v0 =	vmul.f32 $2.209708650e-02, v0  }
0xca: {  	s25 =	sand.u32 $0x3C00, s31;
	s0 =	sand.u32 $0x380, s0;
	v6 =	vld [tilespmem:s26+$0xC040];
	v1 =	vmul.f32 $2.209708650e-02, v1  }
0xcb: {  	s25 =	sor.u32 s0, s25;
	v8 =	vld [tilespmem:s26+$0xC060];
	v2 =	vmul.f32 $2.209708650e-02, v2;
	[tilespmem:s26+$0xC070] =	vst v0  }
0xcc: {  	v9 =	vld [tilespmem:s25+$0xC070];
	v7 =	vmul.f32 $2.209708650e-02, v7;
	[tilespmem:s26+$0xC000] =	vst v1  }
0xcd: {  	v4 =	vld [tilespmem:s25+$0xC000];
	v0 =	vmul.f32 $2.209708650e-02, v3;
	[tilespmem:s26+$0xC010] =	vst v2  }
0xce: {  	v1 =	vmul.f32 $2.209708650e-02, v5;
	v3 =	vld [tilespmem:s25+$0xC010];
	[tilespmem:s26+$0xC050] =	vst v7  }
0xcf: {  	v2 =	vmul.f32 $2.209708650e-02, v6;
	[tilespmem:s26+$0xC020] =	vst v0;
	v0 =	vld [tilespmem:s25+$0xC020]  }
0xd0: {  	v6 =	vmul.f32 $2.209708650e-02, v8;
	[tilespmem:s26+$0xC030] =	vst v1;
	v1 =	vld [tilespmem:s25+$0xC030]  }
0xd1: {  	s28 =	simm.s32 $0x80;
	s29 =	simm.s32 $0x10;
	s30 =	simm.s32 $0x800;
	v5 =	vmul.f32 $2.209708650e-02, v9;
	[tilespmem:s26+$0xC040] =	vst v2;
	v2 =	vld [tilespmem:s25+$0xC040]  }
.LBB2_8:
0xd2: {  	s0 =	sand.u32 $0x3C00, s30;
	s31 =	sand.u32 $0x380, s29;
	s28 =	sadd.s32 $0x80, s28;
	v4 =	vmul.f32 $2.209708650e-02, v4;
	v7 =	vld [tilespmem:s25+$0xC050];
	[tilespmem:s26+$0xC060] =	vst v6  }
0xd3: {  	s26 =	smov.u32 s25;
	p0 =	slt.u32 s28, $0x3F80;
	v3 =	vmul.f32 $2.209708650e-02, v3;
	v6 =	vld [tilespmem:s25+$0xC060];
	[tilespmem:s25+$0xC070] =	vst v5;
	s25 =	sor.u32 s31, s0  }
0xd4: {  	v5 =	vld [tilespmem:s25+$0xC070];
	[tilespmem:s26+$0xC000] =	vst v4;
	v0 =	vmul.f32 $2.209708650e-02, v0  }
.Ltmp3:
0xd5: {  	v4 =	vld [tilespmem:s25+$0xC000];
	[tilespmem:s26+$0xC010] =	vst v3;
	v1 =	vmul.f32 $2.209708650e-02, v1;
	(pc) =	sbr.rel @p0 .LBB2_8-.Ltmp3, $4  }
0xd6: {  	v3 =	vld [tilespmem:s25+$0xC010];
	[tilespmem:s26+$0xC020] =	vst v0;
	v2 =	vmul.f32 $2.209708650e-02, v2  }
0xd7: {  	v0 =	vld [tilespmem:s25+$0xC020];
	[tilespmem:s26+$0xC030] =	vst v1;
	v7 =	vmul.f32 $2.209708650e-02, v7  }
0xd8: {  	v1 =	vld [tilespmem:s25+$0xC030];
	[tilespmem:s26+$0xC040] =	vst v2;
	v6 =	vmul.f32 $2.209708650e-02, v6  }
0xd9: {  	s29 =	sadd.s32 $0x8, s29;
	s30 =	sadd.s32 $0x400, s30;
	v2 =	vld [tilespmem:s25+$0xC040];
	v5 =	vmul.f32 $2.209708650e-02, v5;
	[tilespmem:s26+$0xC050] =	vst v7  }
0xda: {  	v4 =	vmul.f32 $2.209708650e-02, v4;
	v7 =	vld [tilespmem:s25+$0xC050];
	[tilespmem:s26+$0xC060] =	vst v6  }
0xdb: {  	v6 =	vld [tilespmem:s25+$0xC060];
	v3 =	vmul.f32 $2.209708650e-02, v3;
	[tilespmem:s25+$0xC070] =	vst v5  }
0xdc: {  	[tilespmem:s25+$0xC000] =	vst v4;
	v0 =	vmul.f32 $2.209708650e-02, v0  }
0xdd: {  	[tilespmem:s25+$0xC010] =	vst v3;
	v1 =	vmul.f32 $2.209708650e-02, v1  }
0xde: {  	[tilespmem:s25+$0xC020] =	vst v0;
	v0 =	vmul.f32 $2.209708650e-02, v2  }
0xdf: {  	[tilespmem:s25+$0xC030] =	vst v1;
	v1 =	vmul.f32 $2.209708650e-02, v7  }
0xe0: {  	[tilespmem:s25+$0xC040] =	vst v0;
	v0 =	vmul.f32 $2.209708650e-02, v6  }
0xe1: {  	[tilespmem:s25+$0xC050] =	vst v1  }
0xe2: {  	[tilespmem:s25+$0xC060] =	vst v0  }
0xe3: {  	s0 =	simm.s32 $0x0;
	s25 =	rddreg [dreg:$0xb]  }
0xe4: {  	[hbm4b:s25+s0] =	stream.linear.scatter [tilespmem:s9], [sflag:$0xA], $0x4000, $0x38;
	[tilespmem:$0x18000] =	vst v63  }
0xe5: {  	_ =	swait.ge [sflag:s17], $0x4000  }
0xe6: {  	[sflag:s17] =	ssyncset.done $0x0  }
0xe7: {  	s31 =	rddreg [dreg:$0xc];
	[sflag:s17] =	ssyncadd.s32 $0xFFFFC000  }
0xe8: {  	[tilespmem:s7], [sflag:$0x2] =	stream.linear.gather [hbm4b:s31+s0], $0x4000, $0x38;
	[tilespmem:$0x18000] =	vst v63  }
0xe9: {  	_ =	swait.ge [sflag:s18], $0x4000  }
0xea: {  	s26 =	sand.u32 $0x3C00, s0;
	s0 =	sand.u32 $0x380, s0;
	[sflag:s18] =	ssyncset.done $0x0  }
0xeb: {  	s26 =	sor.u32 s0, s26;
	[sflag:s18] =	ssyncadd.s32 $0xFFFFC000  }
0xec: {  	v0 =	vld [tilespmem:s26+$0x10070]  }
0xed: {  	v1 =	vld [tilespmem:s26+$0x10000]  }
0xee: {  	v2 =	vld [tilespmem:s26+$0x10010]  }
0xef: {  	v7 =	vld [tilespmem:s26+$0x10050]  }
0xf0: {  	v3 =	vld [tilespmem:s26+$0x10020]  }
0xf1: {  	s31 =	simm.s32 $0x400;
	s0 =	simm.s32 $0x8;
	v5 =	vld [tilespmem:s26+$0x10030];
	v0 =	vmul.f32 $2.209708650e-02, v0  }
0xf2: {  	s25 =	sand.u32 $0x3C00, s31;
	s0 =	sand.u32 $0x380, s0;
	v6 =	vld [tilespmem:s26+$0x10040];
	v1 =	vmul.f32 $2.209708650e-02, v1  }
0xf3: {  	s25 =	sor.u32 s0, s25;
	v8 =	vld [tilespmem:s26+$0x10060];
	v2 =	vmul.f32 $2.209708650e-02, v2;
	[tilespmem:s26+$0x10070] =	vst v0  }
0xf4: {  	v9 =	vld [tilespmem:s25+$0x10070];
	v7 =	vmul.f32 $2.209708650e-02, v7;
	[tilespmem:s26+$0x10000] =	vst v1  }
0xf5: {  	v4 =	vld [tilespmem:s25+$0x10000];
	v0 =	vmul.f32 $2.209708650e-02, v3;
	[tilespmem:s26+$0x10010] =	vst v2  }
0xf6: {  	v1 =	vmul.f32 $2.209708650e-02, v5;
	v3 =	vld [tilespmem:s25+$0x10010];
	[tilespmem:s26+$0x10050] =	vst v7  }
0xf7: {  	v2 =	vmul.f32 $2.209708650e-02, v6;
	[tilespmem:s26+$0x10020] =	vst v0;
	v0 =	vld [tilespmem:s25+$0x10020]  }
0xf8: {  	v6 =	vmul.f32 $2.209708650e-02, v8;
	[tilespmem:s26+$0x10030] =	vst v1;
	v1 =	vld [tilespmem:s25+$0x10030]  }
0xf9: {  	s28 =	simm.s32 $0x80;
	s29 =	simm.s32 $0x10;
	s30 =	simm.s32 $0x800;
	v5 =	vmul.f32 $2.209708650e-02, v9;
	[tilespmem:s26+$0x10040] =	vst v2;
	v2 =	vld [tilespmem:s25+$0x10040]  }
.LBB2_10:
0xfa: {  	s0 =	sand.u32 $0x3C00, s30;
	s31 =	sand.u32 $0x380, s29;
	s28 =	sadd.s32 $0x80, s28;
	v4 =	vmul.f32 $2.209708650e-02, v4;
	v7 =	vld [tilespmem:s25+$0x10050];
	[tilespmem:s26+$0x10060] =	vst v6  }
0xfb: {  	s26 =	smov.u32 s25;
	p0 =	slt.u32 s28, $0x3F80;
	v3 =	vmul.f32 $2.209708650e-02, v3;
	v6 =	vld [tilespmem:s25+$0x10060];
	[tilespmem:s25+$0x10070] =	vst v5;
	s25 =	sor.u32 s31, s0  }
0xfc: {  	v5 =	vld [tilespmem:s25+$0x10070];
	[tilespmem:s26+$0x10000] =	vst v4;
	v0 =	vmul.f32 $2.209708650e-02, v0  }
.Ltmp4:
0xfd: {  	v4 =	vld [tilespmem:s25+$0x10000];
	[tilespmem:s26+$0x10010] =	vst v3;
	v1 =	vmul.f32 $2.209708650e-02, v1;
	(pc) =	sbr.rel @p0 .LBB2_10-.Ltmp4, $4  }
0xfe: {  	v3 =	vld [tilespmem:s25+$0x10010];
	[tilespmem:s26+$0x10020] =	vst v0;
	v2 =	vmul.f32 $2.209708650e-02, v2  }
0xff: {  	v0 =	vld [tilespmem:s25+$0x10020];
	[tilespmem:s26+$0x10030] =	vst v1;
	v7 =	vmul.f32 $2.209708650e-02, v7  }
0x100: {  	v1 =	vld [tilespmem:s25+$0x10030];
	[tilespmem:s26+$0x10040] =	vst v2;
	v6 =	vmul.f32 $2.209708650e-02, v6  }
0x101: {  	s29 =	sadd.s32 $0x8, s29;
	s30 =	sadd.s32 $0x400, s30;
	v2 =	vld [tilespmem:s25+$0x10040];
	v5 =	vmul.f32 $2.209708650e-02, v5;
	[tilespmem:s26+$0x10050] =	vst v7  }
0x102: {  	v4 =	vmul.f32 $2.209708650e-02, v4;
	v7 =	vld [tilespmem:s25+$0x10050];
	[tilespmem:s26+$0x10060] =	vst v6  }
0x103: {  	v6 =	vld [tilespmem:s25+$0x10060];
	v3 =	vmul.f32 $2.209708650e-02, v3;
	[tilespmem:s25+$0x10070] =	vst v5  }
0x104: {  	[tilespmem:s25+$0x10000] =	vst v4;
	v0 =	vmul.f32 $2.209708650e-02, v0  }
0x105: {  	[tilespmem:s25+$0x10010] =	vst v3;
	v1 =	vmul.f32 $2.209708650e-02, v1  }
0x106: {  	[tilespmem:s25+$0x10020] =	vst v0;
	v0 =	vmul.f32 $2.209708650e-02, v2  }
0x107: {  	[tilespmem:s25+$0x10030] =	vst v1;
	v1 =	vmul.f32 $2.209708650e-02, v7  }
0x108: {  	[tilespmem:s25+$0x10040] =	vst v0;
	v0 =	vmul.f32 $2.209708650e-02, v6  }
0x109: {  	[tilespmem:s25+$0x10050] =	vst v1  }
0x10a: {  	[tilespmem:s25+$0x10060] =	vst v0  }
0x10b: {  	s0 =	simm.s32 $0x0;
	s25 =	rddreg [dreg:$0xd]  }
0x10c: {  	[hbm4b:s25+s0] =	stream.linear.scatter [tilespmem:s11], [sflag:$0xB], $0x4000, $0x38;
	[tilespmem:$0x18000] =	vst v63  }
0x10d: {  	_ =	swait.ge [sflag:s19], $0x4000  }
0x10e: {  	[sflag:s19] =	ssyncset.done $0x0  }
0x10f: {  	s31 =	rddreg [dreg:$0xe];
	[sflag:s19] =	ssyncadd.s32 $0xFFFFC000  }
0x110: {  	[tilespmem:s8], [sflag:$0x3] =	stream.linear.gather [hbm4b:s31+s0], $0x4000, $0x38;
	[tilespmem:$0x18000] =	vst v63  }
0x111: {  	_ =	swait.ge [sflag:s20], $0x4000  }
0x112: {  	s26 =	sand.u32 $0x3C00, s0;
	s0 =	sand.u32 $0x380, s0;
	[sflag:s20] =	ssyncset.done $0x0  }
0x113: {  	s26 =	sor.u32 s0, s26;
	[sflag:s20] =	ssyncadd.s32 $0xFFFFC000  }
0x114: {  	v0 =	vld [tilespmem:s26+$0x14070]  }
0x115: {  	v1 =	vld [tilespmem:s26+$0x14000]  }
0x116: {  	v2 =	vld [tilespmem:s26+$0x14010]  }
0x117: {  	v7 =	vld [tilespmem:s26+$0x14050]  }
0x118: {  	v3 =	vld [tilespmem:s26+$0x14020]  }
0x119: {  	s31 =	simm.s32 $0x400;
	s0 =	simm.s32 $0x8;
	v5 =	vld [tilespmem:s26+$0x14030];
	v0 =	vmul.f32 $2.209708650e-02, v0  }
0x11a: {  	s25 =	sand.u32 $0x3C00, s31;
	s0 =	sand.u32 $0x380, s0;
	v6 =	vld [tilespmem:s26+$0x14040];
	v1 =	vmul.f32 $2.209708650e-02, v1  }
0x11b: {  	s25 =	sor.u32 s0, s25;
	v8 =	vld [tilespmem:s26+$0x14060];
	v2 =	vmul.f32 $2.209708650e-02, v2;
	[tilespmem:s26+$0x14070] =	vst v0  }
0x11c: {  	v9 =	vld [tilespmem:s25+$0x14070];
	v7 =	vmul.f32 $2.209708650e-02, v7;
	[tilespmem:s26+$0x14000] =	vst v1  }
0x11d: {  	v4 =	vld [tilespmem:s25+$0x14000];
	v0 =	vmul.f32 $2.209708650e-02, v3;
	[tilespmem:s26+$0x14010] =	vst v2  }
0x11e: {  	v1 =	vmul.f32 $2.209708650e-02, v5;
	v3 =	vld [tilespmem:s25+$0x14010];
	[tilespmem:s26+$0x14050] =	vst v7  }
0x11f: {  	v2 =	vmul.f32 $2.209708650e-02, v6;
	[tilespmem:s26+$0x14020] =	vst v0;
	v0 =	vld [tilespmem:s25+$0x14020]  }
0x120: {  	v6 =	vmul.f32 $2.209708650e-02, v8;
	[tilespmem:s26+$0x14030] =	vst v1;
	v1 =	vld [tilespmem:s25+$0x14030]  }
0x121: {  	s28 =	simm.s32 $0x80;
	s29 =	simm.s32 $0x10;
	s30 =	simm.s32 $0x800;
	v5 =	vmul.f32 $2.209708650e-02, v9;
	[tilespmem:s26+$0x14040] =	vst v2;
	v2 =	vld [tilespmem:s25+$0x14040]  }
.LBB2_12:
0x122: {  	s0 =	sand.u32 $0x3C00, s30;
	s31 =	sand.u32 $0x380, s29;
	s28 =	sadd.s32 $0x80, s28;
	v4 =	vmul.f32 $2.209708650e-02, v4;
	v7 =	vld [tilespmem:s25+$0x14050];
	[tilespmem:s26+$0x14060] =	vst v6  }
0x123: {  	s26 =	smov.u32 s25;
	p0 =	slt.u32 s28, $0x3F80;
	v3 =	vmul.f32 $2.209708650e-02, v3;
	v6 =	vld [tilespmem:s25+$0x14060];
	[tilespmem:s25+$0x14070] =	vst v5;
	s25 =	sor.u32 s31, s0  }
0x124: {  	v5 =	vld [tilespmem:s25+$0x14070];
	[tilespmem:s26+$0x14000] =	vst v4;
	v0 =	vmul.f32 $2.209708650e-02, v0  }
.Ltmp5:
0x125: {  	v4 =	vld [tilespmem:s25+$0x14000];
	[tilespmem:s26+$0x14010] =	vst v3;
	v1 =	vmul.f32 $2.209708650e-02, v1;
	(pc) =	sbr.rel @p0 .LBB2_12-.Ltmp5, $4  }
0x126: {  	v3 =	vld [tilespmem:s25+$0x14010];
	[tilespmem:s26+$0x14020] =	vst v0;
	v2 =	vmul.f32 $2.209708650e-02, v2  }
0x127: {  	v0 =	vld [tilespmem:s25+$0x14020];
	[tilespmem:s26+$0x14030] =	vst v1;
	v7 =	vmul.f32 $2.209708650e-02, v7  }
0x128: {  	v1 =	vld [tilespmem:s25+$0x14030];
	[tilespmem:s26+$0x14040] =	vst v2;
	v6 =	vmul.f32 $2.209708650e-02, v6  }
0x129: {  	s29 =	sadd.s32 $0x8, s29;
	s30 =	sadd.s32 $0x400, s30;
	v2 =	vld [tilespmem:s25+$0x14040];
	v5 =	vmul.f32 $2.209708650e-02, v5;
	[tilespmem:s26+$0x14050] =	vst v7  }
0x12a: {  	v4 =	vmul.f32 $2.209708650e-02, v4;
	v7 =	vld [tilespmem:s25+$0x14050];
	[tilespmem:s26+$0x14060] =	vst v6  }
0x12b: {  	v6 =	vld [tilespmem:s25+$0x14060];
	v3 =	vmul.f32 $2.209708650e-02, v3;
	[tilespmem:s25+$0x14070] =	vst v5  }
0x12c: {  	[tilespmem:s25+$0x14000] =	vst v4;
	v0 =	vmul.f32 $2.209708650e-02, v0  }
0x12d: {  	[tilespmem:s25+$0x14010] =	vst v3;
	v1 =	vmul.f32 $2.209708650e-02, v1  }
0x12e: {  	[tilespmem:s25+$0x14020] =	vst v0;
	v0 =	vmul.f32 $2.209708650e-02, v2  }
0x12f: {  	[tilespmem:s25+$0x14030] =	vst v1;
	v1 =	vmul.f32 $2.209708650e-02, v7  }
0x130: {  	[tilespmem:s25+$0x14040] =	vst v0;
	v0 =	vmul.f32 $2.209708650e-02, v6  }
0x131: {  	[tilespmem:s25+$0x14050] =	vst v1  }
0x132: {  	[tilespmem:s25+$0x14060] =	vst v0  }
0x133: {  	s0 =	simm.s32 $0x0;
	s25 =	rddreg [dreg:$0xf]  }
0x134: {  	[hbm4b:s25+s0] =	stream.linear.scatter [tilespmem:s13], [sflag:$0xC], $0x4000, $0x38;
	[tilespmem:$0x18000] =	vst v63  }
0x135: {  	_ =	swait.ge [sflag:s21], $0x4000  }
0x136: {  	[sflag:s21] =	ssyncset.done $0x0  }
0x137: {  	s31 =	rddreg [dreg:$0x10];
	[sflag:s21] =	ssyncadd.s32 $0xFFFFC000  }
0x138: {  	[tilespmem:s9], [sflag:$0x4] =	stream.linear.gather [hbm4b:s31+s0], $0x4000, $0x38;
	[tilespmem:$0x18000] =	vst v63  }
0x139: {  	_ =	swait.ge [sflag:s10], $0x4000  }
0x13a: {  	s26 =	sand.u32 $0x3C00, s0;
	s0 =	sand.u32 $0x380, s0;
	[sflag:s10] =	ssyncset.done $0x0  }
0x13b: {  	s26 =	sor.u32 s0, s26;
	[sflag:s10] =	ssyncadd.s32 $0xFFFFC000  }
0x13c: {  	v0 =	vld [tilespmem:s26+$0x70]  }
0x13d: {  	v1 =	vld [tilespmem:s26+$0x0]  }
0x13e: {  	v2 =	vld [tilespmem:s26+$0x10]  }
0x13f: {  	v7 =	vld [tilespmem:s26+$0x50]  }
0x140: {  	v3 =	vld [tilespmem:s26+$0x20]  }
0x141: {  	s31 =	simm.s32 $0x400;
	s0 =	simm.s32 $0x8;
	v5 =	vld [tilespmem:s26+$0x30];
	v0 =	vmul.f32 $2.209708650e-02, v0  }
0x142: {  	s25 =	sand.u32 $0x3C00, s31;
	s0 =	sand.u32 $0x380, s0;
	v6 =	vld [tilespmem:s26+$0x40];
	v1 =	vmul.f32 $2.209708650e-02, v1  }
0x143: {  	s25 =	sor.u32 s0, s25;
	v8 =	vld [tilespmem:s26+$0x60];
	v2 =	vmul.f32 $2.209708650e-02, v2;
	[tilespmem:s26+$0x70] =	vst v0  }
0x144: {  	v9 =	vld [tilespmem:s25+$0x70];
	v7 =	vmul.f32 $2.209708650e-02, v7;
	[tilespmem:s26+$0x0] =	vst v1  }
0x145: {  	v4 =	vld [tilespmem:s25+$0x0];
	v0 =	vmul.f32 $2.209708650e-02, v3;
	[tilespmem:s26+$0x10] =	vst v2  }
0x146: {  	v1 =	vmul.f32 $2.209708650e-02, v5;
	v3 =	vld [tilespmem:s25+$0x10];
	[tilespmem:s26+$0x50] =	vst v7  }
0x147: {  	v2 =	vmul.f32 $2.209708650e-02, v6;
	[tilespmem:s26+$0x20] =	vst v0;
	v0 =	vld [tilespmem:s25+$0x20]  }
0x148: {  	v6 =	vmul.f32 $2.209708650e-02, v8;
	[tilespmem:s26+$0x30] =	vst v1;
	v1 =	vld [tilespmem:s25+$0x30]  }
0x149: {  	s28 =	simm.s32 $0x80;
	s29 =	simm.s32 $0x10;
	s30 =	simm.s32 $0x800;
	v5 =	vmul.f32 $2.209708650e-02, v9;
	[tilespmem:s26+$0x40] =	vst v2;
	v2 =	vld [tilespmem:s25+$0x40]  }
.LBB2_14:
0x14a: {  	s0 =	sand.u32 $0x3C00, s30;
	s31 =	sand.u32 $0x380, s29;
	s28 =	sadd.s32 $0x80, s28;
	v4 =	vmul.f32 $2.209708650e-02, v4;
	v7 =	vld [tilespmem:s25+$0x50];
	[tilespmem:s26+$0x60] =	vst v6  }
0x14b: {  	s26 =	smov.u32 s25;
	p0 =	slt.u32 s28, $0x3F80;
	v3 =	vmul.f32 $2.209708650e-02, v3;
	v6 =	vld [tilespmem:s25+$0x60];
	[tilespmem:s25+$0x70] =	vst v5;
	s25 =	sor.u32 s31, s0  }
0x14c: {  	v5 =	vld [tilespmem:s25+$0x70];
	[tilespmem:s26+$0x0] =	vst v4;
	v0 =	vmul.f32 $2.209708650e-02, v0  }
.Ltmp6:
0x14d: {  	v4 =	vld [tilespmem:s25+$0x0];
	[tilespmem:s26+$0x10] =	vst v3;
	v1 =	vmul.f32 $2.209708650e-02, v1;
	(pc) =	sbr.rel @p0 .LBB2_14-.Ltmp6, $4  }
0x14e: {  	v3 =	vld [tilespmem:s25+$0x10];
	[tilespmem:s26+$0x20] =	vst v0;
	v2 =	vmul.f32 $2.209708650e-02, v2  }
0x14f: {  	v0 =	vld [tilespmem:s25+$0x20];
	[tilespmem:s26+$0x30] =	vst v1;
	v7 =	vmul.f32 $2.209708650e-02, v7  }
0x150: {  	v1 =	vld [tilespmem:s25+$0x30];
	[tilespmem:s26+$0x40] =	vst v2;
	v6 =	vmul.f32 $2.209708650e-02, v6  }
0x151: {  	s29 =	sadd.s32 $0x8, s29;
	s30 =	sadd.s32 $0x400, s30;
	v2 =	vld [tilespmem:s25+$0x40];
	v5 =	vmul.f32 $2.209708650e-02, v5;
	[tilespmem:s26+$0x50] =	vst v7  }
0x152: {  	v4 =	vmul.f32 $2.209708650e-02, v4;
	v7 =	vld [tilespmem:s25+$0x50];
	[tilespmem:s26+$0x60] =	vst v6  }
0x153: {  	v6 =	vld [tilespmem:s25+$0x60];
	v3 =	vmul.f32 $2.209708650e-02, v3;
	[tilespmem:s25+$0x70] =	vst v5  }
0x154: {  	[tilespmem:s25+$0x0] =	vst v4;
	v0 =	vmul.f32 $2.209708650e-02, v0  }
0x155: {  	[tilespmem:s25+$0x10] =	vst v3;
	v1 =	vmul.f32 $2.209708650e-02, v1  }
0x156: {  	[tilespmem:s25+$0x20] =	vst v0;
	v0 =	vmul.f32 $2.209708650e-02, v2  }
0x157: {  	[tilespmem:s25+$0x30] =	vst v1;
	v1 =	vmul.f32 $2.209708650e-02, v7  }
0x158: {  	[tilespmem:s25+$0x40] =	vst v0;
	v0 =	vmul.f32 $2.209708650e-02, v6  }
0x159: {  	[tilespmem:s25+$0x50] =	vst v1  }
0x15a: {  	[tilespmem:s25+$0x60] =	vst v0  }
0x15b: {  	s0 =	simm.s32 $0x0;
	s25 =	rddreg [dreg:$0x11]  }
0x15c: {  	[hbm4b:s25+s0] =	stream.linear.scatter [tilespmem:s0], [sflag:$0x7], $0x4000, $0x38;
	[tilespmem:$0x18000] =	vst v63  }
0x15d: {  	_ =	swait.ge [sflag:s22], $0x4000  }
0x15e: {  	[sflag:s22] =	ssyncset.done $0x0  }
0x15f: {  	s31 =	rddreg [dreg:$0x15];
	[sflag:s22] =	ssyncadd.s32 $0xFFFFC000  }
0x160: {  	[tilespmem:s11], [sflag:$0x5] =	stream.linear.gather [hbm4b:s31+s0], $0x4000, $0x38;
	[tilespmem:$0x18000] =	vst v63  }
0x161: {  	_ =	swait.ge [sflag:s12], $0x4000  }
0x162: {  	s26 =	sand.u32 $0x3C00, s0;
	s0 =	sand.u32 $0x380, s0;
	[sflag:s12] =	ssyncset.done $0x0  }
0x163: {  	s26 =	sor.u32 s0, s26;
	[sflag:s12] =	ssyncadd.s32 $0xFFFFC000  }
0x164: {  	v0 =	vld [tilespmem:s26+$0x4070]  }
0x165: {  	v1 =	vld [tilespmem:s26+$0x4000]  }
0x166: {  	v2 =	vld [tilespmem:s26+$0x4010]  }
0x167: {  	v7 =	vld [tilespmem:s26+$0x4050]  }
0x168: {  	v3 =	vld [tilespmem:s26+$0x4020]  }
0x169: {  	s31 =	simm.s32 $0x400;
	s0 =	simm.s32 $0x8;
	v5 =	vld [tilespmem:s26+$0x4030];
	v0 =	vmul.f32 $2.209708650e-02, v0  }
0x16a: {  	s25 =	sand.u32 $0x3C00, s31;
	s0 =	sand.u32 $0x380, s0;
	v6 =	vld [tilespmem:s26+$0x4040];
	v1 =	vmul.f32 $2.209708650e-02, v1  }
0x16b: {  	s25 =	sor.u32 s0, s25;
	v8 =	vld [tilespmem:s26+$0x4060];
	v2 =	vmul.f32 $2.209708650e-02, v2;
	[tilespmem:s26+$0x4070] =	vst v0  }
0x16c: {  	v9 =	vld [tilespmem:s25+$0x4070];
	v7 =	vmul.f32 $2.209708650e-02, v7;
	[tilespmem:s26+$0x4000] =	vst v1  }
0x16d: {  	v4 =	vld [tilespmem:s25+$0x4000];
	v0 =	vmul.f32 $2.209708650e-02, v3;
	[tilespmem:s26+$0x4010] =	vst v2  }
0x16e: {  	v1 =	vmul.f32 $2.209708650e-02, v5;
	v3 =	vld [tilespmem:s25+$0x4010];
	[tilespmem:s26+$0x4050] =	vst v7  }
0x16f: {  	v2 =	vmul.f32 $2.209708650e-02, v6;
	[tilespmem:s26+$0x4020] =	vst v0;
	v0 =	vld [tilespmem:s25+$0x4020]  }
0x170: {  	v6 =	vmul.f32 $2.209708650e-02, v8;
	[tilespmem:s26+$0x4030] =	vst v1;
	v1 =	vld [tilespmem:s25+$0x4030]  }
0x171: {  	s28 =	simm.s32 $0x80;
	s29 =	simm.s32 $0x10;
	s30 =	simm.s32 $0x800;
	v5 =	vmul.f32 $2.209708650e-02, v9;
	[tilespmem:s26+$0x4040] =	vst v2;
	v2 =	vld [tilespmem:s25+$0x4040]  }
.LBB2_16:
0x172: {  	s0 =	sand.u32 $0x3C00, s30;
	s31 =	sand.u32 $0x380, s29;
	s28 =	sadd.s32 $0x80, s28;
	v4 =	vmul.f32 $2.209708650e-02, v4;
	v7 =	vld [tilespmem:s25+$0x4050];
	[tilespmem:s26+$0x4060] =	vst v6  }
0x173: {  	s26 =	smov.u32 s25;
	p0 =	slt.u32 s28, $0x3F80;
	v3 =	vmul.f32 $2.209708650e-02, v3;
	v6 =	vld [tilespmem:s25+$0x4060];
	[tilespmem:s25+$0x4070] =	vst v5;
	s25 =	sor.u32 s31, s0  }
0x174: {  	v5 =	vld [tilespmem:s25+$0x4070];
	[tilespmem:s26+$0x4000] =	vst v4;
	v0 =	vmul.f32 $2.209708650e-02, v0  }
.Ltmp7:
0x175: {  	v4 =	vld [tilespmem:s25+$0x4000];
	[tilespmem:s26+$0x4010] =	vst v3;
	v1 =	vmul.f32 $2.209708650e-02, v1;
	(pc) =	sbr.rel @p0 .LBB2_16-.Ltmp7, $4  }
0x176: {  	v3 =	vld [tilespmem:s25+$0x4010];
	[tilespmem:s26+$0x4020] =	vst v0;
	v2 =	vmul.f32 $2.209708650e-02, v2  }
0x177: {  	v0 =	vld [tilespmem:s25+$0x4020];
	[tilespmem:s26+$0x4030] =	vst v1;
	v7 =	vmul.f32 $2.209708650e-02, v7  }
0x178: {  	v1 =	vld [tilespmem:s25+$0x4030];
	[tilespmem:s26+$0x4040] =	vst v2;
	v6 =	vmul.f32 $2.209708650e-02, v6  }
0x179: {  	s29 =	sadd.s32 $0x8, s29;
	s30 =	sadd.s32 $0x400, s30;
	v2 =	vld [tilespmem:s25+$0x4040];
	v5 =	vmul.f32 $2.209708650e-02, v5;
	[tilespmem:s26+$0x4050] =	vst v7  }
0x17a: {  	v4 =	vmul.f32 $2.209708650e-02, v4;
	v7 =	vld [tilespmem:s25+$0x4050];
	[tilespmem:s26+$0x4060] =	vst v6  }
0x17b: {  	v6 =	vld [tilespmem:s25+$0x4060];
	v3 =	vmul.f32 $2.209708650e-02, v3;
	[tilespmem:s25+$0x4070] =	vst v5  }
0x17c: {  	[tilespmem:s25+$0x4000] =	vst v4;
	v0 =	vmul.f32 $2.209708650e-02, v0  }
0x17d: {  	[tilespmem:s25+$0x4010] =	vst v3;
	v1 =	vmul.f32 $2.209708650e-02, v1  }
0x17e: {  	[tilespmem:s25+$0x4020] =	vst v0;
	v0 =	vmul.f32 $2.209708650e-02, v2  }
0x17f: {  	[tilespmem:s25+$0x4030] =	vst v1;
	v1 =	vmul.f32 $2.209708650e-02, v7  }
0x180: {  	[tilespmem:s25+$0x4040] =	vst v0;
	v0 =	vmul.f32 $2.209708650e-02, v6  }
0x181: {  	[tilespmem:s25+$0x4050] =	vst v1  }
0x182: {  	[tilespmem:s25+$0x4060] =	vst v0  }
0x183: {  	s0 =	simm.s32 $0x0;
	s25 =	rddreg [dreg:$0x12]  }
0x184: {  	[hbm4b:s25+s0] =	stream.linear.scatter [tilespmem:s7], [sflag:$0x8], $0x4000, $0x38;
	[tilespmem:$0x18000] =	vst v63  }
0x185: {  	_ =	swait.ge [sflag:s23], $0x4000  }
0x186: {  	[sflag:s23] =	ssyncset.done $0x0  }
0x187: {  	s31 =	rddreg [dreg:$0x17];
	[sflag:s23] =	ssyncadd.s32 $0xFFFFC000  }
0x188: {  	[tilespmem:s13], [sflag:$0x6] =	stream.linear.gather [hbm4b:s31+s0], $0x4000, $0x38;
	[tilespmem:$0x18000] =	vst v63  }
0x189: {  	_ =	swait.ge [sflag:s14], $0x4000  }
0x18a: {  	s26 =	sand.u32 $0x3C00, s0;
	s0 =	sand.u32 $0x380, s0;
	[sflag:s14] =	ssyncset.done $0x0  }
0x18b: {  	s26 =	sor.u32 s0, s26;
	[sflag:s14] =	ssyncadd.s32 $0xFFFFC000  }
0x18c: {  	v0 =	vld [tilespmem:s26+$0x8070]  }
0x18d: {  	v1 =	vld [tilespmem:s26+$0x8000]  }
0x18e: {  	v2 =	vld [tilespmem:s26+$0x8010]  }
0x18f: {  	v7 =	vld [tilespmem:s26+$0x8050]  }
0x190: {  	v3 =	vld [tilespmem:s26+$0x8020]  }
0x191: {  	s31 =	simm.s32 $0x400;
	s0 =	simm.s32 $0x8;
	v5 =	vld [tilespmem:s26+$0x8030];
	v0 =	vmul.f32 $2.209708650e-02, v0  }
0x192: {  	s25 =	sand.u32 $0x3C00, s31;
	s0 =	sand.u32 $0x380, s0;
	v6 =	vld [tilespmem:s26+$0x8040];
	v1 =	vmul.f32 $2.209708650e-02, v1  }
0x193: {  	s25 =	sor.u32 s0, s25;
	v8 =	vld [tilespmem:s26+$0x8060];
	v2 =	vmul.f32 $2.209708650e-02, v2;
	[tilespmem:s26+$0x8070] =	vst v0  }
0x194: {  	v9 =	vld [tilespmem:s25+$0x8070];
	v7 =	vmul.f32 $2.209708650e-02, v7;
	[tilespmem:s26+$0x8000] =	vst v1  }
0x195: {  	v4 =	vld [tilespmem:s25+$0x8000];
	v0 =	vmul.f32 $2.209708650e-02, v3;
	[tilespmem:s26+$0x8010] =	vst v2  }
0x196: {  	v1 =	vmul.f32 $2.209708650e-02, v5;
	v3 =	vld [tilespmem:s25+$0x8010];
	[tilespmem:s26+$0x8050] =	vst v7  }
0x197: {  	v2 =	vmul.f32 $2.209708650e-02, v6;
	[tilespmem:s26+$0x8020] =	vst v0;
	v0 =	vld [tilespmem:s25+$0x8020]  }
0x198: {  	v6 =	vmul.f32 $2.209708650e-02, v8;
	[tilespmem:s26+$0x8030] =	vst v1;
	v1 =	vld [tilespmem:s25+$0x8030]  }
0x199: {  	s28 =	simm.s32 $0x80;
	s29 =	simm.s32 $0x10;
	s30 =	simm.s32 $0x800;
	v5 =	vmul.f32 $2.209708650e-02, v9;
	[tilespmem:s26+$0x8040] =	vst v2;
	v2 =	vld [tilespmem:s25+$0x8040]  }
.LBB2_18:
0x19a: {  	s0 =	sand.u32 $0x3C00, s30;
	s31 =	sand.u32 $0x380, s29;
	s28 =	sadd.s32 $0x80, s28;
	v4 =	vmul.f32 $2.209708650e-02, v4;
	v7 =	vld [tilespmem:s25+$0x8050];
	[tilespmem:s26+$0x8060] =	vst v6  }
0x19b: {  	s26 =	smov.u32 s25;
	p0 =	slt.u32 s28, $0x3F80;
	v3 =	vmul.f32 $2.209708650e-02, v3;
	v6 =	vld [tilespmem:s25+$0x8060];
	[tilespmem:s25+$0x8070] =	vst v5;
	s25 =	sor.u32 s31, s0  }
0x19c: {  	v5 =	vld [tilespmem:s25+$0x8070];
	[tilespmem:s26+$0x8000] =	vst v4;
	v0 =	vmul.f32 $2.209708650e-02, v0  }
.Ltmp8:
0x19d: {  	v4 =	vld [tilespmem:s25+$0x8000];
	[tilespmem:s26+$0x8010] =	vst v3;
	v1 =	vmul.f32 $2.209708650e-02, v1;
	(pc) =	sbr.rel @p0 .LBB2_18-.Ltmp8, $4  }
0x19e: {  	v3 =	vld [tilespmem:s25+$0x8010];
	[tilespmem:s26+$0x8020] =	vst v0;
	v2 =	vmul.f32 $2.209708650e-02, v2  }
0x19f: {  	v0 =	vld [tilespmem:s25+$0x8020];
	[tilespmem:s26+$0x8030] =	vst v1;
	v7 =	vmul.f32 $2.209708650e-02, v7  }
0x1a0: {  	v1 =	vld [tilespmem:s25+$0x8030];
	[tilespmem:s26+$0x8040] =	vst v2;
	v6 =	vmul.f32 $2.209708650e-02, v6  }
0x1a1: {  	s29 =	sadd.s32 $0x8, s29;
	s30 =	sadd.s32 $0x400, s30;
	v2 =	vld [tilespmem:s25+$0x8040];
	v5 =	vmul.f32 $2.209708650e-02, v5;
	[tilespmem:s26+$0x8050] =	vst v7  }
0x1a2: {  	v4 =	vmul.f32 $2.209708650e-02, v4;
	v7 =	vld [tilespmem:s25+$0x8050];
	[tilespmem:s26+$0x8060] =	vst v6  }
0x1a3: {  	v6 =	vld [tilespmem:s25+$0x8060];
	v3 =	vmul.f32 $2.209708650e-02, v3;
	[tilespmem:s25+$0x8070] =	vst v5  }
0x1a4: {  	[tilespmem:s25+$0x8000] =	vst v4;
	v0 =	vmul.f32 $2.209708650e-02, v0  }
0x1a5: {  	[tilespmem:s25+$0x8010] =	vst v3;
	v1 =	vmul.f32 $2.209708650e-02, v1  }
0x1a6: {  	[tilespmem:s25+$0x8020] =	vst v0;
	v0 =	vmul.f32 $2.209708650e-02, v2  }
0x1a7: {  	[tilespmem:s25+$0x8030] =	vst v1;
	v1 =	vmul.f32 $2.209708650e-02, v7  }
0x1a8: {  	[tilespmem:s25+$0x8040] =	vst v0;
	v0 =	vmul.f32 $2.209708650e-02, v6  }
0x1a9: {  	[tilespmem:s25+$0x8050] =	vst v1  }
0x1aa: {  	[tilespmem:s25+$0x8060] =	vst v0  }
0x1ab: {  	s0 =	simm.s32 $0x0;
	s25 =	rddreg [dreg:$0x13]  }
0x1ac: {  	[hbm4b:s25+s0] =	stream.linear.scatter [tilespmem:s8], [sflag:$0x9], $0x4000, $0x38;
	[tilespmem:$0x18000] =	vst v63  }
0x1ad: {  	_ =	swait.ge [sflag:s15], $0x4000  }
0x1ae: {  	[sflag:s15] =	ssyncset.done $0x0  }
0x1af: {  	s31 =	rddreg [dreg:$0x19];
	[sflag:s15] =	ssyncadd.s32 $0xFFFFC000  }
0x1b0: {  	[tilespmem:s0], [sflag:$0x1] =	stream.linear.gather [hbm4b:s31+s0], $0x4000, $0x38;
	[tilespmem:$0x18000] =	vst v63  }
0x1b1: {  	_ =	swait.ge [sflag:s16], $0x4000  }
0x1b2: {  	s26 =	sand.u32 $0x3C00, s0;
	s0 =	sand.u32 $0x380, s0;
	[sflag:s16] =	ssyncset.done $0x0  }
0x1b3: {  	s26 =	sor.u32 s0, s26;
	[sflag:s16] =	ssyncadd.s32 $0xFFFFC000  }
0x1b4: {  	v0 =	vld [tilespmem:s26+$0xC070]  }
0x1b5: {  	v1 =	vld [tilespmem:s26+$0xC000]  }
0x1b6: {  	v2 =	vld [tilespmem:s26+$0xC010]  }
0x1b7: {  	v7 =	vld [tilespmem:s26+$0xC050]  }
0x1b8: {  	v3 =	vld [tilespmem:s26+$0xC020]  }
0x1b9: {  	s31 =	simm.s32 $0x400;
	s0 =	simm.s32 $0x8;
	v5 =	vld [tilespmem:s26+$0xC030];
	v0 =	vmul.f32 $2.209708650e-02, v0  }
0x1ba: {  	s25 =	sand.u32 $0x3C00, s31;
	s0 =	sand.u32 $0x380, s0;
	v6 =	vld [tilespmem:s26+$0xC040];
	v1 =	vmul.f32 $2.209708650e-02, v1  }
0x1bb: {  	s25 =	sor.u32 s0, s25;
	v8 =	vld [tilespmem:s26+$0xC060];
	v2 =	vmul.f32 $2.209708650e-02, v2;
	[tilespmem:s26+$0xC070] =	vst v0  }
0x1bc: {  	v9 =	vld [tilespmem:s25+$0xC070];
	v7 =	vmul.f32 $2.209708650e-02, v7;
	[tilespmem:s26+$0xC000] =	vst v1  }
0x1bd: {  	v4 =	vld [tilespmem:s25+$0xC000];
	v0 =	vmul.f32 $2.209708650e-02, v3;
	[tilespmem:s26+$0xC010] =	vst v2  }
0x1be: {  	v1 =	vmul.f32 $2.209708650e-02, v5;
	v3 =	vld [tilespmem:s25+$0xC010];
	[tilespmem:s26+$0xC050] =	vst v7  }
0x1bf: {  	v2 =	vmul.f32 $2.209708650e-02, v6;
	[tilespmem:s26+$0xC020] =	vst v0;
	v0 =	vld [tilespmem:s25+$0xC020]  }
0x1c0: {  	v6 =	vmul.f32 $2.209708650e-02, v8;
	[tilespmem:s26+$0xC030] =	vst v1;
	v1 =	vld [tilespmem:s25+$0xC030]  }
0x1c1: {  	s28 =	simm.s32 $0x80;
	s29 =	simm.s32 $0x10;
	s30 =	simm.s32 $0x800;
	v5 =	vmul.f32 $2.209708650e-02, v9;
	[tilespmem:s26+$0xC040] =	vst v2;
	v2 =	vld [tilespmem:s25+$0xC040]  }
.LBB2_20:
0x1c2: {  	s0 =	sand.u32 $0x3C00, s30;
	s31 =	sand.u32 $0x380, s29;
	s28 =	sadd.s32 $0x80, s28;
	v4 =	vmul.f32 $2.209708650e-02, v4;
	v7 =	vld [tilespmem:s25+$0xC050];
	[tilespmem:s26+$0xC060] =	vst v6  }
0x1c3: {  	s26 =	smov.u32 s25;
	p0 =	slt.u32 s28, $0x3F80;
	v3 =	vmul.f32 $2.209708650e-02, v3;
	v6 =	vld [tilespmem:s25+$0xC060];
	[tilespmem:s25+$0xC070] =	vst v5;
	s25 =	sor.u32 s31, s0  }
0x1c4: {  	v5 =	vld [tilespmem:s25+$0xC070];
	[tilespmem:s26+$0xC000] =	vst v4;
	v0 =	vmul.f32 $2.209708650e-02, v0  }
.Ltmp9:
0x1c5: {  	v4 =	vld [tilespmem:s25+$0xC000];
	[tilespmem:s26+$0xC010] =	vst v3;
	v1 =	vmul.f32 $2.209708650e-02, v1;
	(pc) =	sbr.rel @p0 .LBB2_20-.Ltmp9, $4  }
0x1c6: {  	v3 =	vld [tilespmem:s25+$0xC010];
	[tilespmem:s26+$0xC020] =	vst v0;
	v2 =	vmul.f32 $2.209708650e-02, v2  }
0x1c7: {  	v0 =	vld [tilespmem:s25+$0xC020];
	[tilespmem:s26+$0xC030] =	vst v1;
	v7 =	vmul.f32 $2.209708650e-02, v7  }
0x1c8: {  	v1 =	vld [tilespmem:s25+$0xC030];
	[tilespmem:s26+$0xC040] =	vst v2;
	v6 =	vmul.f32 $2.209708650e-02, v6  }
0x1c9: {  	s29 =	sadd.s32 $0x8, s29;
	s30 =	sadd.s32 $0x400, s30;
	v2 =	vld [tilespmem:s25+$0xC040];
	v5 =	vmul.f32 $2.209708650e-02, v5;
	[tilespmem:s26+$0xC050] =	vst v7  }
0x1ca: {  	v4 =	vmul.f32 $2.209708650e-02, v4;
	v7 =	vld [tilespmem:s25+$0xC050];
	[tilespmem:s26+$0xC060] =	vst v6  }
0x1cb: {  	v6 =	vld [tilespmem:s25+$0xC060];
	v3 =	vmul.f32 $2.209708650e-02, v3;
	[tilespmem:s25+$0xC070] =	vst v5  }
0x1cc: {  	[tilespmem:s25+$0xC000] =	vst v4;
	v0 =	vmul.f32 $2.209708650e-02, v0  }
0x1cd: {  	[tilespmem:s25+$0xC010] =	vst v3;
	v1 =	vmul.f32 $2.209708650e-02, v1  }
0x1ce: {  	[tilespmem:s25+$0xC020] =	vst v0;
	v0 =	vmul.f32 $2.209708650e-02, v2  }
0x1cf: {  	[tilespmem:s25+$0xC030] =	vst v1;
	v1 =	vmul.f32 $2.209708650e-02, v7  }
0x1d0: {  	[tilespmem:s25+$0xC040] =	vst v0;
	v0 =	vmul.f32 $2.209708650e-02, v6  }
0x1d1: {  	[tilespmem:s25+$0xC050] =	vst v1  }
0x1d2: {  	[tilespmem:s25+$0xC060] =	vst v0  }
0x1d3: {  	s0 =	simm.s32 $0x0;
	s25 =	rddreg [dreg:$0x14]  }
0x1d4: {  	[hbm4b:s25+s0] =	stream.linear.scatter [tilespmem:s9], [sflag:$0xA], $0x4000, $0x38;
	[tilespmem:$0x18000] =	vst v63  }
0x1d5: {  	_ =	swait.ge [sflag:s17], $0x4000  }
0x1d6: {  	[sflag:s17] =	ssyncset.done $0x0  }
0x1d7: {  	s31 =	rddreg [dreg:$0x1b];
	[sflag:s17] =	ssyncadd.s32 $0xFFFFC000  }
0x1d8: {  	[tilespmem:s7], [sflag:$0x2] =	stream.linear.gather [hbm4b:s31+s0], $0x4000, $0x38;
	[tilespmem:$0x18000] =	vst v63  }
0x1d9: {  	_ =	swait.ge [sflag:s18], $0x4000  }
0x1da: {  	s26 =	sand.u32 $0x3C00, s0;
	s0 =	sand.u32 $0x380, s0;
	[sflag:s18] =	ssyncset.done $0x0  }
0x1db: {  	s26 =	sor.u32 s0, s26;
	[sflag:s18] =	ssyncadd.s32 $0xFFFFC000  }
0x1dc: {  	v0 =	vld [tilespmem:s26+$0x10070]  }
0x1dd: {  	v1 =	vld [tilespmem:s26+$0x10000]  }
0x1de: {  	v2 =	vld [tilespmem:s26+$0x10010]  }
0x1df: {  	v7 =	vld [tilespmem:s26+$0x10050]  }
0x1e0: {  	v3 =	vld [tilespmem:s26+$0x10020]  }
0x1e1: {  	s31 =	simm.s32 $0x400;
	s0 =	simm.s32 $0x8;
	v5 =	vld [tilespmem:s26+$0x10030];
	v0 =	vmul.f32 $2.209708650e-02, v0  }
0x1e2: {  	s25 =	sand.u32 $0x3C00, s31;
	s0 =	sand.u32 $0x380, s0;
	v6 =	vld [tilespmem:s26+$0x10040];
	v1 =	vmul.f32 $2.209708650e-02, v1  }
0x1e3: {  	s25 =	sor.u32 s0, s25;
	v8 =	vld [tilespmem:s26+$0x10060];
	v2 =	vmul.f32 $2.209708650e-02, v2;
	[tilespmem:s26+$0x10070] =	vst v0  }
0x1e4: {  	v9 =	vld [tilespmem:s25+$0x10070];
	v7 =	vmul.f32 $2.209708650e-02, v7;
	[tilespmem:s26+$0x10000] =	vst v1  }
0x1e5: {  	v4 =	vld [tilespmem:s25+$0x10000];
	v0 =	vmul.f32 $2.209708650e-02, v3;
	[tilespmem:s26+$0x10010] =	vst v2  }
0x1e6: {  	v1 =	vmul.f32 $2.209708650e-02, v5;
	v3 =	vld [tilespmem:s25+$0x10010];
	[tilespmem:s26+$0x10050] =	vst v7  }
0x1e7: {  	v2 =	vmul.f32 $2.209708650e-02, v6;
	[tilespmem:s26+$0x10020] =	vst v0;
	v0 =	vld [tilespmem:s25+$0x10020]  }
0x1e8: {  	v6 =	vmul.f32 $2.209708650e-02, v8;
	[tilespmem:s26+$0x10030] =	vst v1;
	v1 =	vld [tilespmem:s25+$0x10030]  }
0x1e9: {  	s28 =	simm.s32 $0x80;
	s29 =	simm.s32 $0x10;
	s30 =	simm.s32 $0x800;
	v5 =	vmul.f32 $2.209708650e-02, v9;
	[tilespmem:s26+$0x10040] =	vst v2;
	v2 =	vld [tilespmem:s25+$0x10040]  }
.LBB2_22:
0x1ea: {  	s0 =	sand.u32 $0x3C00, s30;
	s31 =	sand.u32 $0x380, s29;
	s28 =	sadd.s32 $0x80, s28;
	v4 =	vmul.f32 $2.209708650e-02, v4;
	v7 =	vld [tilespmem:s25+$0x10050];
	[tilespmem:s26+$0x10060] =	vst v6  }
0x1eb: {  	s26 =	smov.u32 s25;
	p0 =	slt.u32 s28, $0x3F80;
	v3 =	vmul.f32 $2.209708650e-02, v3;
	v6 =	vld [tilespmem:s25+$0x10060];
	[tilespmem:s25+$0x10070] =	vst v5;
	s25 =	sor.u32 s31, s0  }
0x1ec: {  	v5 =	vld [tilespmem:s25+$0x10070];
	[tilespmem:s26+$0x10000] =	vst v4;
	v0 =	vmul.f32 $2.209708650e-02, v0  }
.Ltmp10:
0x1ed: {  	v4 =	vld [tilespmem:s25+$0x10000];
	[tilespmem:s26+$0x10010] =	vst v3;
	v1 =	vmul.f32 $2.209708650e-02, v1;
	(pc) =	sbr.rel @p0 .LBB2_22-.Ltmp10, $4  }
0x1ee: {  	v3 =	vld [tilespmem:s25+$0x10010];
	[tilespmem:s26+$0x10020] =	vst v0;
	v2 =	vmul.f32 $2.209708650e-02, v2  }
0x1ef: {  	v0 =	vld [tilespmem:s25+$0x10020];
	[tilespmem:s26+$0x10030] =	vst v1;
	v7 =	vmul.f32 $2.209708650e-02, v7  }
0x1f0: {  	v1 =	vld [tilespmem:s25+$0x10030];
	[tilespmem:s26+$0x10040] =	vst v2;
	v6 =	vmul.f32 $2.209708650e-02, v6  }
0x1f1: {  	s29 =	sadd.s32 $0x8, s29;
	s30 =	sadd.s32 $0x400, s30;
	v2 =	vld [tilespmem:s25+$0x10040];
	v5 =	vmul.f32 $2.209708650e-02, v5;
	[tilespmem:s26+$0x10050] =	vst v7  }
0x1f2: {  	v4 =	vmul.f32 $2.209708650e-02, v4;
	v7 =	vld [tilespmem:s25+$0x10050];
	[tilespmem:s26+$0x10060] =	vst v6  }
0x1f3: {  	v6 =	vld [tilespmem:s25+$0x10060];
	v3 =	vmul.f32 $2.209708650e-02, v3;
	[tilespmem:s25+$0x10070] =	vst v5  }
0x1f4: {  	[tilespmem:s25+$0x10000] =	vst v4;
	v0 =	vmul.f32 $2.209708650e-02, v0  }
0x1f5: {  	[tilespmem:s25+$0x10010] =	vst v3;
	v1 =	vmul.f32 $2.209708650e-02, v1  }
0x1f6: {  	[tilespmem:s25+$0x10020] =	vst v0;
	v0 =	vmul.f32 $2.209708650e-02, v2  }
0x1f7: {  	[tilespmem:s25+$0x10030] =	vst v1;
	v1 =	vmul.f32 $2.209708650e-02, v7  }
0x1f8: {  	[tilespmem:s25+$0x10040] =	vst v0;
	v0 =	vmul.f32 $2.209708650e-02, v6  }
0x1f9: {  	[tilespmem:s25+$0x10050] =	vst v1  }
0x1fa: {  	[tilespmem:s25+$0x10060] =	vst v0  }
0x1fb: {  	s0 =	simm.s32 $0x0;
	s25 =	rddreg [dreg:$0x16]  }
0x1fc: {  	[hbm4b:s25+s0] =	stream.linear.scatter [tilespmem:s11], [sflag:$0xB], $0x4000, $0x38;
	[tilespmem:$0x18000] =	vst v63  }
0x1fd: {  	_ =	swait.ge [sflag:s19], $0x4000  }
0x1fe: {  	[sflag:s19] =	ssyncset.done $0x0  }
0x1ff: {  	s31 =	rddreg [dreg:$0x1d];
	[sflag:s19] =	ssyncadd.s32 $0xFFFFC000  }
0x200: {  	[tilespmem:s8], [sflag:$0x3] =	stream.linear.gather [hbm4b:s31+s0], $0x4000, $0x38;
	[tilespmem:$0x18000] =	vst v63  }
0x201: {  	_ =	swait.ge [sflag:s20], $0x4000  }
0x202: {  	s26 =	sand.u32 $0x3C00, s0;
	s0 =	sand.u32 $0x380, s0;
	[sflag:s20] =	ssyncset.done $0x0  }
0x203: {  	s26 =	sor.u32 s0, s26;
	[sflag:s20] =	ssyncadd.s32 $0xFFFFC000  }
0x204: {  	v0 =	vld [tilespmem:s26+$0x14070]  }
0x205: {  	v1 =	vld [tilespmem:s26+$0x14000]  }
0x206: {  	v2 =	vld [tilespmem:s26+$0x14010]  }
0x207: {  	v7 =	vld [tilespmem:s26+$0x14050]  }
0x208: {  	v3 =	vld [tilespmem:s26+$0x14020]  }
0x209: {  	s31 =	simm.s32 $0x400;
	s0 =	simm.s32 $0x8;
	v5 =	vld [tilespmem:s26+$0x14030];
	v0 =	vmul.f32 $2.209708650e-02, v0  }
0x20a: {  	s25 =	sand.u32 $0x3C00, s31;
	s0 =	sand.u32 $0x380, s0;
	v6 =	vld [tilespmem:s26+$0x14040];
	v1 =	vmul.f32 $2.209708650e-02, v1  }
0x20b: {  	s25 =	sor.u32 s0, s25;
	v8 =	vld [tilespmem:s26+$0x14060];
	v2 =	vmul.f32 $2.209708650e-02, v2;
	[tilespmem:s26+$0x14070] =	vst v0  }
0x20c: {  	v9 =	vld [tilespmem:s25+$0x14070];
	v7 =	vmul.f32 $2.209708650e-02, v7;
	[tilespmem:s26+$0x14000] =	vst v1  }
0x20d: {  	v4 =	vld [tilespmem:s25+$0x14000];
	v0 =	vmul.f32 $2.209708650e-02, v3;
	[tilespmem:s26+$0x14010] =	vst v2  }
0x20e: {  	v1 =	vmul.f32 $2.209708650e-02, v5;
	v3 =	vld [tilespmem:s25+$0x14010];
	[tilespmem:s26+$0x14050] =	vst v7  }
0x20f: {  	v2 =	vmul.f32 $2.209708650e-02, v6;
	[tilespmem:s26+$0x14020] =	vst v0;
	v0 =	vld [tilespmem:s25+$0x14020]  }
0x210: {  	v6 =	vmul.f32 $2.209708650e-02, v8;
	[tilespmem:s26+$0x14030] =	vst v1;
	v1 =	vld [tilespmem:s25+$0x14030]  }
0x211: {  	s28 =	simm.s32 $0x80;
	s29 =	simm.s32 $0x10;
	s30 =	simm.s32 $0x800;
	v5 =	vmul.f32 $2.209708650e-02, v9;
	[tilespmem:s26+$0x14040] =	vst v2;
	v2 =	vld [tilespmem:s25+$0x14040]  }
.LBB2_24:
0x212: {  	s0 =	sand.u32 $0x3C00, s30;
	s31 =	sand.u32 $0x380, s29;
	s28 =	sadd.s32 $0x80, s28;
	v4 =	vmul.f32 $2.209708650e-02, v4;
	v7 =	vld [tilespmem:s25+$0x14050];
	[tilespmem:s26+$0x14060] =	vst v6  }
0x213: {  	s26 =	smov.u32 s25;
	p0 =	slt.u32 s28, $0x3F80;
	v3 =	vmul.f32 $2.209708650e-02, v3;
	v6 =	vld [tilespmem:s25+$0x14060];
	[tilespmem:s25+$0x14070] =	vst v5;
	s25 =	sor.u32 s31, s0  }
0x214: {  	v5 =	vld [tilespmem:s25+$0x14070];
	[tilespmem:s26+$0x14000] =	vst v4;
	v0 =	vmul.f32 $2.209708650e-02, v0  }
.Ltmp11:
0x215: {  	v4 =	vld [tilespmem:s25+$0x14000];
	[tilespmem:s26+$0x14010] =	vst v3;
	v1 =	vmul.f32 $2.209708650e-02, v1;
	(pc) =	sbr.rel @p0 .LBB2_24-.Ltmp11, $4  }
0x216: {  	v3 =	vld [tilespmem:s25+$0x14010];
	[tilespmem:s26+$0x14020] =	vst v0;
	v2 =	vmul.f32 $2.209708650e-02, v2  }
0x217: {  	v0 =	vld [tilespmem:s25+$0x14020];
	[tilespmem:s26+$0x14030] =	vst v1;
	v7 =	vmul.f32 $2.209708650e-02, v7  }
0x218: {  	v1 =	vld [tilespmem:s25+$0x14030];
	[tilespmem:s26+$0x14040] =	vst v2;
	v6 =	vmul.f32 $2.209708650e-02, v6  }
0x219: {  	s29 =	sadd.s32 $0x8, s29;
	s30 =	sadd.s32 $0x400, s30;
	v2 =	vld [tilespmem:s25+$0x14040];
	v5 =	vmul.f32 $2.209708650e-02, v5;
	[tilespmem:s26+$0x14050] =	vst v7  }
0x21a: {  	v4 =	vmul.f32 $2.209708650e-02, v4;
	v7 =	vld [tilespmem:s25+$0x14050];
	[tilespmem:s26+$0x14060] =	vst v6  }
0x21b: {  	v6 =	vld [tilespmem:s25+$0x14060];
	v3 =	vmul.f32 $2.209708650e-02, v3;
	[tilespmem:s25+$0x14070] =	vst v5  }
0x21c: {  	[tilespmem:s25+$0x14000] =	vst v4;
	v0 =	vmul.f32 $2.209708650e-02, v0  }
0x21d: {  	[tilespmem:s25+$0x14010] =	vst v3;
	v1 =	vmul.f32 $2.209708650e-02, v1  }
0x21e: {  	[tilespmem:s25+$0x14020] =	vst v0;
	v0 =	vmul.f32 $2.209708650e-02, v2  }
0x21f: {  	[tilespmem:s25+$0x14030] =	vst v1;
	v1 =	vmul.f32 $2.209708650e-02, v7  }
0x220: {  	[tilespmem:s25+$0x14040] =	vst v0;
	v0 =	vmul.f32 $2.209708650e-02, v6  }
0x221: {  	[tilespmem:s25+$0x14050] =	vst v1  }
0x222: {  	[tilespmem:s25+$0x14060] =	vst v0  }
0x223: {  	s0 =	simm.s32 $0x0;
	s25 =	rddreg [dreg:$0x18]  }
0x224: {  	[hbm4b:s25+s0] =	stream.linear.scatter [tilespmem:s13], [sflag:$0xC], $0x4000, $0x38;
	[tilespmem:$0x18000] =	vst v63  }
0x225: {  	_ =	swait.ge [sflag:s21], $0x4000  }
0x226: {  	[sflag:s21] =	ssyncset.done $0x0  }
0x227: {  	s31 =	rddreg [dreg:$0x1f];
	[sflag:s21] =	ssyncadd.s32 $0xFFFFC000  }
0x228: {  	[tilespmem:s9], [sflag:$0x4] =	stream.linear.gather [hbm4b:s31+s0], $0x4000, $0x38;
	[tilespmem:$0x18000] =	vst v63  }
0x229: {  	_ =	swait.ge [sflag:s10], $0x4000  }
0x22a: {  	s26 =	sand.u32 $0x3C00, s0;
	s0 =	sand.u32 $0x380, s0;
	[sflag:s10] =	ssyncset.done $0x0  }
0x22b: {  	s26 =	sor.u32 s0, s26;
	[sflag:s10] =	ssyncadd.s32 $0xFFFFC000  }
0x22c: {  	v0 =	vld [tilespmem:s26+$0x70]  }
0x22d: {  	v1 =	vld [tilespmem:s26+$0x0]  }
0x22e: {  	v2 =	vld [tilespmem:s26+$0x10]  }
0x22f: {  	v7 =	vld [tilespmem:s26+$0x50]  }
0x230: {  	v3 =	vld [tilespmem:s26+$0x20]  }
0x231: {  	s31 =	simm.s32 $0x400;
	s0 =	simm.s32 $0x8;
	v5 =	vld [tilespmem:s26+$0x30];
	v0 =	vmul.f32 $2.209708650e-02, v0  }
0x232: {  	s25 =	sand.u32 $0x3C00, s31;
	s0 =	sand.u32 $0x380, s0;
	v6 =	vld [tilespmem:s26+$0x40];
	v1 =	vmul.f32 $2.209708650e-02, v1  }
0x233: {  	s25 =	sor.u32 s0, s25;
	v8 =	vld [tilespmem:s26+$0x60];
	v2 =	vmul.f32 $2.209708650e-02, v2;
	[tilespmem:s26+$0x70] =	vst v0  }
0x234: {  	v9 =	vld [tilespmem:s25+$0x70];
	v7 =	vmul.f32 $2.209708650e-02, v7;
	[tilespmem:s26+$0x0] =	vst v1  }
0x235: {  	v4 =	vld [tilespmem:s25+$0x0];
	v0 =	vmul.f32 $2.209708650e-02, v3;
	[tilespmem:s26+$0x10] =	vst v2  }
0x236: {  	v1 =	vmul.f32 $2.209708650e-02, v5;
	v3 =	vld [tilespmem:s25+$0x10];
	[tilespmem:s26+$0x50] =	vst v7  }
0x237: {  	v2 =	vmul.f32 $2.209708650e-02, v6;
	[tilespmem:s26+$0x20] =	vst v0;
	v0 =	vld [tilespmem:s25+$0x20]  }
0x238: {  	v6 =	vmul.f32 $2.209708650e-02, v8;
	[tilespmem:s26+$0x30] =	vst v1;
	v1 =	vld [tilespmem:s25+$0x30]  }
0x239: {  	s28 =	simm.s32 $0x80;
	s29 =	simm.s32 $0x10;
	s30 =	simm.s32 $0x800;
	v5 =	vmul.f32 $2.209708650e-02, v9;
	[tilespmem:s26+$0x40] =	vst v2;
	v2 =	vld [tilespmem:s25+$0x40]  }
.LBB2_26:
0x23a: {  	s0 =	sand.u32 $0x3C00, s30;
	s31 =	sand.u32 $0x380, s29;
	s28 =	sadd.s32 $0x80, s28;
	v4 =	vmul.f32 $2.209708650e-02, v4;
	v7 =	vld [tilespmem:s25+$0x50];
	[tilespmem:s26+$0x60] =	vst v6  }
0x23b: {  	s26 =	smov.u32 s25;
	p0 =	slt.u32 s28, $0x3F80;
	v3 =	vmul.f32 $2.209708650e-02, v3;
	v6 =	vld [tilespmem:s25+$0x60];
	[tilespmem:s25+$0x70] =	vst v5;
	s25 =	sor.u32 s31, s0  }
0x23c: {  	v5 =	vld [tilespmem:s25+$0x70];
	[tilespmem:s26+$0x0] =	vst v4;
	v0 =	vmul.f32 $2.209708650e-02, v0  }
.Ltmp12:
0x23d: {  	v4 =	vld [tilespmem:s25+$0x0];
	[tilespmem:s26+$0x10] =	vst v3;
	v1 =	vmul.f32 $2.209708650e-02, v1;
	(pc) =	sbr.rel @p0 .LBB2_26-.Ltmp12, $4  }
0x23e: {  	v3 =	vld [tilespmem:s25+$0x10];
	[tilespmem:s26+$0x20] =	vst v0;
	v2 =	vmul.f32 $2.209708650e-02, v2  }
0x23f: {  	v0 =	vld [tilespmem:s25+$0x20];
	[tilespmem:s26+$0x30] =	vst v1;
	v7 =	vmul.f32 $2.209708650e-02, v7  }
0x240: {  	v1 =	vld [tilespmem:s25+$0x30];
	[tilespmem:s26+$0x40] =	vst v2;
	v6 =	vmul.f32 $2.209708650e-02, v6  }
0x241: {  	s29 =	sadd.s32 $0x8, s29;
	s30 =	sadd.s32 $0x400, s30;
	v2 =	vld [tilespmem:s25+$0x40];
	v5 =	vmul.f32 $2.209708650e-02, v5;
	[tilespmem:s26+$0x50] =	vst v7  }
0x242: {  	v4 =	vmul.f32 $2.209708650e-02, v4;
	v7 =	vld [tilespmem:s25+$0x50];
	[tilespmem:s26+$0x60] =	vst v6  }
0x243: {  	v6 =	vld [tilespmem:s25+$0x60];
	v3 =	vmul.f32 $2.209708650e-02, v3;
	[tilespmem:s25+$0x70] =	vst v5  }
0x244: {  	[tilespmem:s25+$0x0] =	vst v4;
	v0 =	vmul.f32 $2.209708650e-02, v0  }
0x245: {  	[tilespmem:s25+$0x10] =	vst v3;
	v1 =	vmul.f32 $2.209708650e-02, v1  }
0x246: {  	[tilespmem:s25+$0x20] =	vst v0;
	v0 =	vmul.f32 $2.209708650e-02, v2  }
0x247: {  	[tilespmem:s25+$0x30] =	vst v1;
	v1 =	vmul.f32 $2.209708650e-02, v7  }
0x248: {  	[tilespmem:s25+$0x40] =	vst v0;
	v0 =	vmul.f32 $2.209708650e-02, v6  }
0x249: {  	[tilespmem:s25+$0x50] =	vst v1  }
0x24a: {  	[tilespmem:s25+$0x60] =	vst v0  }
0x24b: {  	s0 =	simm.s32 $0x0;
	s25 =	rddreg [dreg:$0x1a]  }
0x24c: {  	[hbm4b:s25+s0] =	stream.linear.scatter [tilespmem:s0], [sflag:$0x7], $0x4000, $0x38;
	[tilespmem:$0x18000] =	vst v63  }
0x24d: {  	_ =	swait.ge [sflag:s22], $0x4000  }
0x24e: {  	s31 =	sld [smem:$0x7E0]  }
0x24f: {  	[sflag:s22] =	ssyncset.done $0x0  }
0x250: {  	[sflag:s22] =	ssyncadd.s32 $0xFFFFC000  }
0x251: {  	[tilespmem:s11], [sflag:$0x5] =	stream.linear.gather [hbm4b:s31+s0], $0x4000, $0x38;
	[tilespmem:$0x18000] =	vst v63  }
0x252: {  	_ =	swait.ge [sflag:s12], $0x4000  }
0x253: {  	s26 =	sand.u32 $0x3C00, s0;
	s0 =	sand.u32 $0x380, s0;
	[sflag:s12] =	ssyncset.done $0x0  }
0x254: {  	s26 =	sor.u32 s0, s26;
	[sflag:s12] =	ssyncadd.s32 $0xFFFFC000  }
0x255: {  	v0 =	vld [tilespmem:s26+$0x4070]  }
0x256: {  	v1 =	vld [tilespmem:s26+$0x4000]  }
0x257: {  	v2 =	vld [tilespmem:s26+$0x4010]  }
0x258: {  	v7 =	vld [tilespmem:s26+$0x4050]  }
0x259: {  	v3 =	vld [tilespmem:s26+$0x4020]  }
0x25a: {  	s31 =	simm.s32 $0x400;
	s0 =	simm.s32 $0x8;
	v5 =	vld [tilespmem:s26+$0x4030];
	v0 =	vmul.f32 $2.209708650e-02, v0  }
0x25b: {  	s25 =	sand.u32 $0x3C00, s31;
	s0 =	sand.u32 $0x380, s0;
	v6 =	vld [tilespmem:s26+$0x4040];
	v1 =	vmul.f32 $2.209708650e-02, v1  }
0x25c: {  	s25 =	sor.u32 s0, s25;
	v8 =	vld [tilespmem:s26+$0x4060];
	v2 =	vmul.f32 $2.209708650e-02, v2;
	[tilespmem:s26+$0x4070] =	vst v0  }
0x25d: {  	v9 =	vld [tilespmem:s25+$0x4070];
	v7 =	vmul.f32 $2.209708650e-02, v7;
	[tilespmem:s26+$0x4000] =	vst v1  }
0x25e: {  	v4 =	vld [tilespmem:s25+$0x4000];
	v0 =	vmul.f32 $2.209708650e-02, v3;
	[tilespmem:s26+$0x4010] =	vst v2  }
0x25f: {  	v1 =	vmul.f32 $2.209708650e-02, v5;
	v3 =	vld [tilespmem:s25+$0x4010];
	[tilespmem:s26+$0x4050] =	vst v7  }
0x260: {  	v2 =	vmul.f32 $2.209708650e-02, v6;
	[tilespmem:s26+$0x4020] =	vst v0;
	v0 =	vld [tilespmem:s25+$0x4020]  }
0x261: {  	v6 =	vmul.f32 $2.209708650e-02, v8;
	[tilespmem:s26+$0x4030] =	vst v1;
	v1 =	vld [tilespmem:s25+$0x4030]  }
0x262: {  	s28 =	simm.s32 $0x80;
	s29 =	simm.s32 $0x10;
	s30 =	simm.s32 $0x800;
	v5 =	vmul.f32 $2.209708650e-02, v9;
	[tilespmem:s26+$0x4040] =	vst v2;
	v2 =	vld [tilespmem:s25+$0x4040]  }
.LBB2_28:
0x263: {  	s0 =	sand.u32 $0x3C00, s30;
	s31 =	sand.u32 $0x380, s29;
	s28 =	sadd.s32 $0x80, s28;
	v4 =	vmul.f32 $2.209708650e-02, v4;
	v7 =	vld [tilespmem:s25+$0x4050];
	[tilespmem:s26+$0x4060] =	vst v6  }
0x264: {  	s26 =	smov.u32 s25;
	p0 =	slt.u32 s28, $0x3F80;
	v3 =	vmul.f32 $2.209708650e-02, v3;
	v6 =	vld [tilespmem:s25+$0x4060];
	[tilespmem:s25+$0x4070] =	vst v5;
	s25 =	sor.u32 s31, s0  }
0x265: {  	v5 =	vld [tilespmem:s25+$0x4070];
	[tilespmem:s26+$0x4000] =	vst v4;
	v0 =	vmul.f32 $2.209708650e-02, v0  }
.Ltmp13:
0x266: {  	v4 =	vld [tilespmem:s25+$0x4000];
	[tilespmem:s26+$0x4010] =	vst v3;
	v1 =	vmul.f32 $2.209708650e-02, v1;
	(pc) =	sbr.rel @p0 .LBB2_28-.Ltmp13, $4  }
0x267: {  	v3 =	vld [tilespmem:s25+$0x4010];
	[tilespmem:s26+$0x4020] =	vst v0;
	v2 =	vmul.f32 $2.209708650e-02, v2  }
0x268: {  	v0 =	vld [tilespmem:s25+$0x4020];
	[tilespmem:s26+$0x4030] =	vst v1;
	v7 =	vmul.f32 $2.209708650e-02, v7  }
0x269: {  	v1 =	vld [tilespmem:s25+$0x4030];
	[tilespmem:s26+$0x4040] =	vst v2;
	v6 =	vmul.f32 $2.209708650e-02, v6  }
0x26a: {  	s29 =	sadd.s32 $0x8, s29;
	s30 =	sadd.s32 $0x400, s30;
	v2 =	vld [tilespmem:s25+$0x4040];
	v5 =	vmul.f32 $2.209708650e-02, v5;
	[tilespmem:s26+$0x4050] =	vst v7  }
0x26b: {  	v4 =	vmul.f32 $2.209708650e-02, v4;
	v7 =	vld [tilespmem:s25+$0x4050];
	[tilespmem:s26+$0x4060] =	vst v6  }
0x26c: {  	v6 =	vld [tilespmem:s25+$0x4060];
	v3 =	vmul.f32 $2.209708650e-02, v3;
	[tilespmem:s25+$0x4070] =	vst v5  }
0x26d: {  	[tilespmem:s25+$0x4000] =	vst v4;
	v0 =	vmul.f32 $2.209708650e-02, v0  }
0x26e: {  	[tilespmem:s25+$0x4010] =	vst v3;
	v1 =	vmul.f32 $2.209708650e-02, v1  }
0x26f: {  	[tilespmem:s25+$0x4020] =	vst v0;
	v0 =	vmul.f32 $2.209708650e-02, v2  }
0x270: {  	[tilespmem:s25+$0x4030] =	vst v1;
	v1 =	vmul.f32 $2.209708650e-02, v7  }
0x271: {  	[tilespmem:s25+$0x4040] =	vst v0;
	v0 =	vmul.f32 $2.209708650e-02, v6  }
0x272: {  	[tilespmem:s25+$0x4050] =	vst v1  }
0x273: {  	[tilespmem:s25+$0x4060] =	vst v0  }
0x274: {  	s0 =	simm.s32 $0x0;
	s25 =	rddreg [dreg:$0x1c]  }
0x275: {  	[hbm4b:s25+s0] =	stream.linear.scatter [tilespmem:s7], [sflag:$0x8], $0x4000, $0x38;
	[tilespmem:$0x18000] =	vst v63  }
0x276: {  	_ =	swait.ge [sflag:s23], $0x4000  }
0x277: {  	s31 =	sld [smem:$0x7E2]  }
0x278: {  	[sflag:s23] =	ssyncset.done $0x0  }
0x279: {  	[sflag:s23] =	ssyncadd.s32 $0xFFFFC000  }
0x27a: {  	[tilespmem:s13], [sflag:$0x6] =	stream.linear.gather [hbm4b:s31+s0], $0x4000, $0x38;
	[tilespmem:$0x18000] =	vst v63  }
0x27b: {  	_ =	swait.ge [sflag:s14], $0x4000  }
0x27c: {  	s26 =	sand.u32 $0x3C00, s0;
	s0 =	sand.u32 $0x380, s0;
	[sflag:s14] =	ssyncset.done $0x0  }
0x27d: {  	s26 =	sor.u32 s0, s26;
	[sflag:s14] =	ssyncadd.s32 $0xFFFFC000  }
0x27e: {  	v0 =	vld [tilespmem:s26+$0x8070]  }
0x27f: {  	v1 =	vld [tilespmem:s26+$0x8000]  }
0x280: {  	v2 =	vld [tilespmem:s26+$0x8010]  }
0x281: {  	v7 =	vld [tilespmem:s26+$0x8050]  }
0x282: {  	v3 =	vld [tilespmem:s26+$0x8020]  }
0x283: {  	s31 =	simm.s32 $0x400;
	s0 =	simm.s32 $0x8;
	v5 =	vld [tilespmem:s26+$0x8030];
	v0 =	vmul.f32 $2.209708650e-02, v0  }
0x284: {  	s25 =	sand.u32 $0x3C00, s31;
	s0 =	sand.u32 $0x380, s0;
	v6 =	vld [tilespmem:s26+$0x8040];
	v1 =	vmul.f32 $2.209708650e-02, v1  }
0x285: {  	s25 =	sor.u32 s0, s25;
	v8 =	vld [tilespmem:s26+$0x8060];
	v2 =	vmul.f32 $2.209708650e-02, v2;
	[tilespmem:s26+$0x8070] =	vst v0  }
0x286: {  	v9 =	vld [tilespmem:s25+$0x8070];
	v7 =	vmul.f32 $2.209708650e-02, v7;
	[tilespmem:s26+$0x8000] =	vst v1  }
0x287: {  	v4 =	vld [tilespmem:s25+$0x8000];
	v0 =	vmul.f32 $2.209708650e-02, v3;
	[tilespmem:s26+$0x8010] =	vst v2  }
0x288: {  	v1 =	vmul.f32 $2.209708650e-02, v5;
	v3 =	vld [tilespmem:s25+$0x8010];
	[tilespmem:s26+$0x8050] =	vst v7  }
0x289: {  	v2 =	vmul.f32 $2.209708650e-02, v6;
	[tilespmem:s26+$0x8020] =	vst v0;
	v0 =	vld [tilespmem:s25+$0x8020]  }
0x28a: {  	v6 =	vmul.f32 $2.209708650e-02, v8;
	[tilespmem:s26+$0x8030] =	vst v1;
	v1 =	vld [tilespmem:s25+$0x8030]  }
0x28b: {  	s28 =	simm.s32 $0x80;
	s29 =	simm.s32 $0x10;
	s30 =	simm.s32 $0x800;
	v5 =	vmul.f32 $2.209708650e-02, v9;
	[tilespmem:s26+$0x8040] =	vst v2;
	v2 =	vld [tilespmem:s25+$0x8040]  }
.LBB2_30:
0x28c: {  	s0 =	sand.u32 $0x3C00, s30;
	s31 =	sand.u32 $0x380, s29;
	s28 =	sadd.s32 $0x80, s28;
	v4 =	vmul.f32 $2.209708650e-02, v4;
	v7 =	vld [tilespmem:s25+$0x8050];
	[tilespmem:s26+$0x8060] =	vst v6  }
0x28d: {  	s26 =	smov.u32 s25;
	p0 =	slt.u32 s28, $0x3F80;
	v3 =	vmul.f32 $2.209708650e-02, v3;
	v6 =	vld [tilespmem:s25+$0x8060];
	[tilespmem:s25+$0x8070] =	vst v5;
	s25 =	sor.u32 s31, s0  }
0x28e: {  	v5 =	vld [tilespmem:s25+$0x8070];
	[tilespmem:s26+$0x8000] =	vst v4;
	v0 =	vmul.f32 $2.209708650e-02, v0  }
.Ltmp14:
0x28f: {  	v4 =	vld [tilespmem:s25+$0x8000];
	[tilespmem:s26+$0x8010] =	vst v3;
	v1 =	vmul.f32 $2.209708650e-02, v1;
	(pc) =	sbr.rel @p0 .LBB2_30-.Ltmp14, $4  }
0x290: {  	v3 =	vld [tilespmem:s25+$0x8010];
	[tilespmem:s26+$0x8020] =	vst v0;
	v2 =	vmul.f32 $2.209708650e-02, v2  }
0x291: {  	v0 =	vld [tilespmem:s25+$0x8020];
	[tilespmem:s26+$0x8030] =	vst v1;
	v7 =	vmul.f32 $2.209708650e-02, v7  }
0x292: {  	v1 =	vld [tilespmem:s25+$0x8030];
	[tilespmem:s26+$0x8040] =	vst v2;
	v6 =	vmul.f32 $2.209708650e-02, v6  }
0x293: {  	s29 =	sadd.s32 $0x8, s29;
	s30 =	sadd.s32 $0x400, s30;
	v2 =	vld [tilespmem:s25+$0x8040];
	v5 =	vmul.f32 $2.209708650e-02, v5;
	[tilespmem:s26+$0x8050] =	vst v7  }
0x294: {  	v4 =	vmul.f32 $2.209708650e-02, v4;
	v7 =	vld [tilespmem:s25+$0x8050];
	[tilespmem:s26+$0x8060] =	vst v6  }
0x295: {  	v6 =	vld [tilespmem:s25+$0x8060];
	v3 =	vmul.f32 $2.209708650e-02, v3;
	[tilespmem:s25+$0x8070] =	vst v5  }
0x296: {  	[tilespmem:s25+$0x8000] =	vst v4;
	v0 =	vmul.f32 $2.209708650e-02, v0  }
0x297: {  	[tilespmem:s25+$0x8010] =	vst v3;
	v1 =	vmul.f32 $2.209708650e-02, v1  }
0x298: {  	[tilespmem:s25+$0x8020] =	vst v0;
	v0 =	vmul.f32 $2.209708650e-02, v2  }
0x299: {  	[tilespmem:s25+$0x8030] =	vst v1;
	v1 =	vmul.f32 $2.209708650e-02, v7  }
0x29a: {  	[tilespmem:s25+$0x8040] =	vst v0;
	v0 =	vmul.f32 $2.209708650e-02, v6  }
0x29b: {  	[tilespmem:s25+$0x8050] =	vst v1  }
0x29c: {  	[tilespmem:s25+$0x8060] =	vst v0  }
0x29d: {  	s0 =	simm.s32 $0x0;
	s25 =	rddreg [dreg:$0x1e]  }
0x29e: {  	[hbm4b:s25+s0] =	stream.linear.scatter [tilespmem:s8], [sflag:$0x9], $0x4000, $0x38;
	[tilespmem:$0x18000] =	vst v63  }
0x29f: {  	_ =	swait.ge [sflag:s15], $0x4000  }
0x2a0: {  	s31 =	sld [smem:$0x7E4]  }
0x2a1: {  	[sflag:s15] =	ssyncset.done $0x0  }
0x2a2: {  	[sflag:s15] =	ssyncadd.s32 $0xFFFFC000  }
0x2a3: {  	[tilespmem:s0], [sflag:$0x1] =	stream.linear.gather [hbm4b:s31+s0], $0x4000, $0x38;
	[tilespmem:$0x18000] =	vst v63  }
0x2a4: {  	_ =	swait.ge [sflag:s16], $0x4000  }
0x2a5: {  	s26 =	sand.u32 $0x3C00, s0;
	s0 =	sand.u32 $0x380, s0;
	[sflag:s16] =	ssyncset.done $0x0  }
0x2a6: {  	s26 =	sor.u32 s0, s26;
	[sflag:s16] =	ssyncadd.s32 $0xFFFFC000  }
0x2a7: {  	v0 =	vld [tilespmem:s26+$0xC070]  }
0x2a8: {  	v1 =	vld [tilespmem:s26+$0xC000]  }
0x2a9: {  	v2 =	vld [tilespmem:s26+$0xC010]  }
0x2aa: {  	v7 =	vld [tilespmem:s26+$0xC050]  }
0x2ab: {  	v3 =	vld [tilespmem:s26+$0xC020]  }
0x2ac: {  	s31 =	simm.s32 $0x400;
	s0 =	simm.s32 $0x8;
	v5 =	vld [tilespmem:s26+$0xC030];
	v0 =	vmul.f32 $2.209708650e-02, v0  }
0x2ad: {  	s25 =	sand.u32 $0x3C00, s31;
	s0 =	sand.u32 $0x380, s0;
	v6 =	vld [tilespmem:s26+$0xC040];
	v1 =	vmul.f32 $2.209708650e-02, v1  }
0x2ae: {  	s25 =	sor.u32 s0, s25;
	v8 =	vld [tilespmem:s26+$0xC060];
	v2 =	vmul.f32 $2.209708650e-02, v2;
	[tilespmem:s26+$0xC070] =	vst v0  }
0x2af: {  	v9 =	vld [tilespmem:s25+$0xC070];
	v7 =	vmul.f32 $2.209708650e-02, v7;
	[tilespmem:s26+$0xC000] =	vst v1  }
0x2b0: {  	v4 =	vld [tilespmem:s25+$0xC000];
	v0 =	vmul.f32 $2.209708650e-02, v3;
	[tilespmem:s26+$0xC010] =	vst v2  }
0x2b1: {  	v1 =	vmul.f32 $2.209708650e-02, v5;
	v3 =	vld [tilespmem:s25+$0xC010];
	[tilespmem:s26+$0xC050] =	vst v7  }
0x2b2: {  	v2 =	vmul.f32 $2.209708650e-02, v6;
	[tilespmem:s26+$0xC020] =	vst v0;
	v0 =	vld [tilespmem:s25+$0xC020]  }
0x2b3: {  	v6 =	vmul.f32 $2.209708650e-02, v8;
	[tilespmem:s26+$0xC030] =	vst v1;
	v1 =	vld [tilespmem:s25+$0xC030]  }
0x2b4: {  	s28 =	simm.s32 $0x80;
	s29 =	simm.s32 $0x10;
	s30 =	simm.s32 $0x800;
	v5 =	vmul.f32 $2.209708650e-02, v9;
	[tilespmem:s26+$0xC040] =	vst v2;
	v2 =	vld [tilespmem:s25+$0xC040]  }
.LBB2_32:
0x2b5: {  	s0 =	sand.u32 $0x3C00, s30;
	s31 =	sand.u32 $0x380, s29;
	s28 =	sadd.s32 $0x80, s28;
	v4 =	vmul.f32 $2.209708650e-02, v4;
	v7 =	vld [tilespmem:s25+$0xC050];
	[tilespmem:s26+$0xC060] =	vst v6  }
0x2b6: {  	s26 =	smov.u32 s25;
	p0 =	slt.u32 s28, $0x3F80;
	v3 =	vmul.f32 $2.209708650e-02, v3;
	v6 =	vld [tilespmem:s25+$0xC060];
	[tilespmem:s25+$0xC070] =	vst v5;
	s25 =	sor.u32 s31, s0  }
0x2b7: {  	v5 =	vld [tilespmem:s25+$0xC070];
	[tilespmem:s26+$0xC000] =	vst v4;
	v0 =	vmul.f32 $2.209708650e-02, v0  }
.Ltmp15:
0x2b8: {  	v4 =	vld [tilespmem:s25+$0xC000];
	[tilespmem:s26+$0xC010] =	vst v3;
	v1 =	vmul.f32 $2.209708650e-02, v1;
	(pc) =	sbr.rel @p0 .LBB2_32-.Ltmp15, $4  }
0x2b9: {  	v3 =	vld [tilespmem:s25+$0xC010];
	[tilespmem:s26+$0xC020] =	vst v0;
	v2 =	vmul.f32 $2.209708650e-02, v2  }
0x2ba: {  	v0 =	vld [tilespmem:s25+$0xC020];
	[tilespmem:s26+$0xC030] =	vst v1;
	v7 =	vmul.f32 $2.209708650e-02, v7  }
0x2bb: {  	v1 =	vld [tilespmem:s25+$0xC030];
	[tilespmem:s26+$0xC040] =	vst v2;
	v6 =	vmul.f32 $2.209708650e-02, v6  }
0x2bc: {  	s29 =	sadd.s32 $0x8, s29;
	s30 =	sadd.s32 $0x400, s30;
	v2 =	vld [tilespmem:s25+$0xC040];
	v5 =	vmul.f32 $2.209708650e-02, v5;
	[tilespmem:s26+$0xC050] =	vst v7  }
0x2bd: {  	v4 =	vmul.f32 $2.209708650e-02, v4;
	v7 =	vld [tilespmem:s25+$0xC050];
	[tilespmem:s26+$0xC060] =	vst v6  }
0x2be: {  	v6 =	vld [tilespmem:s25+$0xC060];
	v3 =	vmul.f32 $2.209708650e-02, v3;
	[tilespmem:s25+$0xC070] =	vst v5  }
0x2bf: {  	[tilespmem:s25+$0xC000] =	vst v4;
	v0 =	vmul.f32 $2.209708650e-02, v0  }
0x2c0: {  	[tilespmem:s25+$0xC010] =	vst v3;
	v1 =	vmul.f32 $2.209708650e-02, v1  }
0x2c1: {  	[tilespmem:s25+$0xC020] =	vst v0;
	v0 =	vmul.f32 $2.209708650e-02, v2  }
0x2c2: {  	[tilespmem:s25+$0xC030] =	vst v1;
	v1 =	vmul.f32 $2.209708650e-02, v7  }
0x2c3: {  	[tilespmem:s25+$0xC040] =	vst v0;
	v0 =	vmul.f32 $2.209708650e-02, v6  }
0x2c4: {  	[tilespmem:s25+$0xC050] =	vst v1  }
0x2c5: {  	[tilespmem:s25+$0xC060] =	vst v0  }
0x2c6: {  	s25 =	sld [smem:$0x7DF];
	_ =	sdelay $0x1  }
0x2c7: {  	s0 =	simm.s32 $0x0  }
0x2c8: {  	[hbm4b:s25+s0] =	stream.linear.scatter [tilespmem:s9], [sflag:$0xA], $0x4000, $0x38;
	[tilespmem:$0x18000] =	vst v63  }
0x2c9: {  	_ =	swait.ge [sflag:s17], $0x4000  }
0x2ca: {  	s31 =	sld [smem:$0x7E6]  }
0x2cb: {  	[sflag:s17] =	ssyncset.done $0x0  }
0x2cc: {  	[sflag:s17] =	ssyncadd.s32 $0xFFFFC000  }
0x2cd: {  	[tilespmem:s7], [sflag:$0x2] =	stream.linear.gather [hbm4b:s31+s0], $0x4000, $0x38;
	[tilespmem:$0x18000] =	vst v63  }
0x2ce: {  	_ =	swait.ge [sflag:s18], $0x4000  }
0x2cf: {  	s26 =	sand.u32 $0x3C00, s0;
	s0 =	sand.u32 $0x380, s0;
	[sflag:s18] =	ssyncset.done $0x0  }
0x2d0: {  	s26 =	sor.u32 s0, s26;
	[sflag:s18] =	ssyncadd.s32 $0xFFFFC000  }
0x2d1: {  	v0 =	vld [tilespmem:s26+$0x10070]  }
0x2d2: {  	v1 =	vld [tilespmem:s26+$0x10000]  }
0x2d3: {  	v2 =	vld [tilespmem:s26+$0x10010]  }
0x2d4: {  	v7 =	vld [tilespmem:s26+$0x10050]  }
0x2d5: {  	v3 =	vld [tilespmem:s26+$0x10020]  }
0x2d6: {  	s31 =	simm.s32 $0x400;
	s0 =	simm.s32 $0x8;
	v5 =	vld [tilespmem:s26+$0x10030];
	v0 =	vmul.f32 $2.209708650e-02, v0  }
0x2d7: {  	s25 =	sand.u32 $0x3C00, s31;
	s0 =	sand.u32 $0x380, s0;
	v6 =	vld [tilespmem:s26+$0x10040];
	v1 =	vmul.f32 $2.209708650e-02, v1  }
0x2d8: {  	s25 =	sor.u32 s0, s25;
	v8 =	vld [tilespmem:s26+$0x10060];
	v2 =	vmul.f32 $2.209708650e-02, v2;
	[tilespmem:s26+$0x10070] =	vst v0  }
0x2d9: {  	v9 =	vld [tilespmem:s25+$0x10070];
	v7 =	vmul.f32 $2.209708650e-02, v7;
	[tilespmem:s26+$0x10000] =	vst v1  }
0x2da: {  	v4 =	vld [tilespmem:s25+$0x10000];
	v0 =	vmul.f32 $2.209708650e-02, v3;
	[tilespmem:s26+$0x10010] =	vst v2  }
0x2db: {  	v1 =	vmul.f32 $2.209708650e-02, v5;
	v3 =	vld [tilespmem:s25+$0x10010];
	[tilespmem:s26+$0x10050] =	vst v7  }
0x2dc: {  	v2 =	vmul.f32 $2.209708650e-02, v6;
	[tilespmem:s26+$0x10020] =	vst v0;
	v0 =	vld [tilespmem:s25+$0x10020]  }
0x2dd: {  	v6 =	vmul.f32 $2.209708650e-02, v8;
	[tilespmem:s26+$0x10030] =	vst v1;
	v1 =	vld [tilespmem:s25+$0x10030]  }
0x2de: {  	s28 =	simm.s32 $0x80;
	s29 =	simm.s32 $0x10;
	s30 =	simm.s32 $0x800;
	v5 =	vmul.f32 $2.209708650e-02, v9;
	[tilespmem:s26+$0x10040] =	vst v2;
	v2 =	vld [tilespmem:s25+$0x10040]  }
.LBB2_34:
0x2df: {  	s0 =	sand.u32 $0x3C00, s30;
	s31 =	sand.u32 $0x380, s29;
	s28 =	sadd.s32 $0x80, s28;
	v4 =	vmul.f32 $2.209708650e-02, v4;
	v7 =	vld [tilespmem:s25+$0x10050];
	[tilespmem:s26+$0x10060] =	vst v6  }
0x2e0: {  	s26 =	smov.u32 s25;
	p0 =	slt.u32 s28, $0x3F80;
	v3 =	vmul.f32 $2.209708650e-02, v3;
	v6 =	vld [tilespmem:s25+$0x10060];
	[tilespmem:s25+$0x10070] =	vst v5;
	s25 =	sor.u32 s31, s0  }
0x2e1: {  	v5 =	vld [tilespmem:s25+$0x10070];
	[tilespmem:s26+$0x10000] =	vst v4;
	v0 =	vmul.f32 $2.209708650e-02, v0  }
.Ltmp16:
0x2e2: {  	v4 =	vld [tilespmem:s25+$0x10000];
	[tilespmem:s26+$0x10010] =	vst v3;
	v1 =	vmul.f32 $2.209708650e-02, v1;
	(pc) =	sbr.rel @p0 .LBB2_34-.Ltmp16, $4  }
0x2e3: {  	v3 =	vld [tilespmem:s25+$0x10010];
	[tilespmem:s26+$0x10020] =	vst v0;
	v2 =	vmul.f32 $2.209708650e-02, v2  }
0x2e4: {  	v0 =	vld [tilespmem:s25+$0x10020];
	[tilespmem:s26+$0x10030] =	vst v1;
	v7 =	vmul.f32 $2.209708650e-02, v7  }
0x2e5: {  	v1 =	vld [tilespmem:s25+$0x10030];
	[tilespmem:s26+$0x10040] =	vst v2;
	v6 =	vmul.f32 $2.209708650e-02, v6  }
0x2e6: {  	s29 =	sadd.s32 $0x8, s29;
	s30 =	sadd.s32 $0x400, s30;
	v2 =	vld [tilespmem:s25+$0x10040];
	v5 =	vmul.f32 $2.209708650e-02, v5;
	[tilespmem:s26+$0x10050] =	vst v7  }
0x2e7: {  	v4 =	vmul.f32 $2.209708650e-02, v4;
	v7 =	vld [tilespmem:s25+$0x10050];
	[tilespmem:s26+$0x10060] =	vst v6  }
0x2e8: {  	v6 =	vld [tilespmem:s25+$0x10060];
	v3 =	vmul.f32 $2.209708650e-02, v3;
	[tilespmem:s25+$0x10070] =	vst v5  }
0x2e9: {  	[tilespmem:s25+$0x10000] =	vst v4;
	v0 =	vmul.f32 $2.209708650e-02, v0  }
0x2ea: {  	[tilespmem:s25+$0x10010] =	vst v3;
	v1 =	vmul.f32 $2.209708650e-02, v1  }
0x2eb: {  	[tilespmem:s25+$0x10020] =	vst v0;
	v0 =	vmul.f32 $2.209708650e-02, v2  }
0x2ec: {  	[tilespmem:s25+$0x10030] =	vst v1;
	v1 =	vmul.f32 $2.209708650e-02, v7  }
0x2ed: {  	[tilespmem:s25+$0x10040] =	vst v0;
	v0 =	vmul.f32 $2.209708650e-02, v6  }
0x2ee: {  	[tilespmem:s25+$0x10050] =	vst v1  }
0x2ef: {  	[tilespmem:s25+$0x10060] =	vst v0  }
0x2f0: {  	s25 =	sld [smem:$0x7E1];
	_ =	sdelay $0x1  }
0x2f1: {  	s0 =	simm.s32 $0x0  }
0x2f2: {  	[hbm4b:s25+s0] =	stream.linear.scatter [tilespmem:s11], [sflag:$0xB], $0x4000, $0x38;
	[tilespmem:$0x18000] =	vst v63  }
0x2f3: {  	_ =	swait.ge [sflag:s19], $0x4000  }
0x2f4: {  	s31 =	sld [smem:$0x7E8]  }
0x2f5: {  	[sflag:s19] =	ssyncset.done $0x0  }
0x2f6: {  	[sflag:s19] =	ssyncadd.s32 $0xFFFFC000  }
0x2f7: {  	[tilespmem:s8], [sflag:$0x3] =	stream.linear.gather [hbm4b:s31+s0], $0x4000, $0x38;
	[tilespmem:$0x18000] =	vst v63  }
0x2f8: {  	_ =	swait.ge [sflag:s20], $0x4000  }
0x2f9: {  	s26 =	sand.u32 $0x3C00, s0;
	s0 =	sand.u32 $0x380, s0;
	[sflag:s20] =	ssyncset.done $0x0  }
0x2fa: {  	s26 =	sor.u32 s0, s26;
	[sflag:s20] =	ssyncadd.s32 $0xFFFFC000  }
0x2fb: {  	v0 =	vld [tilespmem:s26+$0x14070]  }
0x2fc: {  	v1 =	vld [tilespmem:s26+$0x14000]  }
0x2fd: {  	v2 =	vld [tilespmem:s26+$0x14010]  }
0x2fe: {  	v7 =	vld [tilespmem:s26+$0x14050]  }
0x2ff: {  	v3 =	vld [tilespmem:s26+$0x14020]  }
0x300: {  	s31 =	simm.s32 $0x400;
	s0 =	simm.s32 $0x8;
	v5 =	vld [tilespmem:s26+$0x14030];
	v0 =	vmul.f32 $2.209708650e-02, v0  }
0x301: {  	s25 =	sand.u32 $0x3C00, s31;
	s0 =	sand.u32 $0x380, s0;
	v6 =	vld [tilespmem:s26+$0x14040];
	v1 =	vmul.f32 $2.209708650e-02, v1  }
0x302: {  	s25 =	sor.u32 s0, s25;
	v8 =	vld [tilespmem:s26+$0x14060];
	v2 =	vmul.f32 $2.209708650e-02, v2;
	[tilespmem:s26+$0x14070] =	vst v0  }
0x303: {  	v9 =	vld [tilespmem:s25+$0x14070];
	v7 =	vmul.f32 $2.209708650e-02, v7;
	[tilespmem:s26+$0x14000] =	vst v1  }
0x304: {  	v4 =	vld [tilespmem:s25+$0x14000];
	v0 =	vmul.f32 $2.209708650e-02, v3;
	[tilespmem:s26+$0x14010] =	vst v2  }
0x305: {  	v1 =	vmul.f32 $2.209708650e-02, v5;
	v3 =	vld [tilespmem:s25+$0x14010];
	[tilespmem:s26+$0x14050] =	vst v7  }
0x306: {  	v2 =	vmul.f32 $2.209708650e-02, v6;
	[tilespmem:s26+$0x14020] =	vst v0;
	v0 =	vld [tilespmem:s25+$0x14020]  }
0x307: {  	v6 =	vmul.f32 $2.209708650e-02, v8;
	[tilespmem:s26+$0x14030] =	vst v1;
	v1 =	vld [tilespmem:s25+$0x14030]  }
0x308: {  	s28 =	simm.s32 $0x80;
	s29 =	simm.s32 $0x10;
	s30 =	simm.s32 $0x800;
	v5 =	vmul.f32 $2.209708650e-02, v9;
	[tilespmem:s26+$0x14040] =	vst v2;
	v2 =	vld [tilespmem:s25+$0x14040]  }
.LBB2_36:
0x309: {  	s0 =	sand.u32 $0x3C00, s30;
	s31 =	sand.u32 $0x380, s29;
	s28 =	sadd.s32 $0x80, s28;
	v4 =	vmul.f32 $2.209708650e-02, v4;
	v7 =	vld [tilespmem:s25+$0x14050];
	[tilespmem:s26+$0x14060] =	vst v6  }
0x30a: {  	s26 =	smov.u32 s25;
	p0 =	slt.u32 s28, $0x3F80;
	v3 =	vmul.f32 $2.209708650e-02, v3;
	v6 =	vld [tilespmem:s25+$0x14060];
	[tilespmem:s25+$0x14070] =	vst v5;
	s25 =	sor.u32 s31, s0  }
0x30b: {  	v5 =	vld [tilespmem:s25+$0x14070];
	[tilespmem:s26+$0x14000] =	vst v4;
	v0 =	vmul.f32 $2.209708650e-02, v0  }
.Ltmp17:
0x30c: {  	v4 =	vld [tilespmem:s25+$0x14000];
	[tilespmem:s26+$0x14010] =	vst v3;
	v1 =	vmul.f32 $2.209708650e-02, v1;
	(pc) =	sbr.rel @p0 .LBB2_36-.Ltmp17, $4  }
0x30d: {  	v3 =	vld [tilespmem:s25+$0x14010];
	[tilespmem:s26+$0x14020] =	vst v0;
	v2 =	vmul.f32 $2.209708650e-02, v2  }
0x30e: {  	v0 =	vld [tilespmem:s25+$0x14020];
	[tilespmem:s26+$0x14030] =	vst v1;
	v7 =	vmul.f32 $2.209708650e-02, v7  }
0x30f: {  	v1 =	vld [tilespmem:s25+$0x14030];
	[tilespmem:s26+$0x14040] =	vst v2;
	v6 =	vmul.f32 $2.209708650e-02, v6  }
0x310: {  	s29 =	sadd.s32 $0x8, s29;
	s30 =	sadd.s32 $0x400, s30;
	v2 =	vld [tilespmem:s25+$0x14040];
	v5 =	vmul.f32 $2.209708650e-02, v5;
	[tilespmem:s26+$0x14050] =	vst v7  }
0x311: {  	v4 =	vmul.f32 $2.209708650e-02, v4;
	v7 =	vld [tilespmem:s25+$0x14050];
	[tilespmem:s26+$0x14060] =	vst v6  }
0x312: {  	v6 =	vld [tilespmem:s25+$0x14060];
	v3 =	vmul.f32 $2.209708650e-02, v3;
	[tilespmem:s25+$0x14070] =	vst v5  }
0x313: {  	[tilespmem:s25+$0x14000] =	vst v4;
	v0 =	vmul.f32 $2.209708650e-02, v0  }
0x314: {  	[tilespmem:s25+$0x14010] =	vst v3;
	v1 =	vmul.f32 $2.209708650e-02, v1  }
0x315: {  	[tilespmem:s25+$0x14020] =	vst v0;
	v0 =	vmul.f32 $2.209708650e-02, v2  }
0x316: {  	[tilespmem:s25+$0x14030] =	vst v1;
	v1 =	vmul.f32 $2.209708650e-02, v7  }
0x317: {  	[tilespmem:s25+$0x14040] =	vst v0;
	v0 =	vmul.f32 $2.209708650e-02, v6  }
0x318: {  	[tilespmem:s25+$0x14050] =	vst v1  }
0x319: {  	[tilespmem:s25+$0x14060] =	vst v0  }
0x31a: {  	s25 =	sld [smem:$0x7E3];
	_ =	sdelay $0x1  }
0x31b: {  	s0 =	simm.s32 $0x0  }
0x31c: {  	[hbm4b:s25+s0] =	stream.linear.scatter [tilespmem:s13], [sflag:$0xC], $0x4000, $0x38;
	[tilespmem:$0x18000] =	vst v63  }
0x31d: {  	_ =	swait.ge [sflag:s21], $0x4000  }
0x31e: {  	s31 =	sld [smem:$0x7EA]  }
0x31f: {  	[sflag:s21] =	ssyncset.done $0x0  }
0x320: {  	[sflag:s21] =	ssyncadd.s32 $0xFFFFC000  }
0x321: {  	[tilespmem:s9], [sflag:$0x4] =	stream.linear.gather [hbm4b:s31+s0], $0x4000, $0x38;
	[tilespmem:$0x18000] =	vst v63  }
0x322: {  	_ =	swait.ge [sflag:s10], $0x4000  }
0x323: {  	s26 =	sand.u32 $0x3C00, s0;
	s0 =	sand.u32 $0x380, s0;
	[sflag:s10] =	ssyncset.done $0x0  }
0x324: {  	s26 =	sor.u32 s0, s26;
	[sflag:s10] =	ssyncadd.s32 $0xFFFFC000  }
0x325: {  	v0 =	vld [tilespmem:s26+$0x70]  }
0x326: {  	v1 =	vld [tilespmem:s26+$0x0]  }
0x327: {  	v2 =	vld [tilespmem:s26+$0x10]  }
0x328: {  	v7 =	vld [tilespmem:s26+$0x50]  }
0x329: {  	v3 =	vld [tilespmem:s26+$0x20]  }
0x32a: {  	s31 =	simm.s32 $0x400;
	s0 =	simm.s32 $0x8;
	v5 =	vld [tilespmem:s26+$0x30];
	v0 =	vmul.f32 $2.209708650e-02, v0  }
0x32b: {  	s25 =	sand.u32 $0x3C00, s31;
	s0 =	sand.u32 $0x380, s0;
	v6 =	vld [tilespmem:s26+$0x40];
	v1 =	vmul.f32 $2.209708650e-02, v1  }
0x32c: {  	s25 =	sor.u32 s0, s25;
	v8 =	vld [tilespmem:s26+$0x60];
	v2 =	vmul.f32 $2.209708650e-02, v2;
	[tilespmem:s26+$0x70] =	vst v0  }
0x32d: {  	v9 =	vld [tilespmem:s25+$0x70];
	v7 =	vmul.f32 $2.209708650e-02, v7;
	[tilespmem:s26+$0x0] =	vst v1  }
0x32e: {  	v4 =	vld [tilespmem:s25+$0x0];
	v0 =	vmul.f32 $2.209708650e-02, v3;
	[tilespmem:s26+$0x10] =	vst v2  }
0x32f: {  	v1 =	vmul.f32 $2.209708650e-02, v5;
	v3 =	vld [tilespmem:s25+$0x10];
	[tilespmem:s26+$0x50] =	vst v7  }
0x330: {  	v2 =	vmul.f32 $2.209708650e-02, v6;
	[tilespmem:s26+$0x20] =	vst v0;
	v0 =	vld [tilespmem:s25+$0x20]  }
0x331: {  	v6 =	vmul.f32 $2.209708650e-02, v8;
	[tilespmem:s26+$0x30] =	vst v1;
	v1 =	vld [tilespmem:s25+$0x30]  }
0x332: {  	s28 =	simm.s32 $0x80;
	s29 =	simm.s32 $0x10;
	s30 =	simm.s32 $0x800;
	v5 =	vmul.f32 $2.209708650e-02, v9;
	[tilespmem:s26+$0x40] =	vst v2;
	v2 =	vld [tilespmem:s25+$0x40]  }
.LBB2_38:
0x333: {  	s0 =	sand.u32 $0x3C00, s30;
	s31 =	sand.u32 $0x380, s29;
	s28 =	sadd.s32 $0x80, s28;
	v4 =	vmul.f32 $2.209708650e-02, v4;
	v7 =	vld [tilespmem:s25+$0x50];
	[tilespmem:s26+$0x60] =	vst v6  }
0x334: {  	s26 =	smov.u32 s25;
	p0 =	slt.u32 s28, $0x3F80;
	v3 =	vmul.f32 $2.209708650e-02, v3;
	v6 =	vld [tilespmem:s25+$0x60];
	[tilespmem:s25+$0x70] =	vst v5;
	s25 =	sor.u32 s31, s0  }
0x335: {  	v5 =	vld [tilespmem:s25+$0x70];
	[tilespmem:s26+$0x0] =	vst v4;
	v0 =	vmul.f32 $2.209708650e-02, v0  }
.Ltmp18:
0x336: {  	v4 =	vld [tilespmem:s25+$0x0];
	[tilespmem:s26+$0x10] =	vst v3;
	v1 =	vmul.f32 $2.209708650e-02, v1;
	(pc) =	sbr.rel @p0 .LBB2_38-.Ltmp18, $4  }
0x337: {  	v3 =	vld [tilespmem:s25+$0x10];
	[tilespmem:s26+$0x20] =	vst v0;
	v2 =	vmul.f32 $2.209708650e-02, v2  }
0x338: {  	v0 =	vld [tilespmem:s25+$0x20];
	[tilespmem:s26+$0x30] =	vst v1;
	v7 =	vmul.f32 $2.209708650e-02, v7  }
0x339: {  	v1 =	vld [tilespmem:s25+$0x30];
	[tilespmem:s26+$0x40] =	vst v2;
	v6 =	vmul.f32 $2.209708650e-02, v6  }
0x33a: {  	s29 =	sadd.s32 $0x8, s29;
	s30 =	sadd.s32 $0x400, s30;
	v2 =	vld [tilespmem:s25+$0x40];
	v5 =	vmul.f32 $2.209708650e-02, v5;
	[tilespmem:s26+$0x50] =	vst v7  }
0x33b: {  	v4 =	vmul.f32 $2.209708650e-02, v4;
	v7 =	vld [tilespmem:s25+$0x50];
	[tilespmem:s26+$0x60] =	vst v6  }
0x33c: {  	v6 =	vld [tilespmem:s25+$0x60];
	v3 =	vmul.f32 $2.209708650e-02, v3;
	[tilespmem:s25+$0x70] =	vst v5  }
0x33d: {  	[tilespmem:s25+$0x0] =	vst v4;
	v0 =	vmul.f32 $2.209708650e-02, v0  }
0x33e: {  	[tilespmem:s25+$0x10] =	vst v3;
	v1 =	vmul.f32 $2.209708650e-02, v1  }
0x33f: {  	[tilespmem:s25+$0x20] =	vst v0;
	v0 =	vmul.f32 $2.209708650e-02, v2  }
0x340: {  	[tilespmem:s25+$0x30] =	vst v1;
	v1 =	vmul.f32 $2.209708650e-02, v7  }
0x341: {  	[tilespmem:s25+$0x40] =	vst v0;
	v0 =	vmul.f32 $2.209708650e-02, v6  }
0x342: {  	[tilespmem:s25+$0x50] =	vst v1  }
0x343: {  	[tilespmem:s25+$0x60] =	vst v0  }
0x344: {  	s25 =	sld [smem:$0x7E5];
	_ =	sdelay $0x1  }
0x345: {  	s0 =	simm.s32 $0x0  }
0x346: {  	[hbm4b:s25+s0] =	stream.linear.scatter [tilespmem:s0], [sflag:$0x7], $0x4000, $0x38;
	[tilespmem:$0x18000] =	vst v63  }
0x347: {  	_ =	swait.ge [sflag:s22], $0x4000  }
0x348: {  	s31 =	sld [smem:$0x7EC]  }
0x349: {  	[sflag:s22] =	ssyncset.done $0x0  }
0x34a: {  	[sflag:s22] =	ssyncadd.s32 $0xFFFFC000  }
0x34b: {  	[tilespmem:s11], [sflag:$0x5] =	stream.linear.gather [hbm4b:s31+s0], $0x4000, $0x38;
	[tilespmem:$0x18000] =	vst v63  }
0x34c: {  	_ =	swait.ge [sflag:s12], $0x4000  }
0x34d: {  	s26 =	sand.u32 $0x3C00, s0;
	s0 =	sand.u32 $0x380, s0;
	[sflag:s12] =	ssyncset.done $0x0  }
0x34e: {  	s26 =	sor.u32 s0, s26;
	[sflag:s12] =	ssyncadd.s32 $0xFFFFC000  }
0x34f: {  	v0 =	vld [tilespmem:s26+$0x4070]  }
0x350: {  	v1 =	vld [tilespmem:s26+$0x4000]  }
0x351: {  	v2 =	vld [tilespmem:s26+$0x4010]  }
0x352: {  	v7 =	vld [tilespmem:s26+$0x4050]  }
0x353: {  	v3 =	vld [tilespmem:s26+$0x4020]  }
0x354: {  	s31 =	simm.s32 $0x400;
	s0 =	simm.s32 $0x8;
	v5 =	vld [tilespmem:s26+$0x4030];
	v0 =	vmul.f32 $2.209708650e-02, v0  }
0x355: {  	s25 =	sand.u32 $0x3C00, s31;
	s0 =	sand.u32 $0x380, s0;
	v6 =	vld [tilespmem:s26+$0x4040];
	v1 =	vmul.f32 $2.209708650e-02, v1  }
0x356: {  	s25 =	sor.u32 s0, s25;
	v8 =	vld [tilespmem:s26+$0x4060];
	v2 =	vmul.f32 $2.209708650e-02, v2;
	[tilespmem:s26+$0x4070] =	vst v0  }
0x357: {  	v9 =	vld [tilespmem:s25+$0x4070];
	v7 =	vmul.f32 $2.209708650e-02, v7;
	[tilespmem:s26+$0x4000] =	vst v1  }
0x358: {  	v4 =	vld [tilespmem:s25+$0x4000];
	v0 =	vmul.f32 $2.209708650e-02, v3;
	[tilespmem:s26+$0x4010] =	vst v2  }
0x359: {  	v1 =	vmul.f32 $2.209708650e-02, v5;
	v3 =	vld [tilespmem:s25+$0x4010];
	[tilespmem:s26+$0x4050] =	vst v7  }
0x35a: {  	v2 =	vmul.f32 $2.209708650e-02, v6;
	[tilespmem:s26+$0x4020] =	vst v0;
	v0 =	vld [tilespmem:s25+$0x4020]  }
0x35b: {  	v6 =	vmul.f32 $2.209708650e-02, v8;
	[tilespmem:s26+$0x4030] =	vst v1;
	v1 =	vld [tilespmem:s25+$0x4030]  }
0x35c: {  	s28 =	simm.s32 $0x80;
	s29 =	simm.s32 $0x10;
	s30 =	simm.s32 $0x800;
	v5 =	vmul.f32 $2.209708650e-02, v9;
	[tilespmem:s26+$0x4040] =	vst v2;
	v2 =	vld [tilespmem:s25+$0x4040]  }
.LBB2_40:
0x35d: {  	s0 =	sand.u32 $0x3C00, s30;
	s31 =	sand.u32 $0x380, s29;
	s28 =	sadd.s32 $0x80, s28;
	v4 =	vmul.f32 $2.209708650e-02, v4;
	v7 =	vld [tilespmem:s25+$0x4050];
	[tilespmem:s26+$0x4060] =	vst v6  }
0x35e: {  	s26 =	smov.u32 s25;
	p0 =	slt.u32 s28, $0x3F80;
	v3 =	vmul.f32 $2.209708650e-02, v3;
	v6 =	vld [tilespmem:s25+$0x4060];
	[tilespmem:s25+$0x4070] =	vst v5;
	s25 =	sor.u32 s31, s0  }
0x35f: {  	v5 =	vld [tilespmem:s25+$0x4070];
	[tilespmem:s26+$0x4000] =	vst v4;
	v0 =	vmul.f32 $2.209708650e-02, v0  }
.Ltmp19:
0x360: {  	v4 =	vld [tilespmem:s25+$0x4000];
	[tilespmem:s26+$0x4010] =	vst v3;
	v1 =	vmul.f32 $2.209708650e-02, v1;
	(pc) =	sbr.rel @p0 .LBB2_40-.Ltmp19, $4  }
0x361: {  	v3 =	vld [tilespmem:s25+$0x4010];
	[tilespmem:s26+$0x4020] =	vst v0;
	v2 =	vmul.f32 $2.209708650e-02, v2  }
0x362: {  	v0 =	vld [tilespmem:s25+$0x4020];
	[tilespmem:s26+$0x4030] =	vst v1;
	v7 =	vmul.f32 $2.209708650e-02, v7  }
0x363: {  	v1 =	vld [tilespmem:s25+$0x4030];
	[tilespmem:s26+$0x4040] =	vst v2;
	v6 =	vmul.f32 $2.209708650e-02, v6  }
0x364: {  	s29 =	sadd.s32 $0x8, s29;
	s30 =	sadd.s32 $0x400, s30;
	v2 =	vld [tilespmem:s25+$0x4040];
	v5 =	vmul.f32 $2.209708650e-02, v5;
	[tilespmem:s26+$0x4050] =	vst v7  }
0x365: {  	v4 =	vmul.f32 $2.209708650e-02, v4;
	v7 =	vld [tilespmem:s25+$0x4050];
	[tilespmem:s26+$0x4060] =	vst v6  }
0x366: {  	v6 =	vld [tilespmem:s25+$0x4060];
	v3 =	vmul.f32 $2.209708650e-02, v3;
	[tilespmem:s25+$0x4070] =	vst v5  }
0x367: {  	[tilespmem:s25+$0x4000] =	vst v4;
	v0 =	vmul.f32 $2.209708650e-02, v0  }
0x368: {  	[tilespmem:s25+$0x4010] =	vst v3;
	v1 =	vmul.f32 $2.209708650e-02, v1  }
0x369: {  	[tilespmem:s25+$0x4020] =	vst v0;
	v0 =	vmul.f32 $2.209708650e-02, v2  }
0x36a: {  	[tilespmem:s25+$0x4030] =	vst v1;
	v1 =	vmul.f32 $2.209708650e-02, v7  }
0x36b: {  	[tilespmem:s25+$0x4040] =	vst v0;
	v0 =	vmul.f32 $2.209708650e-02, v6  }
0x36c: {  	[tilespmem:s25+$0x4050] =	vst v1  }
0x36d: {  	[tilespmem:s25+$0x4060] =	vst v0  }
0x36e: {  	s25 =	sld [smem:$0x7E7];
	_ =	sdelay $0x1  }
0x36f: {  	s0 =	simm.s32 $0x0  }
0x370: {  	[hbm4b:s25+s0] =	stream.linear.scatter [tilespmem:s7], [sflag:$0x8], $0x4000, $0x38;
	[tilespmem:$0x18000] =	vst v63  }
0x371: {  	_ =	swait.ge [sflag:s23], $0x4000  }
0x372: {  	s31 =	sld [smem:$0x7EE]  }
0x373: {  	[sflag:s23] =	ssyncset.done $0x0  }
0x374: {  	[sflag:s23] =	ssyncadd.s32 $0xFFFFC000  }
0x375: {  	[tilespmem:s13], [sflag:$0x6] =	stream.linear.gather [hbm4b:s31+s0], $0x4000, $0x38;
	[tilespmem:$0x18000] =	vst v63  }
0x376: {  	_ =	swait.ge [sflag:s14], $0x4000  }
0x377: {  	s26 =	sand.u32 $0x3C00, s0;
	s0 =	sand.u32 $0x380, s0;
	[sflag:s14] =	ssyncset.done $0x0  }
0x378: {  	s26 =	sor.u32 s0, s26;
	[sflag:s14] =	ssyncadd.s32 $0xFFFFC000  }
0x379: {  	v0 =	vld [tilespmem:s26+$0x8070]  }
0x37a: {  	v1 =	vld [tilespmem:s26+$0x8000]  }
0x37b: {  	v2 =	vld [tilespmem:s26+$0x8010]  }
0x37c: {  	v7 =	vld [tilespmem:s26+$0x8050]  }
0x37d: {  	v3 =	vld [tilespmem:s26+$0x8020]  }
0x37e: {  	s31 =	simm.s32 $0x400;
	s0 =	simm.s32 $0x8;
	v5 =	vld [tilespmem:s26+$0x8030];
	v0 =	vmul.f32 $2.209708650e-02, v0  }
0x37f: {  	s25 =	sand.u32 $0x3C00, s31;
	s0 =	sand.u32 $0x380, s0;
	v6 =	vld [tilespmem:s26+$0x8040];
	v1 =	vmul.f32 $2.209708650e-02, v1  }
0x380: {  	s25 =	sor.u32 s0, s25;
	v8 =	vld [tilespmem:s26+$0x8060];
	v2 =	vmul.f32 $2.209708650e-02, v2;
	[tilespmem:s26+$0x8070] =	vst v0  }
0x381: {  	v9 =	vld [tilespmem:s25+$0x8070];
	v7 =	vmul.f32 $2.209708650e-02, v7;
	[tilespmem:s26+$0x8000] =	vst v1  }
0x382: {  	v4 =	vld [tilespmem:s25+$0x8000];
	v0 =	vmul.f32 $2.209708650e-02, v3;
	[tilespmem:s26+$0x8010] =	vst v2  }
0x383: {  	v1 =	vmul.f32 $2.209708650e-02, v5;
	v3 =	vld [tilespmem:s25+$0x8010];
	[tilespmem:s26+$0x8050] =	vst v7  }
0x384: {  	v2 =	vmul.f32 $2.209708650e-02, v6;
	[tilespmem:s26+$0x8020] =	vst v0;
	v0 =	vld [tilespmem:s25+$0x8020]  }
0x385: {  	v6 =	vmul.f32 $2.209708650e-02, v8;
	[tilespmem:s26+$0x8030] =	vst v1;
	v1 =	vld [tilespmem:s25+$0x8030]  }
0x386: {  	s28 =	simm.s32 $0x80;
	s29 =	simm.s32 $0x10;
	s30 =	simm.s32 $0x800;
	v5 =	vmul.f32 $2.209708650e-02, v9;
	[tilespmem:s26+$0x8040] =	vst v2;
	v2 =	vld [tilespmem:s25+$0x8040]  }
.LBB2_42:
0x387: {  	s0 =	sand.u32 $0x3C00, s30;
	s31 =	sand.u32 $0x380, s29;
	s28 =	sadd.s32 $0x80, s28;
	v4 =	vmul.f32 $2.209708650e-02, v4;
	v7 =	vld [tilespmem:s25+$0x8050];
	[tilespmem:s26+$0x8060] =	vst v6  }
0x388: {  	s26 =	smov.u32 s25;
	p0 =	slt.u32 s28, $0x3F80;
	v3 =	vmul.f32 $2.209708650e-02, v3;
	v6 =	vld [tilespmem:s25+$0x8060];
	[tilespmem:s25+$0x8070] =	vst v5;
	s25 =	sor.u32 s31, s0  }
0x389: {  	v5 =	vld [tilespmem:s25+$0x8070];
	[tilespmem:s26+$0x8000] =	vst v4;
	v0 =	vmul.f32 $2.209708650e-02, v0  }
.Ltmp20:
0x38a: {  	v4 =	vld [tilespmem:s25+$0x8000];
	[tilespmem:s26+$0x8010] =	vst v3;
	v1 =	vmul.f32 $2.209708650e-02, v1;
	(pc) =	sbr.rel @p0 .LBB2_42-.Ltmp20, $4  }
0x38b: {  	v3 =	vld [tilespmem:s25+$0x8010];
	[tilespmem:s26+$0x8020] =	vst v0;
	v2 =	vmul.f32 $2.209708650e-02, v2  }
0x38c: {  	v0 =	vld [tilespmem:s25+$0x8020];
	[tilespmem:s26+$0x8030] =	vst v1;
	v7 =	vmul.f32 $2.209708650e-02, v7  }
0x38d: {  	v1 =	vld [tilespmem:s25+$0x8030];
	[tilespmem:s26+$0x8040] =	vst v2;
	v6 =	vmul.f32 $2.209708650e-02, v6  }
0x38e: {  	s29 =	sadd.s32 $0x8, s29;
	s30 =	sadd.s32 $0x400, s30;
	v2 =	vld [tilespmem:s25+$0x8040];
	v5 =	vmul.f32 $2.209708650e-02, v5;
	[tilespmem:s26+$0x8050] =	vst v7  }
0x38f: {  	v4 =	vmul.f32 $2.209708650e-02, v4;
	v7 =	vld [tilespmem:s25+$0x8050];
	[tilespmem:s26+$0x8060] =	vst v6  }
0x390: {  	v6 =	vld [tilespmem:s25+$0x8060];
	v3 =	vmul.f32 $2.209708650e-02, v3;
	[tilespmem:s25+$0x8070] =	vst v5  }
0x391: {  	[tilespmem:s25+$0x8000] =	vst v4;
	v0 =	vmul.f32 $2.209708650e-02, v0  }
0x392: {  	[tilespmem:s25+$0x8010] =	vst v3;
	v1 =	vmul.f32 $2.209708650e-02, v1  }
0x393: {  	[tilespmem:s25+$0x8020] =	vst v0;
	v0 =	vmul.f32 $2.209708650e-02, v2  }
0x394: {  	[tilespmem:s25+$0x8030] =	vst v1;
	v1 =	vmul.f32 $2.209708650e-02, v7  }
0x395: {  	[tilespmem:s25+$0x8040] =	vst v0;
	v0 =	vmul.f32 $2.209708650e-02, v6  }
0x396: {  	[tilespmem:s25+$0x8050] =	vst v1  }
0x397: {  	[tilespmem:s25+$0x8060] =	vst v0  }
0x398: {  	s25 =	sld [smem:$0x7E9];
	_ =	sdelay $0x1  }
0x399: {  	s0 =	simm.s32 $0x0  }
0x39a: {  	[hbm4b:s25+s0] =	stream.linear.scatter [tilespmem:s8], [sflag:$0x9], $0x4000, $0x38;
	[tilespmem:$0x18000] =	vst v63  }
0x39b: {  	_ =	swait.ge [sflag:s15], $0x4000  }
0x39c: {  	s31 =	sld [smem:$0x7F0]  }
0x39d: {  	[sflag:s15] =	ssyncset.done $0x0  }
0x39e: {  	[sflag:s15] =	ssyncadd.s32 $0xFFFFC000  }
0x39f: {  	[tilespmem:s0], [sflag:$0x1] =	stream.linear.gather [hbm4b:s31+s0], $0x4000, $0x38;
	[tilespmem:$0x18000] =	vst v63  }
0x3a0: {  	_ =	swait.ge [sflag:s16], $0x4000  }
0x3a1: {  	s26 =	sand.u32 $0x3C00, s0;
	s0 =	sand.u32 $0x380, s0;
	[sflag:s16] =	ssyncset.done $0x0  }
0x3a2: {  	s26 =	sor.u32 s0, s26;
	[sflag:s16] =	ssyncadd.s32 $0xFFFFC000  }
0x3a3: {  	v0 =	vld [tilespmem:s26+$0xC070]  }
0x3a4: {  	v1 =	vld [tilespmem:s26+$0xC000]  }
0x3a5: {  	v2 =	vld [tilespmem:s26+$0xC010]  }
0x3a6: {  	v7 =	vld [tilespmem:s26+$0xC050]  }
0x3a7: {  	v3 =	vld [tilespmem:s26+$0xC020]  }
0x3a8: {  	s31 =	simm.s32 $0x400;
	s0 =	simm.s32 $0x8;
	v5 =	vld [tilespmem:s26+$0xC030];
	v0 =	vmul.f32 $2.209708650e-02, v0  }
0x3a9: {  	s25 =	sand.u32 $0x3C00, s31;
	s0 =	sand.u32 $0x380, s0;
	v6 =	vld [tilespmem:s26+$0xC040];
	v1 =	vmul.f32 $2.209708650e-02, v1  }
0x3aa: {  	s25 =	sor.u32 s0, s25;
	v8 =	vld [tilespmem:s26+$0xC060];
	v2 =	vmul.f32 $2.209708650e-02, v2;
	[tilespmem:s26+$0xC070] =	vst v0  }
0x3ab: {  	v9 =	vld [tilespmem:s25+$0xC070];
	v7 =	vmul.f32 $2.209708650e-02, v7;
	[tilespmem:s26+$0xC000] =	vst v1  }
0x3ac: {  	v4 =	vld [tilespmem:s25+$0xC000];
	v0 =	vmul.f32 $2.209708650e-02, v3;
	[tilespmem:s26+$0xC010] =	vst v2  }
0x3ad: {  	v1 =	vmul.f32 $2.209708650e-02, v5;
	v3 =	vld [tilespmem:s25+$0xC010];
	[tilespmem:s26+$0xC050] =	vst v7  }
0x3ae: {  	v2 =	vmul.f32 $2.209708650e-02, v6;
	[tilespmem:s26+$0xC020] =	vst v0;
	v0 =	vld [tilespmem:s25+$0xC020]  }
0x3af: {  	v6 =	vmul.f32 $2.209708650e-02, v8;
	[tilespmem:s26+$0xC030] =	vst v1;
	v1 =	vld [tilespmem:s25+$0xC030]  }
0x3b0: {  	s28 =	simm.s32 $0x80;
	s29 =	simm.s32 $0x10;
	s30 =	simm.s32 $0x800;
	v5 =	vmul.f32 $2.209708650e-02, v9;
	[tilespmem:s26+$0xC040] =	vst v2;
	v2 =	vld [tilespmem:s25+$0xC040]  }
.LBB2_44:
0x3b1: {  	s0 =	sand.u32 $0x3C00, s30;
	s31 =	sand.u32 $0x380, s29;
	s28 =	sadd.s32 $0x80, s28;
	v4 =	vmul.f32 $2.209708650e-02, v4;
	v7 =	vld [tilespmem:s25+$0xC050];
	[tilespmem:s26+$0xC060] =	vst v6  }
0x3b2: {  	s26 =	smov.u32 s25;
	p0 =	slt.u32 s28, $0x3F80;
	v3 =	vmul.f32 $2.209708650e-02, v3;
	v6 =	vld [tilespmem:s25+$0xC060];
	[tilespmem:s25+$0xC070] =	vst v5;
	s25 =	sor.u32 s31, s0  }
0x3b3: {  	v5 =	vld [tilespmem:s25+$0xC070];
	[tilespmem:s26+$0xC000] =	vst v4;
	v0 =	vmul.f32 $2.209708650e-02, v0  }
.Ltmp21:
0x3b4: {  	v4 =	vld [tilespmem:s25+$0xC000];
	[tilespmem:s26+$0xC010] =	vst v3;
	v1 =	vmul.f32 $2.209708650e-02, v1;
	(pc) =	sbr.rel @p0 .LBB2_44-.Ltmp21, $4  }
0x3b5: {  	v3 =	vld [tilespmem:s25+$0xC010];
	[tilespmem:s26+$0xC020] =	vst v0;
	v2 =	vmul.f32 $2.209708650e-02, v2  }
0x3b6: {  	v0 =	vld [tilespmem:s25+$0xC020];
	[tilespmem:s26+$0xC030] =	vst v1;
	v7 =	vmul.f32 $2.209708650e-02, v7  }
0x3b7: {  	v1 =	vld [tilespmem:s25+$0xC030];
	[tilespmem:s26+$0xC040] =	vst v2;
	v6 =	vmul.f32 $2.209708650e-02, v6  }
0x3b8: {  	s29 =	sadd.s32 $0x8, s29;
	s30 =	sadd.s32 $0x400, s30;
	v2 =	vld [tilespmem:s25+$0xC040];
	v5 =	vmul.f32 $2.209708650e-02, v5;
	[tilespmem:s26+$0xC050] =	vst v7  }
0x3b9: {  	v4 =	vmul.f32 $2.209708650e-02, v4;
	v7 =	vld [tilespmem:s25+$0xC050];
	[tilespmem:s26+$0xC060] =	vst v6  }
0x3ba: {  	v6 =	vld [tilespmem:s25+$0xC060];
	v3 =	vmul.f32 $2.209708650e-02, v3;
	[tilespmem:s25+$0xC070] =	vst v5  }
0x3bb: {  	[tilespmem:s25+$0xC000] =	vst v4;
	v0 =	vmul.f32 $2.209708650e-02, v0  }
0x3bc: {  	[tilespmem:s25+$0xC010] =	vst v3;
	v1 =	vmul.f32 $2.209708650e-02, v1  }
0x3bd: {  	[tilespmem:s25+$0xC020] =	vst v0;
	v0 =	vmul.f32 $2.209708650e-02, v2  }
0x3be: {  	[tilespmem:s25+$0xC030] =	vst v1;
	v1 =	vmul.f32 $2.209708650e-02, v7  }
0x3bf: {  	[tilespmem:s25+$0xC040] =	vst v0;
	v0 =	vmul.f32 $2.209708650e-02, v6  }
0x3c0: {  	[tilespmem:s25+$0xC050] =	vst v1  }
0x3c1: {  	[tilespmem:s25+$0xC060] =	vst v0  }
0x3c2: {  	s25 =	sld [smem:$0x7EB];
	_ =	sdelay $0x1  }
0x3c3: {  	s0 =	simm.s32 $0x0  }
0x3c4: {  	[hbm4b:s25+s0] =	stream.linear.scatter [tilespmem:s9], [sflag:$0xA], $0x4000, $0x38;
	[tilespmem:$0x18000] =	vst v63  }
0x3c5: {  	_ =	swait.ge [sflag:s17], $0x4000  }
0x3c6: {  	s31 =	sld [smem:$0x7F2]  }
0x3c7: {  	[sflag:s17] =	ssyncset.done $0x0  }
0x3c8: {  	[sflag:s17] =	ssyncadd.s32 $0xFFFFC000  }
0x3c9: {  	[tilespmem:s7], [sflag:$0x2] =	stream.linear.gather [hbm4b:s31+s0], $0x4000, $0x38;
	[tilespmem:$0x18000] =	vst v63  }
0x3ca: {  	_ =	swait.ge [sflag:s18], $0x4000  }
0x3cb: {  	s26 =	sand.u32 $0x3C00, s0;
	s0 =	sand.u32 $0x380, s0;
	[sflag:s18] =	ssyncset.done $0x0  }
0x3cc: {  	s26 =	sor.u32 s0, s26;
	[sflag:s18] =	ssyncadd.s32 $0xFFFFC000  }
0x3cd: {  	v0 =	vld [tilespmem:s26+$0x10070]  }
0x3ce: {  	v1 =	vld [tilespmem:s26+$0x10000]  }
0x3cf: {  	v2 =	vld [tilespmem:s26+$0x10010]  }
0x3d0: {  	v7 =	vld [tilespmem:s26+$0x10050]  }
0x3d1: {  	v3 =	vld [tilespmem:s26+$0x10020]  }
0x3d2: {  	s31 =	simm.s32 $0x400;
	s0 =	simm.s32 $0x8;
	v5 =	vld [tilespmem:s26+$0x10030];
	v0 =	vmul.f32 $2.209708650e-02, v0  }
0x3d3: {  	s25 =	sand.u32 $0x3C00, s31;
	s0 =	sand.u32 $0x380, s0;
	v6 =	vld [tilespmem:s26+$0x10040];
	v1 =	vmul.f32 $2.209708650e-02, v1  }
0x3d4: {  	s25 =	sor.u32 s0, s25;
	v8 =	vld [tilespmem:s26+$0x10060];
	v2 =	vmul.f32 $2.209708650e-02, v2;
	[tilespmem:s26+$0x10070] =	vst v0  }
0x3d5: {  	v9 =	vld [tilespmem:s25+$0x10070];
	v7 =	vmul.f32 $2.209708650e-02, v7;
	[tilespmem:s26+$0x10000] =	vst v1  }
0x3d6: {  	v4 =	vld [tilespmem:s25+$0x10000];
	v0 =	vmul.f32 $2.209708650e-02, v3;
	[tilespmem:s26+$0x10010] =	vst v2  }
0x3d7: {  	v1 =	vmul.f32 $2.209708650e-02, v5;
	v3 =	vld [tilespmem:s25+$0x10010];
	[tilespmem:s26+$0x10050] =	vst v7  }
0x3d8: {  	v2 =	vmul.f32 $2.209708650e-02, v6;
	[tilespmem:s26+$0x10020] =	vst v0;
	v0 =	vld [tilespmem:s25+$0x10020]  }
0x3d9: {  	v6 =	vmul.f32 $2.209708650e-02, v8;
	[tilespmem:s26+$0x10030] =	vst v1;
	v1 =	vld [tilespmem:s25+$0x10030]  }
0x3da: {  	s28 =	simm.s32 $0x80;
	s29 =	simm.s32 $0x10;
	s30 =	simm.s32 $0x800;
	v5 =	vmul.f32 $2.209708650e-02, v9;
	[tilespmem:s26+$0x10040] =	vst v2;
	v2 =	vld [tilespmem:s25+$0x10040]  }
.LBB2_46:
0x3db: {  	s0 =	sand.u32 $0x3C00, s30;
	s31 =	sand.u32 $0x380, s29;
	s28 =	sadd.s32 $0x80, s28;
	v4 =	vmul.f32 $2.209708650e-02, v4;
	v7 =	vld [tilespmem:s25+$0x10050];
	[tilespmem:s26+$0x10060] =	vst v6  }
0x3dc: {  	s26 =	smov.u32 s25;
	p0 =	slt.u32 s28, $0x3F80;
	v3 =	vmul.f32 $2.209708650e-02, v3;
	v6 =	vld [tilespmem:s25+$0x10060];
	[tilespmem:s25+$0x10070] =	vst v5;
	s25 =	sor.u32 s31, s0  }
0x3dd: {  	v5 =	vld [tilespmem:s25+$0x10070];
	[tilespmem:s26+$0x10000] =	vst v4;
	v0 =	vmul.f32 $2.209708650e-02, v0  }
.Ltmp22:
0x3de: {  	v4 =	vld [tilespmem:s25+$0x10000];
	[tilespmem:s26+$0x10010] =	vst v3;
	v1 =	vmul.f32 $2.209708650e-02, v1;
	(pc) =	sbr.rel @p0 .LBB2_46-.Ltmp22, $4  }
0x3df: {  	v3 =	vld [tilespmem:s25+$0x10010];
	[tilespmem:s26+$0x10020] =	vst v0;
	v2 =	vmul.f32 $2.209708650e-02, v2  }
0x3e0: {  	v0 =	vld [tilespmem:s25+$0x10020];
	[tilespmem:s26+$0x10030] =	vst v1;
	v7 =	vmul.f32 $2.209708650e-02, v7  }
0x3e1: {  	v1 =	vld [tilespmem:s25+$0x10030];
	[tilespmem:s26+$0x10040] =	vst v2;
	v6 =	vmul.f32 $2.209708650e-02, v6  }
0x3e2: {  	s29 =	sadd.s32 $0x8, s29;
	s30 =	sadd.s32 $0x400, s30;
	v2 =	vld [tilespmem:s25+$0x10040];
	v5 =	vmul.f32 $2.209708650e-02, v5;
	[tilespmem:s26+$0x10050] =	vst v7  }
0x3e3: {  	v4 =	vmul.f32 $2.209708650e-02, v4;
	v7 =	vld [tilespmem:s25+$0x10050];
	[tilespmem:s26+$0x10060] =	vst v6  }
0x3e4: {  	v6 =	vld [tilespmem:s25+$0x10060];
	v3 =	vmul.f32 $2.209708650e-02, v3;
	[tilespmem:s25+$0x10070] =	vst v5  }
0x3e5: {  	[tilespmem:s25+$0x10000] =	vst v4;
	v0 =	vmul.f32 $2.209708650e-02, v0  }
0x3e6: {  	[tilespmem:s25+$0x10010] =	vst v3;
	v1 =	vmul.f32 $2.209708650e-02, v1  }
0x3e7: {  	[tilespmem:s25+$0x10020] =	vst v0;
	v0 =	vmul.f32 $2.209708650e-02, v2  }
0x3e8: {  	[tilespmem:s25+$0x10030] =	vst v1;
	v1 =	vmul.f32 $2.209708650e-02, v7  }
0x3e9: {  	[tilespmem:s25+$0x10040] =	vst v0;
	v0 =	vmul.f32 $2.209708650e-02, v6  }
0x3ea: {  	[tilespmem:s25+$0x10050] =	vst v1  }
0x3eb: {  	[tilespmem:s25+$0x10060] =	vst v0  }
0x3ec: {  	s25 =	sld [smem:$0x7ED];
	_ =	sdelay $0x1  }
0x3ed: {  	s0 =	simm.s32 $0x0  }
0x3ee: {  	[hbm4b:s25+s0] =	stream.linear.scatter [tilespmem:s11], [sflag:$0xB], $0x4000, $0x38;
	[tilespmem:$0x18000] =	vst v63  }
0x3ef: {  	_ =	swait.ge [sflag:s19], $0x4000  }
0x3f0: {  	s31 =	sld [smem:$0x7F4]  }
0x3f1: {  	[sflag:s19] =	ssyncset.done $0x0  }
0x3f2: {  	[sflag:s19] =	ssyncadd.s32 $0xFFFFC000  }
0x3f3: {  	[tilespmem:s8], [sflag:$0x3] =	stream.linear.gather [hbm4b:s31+s0], $0x4000, $0x38;
	[tilespmem:$0x18000] =	vst v63  }
0x3f4: {  	_ =	swait.ge [sflag:s20], $0x4000  }
0x3f5: {  	s26 =	sand.u32 $0x3C00, s0;
	s0 =	sand.u32 $0x380, s0;
	[sflag:s20] =	ssyncset.done $0x0  }
0x3f6: {  	s26 =	sor.u32 s0, s26;
	[sflag:s20] =	ssyncadd.s32 $0xFFFFC000  }
0x3f7: {  	v0 =	vld [tilespmem:s26+$0x14070]  }
0x3f8: {  	v1 =	vld [tilespmem:s26+$0x14000]  }
0x3f9: {  	v2 =	vld [tilespmem:s26+$0x14010]  }
0x3fa: {  	v7 =	vld [tilespmem:s26+$0x14050]  }
0x3fb: {  	v3 =	vld [tilespmem:s26+$0x14020]  }
0x3fc: {  	s31 =	simm.s32 $0x400;
	s0 =	simm.s32 $0x8;
	v5 =	vld [tilespmem:s26+$0x14030];
	v0 =	vmul.f32 $2.209708650e-02, v0  }
0x3fd: {  	s25 =	sand.u32 $0x3C00, s31;
	s0 =	sand.u32 $0x380, s0;
	v6 =	vld [tilespmem:s26+$0x14040];
	v1 =	vmul.f32 $2.209708650e-02, v1  }
0x3fe: {  	s25 =	sor.u32 s0, s25;
	v8 =	vld [tilespmem:s26+$0x14060];
	v2 =	vmul.f32 $2.209708650e-02, v2;
	[tilespmem:s26+$0x14070] =	vst v0  }
0x3ff: {  	v9 =	vld [tilespmem:s25+$0x14070];
	v7 =	vmul.f32 $2.209708650e-02, v7;
	[tilespmem:s26+$0x14000] =	vst v1  }
0x400: {  	v4 =	vld [tilespmem:s25+$0x14000];
	v0 =	vmul.f32 $2.209708650e-02, v3;
	[tilespmem:s26+$0x14010] =	vst v2  }
0x401: {  	v1 =	vmul.f32 $2.209708650e-02, v5;
	v3 =	vld [tilespmem:s25+$0x14010];
	[tilespmem:s26+$0x14050] =	vst v7  }
0x402: {  	v2 =	vmul.f32 $2.209708650e-02, v6;
	[tilespmem:s26+$0x14020] =	vst v0;
	v0 =	vld [tilespmem:s25+$0x14020]  }
0x403: {  	v6 =	vmul.f32 $2.209708650e-02, v8;
	[tilespmem:s26+$0x14030] =	vst v1;
	v1 =	vld [tilespmem:s25+$0x14030]  }
0x404: {  	s28 =	simm.s32 $0x80;
	s29 =	simm.s32 $0x10;
	s30 =	simm.s32 $0x800;
	v5 =	vmul.f32 $2.209708650e-02, v9;
	[tilespmem:s26+$0x14040] =	vst v2;
	v2 =	vld [tilespmem:s25+$0x14040]  }
.LBB2_48:
0x405: {  	s0 =	sand.u32 $0x3C00, s30;
	s31 =	sand.u32 $0x380, s29;
	s28 =	sadd.s32 $0x80, s28;
	v4 =	vmul.f32 $2.209708650e-02, v4;
	v7 =	vld [tilespmem:s25+$0x14050];
	[tilespmem:s26+$0x14060] =	vst v6  }
0x406: {  	s26 =	smov.u32 s25;
	p0 =	slt.u32 s28, $0x3F80;
	v3 =	vmul.f32 $2.209708650e-02, v3;
	v6 =	vld [tilespmem:s25+$0x14060];
	[tilespmem:s25+$0x14070] =	vst v5;
	s25 =	sor.u32 s31, s0  }
0x407: {  	v5 =	vld [tilespmem:s25+$0x14070];
	[tilespmem:s26+$0x14000] =	vst v4;
	v0 =	vmul.f32 $2.209708650e-02, v0  }
.Ltmp23:
0x408: {  	v4 =	vld [tilespmem:s25+$0x14000];
	[tilespmem:s26+$0x14010] =	vst v3;
	v1 =	vmul.f32 $2.209708650e-02, v1;
	(pc) =	sbr.rel @p0 .LBB2_48-.Ltmp23, $4  }
0x409: {  	v3 =	vld [tilespmem:s25+$0x14010];
	[tilespmem:s26+$0x14020] =	vst v0;
	v2 =	vmul.f32 $2.209708650e-02, v2  }
0x40a: {  	v0 =	vld [tilespmem:s25+$0x14020];
	[tilespmem:s26+$0x14030] =	vst v1;
	v7 =	vmul.f32 $2.209708650e-02, v7  }
0x40b: {  	v1 =	vld [tilespmem:s25+$0x14030];
	[tilespmem:s26+$0x14040] =	vst v2;
	v6 =	vmul.f32 $2.209708650e-02, v6  }
0x40c: {  	s29 =	sadd.s32 $0x8, s29;
	s30 =	sadd.s32 $0x400, s30;
	v2 =	vld [tilespmem:s25+$0x14040];
	v5 =	vmul.f32 $2.209708650e-02, v5;
	[tilespmem:s26+$0x14050] =	vst v7  }
0x40d: {  	v4 =	vmul.f32 $2.209708650e-02, v4;
	v7 =	vld [tilespmem:s25+$0x14050];
	[tilespmem:s26+$0x14060] =	vst v6  }
0x40e: {  	v6 =	vld [tilespmem:s25+$0x14060];
	v3 =	vmul.f32 $2.209708650e-02, v3;
	[tilespmem:s25+$0x14070] =	vst v5  }
0x40f: {  	[tilespmem:s25+$0x14000] =	vst v4;
	v0 =	vmul.f32 $2.209708650e-02, v0  }
0x410: {  	[tilespmem:s25+$0x14010] =	vst v3;
	v1 =	vmul.f32 $2.209708650e-02, v1  }
0x411: {  	[tilespmem:s25+$0x14020] =	vst v0;
	v0 =	vmul.f32 $2.209708650e-02, v2  }
0x412: {  	[tilespmem:s25+$0x14030] =	vst v1;
	v1 =	vmul.f32 $2.209708650e-02, v7  }
0x413: {  	[tilespmem:s25+$0x14040] =	vst v0;
	v0 =	vmul.f32 $2.209708650e-02, v6  }
0x414: {  	[tilespmem:s25+$0x14050] =	vst v1  }
0x415: {  	[tilespmem:s25+$0x14060] =	vst v0  }
0x416: {  	s25 =	sld [smem:$0x7EF];
	_ =	sdelay $0x1  }
0x417: {  	s0 =	simm.s32 $0x0  }
0x418: {  	[hbm4b:s25+s0] =	stream.linear.scatter [tilespmem:s13], [sflag:$0xC], $0x4000, $0x38;
	[tilespmem:$0x18000] =	vst v63  }
0x419: {  	_ =	swait.ge [sflag:s21], $0x4000  }
0x41a: {  	s31 =	sld [smem:$0x7F6]  }
0x41b: {  	[sflag:s21] =	ssyncset.done $0x0  }
0x41c: {  	[sflag:s21] =	ssyncadd.s32 $0xFFFFC000  }
0x41d: {  	[tilespmem:s9], [sflag:$0x4] =	stream.linear.gather [hbm4b:s31+s0], $0x4000, $0x38;
	[tilespmem:$0x18000] =	vst v63  }
0x41e: {  	_ =	swait.ge [sflag:s10], $0x4000  }
0x41f: {  	s26 =	sand.u32 $0x3C00, s0;
	s0 =	sand.u32 $0x380, s0;
	[sflag:s10] =	ssyncset.done $0x0  }
0x420: {  	s26 =	sor.u32 s0, s26;
	[sflag:s10] =	ssyncadd.s32 $0xFFFFC000  }
0x421: {  	v0 =	vld [tilespmem:s26+$0x70]  }
0x422: {  	v1 =	vld [tilespmem:s26+$0x0]  }
0x423: {  	v2 =	vld [tilespmem:s26+$0x10]  }
0x424: {  	v7 =	vld [tilespmem:s26+$0x50]  }
0x425: {  	v3 =	vld [tilespmem:s26+$0x20]  }
0x426: {  	s31 =	simm.s32 $0x400;
	s0 =	simm.s32 $0x8;
	v5 =	vld [tilespmem:s26+$0x30];
	v0 =	vmul.f32 $2.209708650e-02, v0  }
0x427: {  	s25 =	sand.u32 $0x3C00, s31;
	s0 =	sand.u32 $0x380, s0;
	v6 =	vld [tilespmem:s26+$0x40];
	v1 =	vmul.f32 $2.209708650e-02, v1  }
0x428: {  	s25 =	sor.u32 s0, s25;
	v8 =	vld [tilespmem:s26+$0x60];
	v2 =	vmul.f32 $2.209708650e-02, v2;
	[tilespmem:s26+$0x70] =	vst v0  }
0x429: {  	v9 =	vld [tilespmem:s25+$0x70];
	v7 =	vmul.f32 $2.209708650e-02, v7;
	[tilespmem:s26+$0x0] =	vst v1  }
0x42a: {  	v4 =	vld [tilespmem:s25+$0x0];
	v0 =	vmul.f32 $2.209708650e-02, v3;
	[tilespmem:s26+$0x10] =	vst v2  }
0x42b: {  	v1 =	vmul.f32 $2.209708650e-02, v5;
	v3 =	vld [tilespmem:s25+$0x10];
	[tilespmem:s26+$0x50] =	vst v7  }
0x42c: {  	v2 =	vmul.f32 $2.209708650e-02, v6;
	[tilespmem:s26+$0x20] =	vst v0;
	v0 =	vld [tilespmem:s25+$0x20]  }
0x42d: {  	v6 =	vmul.f32 $2.209708650e-02, v8;
	[tilespmem:s26+$0x30] =	vst v1;
	v1 =	vld [tilespmem:s25+$0x30]  }
0x42e: {  	s28 =	simm.s32 $0x80;
	s29 =	simm.s32 $0x10;
	s30 =	simm.s32 $0x800;
	v5 =	vmul.f32 $2.209708650e-02, v9;
	[tilespmem:s26+$0x40] =	vst v2;
	v2 =	vld [tilespmem:s25+$0x40]  }
.LBB2_50:
0x42f: {  	s0 =	sand.u32 $0x3C00, s30;
	s31 =	sand.u32 $0x380, s29;
	s28 =	sadd.s32 $0x80, s28;
	v4 =	vmul.f32 $2.209708650e-02, v4;
	v7 =	vld [tilespmem:s25+$0x50];
	[tilespmem:s26+$0x60] =	vst v6  }
0x430: {  	s26 =	smov.u32 s25;
	p0 =	slt.u32 s28, $0x3F80;
	v3 =	vmul.f32 $2.209708650e-02, v3;
	v6 =	vld [tilespmem:s25+$0x60];
	[tilespmem:s25+$0x70] =	vst v5;
	s25 =	sor.u32 s31, s0  }
0x431: {  	v5 =	vld [tilespmem:s25+$0x70];
	[tilespmem:s26+$0x0] =	vst v4;
	v0 =	vmul.f32 $2.209708650e-02, v0  }
.Ltmp24:
0x432: {  	v4 =	vld [tilespmem:s25+$0x0];
	[tilespmem:s26+$0x10] =	vst v3;
	v1 =	vmul.f32 $2.209708650e-02, v1;
	(pc) =	sbr.rel @p0 .LBB2_50-.Ltmp24, $4  }
0x433: {  	v3 =	vld [tilespmem:s25+$0x10];
	[tilespmem:s26+$0x20] =	vst v0;
	v2 =	vmul.f32 $2.209708650e-02, v2  }
0x434: {  	v0 =	vld [tilespmem:s25+$0x20];
	[tilespmem:s26+$0x30] =	vst v1;
	v7 =	vmul.f32 $2.209708650e-02, v7  }
0x435: {  	v1 =	vld [tilespmem:s25+$0x30];
	[tilespmem:s26+$0x40] =	vst v2;
	v6 =	vmul.f32 $2.209708650e-02, v6  }
0x436: {  	s29 =	sadd.s32 $0x8, s29;
	s30 =	sadd.s32 $0x400, s30;
	v2 =	vld [tilespmem:s25+$0x40];
	v5 =	vmul.f32 $2.209708650e-02, v5;
	[tilespmem:s26+$0x50] =	vst v7  }
0x437: {  	v4 =	vmul.f32 $2.209708650e-02, v4;
	v7 =	vld [tilespmem:s25+$0x50];
	[tilespmem:s26+$0x60] =	vst v6  }
0x438: {  	v6 =	vld [tilespmem:s25+$0x60];
	v3 =	vmul.f32 $2.209708650e-02, v3;
	[tilespmem:s25+$0x70] =	vst v5  }
0x439: {  	[tilespmem:s25+$0x0] =	vst v4;
	v0 =	vmul.f32 $2.209708650e-02, v0  }
0x43a: {  	[tilespmem:s25+$0x10] =	vst v3;
	v1 =	vmul.f32 $2.209708650e-02, v1  }
0x43b: {  	[tilespmem:s25+$0x20] =	vst v0;
	v0 =	vmul.f32 $2.209708650e-02, v2  }
0x43c: {  	[tilespmem:s25+$0x30] =	vst v1;
	v1 =	vmul.f32 $2.209708650e-02, v7  }
0x43d: {  	[tilespmem:s25+$0x40] =	vst v0;
	v0 =	vmul.f32 $2.209708650e-02, v6  }
0x43e: {  	[tilespmem:s25+$0x50] =	vst v1  }
0x43f: {  	[tilespmem:s25+$0x60] =	vst v0  }
0x440: {  	s25 =	sld [smem:$0x7F1];
	_ =	sdelay $0x1  }
0x441: {  	s0 =	simm.s32 $0x0  }
0x442: {  	[hbm4b:s25+s0] =	stream.linear.scatter [tilespmem:s0], [sflag:$0x7], $0x4000, $0x38;
	[tilespmem:$0x18000] =	vst v63  }
0x443: {  	_ =	swait.ge [sflag:s22], $0x4000  }
0x444: {  	s31 =	sld [smem:$0x7FA]  }
0x445: {  	[sflag:s22] =	ssyncset.done $0x0  }
0x446: {  	[sflag:s22] =	ssyncadd.s32 $0xFFFFC000  }
0x447: {  	[tilespmem:s11], [sflag:$0x5] =	stream.linear.gather [hbm4b:s31+s0], $0x4000, $0x38;
	[tilespmem:$0x18000] =	vst v63  }
0x448: {  	_ =	swait.ge [sflag:s12], $0x4000  }
0x449: {  	s26 =	sand.u32 $0x3C00, s0;
	s0 =	sand.u32 $0x380, s0;
	[sflag:s12] =	ssyncset.done $0x0  }
0x44a: {  	s26 =	sor.u32 s0, s26;
	[sflag:s12] =	ssyncadd.s32 $0xFFFFC000  }
0x44b: {  	v0 =	vld [tilespmem:s26+$0x4070]  }
0x44c: {  	v1 =	vld [tilespmem:s26+$0x4000]  }
0x44d: {  	v2 =	vld [tilespmem:s26+$0x4010]  }
0x44e: {  	v7 =	vld [tilespmem:s26+$0x4050]  }
0x44f: {  	v3 =	vld [tilespmem:s26+$0x4020]  }
0x450: {  	s31 =	simm.s32 $0x400;
	s0 =	simm.s32 $0x8;
	v5 =	vld [tilespmem:s26+$0x4030];
	v0 =	vmul.f32 $2.209708650e-02, v0  }
0x451: {  	s25 =	sand.u32 $0x3C00, s31;
	s0 =	sand.u32 $0x380, s0;
	v6 =	vld [tilespmem:s26+$0x4040];
	v1 =	vmul.f32 $2.209708650e-02, v1  }
0x452: {  	s25 =	sor.u32 s0, s25;
	v8 =	vld [tilespmem:s26+$0x4060];
	v2 =	vmul.f32 $2.209708650e-02, v2;
	[tilespmem:s26+$0x4070] =	vst v0  }
0x453: {  	v9 =	vld [tilespmem:s25+$0x4070];
	v7 =	vmul.f32 $2.209708650e-02, v7;
	[tilespmem:s26+$0x4000] =	vst v1  }
0x454: {  	v4 =	vld [tilespmem:s25+$0x4000];
	v0 =	vmul.f32 $2.209708650e-02, v3;
	[tilespmem:s26+$0x4010] =	vst v2  }
0x455: {  	v1 =	vmul.f32 $2.209708650e-02, v5;
	v3 =	vld [tilespmem:s25+$0x4010];
	[tilespmem:s26+$0x4050] =	vst v7  }
0x456: {  	v2 =	vmul.f32 $2.209708650e-02, v6;
	[tilespmem:s26+$0x4020] =	vst v0;
	v0 =	vld [tilespmem:s25+$0x4020]  }
0x457: {  	v6 =	vmul.f32 $2.209708650e-02, v8;
	[tilespmem:s26+$0x4030] =	vst v1;
	v1 =	vld [tilespmem:s25+$0x4030]  }
0x458: {  	s28 =	simm.s32 $0x80;
	s29 =	simm.s32 $0x10;
	s30 =	simm.s32 $0x800;
	v5 =	vmul.f32 $2.209708650e-02, v9;
	[tilespmem:s26+$0x4040] =	vst v2;
	v2 =	vld [tilespmem:s25+$0x4040]  }
.LBB2_52:
0x459: {  	s0 =	sand.u32 $0x3C00, s30;
	s31 =	sand.u32 $0x380, s29;
	s28 =	sadd.s32 $0x80, s28;
	v4 =	vmul.f32 $2.209708650e-02, v4;
	v7 =	vld [tilespmem:s25+$0x4050];
	[tilespmem:s26+$0x4060] =	vst v6  }
0x45a: {  	s26 =	smov.u32 s25;
	p0 =	slt.u32 s28, $0x3F80;
	v3 =	vmul.f32 $2.209708650e-02, v3;
	v6 =	vld [tilespmem:s25+$0x4060];
	[tilespmem:s25+$0x4070] =	vst v5;
	s25 =	sor.u32 s31, s0  }
0x45b: {  	v5 =	vld [tilespmem:s25+$0x4070];
	[tilespmem:s26+$0x4000] =	vst v4;
	v0 =	vmul.f32 $2.209708650e-02, v0  }
.Ltmp25:
0x45c: {  	v4 =	vld [tilespmem:s25+$0x4000];
	[tilespmem:s26+$0x4010] =	vst v3;
	v1 =	vmul.f32 $2.209708650e-02, v1;
	(pc) =	sbr.rel @p0 .LBB2_52-.Ltmp25, $4  }
0x45d: {  	v3 =	vld [tilespmem:s25+$0x4010];
	[tilespmem:s26+$0x4020] =	vst v0;
	v2 =	vmul.f32 $2.209708650e-02, v2  }
0x45e: {  	v0 =	vld [tilespmem:s25+$0x4020];
	[tilespmem:s26+$0x4030] =	vst v1;
	v7 =	vmul.f32 $2.209708650e-02, v7  }
0x45f: {  	v1 =	vld [tilespmem:s25+$0x4030];
	[tilespmem:s26+$0x4040] =	vst v2;
	v6 =	vmul.f32 $2.209708650e-02, v6  }
0x460: {  	s29 =	sadd.s32 $0x8, s29;
	s30 =	sadd.s32 $0x400, s30;
	v2 =	vld [tilespmem:s25+$0x4040];
	v5 =	vmul.f32 $2.209708650e-02, v5;
	[tilespmem:s26+$0x4050] =	vst v7  }
0x461: {  	v4 =	vmul.f32 $2.209708650e-02, v4;
	v7 =	vld [tilespmem:s25+$0x4050];
	[tilespmem:s26+$0x4060] =	vst v6  }
0x462: {  	v6 =	vld [tilespmem:s25+$0x4060];
	v3 =	vmul.f32 $2.209708650e-02, v3;
	[tilespmem:s25+$0x4070] =	vst v5  }
0x463: {  	[tilespmem:s25+$0x4000] =	vst v4;
	v0 =	vmul.f32 $2.209708650e-02, v0  }
0x464: {  	[tilespmem:s25+$0x4010] =	vst v3;
	v1 =	vmul.f32 $2.209708650e-02, v1  }
0x465: {  	[tilespmem:s25+$0x4020] =	vst v0;
	v0 =	vmul.f32 $2.209708650e-02, v2  }
0x466: {  	[tilespmem:s25+$0x4030] =	vst v1;
	v1 =	vmul.f32 $2.209708650e-02, v7  }
0x467: {  	[tilespmem:s25+$0x4040] =	vst v0;
	v0 =	vmul.f32 $2.209708650e-02, v6  }
0x468: {  	[tilespmem:s25+$0x4050] =	vst v1  }
0x469: {  	[tilespmem:s25+$0x4060] =	vst v0  }
0x46a: {  	s25 =	sld [smem:$0x7F3];
	_ =	sdelay $0x1  }
0x46b: {  	s0 =	simm.s32 $0x0  }
0x46c: {  	[hbm4b:s25+s0] =	stream.linear.scatter [tilespmem:s7], [sflag:$0x8], $0x4000, $0x38;
	[tilespmem:$0x18000] =	vst v63  }
0x46d: {  	_ =	swait.ge [sflag:s23], $0x4000  }
0x46e: {  	s31 =	sld [smem:$0x7FB]  }
0x46f: {  	[sflag:s23] =	ssyncset.done $0x0  }
0x470: {  	[sflag:s23] =	ssyncadd.s32 $0xFFFFC000  }
0x471: {  	[tilespmem:s13], [sflag:$0x6] =	stream.linear.gather [hbm4b:s31+s0], $0x4000, $0x38;
	[tilespmem:$0x18000] =	vst v63  }
0x472: {  	_ =	swait.ge [sflag:s14], $0x4000  }
0x473: {  	s26 =	sand.u32 $0x3C00, s0;
	s0 =	sand.u32 $0x380, s0;
	[sflag:s14] =	ssyncset.done $0x0  }
0x474: {  	s26 =	sor.u32 s0, s26;
	[sflag:s14] =	ssyncadd.s32 $0xFFFFC000  }
0x475: {  	v0 =	vld [tilespmem:s26+$0x8070]  }
0x476: {  	v1 =	vld [tilespmem:s26+$0x8000]  }
0x477: {  	v2 =	vld [tilespmem:s26+$0x8010]  }
0x478: {  	v7 =	vld [tilespmem:s26+$0x8050]  }
0x479: {  	v3 =	vld [tilespmem:s26+$0x8020]  }
0x47a: {  	s31 =	simm.s32 $0x400;
	s0 =	simm.s32 $0x8;
	v5 =	vld [tilespmem:s26+$0x8030];
	v0 =	vmul.f32 $2.209708650e-02, v0  }
0x47b: {  	s25 =	sand.u32 $0x3C00, s31;
	s0 =	sand.u32 $0x380, s0;
	v6 =	vld [tilespmem:s26+$0x8040];
	v1 =	vmul.f32 $2.209708650e-02, v1  }
0x47c: {  	s25 =	sor.u32 s0, s25;
	v8 =	vld [tilespmem:s26+$0x8060];
	v2 =	vmul.f32 $2.209708650e-02, v2;
	[tilespmem:s26+$0x8070] =	vst v0  }
0x47d: {  	v9 =	vld [tilespmem:s25+$0x8070];
	v7 =	vmul.f32 $2.209708650e-02, v7;
	[tilespmem:s26+$0x8000] =	vst v1  }
0x47e: {  	v4 =	vld [tilespmem:s25+$0x8000];
	v0 =	vmul.f32 $2.209708650e-02, v3;
	[tilespmem:s26+$0x8010] =	vst v2  }
0x47f: {  	v1 =	vmul.f32 $2.209708650e-02, v5;
	v3 =	vld [tilespmem:s25+$0x8010];
	[tilespmem:s26+$0x8050] =	vst v7  }
0x480: {  	v2 =	vmul.f32 $2.209708650e-02, v6;
	[tilespmem:s26+$0x8020] =	vst v0;
	v0 =	vld [tilespmem:s25+$0x8020]  }
0x481: {  	v6 =	vmul.f32 $2.209708650e-02, v8;
	[tilespmem:s26+$0x8030] =	vst v1;
	v1 =	vld [tilespmem:s25+$0x8030]  }
0x482: {  	s28 =	simm.s32 $0x80;
	s29 =	simm.s32 $0x10;
	s30 =	simm.s32 $0x800;
	v5 =	vmul.f32 $2.209708650e-02, v9;
	[tilespmem:s26+$0x8040] =	vst v2;
	v2 =	vld [tilespmem:s25+$0x8040]  }
.LBB2_54:
0x483: {  	s0 =	sand.u32 $0x3C00, s30;
	s31 =	sand.u32 $0x380, s29;
	s28 =	sadd.s32 $0x80, s28;
	v4 =	vmul.f32 $2.209708650e-02, v4;
	v7 =	vld [tilespmem:s25+$0x8050];
	[tilespmem:s26+$0x8060] =	vst v6  }
0x484: {  	s26 =	smov.u32 s25;
	p0 =	slt.u32 s28, $0x3F80;
	v3 =	vmul.f32 $2.209708650e-02, v3;
	v6 =	vld [tilespmem:s25+$0x8060];
	[tilespmem:s25+$0x8070] =	vst v5;
	s25 =	sor.u32 s31, s0  }
0x485: {  	v5 =	vld [tilespmem:s25+$0x8070];
	[tilespmem:s26+$0x8000] =	vst v4;
	v0 =	vmul.f32 $2.209708650e-02, v0  }
.Ltmp26:
0x486: {  	v4 =	vld [tilespmem:s25+$0x8000];
	[tilespmem:s26+$0x8010] =	vst v3;
	v1 =	vmul.f32 $2.209708650e-02, v1;
	(pc) =	sbr.rel @p0 .LBB2_54-.Ltmp26, $4  }
0x487: {  	v3 =	vld [tilespmem:s25+$0x8010];
	[tilespmem:s26+$0x8020] =	vst v0;
	v2 =	vmul.f32 $2.209708650e-02, v2  }
0x488: {  	v0 =	vld [tilespmem:s25+$0x8020];
	[tilespmem:s26+$0x8030] =	vst v1;
	v7 =	vmul.f32 $2.209708650e-02, v7  }
0x489: {  	v1 =	vld [tilespmem:s25+$0x8030];
	[tilespmem:s26+$0x8040] =	vst v2;
	v6 =	vmul.f32 $2.209708650e-02, v6  }
0x48a: {  	s29 =	sadd.s32 $0x8, s29;
	s30 =	sadd.s32 $0x400, s30;
	v2 =	vld [tilespmem:s25+$0x8040];
	v5 =	vmul.f32 $2.209708650e-02, v5;
	[tilespmem:s26+$0x8050] =	vst v7  }
0x48b: {  	v4 =	vmul.f32 $2.209708650e-02, v4;
	v7 =	vld [tilespmem:s25+$0x8050];
	[tilespmem:s26+$0x8060] =	vst v6  }
0x48c: {  	v6 =	vld [tilespmem:s25+$0x8060];
	v3 =	vmul.f32 $2.209708650e-02, v3;
	[tilespmem:s25+$0x8070] =	vst v5  }
0x48d: {  	[tilespmem:s25+$0x8000] =	vst v4;
	v0 =	vmul.f32 $2.209708650e-02, v0  }
0x48e: {  	[tilespmem:s25+$0x8010] =	vst v3;
	v1 =	vmul.f32 $2.209708650e-02, v1  }
0x48f: {  	[tilespmem:s25+$0x8020] =	vst v0;
	v0 =	vmul.f32 $2.209708650e-02, v2  }
0x490: {  	[tilespmem:s25+$0x8030] =	vst v1;
	v1 =	vmul.f32 $2.209708650e-02, v7  }
0x491: {  	[tilespmem:s25+$0x8040] =	vst v0;
	v0 =	vmul.f32 $2.209708650e-02, v6  }
0x492: {  	[tilespmem:s25+$0x8050] =	vst v1  }
0x493: {  	[tilespmem:s25+$0x8060] =	vst v0  }
0x494: {  	s25 =	sld [smem:$0x7F5];
	_ =	sdelay $0x1  }
0x495: {  	s0 =	simm.s32 $0x0  }
0x496: {  	[hbm4b:s25+s0] =	stream.linear.scatter [tilespmem:s8], [sflag:$0x9], $0x4000, $0x38;
	[tilespmem:$0x18000] =	vst v63  }
0x497: {  	_ =	swait.ge [sflag:s15], $0x4000  }
0x498: {  	s31 =	sld [smem:$0x7FC]  }
0x499: {  	[sflag:s15] =	ssyncset.done $0x0  }
0x49a: {  	[sflag:s15] =	ssyncadd.s32 $0xFFFFC000  }
0x49b: {  	[tilespmem:s0], [sflag:$0x1] =	stream.linear.gather [hbm4b:s31+s0], $0x4000, $0x38;
	[tilespmem:$0x18000] =	vst v63  }
0x49c: {  	_ =	swait.ge [sflag:s16], $0x4000  }
0x49d: {  	s26 =	sand.u32 $0x3C00, s0;
	s0 =	sand.u32 $0x380, s0;
	[sflag:s16] =	ssyncset.done $0x0  }
0x49e: {  	s26 =	sor.u32 s0, s26;
	[sflag:s16] =	ssyncadd.s32 $0xFFFFC000  }
0x49f: {  	v0 =	vld [tilespmem:s26+$0xC070]  }
0x4a0: {  	v1 =	vld [tilespmem:s26+$0xC000]  }
0x4a1: {  	v2 =	vld [tilespmem:s26+$0xC010]  }
0x4a2: {  	v7 =	vld [tilespmem:s26+$0xC050]  }
0x4a3: {  	v3 =	vld [tilespmem:s26+$0xC020]  }
0x4a4: {  	s31 =	simm.s32 $0x400;
	s0 =	simm.s32 $0x8;
	v5 =	vld [tilespmem:s26+$0xC030];
	v0 =	vmul.f32 $2.209708650e-02, v0  }
0x4a5: {  	s25 =	sand.u32 $0x3C00, s31;
	s0 =	sand.u32 $0x380, s0;
	v6 =	vld [tilespmem:s26+$0xC040];
	v1 =	vmul.f32 $2.209708650e-02, v1  }
0x4a6: {  	s25 =	sor.u32 s0, s25;
	v8 =	vld [tilespmem:s26+$0xC060];
	v2 =	vmul.f32 $2.209708650e-02, v2;
	[tilespmem:s26+$0xC070] =	vst v0  }
0x4a7: {  	v9 =	vld [tilespmem:s25+$0xC070];
	v7 =	vmul.f32 $2.209708650e-02, v7;
	[tilespmem:s26+$0xC000] =	vst v1  }
0x4a8: {  	v4 =	vld [tilespmem:s25+$0xC000];
	v0 =	vmul.f32 $2.209708650e-02, v3;
	[tilespmem:s26+$0xC010] =	vst v2  }
0x4a9: {  	v1 =	vmul.f32 $2.209708650e-02, v5;
	v3 =	vld [tilespmem:s25+$0xC010];
	[tilespmem:s26+$0xC050] =	vst v7  }
0x4aa: {  	v2 =	vmul.f32 $2.209708650e-02, v6;
	[tilespmem:s26+$0xC020] =	vst v0;
	v0 =	vld [tilespmem:s25+$0xC020]  }
0x4ab: {  	v6 =	vmul.f32 $2.209708650e-02, v8;
	[tilespmem:s26+$0xC030] =	vst v1;
	v1 =	vld [tilespmem:s25+$0xC030]  }
0x4ac: {  	s28 =	simm.s32 $0x80;
	s29 =	simm.s32 $0x10;
	s30 =	simm.s32 $0x800;
	v5 =	vmul.f32 $2.209708650e-02, v9;
	[tilespmem:s26+$0xC040] =	vst v2;
	v2 =	vld [tilespmem:s25+$0xC040]  }
.LBB2_56:
0x4ad: {  	s0 =	sand.u32 $0x3C00, s30;
	s31 =	sand.u32 $0x380, s29;
	s28 =	sadd.s32 $0x80, s28;
	v4 =	vmul.f32 $2.209708650e-02, v4;
	v7 =	vld [tilespmem:s25+$0xC050];
	[tilespmem:s26+$0xC060] =	vst v6  }
0x4ae: {  	s26 =	smov.u32 s25;
	p0 =	slt.u32 s28, $0x3F80;
	v3 =	vmul.f32 $2.209708650e-02, v3;
	v6 =	vld [tilespmem:s25+$0xC060];
	[tilespmem:s25+$0xC070] =	vst v5;
	s25 =	sor.u32 s31, s0  }
0x4af: {  	v5 =	vld [tilespmem:s25+$0xC070];
	[tilespmem:s26+$0xC000] =	vst v4;
	v0 =	vmul.f32 $2.209708650e-02, v0  }
.Ltmp27:
0x4b0: {  	v4 =	vld [tilespmem:s25+$0xC000];
	[tilespmem:s26+$0xC010] =	vst v3;
	v1 =	vmul.f32 $2.209708650e-02, v1;
	(pc) =	sbr.rel @p0 .LBB2_56-.Ltmp27, $4  }
0x4b1: {  	v3 =	vld [tilespmem:s25+$0xC010];
	[tilespmem:s26+$0xC020] =	vst v0;
	v2 =	vmul.f32 $2.209708650e-02, v2  }
0x4b2: {  	v0 =	vld [tilespmem:s25+$0xC020];
	[tilespmem:s26+$0xC030] =	vst v1;
	v7 =	vmul.f32 $2.209708650e-02, v7  }
0x4b3: {  	v1 =	vld [tilespmem:s25+$0xC030];
	[tilespmem:s26+$0xC040] =	vst v2;
	v6 =	vmul.f32 $2.209708650e-02, v6  }
0x4b4: {  	s29 =	sadd.s32 $0x8, s29;
	s30 =	sadd.s32 $0x400, s30;
	v2 =	vld [tilespmem:s25+$0xC040];
	v5 =	vmul.f32 $2.209708650e-02, v5;
	[tilespmem:s26+$0xC050] =	vst v7  }
0x4b5: {  	v4 =	vmul.f32 $2.209708650e-02, v4;
	v7 =	vld [tilespmem:s25+$0xC050];
	[tilespmem:s26+$0xC060] =	vst v6  }
0x4b6: {  	v6 =	vld [tilespmem:s25+$0xC060];
	v3 =	vmul.f32 $2.209708650e-02, v3;
	[tilespmem:s25+$0xC070] =	vst v5  }
0x4b7: {  	[tilespmem:s25+$0xC000] =	vst v4;
	v0 =	vmul.f32 $2.209708650e-02, v0  }
0x4b8: {  	[tilespmem:s25+$0xC010] =	vst v3;
	v1 =	vmul.f32 $2.209708650e-02, v1  }
0x4b9: {  	[tilespmem:s25+$0xC020] =	vst v0;
	v0 =	vmul.f32 $2.209708650e-02, v2  }
0x4ba: {  	[tilespmem:s25+$0xC030] =	vst v1;
	v1 =	vmul.f32 $2.209708650e-02, v7  }
0x4bb: {  	[tilespmem:s25+$0xC040] =	vst v0;
	v0 =	vmul.f32 $2.209708650e-02, v6  }
0x4bc: {  	[tilespmem:s25+$0xC050] =	vst v1  }
0x4bd: {  	[tilespmem:s25+$0xC060] =	vst v0  }
0x4be: {  	s25 =	sld [smem:$0x7F7];
	_ =	sdelay $0x1  }
0x4bf: {  	s0 =	simm.s32 $0x0  }
0x4c0: {  	[hbm4b:s25+s0] =	stream.linear.scatter [tilespmem:s9], [sflag:$0xA], $0x4000, $0x38;
	[tilespmem:$0x18000] =	vst v63  }
0x4c1: {  	_ =	swait.ge [sflag:s17], $0x4000  }
0x4c2: {  	s31 =	sld [smem:$0x7FD]  }
0x4c3: {  	[sflag:s17] =	ssyncset.done $0x0  }
0x4c4: {  	[sflag:s17] =	ssyncadd.s32 $0xFFFFC000  }
0x4c5: {  	[tilespmem:s7], [sflag:$0x2] =	stream.linear.gather [hbm4b:s31+s0], $0x4000, $0x38;
	[tilespmem:$0x18000] =	vst v63  }
0x4c6: {  	_ =	swait.ge [sflag:s18], $0x4000  }
0x4c7: {  	s26 =	sand.u32 $0x3C00, s0;
	s0 =	sand.u32 $0x380, s0;
	[sflag:s18] =	ssyncset.done $0x0  }
0x4c8: {  	s26 =	sor.u32 s0, s26;
	[sflag:s18] =	ssyncadd.s32 $0xFFFFC000  }
0x4c9: {  	v0 =	vld [tilespmem:s26+$0x10070]  }
0x4ca: {  	v1 =	vld [tilespmem:s26+$0x10000]  }
0x4cb: {  	v2 =	vld [tilespmem:s26+$0x10010]  }
0x4cc: {  	v7 =	vld [tilespmem:s26+$0x10050]  }
0x4cd: {  	v3 =	vld [tilespmem:s26+$0x10020]  }
0x4ce: {  	s31 =	simm.s32 $0x400;
	s0 =	simm.s32 $0x8;
	v5 =	vld [tilespmem:s26+$0x10030];
	v0 =	vmul.f32 $2.209708650e-02, v0  }
0x4cf: {  	s25 =	sand.u32 $0x3C00, s31;
	s0 =	sand.u32 $0x380, s0;
	v6 =	vld [tilespmem:s26+$0x10040];
	v1 =	vmul.f32 $2.209708650e-02, v1  }
0x4d0: {  	s25 =	sor.u32 s0, s25;
	v8 =	vld [tilespmem:s26+$0x10060];
	v2 =	vmul.f32 $2.209708650e-02, v2;
	[tilespmem:s26+$0x10070] =	vst v0  }
0x4d1: {  	v9 =	vld [tilespmem:s25+$0x10070];
	v7 =	vmul.f32 $2.209708650e-02, v7;
	[tilespmem:s26+$0x10000] =	vst v1  }
0x4d2: {  	v4 =	vld [tilespmem:s25+$0x10000];
	v0 =	vmul.f32 $2.209708650e-02, v3;
	[tilespmem:s26+$0x10010] =	vst v2  }
0x4d3: {  	v1 =	vmul.f32 $2.209708650e-02, v5;
	v3 =	vld [tilespmem:s25+$0x10010];
	[tilespmem:s26+$0x10050] =	vst v7  }
0x4d4: {  	v2 =	vmul.f32 $2.209708650e-02, v6;
	[tilespmem:s26+$0x10020] =	vst v0;
	v0 =	vld [tilespmem:s25+$0x10020]  }
0x4d5: {  	v6 =	vmul.f32 $2.209708650e-02, v8;
	[tilespmem:s26+$0x10030] =	vst v1;
	v1 =	vld [tilespmem:s25+$0x10030]  }
0x4d6: {  	s28 =	simm.s32 $0x80;
	s29 =	simm.s32 $0x10;
	s30 =	simm.s32 $0x800;
	v5 =	vmul.f32 $2.209708650e-02, v9;
	[tilespmem:s26+$0x10040] =	vst v2;
	v2 =	vld [tilespmem:s25+$0x10040]  }
.LBB2_58:
0x4d7: {  	s0 =	sand.u32 $0x3C00, s30;
	s31 =	sand.u32 $0x380, s29;
	s28 =	sadd.s32 $0x80, s28;
	v4 =	vmul.f32 $2.209708650e-02, v4;
	v7 =	vld [tilespmem:s25+$0x10050];
	[tilespmem:s26+$0x10060] =	vst v6  }
0x4d8: {  	s26 =	smov.u32 s25;
	p0 =	slt.u32 s28, $0x3F80;
	v3 =	vmul.f32 $2.209708650e-02, v3;
	v6 =	vld [tilespmem:s25+$0x10060];
	[tilespmem:s25+$0x10070] =	vst v5;
	s25 =	sor.u32 s31, s0  }
0x4d9: {  	v5 =	vld [tilespmem:s25+$0x10070];
	[tilespmem:s26+$0x10000] =	vst v4;
	v0 =	vmul.f32 $2.209708650e-02, v0  }
.Ltmp28:
0x4da: {  	v4 =	vld [tilespmem:s25+$0x10000];
	[tilespmem:s26+$0x10010] =	vst v3;
	v1 =	vmul.f32 $2.209708650e-02, v1;
	(pc) =	sbr.rel @p0 .LBB2_58-.Ltmp28, $4  }
0x4db: {  	v3 =	vld [tilespmem:s25+$0x10010];
	[tilespmem:s26+$0x10020] =	vst v0;
	v2 =	vmul.f32 $2.209708650e-02, v2  }
0x4dc: {  	v0 =	vld [tilespmem:s25+$0x10020];
	[tilespmem:s26+$0x10030] =	vst v1;
	v7 =	vmul.f32 $2.209708650e-02, v7  }
0x4dd: {  	v1 =	vld [tilespmem:s25+$0x10030];
	[tilespmem:s26+$0x10040] =	vst v2;
	v6 =	vmul.f32 $2.209708650e-02, v6  }
0x4de: {  	s29 =	sadd.s32 $0x8, s29;
	s30 =	sadd.s32 $0x400, s30;
	v2 =	vld [tilespmem:s25+$0x10040];
	v5 =	vmul.f32 $2.209708650e-02, v5;
	[tilespmem:s26+$0x10050] =	vst v7  }
0x4df: {  	v4 =	vmul.f32 $2.209708650e-02, v4;
	v7 =	vld [tilespmem:s25+$0x10050];
	[tilespmem:s26+$0x10060] =	vst v6  }
0x4e0: {  	v6 =	vld [tilespmem:s25+$0x10060];
	v3 =	vmul.f32 $2.209708650e-02, v3;
	[tilespmem:s25+$0x10070] =	vst v5  }
0x4e1: {  	[tilespmem:s25+$0x10000] =	vst v4;
	v0 =	vmul.f32 $2.209708650e-02, v0  }
0x4e2: {  	[tilespmem:s25+$0x10010] =	vst v3;
	v1 =	vmul.f32 $2.209708650e-02, v1  }
0x4e3: {  	[tilespmem:s25+$0x10020] =	vst v0;
	v0 =	vmul.f32 $2.209708650e-02, v2  }
0x4e4: {  	[tilespmem:s25+$0x10030] =	vst v1;
	v1 =	vmul.f32 $2.209708650e-02, v7  }
0x4e5: {  	[tilespmem:s25+$0x10040] =	vst v0;
	v0 =	vmul.f32 $2.209708650e-02, v6  }
0x4e6: {  	[tilespmem:s25+$0x10050] =	vst v1  }
0x4e7: {  	s0 =	simm.s32 $0x0;
	[tilespmem:s25+$0x10060] =	vst v0  }
0x4e8: {  	[hbm4b:s2+s0] =	stream.linear.scatter [tilespmem:s11], [sflag:$0xB], $0x4000, $0x38;
	[tilespmem:$0x18000] =	vst v63  }
0x4e9: {  	_ =	swait.ge [sflag:s20], $0x4000  }
0x4ea: {  	s26 =	sand.u32 $0x3C00, s0;
	s0 =	sand.u32 $0x380, s0;
	[sflag:s20] =	ssyncset.done $0x0  }
0x4eb: {  	s26 =	sor.u32 s0, s26;
	[sflag:s20] =	ssyncadd.s32 $0xFFFFC000  }
0x4ec: {  	v0 =	vld [tilespmem:s26+$0x14070]  }
0x4ed: {  	v1 =	vld [tilespmem:s26+$0x14000]  }
0x4ee: {  	v2 =	vld [tilespmem:s26+$0x14010]  }
0x4ef: {  	v7 =	vld [tilespmem:s26+$0x14050]  }
0x4f0: {  	v3 =	vld [tilespmem:s26+$0x14020]  }
0x4f1: {  	s31 =	simm.s32 $0x400;
	s0 =	simm.s32 $0x8;
	v5 =	vld [tilespmem:s26+$0x14030];
	v0 =	vmul.f32 $2.209708650e-02, v0  }
0x4f2: {  	s25 =	sand.u32 $0x3C00, s31;
	s0 =	sand.u32 $0x380, s0;
	v6 =	vld [tilespmem:s26+$0x14040];
	v1 =	vmul.f32 $2.209708650e-02, v1  }
0x4f3: {  	s25 =	sor.u32 s0, s25;
	v8 =	vld [tilespmem:s26+$0x14060];
	v2 =	vmul.f32 $2.209708650e-02, v2;
	[tilespmem:s26+$0x14070] =	vst v0  }
0x4f4: {  	v9 =	vld [tilespmem:s25+$0x14070];
	v7 =	vmul.f32 $2.209708650e-02, v7;
	[tilespmem:s26+$0x14000] =	vst v1  }
0x4f5: {  	v4 =	vld [tilespmem:s25+$0x14000];
	v0 =	vmul.f32 $2.209708650e-02, v3;
	[tilespmem:s26+$0x14010] =	vst v2  }
0x4f6: {  	v1 =	vmul.f32 $2.209708650e-02, v5;
	v3 =	vld [tilespmem:s25+$0x14010];
	[tilespmem:s26+$0x14050] =	vst v7  }
0x4f7: {  	v2 =	vmul.f32 $2.209708650e-02, v6;
	[tilespmem:s26+$0x14020] =	vst v0;
	v0 =	vld [tilespmem:s25+$0x14020]  }
0x4f8: {  	v6 =	vmul.f32 $2.209708650e-02, v8;
	[tilespmem:s26+$0x14030] =	vst v1;
	v1 =	vld [tilespmem:s25+$0x14030]  }
0x4f9: {  	s28 =	simm.s32 $0x80;
	s29 =	simm.s32 $0x10;
	s30 =	simm.s32 $0x800;
	v5 =	vmul.f32 $2.209708650e-02, v9;
	[tilespmem:s26+$0x14040] =	vst v2;
	v2 =	vld [tilespmem:s25+$0x14040]  }
.LBB2_60:
0x4fa: {  	s0 =	sand.u32 $0x3C00, s30;
	s31 =	sand.u32 $0x380, s29;
	s28 =	sadd.s32 $0x80, s28;
	v4 =	vmul.f32 $2.209708650e-02, v4;
	v7 =	vld [tilespmem:s25+$0x14050];
	[tilespmem:s26+$0x14060] =	vst v6  }
0x4fb: {  	s26 =	smov.u32 s25;
	p0 =	slt.u32 s28, $0x3F80;
	v3 =	vmul.f32 $2.209708650e-02, v3;
	v6 =	vld [tilespmem:s25+$0x14060];
	[tilespmem:s25+$0x14070] =	vst v5;
	s25 =	sor.u32 s31, s0  }
0x4fc: {  	v5 =	vld [tilespmem:s25+$0x14070];
	[tilespmem:s26+$0x14000] =	vst v4;
	v0 =	vmul.f32 $2.209708650e-02, v0  }
.Ltmp29:
0x4fd: {  	v4 =	vld [tilespmem:s25+$0x14000];
	[tilespmem:s26+$0x14010] =	vst v3;
	v1 =	vmul.f32 $2.209708650e-02, v1;
	(pc) =	sbr.rel @p0 .LBB2_60-.Ltmp29, $4  }
0x4fe: {  	v3 =	vld [tilespmem:s25+$0x14010];
	[tilespmem:s26+$0x14020] =	vst v0;
	v2 =	vmul.f32 $2.209708650e-02, v2  }
0x4ff: {  	v0 =	vld [tilespmem:s25+$0x14020];
	[tilespmem:s26+$0x14030] =	vst v1;
	v7 =	vmul.f32 $2.209708650e-02, v7  }
0x500: {  	v1 =	vld [tilespmem:s25+$0x14030];
	[tilespmem:s26+$0x14040] =	vst v2;
	v6 =	vmul.f32 $2.209708650e-02, v6  }
0x501: {  	s29 =	sadd.s32 $0x8, s29;
	s30 =	sadd.s32 $0x400, s30;
	v2 =	vld [tilespmem:s25+$0x14040];
	v5 =	vmul.f32 $2.209708650e-02, v5;
	[tilespmem:s26+$0x14050] =	vst v7  }
0x502: {  	v4 =	vmul.f32 $2.209708650e-02, v4;
	v7 =	vld [tilespmem:s25+$0x14050];
	[tilespmem:s26+$0x14060] =	vst v6  }
0x503: {  	v6 =	vld [tilespmem:s25+$0x14060];
	v3 =	vmul.f32 $2.209708650e-02, v3;
	[tilespmem:s25+$0x14070] =	vst v5  }
0x504: {  	[tilespmem:s25+$0x14000] =	vst v4;
	v0 =	vmul.f32 $2.209708650e-02, v0  }
0x505: {  	[tilespmem:s25+$0x14010] =	vst v3;
	v1 =	vmul.f32 $2.209708650e-02, v1  }
0x506: {  	[tilespmem:s25+$0x14020] =	vst v0;
	v0 =	vmul.f32 $2.209708650e-02, v2  }
0x507: {  	[tilespmem:s25+$0x14030] =	vst v1;
	v1 =	vmul.f32 $2.209708650e-02, v7  }
0x508: {  	[tilespmem:s25+$0x14040] =	vst v0;
	v0 =	vmul.f32 $2.209708650e-02, v6  }
0x509: {  	[tilespmem:s25+$0x14050] =	vst v1  }
0x50a: {  	s0 =	simm.s32 $0x0;
	[tilespmem:s25+$0x14060] =	vst v0  }
0x50b: {  	[hbm4b:s3+s0] =	stream.linear.scatter [tilespmem:s13], [sflag:$0xC], $0x4000, $0x38;
	[tilespmem:$0x18000] =	vst v63  }
0x50c: {  	_ =	swait.ge [sflag:s10], $0x4000  }
0x50d: {  	s26 =	sand.u32 $0x3C00, s0;
	s0 =	sand.u32 $0x380, s0;
	[sflag:s10] =	ssyncset.done $0x0  }
0x50e: {  	s26 =	sor.u32 s0, s26;
	[sflag:s10] =	ssyncadd.s32 $0xFFFFC000  }
0x50f: {  	v0 =	vld [tilespmem:s26+$0x70]  }
0x510: {  	v1 =	vld [tilespmem:s26+$0x0]  }
0x511: {  	v2 =	vld [tilespmem:s26+$0x10]  }
0x512: {  	v7 =	vld [tilespmem:s26+$0x50]  }
0x513: {  	v3 =	vld [tilespmem:s26+$0x20]  }
0x514: {  	s31 =	simm.s32 $0x400;
	s0 =	simm.s32 $0x8;
	v5 =	vld [tilespmem:s26+$0x30];
	v0 =	vmul.f32 $2.209708650e-02, v0  }
0x515: {  	s25 =	sand.u32 $0x3C00, s31;
	s0 =	sand.u32 $0x380, s0;
	v6 =	vld [tilespmem:s26+$0x40];
	v1 =	vmul.f32 $2.209708650e-02, v1  }
0x516: {  	s25 =	sor.u32 s0, s25;
	v8 =	vld [tilespmem:s26+$0x60];
	v2 =	vmul.f32 $2.209708650e-02, v2;
	[tilespmem:s26+$0x70] =	vst v0  }
0x517: {  	v9 =	vld [tilespmem:s25+$0x70];
	v7 =	vmul.f32 $2.209708650e-02, v7;
	[tilespmem:s26+$0x0] =	vst v1  }
0x518: {  	v4 =	vld [tilespmem:s25+$0x0];
	v0 =	vmul.f32 $2.209708650e-02, v3;
	[tilespmem:s26+$0x10] =	vst v2  }
0x519: {  	v1 =	vmul.f32 $2.209708650e-02, v5;
	v3 =	vld [tilespmem:s25+$0x10];
	[tilespmem:s26+$0x50] =	vst v7  }
0x51a: {  	v2 =	vmul.f32 $2.209708650e-02, v6;
	[tilespmem:s26+$0x20] =	vst v0;
	v0 =	vld [tilespmem:s25+$0x20]  }
0x51b: {  	v6 =	vmul.f32 $2.209708650e-02, v8;
	[tilespmem:s26+$0x30] =	vst v1;
	v1 =	vld [tilespmem:s25+$0x30]  }
0x51c: {  	s28 =	simm.s32 $0x80;
	s29 =	simm.s32 $0x10;
	s30 =	simm.s32 $0x800;
	v5 =	vmul.f32 $2.209708650e-02, v9;
	[tilespmem:s26+$0x40] =	vst v2;
	v2 =	vld [tilespmem:s25+$0x40]  }
.LBB2_62:
0x51d: {  	s0 =	sand.u32 $0x3C00, s30;
	s31 =	sand.u32 $0x380, s29;
	s28 =	sadd.s32 $0x80, s28;
	v4 =	vmul.f32 $2.209708650e-02, v4;
	v7 =	vld [tilespmem:s25+$0x50];
	[tilespmem:s26+$0x60] =	vst v6  }
0x51e: {  	s26 =	smov.u32 s25;
	p0 =	slt.u32 s28, $0x3F80;
	v3 =	vmul.f32 $2.209708650e-02, v3;
	v6 =	vld [tilespmem:s25+$0x60];
	[tilespmem:s25+$0x70] =	vst v5;
	s25 =	sor.u32 s31, s0  }
0x51f: {  	v5 =	vld [tilespmem:s25+$0x70];
	[tilespmem:s26+$0x0] =	vst v4;
	v0 =	vmul.f32 $2.209708650e-02, v0  }
.Ltmp30:
0x520: {  	v4 =	vld [tilespmem:s25+$0x0];
	[tilespmem:s26+$0x10] =	vst v3;
	v1 =	vmul.f32 $2.209708650e-02, v1;
	(pc) =	sbr.rel @p0 .LBB2_62-.Ltmp30, $4  }
0x521: {  	v3 =	vld [tilespmem:s25+$0x10];
	[tilespmem:s26+$0x20] =	vst v0;
	v2 =	vmul.f32 $2.209708650e-02, v2  }
0x522: {  	v0 =	vld [tilespmem:s25+$0x20];
	[tilespmem:s26+$0x30] =	vst v1;
	v7 =	vmul.f32 $2.209708650e-02, v7  }
0x523: {  	v1 =	vld [tilespmem:s25+$0x30];
	[tilespmem:s26+$0x40] =	vst v2;
	v6 =	vmul.f32 $2.209708650e-02, v6  }
0x524: {  	s29 =	sadd.s32 $0x8, s29;
	s30 =	sadd.s32 $0x400, s30;
	v2 =	vld [tilespmem:s25+$0x40];
	v5 =	vmul.f32 $2.209708650e-02, v5;
	[tilespmem:s26+$0x50] =	vst v7  }
0x525: {  	v4 =	vmul.f32 $2.209708650e-02, v4;
	v7 =	vld [tilespmem:s25+$0x50];
	[tilespmem:s26+$0x60] =	vst v6  }
0x526: {  	v6 =	vld [tilespmem:s25+$0x60];
	v3 =	vmul.f32 $2.209708650e-02, v3;
	[tilespmem:s25+$0x70] =	vst v5  }
0x527: {  	[tilespmem:s25+$0x0] =	vst v4;
	v0 =	vmul.f32 $2.209708650e-02, v0  }
0x528: {  	[tilespmem:s25+$0x10] =	vst v3;
	v1 =	vmul.f32 $2.209708650e-02, v1  }
0x529: {  	[tilespmem:s25+$0x20] =	vst v0;
	v0 =	vmul.f32 $2.209708650e-02, v2  }
0x52a: {  	[tilespmem:s25+$0x30] =	vst v1;
	v1 =	vmul.f32 $2.209708650e-02, v7  }
0x52b: {  	[tilespmem:s25+$0x40] =	vst v0;
	v0 =	vmul.f32 $2.209708650e-02, v6  }
0x52c: {  	[tilespmem:s25+$0x50] =	vst v1  }
0x52d: {  	s0 =	simm.s32 $0x0;
	[tilespmem:s25+$0x60] =	vst v0  }
0x52e: {  	[hbm4b:s4+s0] =	stream.linear.scatter [tilespmem:s0], [sflag:$0x7], $0x4000, $0x38;
	[tilespmem:$0x18000] =	vst v63  }
0x52f: {  	_ =	swait.ge [sflag:s12], $0x4000  }
0x530: {  	s26 =	sand.u32 $0x3C00, s0;
	s0 =	sand.u32 $0x380, s0;
	[sflag:s12] =	ssyncset.done $0x0  }
0x531: {  	s26 =	sor.u32 s0, s26;
	[sflag:s12] =	ssyncadd.s32 $0xFFFFC000  }
0x532: {  	v0 =	vld [tilespmem:s26+$0x4070]  }
0x533: {  	v1 =	vld [tilespmem:s26+$0x4000]  }
0x534: {  	v2 =	vld [tilespmem:s26+$0x4010]  }
0x535: {  	v7 =	vld [tilespmem:s26+$0x4050]  }
0x536: {  	v3 =	vld [tilespmem:s26+$0x4020]  }
0x537: {  	s31 =	simm.s32 $0x400;
	s0 =	simm.s32 $0x8;
	v5 =	vld [tilespmem:s26+$0x4030];
	v0 =	vmul.f32 $2.209708650e-02, v0  }
0x538: {  	s25 =	sand.u32 $0x3C00, s31;
	s0 =	sand.u32 $0x380, s0;
	v6 =	vld [tilespmem:s26+$0x4040];
	v1 =	vmul.f32 $2.209708650e-02, v1  }
0x539: {  	s25 =	sor.u32 s0, s25;
	v8 =	vld [tilespmem:s26+$0x4060];
	v2 =	vmul.f32 $2.209708650e-02, v2;
	[tilespmem:s26+$0x4070] =	vst v0  }
0x53a: {  	v9 =	vld [tilespmem:s25+$0x4070];
	v7 =	vmul.f32 $2.209708650e-02, v7;
	[tilespmem:s26+$0x4000] =	vst v1  }
0x53b: {  	v4 =	vld [tilespmem:s25+$0x4000];
	v0 =	vmul.f32 $2.209708650e-02, v3;
	[tilespmem:s26+$0x4010] =	vst v2  }
0x53c: {  	v1 =	vmul.f32 $2.209708650e-02, v5;
	v3 =	vld [tilespmem:s25+$0x4010];
	[tilespmem:s26+$0x4050] =	vst v7  }
0x53d: {  	v2 =	vmul.f32 $2.209708650e-02, v6;
	[tilespmem:s26+$0x4020] =	vst v0;
	v0 =	vld [tilespmem:s25+$0x4020]  }
0x53e: {  	v6 =	vmul.f32 $2.209708650e-02, v8;
	[tilespmem:s26+$0x4030] =	vst v1;
	v1 =	vld [tilespmem:s25+$0x4030]  }
0x53f: {  	s28 =	simm.s32 $0x80;
	s29 =	simm.s32 $0x10;
	s30 =	simm.s32 $0x800;
	v5 =	vmul.f32 $2.209708650e-02, v9;
	[tilespmem:s26+$0x4040] =	vst v2;
	v2 =	vld [tilespmem:s25+$0x4040]  }
.LBB2_64:
0x540: {  	s0 =	sand.u32 $0x3C00, s30;
	s31 =	sand.u32 $0x380, s29;
	s28 =	sadd.s32 $0x80, s28;
	v4 =	vmul.f32 $2.209708650e-02, v4;
	v7 =	vld [tilespmem:s25+$0x4050];
	[tilespmem:s26+$0x4060] =	vst v6  }
0x541: {  	s26 =	smov.u32 s25;
	p0 =	slt.u32 s28, $0x3F80;
	v3 =	vmul.f32 $2.209708650e-02, v3;
	v6 =	vld [tilespmem:s25+$0x4060];
	[tilespmem:s25+$0x4070] =	vst v5;
	s25 =	sor.u32 s31, s0  }
0x542: {  	v5 =	vld [tilespmem:s25+$0x4070];
	[tilespmem:s26+$0x4000] =	vst v4;
	v0 =	vmul.f32 $2.209708650e-02, v0  }
.Ltmp31:
0x543: {  	v4 =	vld [tilespmem:s25+$0x4000];
	[tilespmem:s26+$0x4010] =	vst v3;
	v1 =	vmul.f32 $2.209708650e-02, v1;
	(pc) =	sbr.rel @p0 .LBB2_64-.Ltmp31, $4  }
0x544: {  	v3 =	vld [tilespmem:s25+$0x4010];
	[tilespmem:s26+$0x4020] =	vst v0;
	v2 =	vmul.f32 $2.209708650e-02, v2  }
0x545: {  	v0 =	vld [tilespmem:s25+$0x4020];
	[tilespmem:s26+$0x4030] =	vst v1;
	v7 =	vmul.f32 $2.209708650e-02, v7  }
0x546: {  	v1 =	vld [tilespmem:s25+$0x4030];
	[tilespmem:s26+$0x4040] =	vst v2;
	v6 =	vmul.f32 $2.209708650e-02, v6  }
0x547: {  	s29 =	sadd.s32 $0x8, s29;
	s30 =	sadd.s32 $0x400, s30;
	v2 =	vld [tilespmem:s25+$0x4040];
	v5 =	vmul.f32 $2.209708650e-02, v5;
	[tilespmem:s26+$0x4050] =	vst v7  }
0x548: {  	v4 =	vmul.f32 $2.209708650e-02, v4;
	v7 =	vld [tilespmem:s25+$0x4050];
	[tilespmem:s26+$0x4060] =	vst v6  }
0x549: {  	v60 =	vld [tilespmem:s25+$0x4060];
	v3 =	vmul.f32 $2.209708650e-02, v3;
	[tilespmem:s25+$0x4070] =	vst v5  }
0x54a: {  	[tilespmem:s25+$0x4000] =	vst v4;
	v0 =	vmul.f32 $2.209708650e-02, v0  }
0x54b: {  	[tilespmem:s25+$0x4010] =	vst v3;
	v1 =	vmul.f32 $2.209708650e-02, v1  }
0x54c: {  	[tilespmem:s25+$0x4020] =	vst v0;
	v61 =	vmul.f32 $2.209708650e-02, v2  }
0x54d: {  	[tilespmem:s25+$0x4030] =	vst v1;
	v62 =	vmul.f32 $2.209708650e-02, v7  }
0x54e: {  	v63 =	vmul.f32 $2.209708650e-02, v60;
	[tilespmem:s25+$0x4040] =	vst v61  }
0x54f: {  	[tilespmem:s25+$0x4050] =	vst v62  }
0x550: {  	[tilespmem:s25+$0x4060] =	vst v63  }
0x551: {  	[hbm4b:s5+s1] =	stream.linear.scatter [tilespmem:s7], [sflag:$0x8], $0x4000, $0x38;
	[tilespmem:$0x18000] =	vst v63  }
0x552: {  	_ =	swait.ge [sflag:s19], $0x4000  }
0x553: {  	[sflag:s19] =	ssyncset.done $0x0  }
0x554: {  	[sflag:s19] =	ssyncadd.s32 $0xFFFFC000  }
0x555: {  	_ =	swait.ge [sflag:s21], $0x4000  }
0x556: {  	[sflag:s21] =	ssyncset.done $0x0  }
0x557: {  	[sflag:s21] =	ssyncadd.s32 $0xFFFFC000  }
0x558: {  	_ =	swait.ge [sflag:s22], $0x4000  }
0x559: {  	[sflag:s22] =	ssyncset.done $0x0  }
0x55a: {  	[sflag:s22] =	ssyncadd.s32 $0xFFFFC000  }
0x55b: {  	_ =	swait.ge [sflag:s23], $0x4000  }
0x55c: {  	[sflag:s23] =	ssyncset.done $0x0  }
0x55d: {  	s24 =	sadd.s32 $0x1, s24;
	[sflag:s23] =	ssyncadd.s32 $0xFFFFC000  }
0x55e: {  	p0 =	sne.s32 s24, s6;
	_ =	swait.ge [sflag:s15], $0x4000  }
.Ltmp32:
0x55f: {  	[sflag:s15] =	ssyncset.done $0x0;
	(pc) =	sbr.rel @p0 .LBB2_1-.Ltmp32, $4  }
0x560: {  	[sflag:s15] =	ssyncadd.s32 $0xFFFFC000  }
0x561: {  	_ =	swait.ge [sflag:s17], $0x4000  }
0x562: {  	[sflag:s17] =	ssyncset.done $0x0  }
0x563: {  	[sflag:s17] =	ssyncadd.s32 $0xFFFFC000  }
0x564: {  	_ =	sfence.sel $0x180000  }
0x565: {  	[bflag:$0x0] =	sbarrier.arrive $0xFFFF  }
0x566: {  	_ =	strace $0x90000047  }
0x567: {  	s0 =	stileid.u32;
	[bflag:$0x2] =	sbarrier.arrive $0xFFFF  }
0x568: {  	p0 =	sne.s32 s0, $0x0;
	s0 =	rddreg [dreg:$0x2]  }
0x569: {  	s0 =	sadd.s32 @!p0 $0x100000, s0  }
0x56a: {  	[sflag:s0] =	ssyncadd.tile.s32 @!p0 $0x1;
	_ =	shalt  }
.Lfunc_end2:
_tile_overlayer_lowered:
.L_overlay_start_2:
0x56b: {  	(tag) =	ssettag $0x2  }
0x56c: {  	s0 =	rddreg [dreg:$0x0];
	s2 =	stileid.u32  }
0x56d: {  	s1 =	rddreg [dreg:$0x1];
	p0 =	sne.s32 s2, $0x0  }
0x56e: {  	s3 =	rddreg [dreg:$0x2];
	[bflag:$0x3] =	sbarrier.arrive $0xFFFF;
	s2 =	simm.s32 @!p0 $0x1C0D  }
0x56f: {  	[timem:s3], [sflag:s2] =	dma.local @!p0 [hbm:s0], s1  }
0x570: {  	s0 =	simm.s32 @!p0 $0xD  }
0x571: {  	_ =	swait.ge @!p0 [sflag:s0], s1  }
0x572: {  	s1 =	ssub.s32 @!p0 $0x0, s1;
	[sflag:s0] =	ssyncset.done @!p0 $0x0  }
0x573: {  	[sflag:s0] =	ssyncadd.s32 @!p0 s1  }
0x574: {  	[bflag:$0x3] =	sbarrier.arrive $0xFFFF  }
0x575: {  	_ =	shalt  }

</sc_bundles>
